<compile_context>
chip_gen: v7x
topology: tpu7x:2x2x1
jax: 0.10.2.dev20260603
libtpu: 0.0.44.dev20260713+nightly
codegen_flags: <defaults>
</compile_context>

<pallas_src>
import jax
import jax.numpy as jnp
import numpy as np
from jax import lax
from jax.experimental import pallas as pl
from jax.experimental.pallas import tpu as pltpu
from jax.experimental.pallas import tpu_sc as plsc

N = 10000
E = 320000
D = 128
H = 64
G = 16
NC, NS = 2, 16
K = 128
NCH = 159
TOT = NS * NCH * K
NSLOT = 3
ACC_R = 10240
RB = 400
NRB = N // RB

_SC_PARAMS = pltpu.CompilerParams(use_tc_tiling_on_sc=False,
                                 needs_layout_passes=False)

_P_OF_Q = np.array([32 * (q // 32)
                    + (2 * (q % 32) if q % 32 < 16 else 2 * (q % 32 - 16) + 1)
                    for q in range(D)])
_INV_PERM = np.empty(D, dtype=np.int32)
_INV_PERM[_P_OF_Q] = np.arange(D, dtype=np.int32)


def _mesh():
    return plsc.VectorSubcoreMesh(core_axis_name="c", subcore_axis_name="s")



def _deg_body(dsts_hbm, zeros_hbm, out_hbm, dst_v, ones_v, acc, sem):
    c = lax.axis_index("c")
    s = lax.axis_index("s")
    pltpu.sync_copy(dsts_hbm.at[s], dst_v)
    for i in range(K // 16):
        ones_v[pl.ds(i * 16, 16)] = jnp.full((16,), 1.0, jnp.float32)
    sl = ACC_R // NS
    pltpu.sync_copy(zeros_hbm.at[pl.ds(s * sl, sl)], acc.at[pl.ds(s * sl, sl)])
    plsc.subcore_barrier()
    half = (NCH + 1) // NC
    base = c * half
    cnt = half - c

    def fire(k, carry):
        pltpu.async_copy(ones_v, acc.at[dst_v.at[base + k]], sem, add=True)
        return carry

    lax.fori_loop(0, cnt, fire, 0)

    def drain(k, carry):
        pltpu.make_async_copy(ones_v, acc.at[dst_v.at[0]], sem).wait()
        return carry

    lax.fori_loop(0, cnt, drain, 0)
    plsc.subcore_barrier()
    pltpu.sync_copy(acc.at[pl.ds(s * sl, sl)],
                    out_hbm.at[c, 0, pl.ds(s * sl, sl)])


def _deg_counts(dsts, zeros1d):
    return pl.kernel(
        _deg_body,
        out_type=jax.ShapeDtypeStruct((NC, 1, ACC_R), jnp.float32),
        mesh=_mesh(),
        scratch_types=[
            pltpu.VMEM((NCH, K), jnp.int32),
            pltpu.VMEM((K,), jnp.float32),
            pltpu.VMEM_SHARED((ACC_R,), jnp.float32),
            pltpu.SemaphoreType.DMA,
        ],
        compiler_params=_SC_PARAMS,
    )(dsts, zeros1d)



def _mp_body(tbl_hbm, srcs_hbm, dsts_hbm, zeros_hbm, out_hbm,
             src_v, dst_v, bb, bf, acc, gsem, ssem):
    c = lax.axis_index("c")
    s = lax.axis_index("s")
    pltpu.sync_copy(srcs_hbm.at[c, s], src_v)
    pltpu.sync_copy(dsts_hbm.at[s], dst_v)
    sl = ACC_R // NS
    pltpu.sync_copy(zeros_hbm.at[pl.ds(s * sl, sl)], acc.at[pl.ds(s * sl, sl)])
    plsc.subcore_barrier()

    mask = jnp.full((16,), -65536, jnp.int32)

    def fire_g(j, slot):
        pltpu.async_copy(tbl_hbm.at[src_v.at[j]], bb.at[slot], gsem)

    def drain_g(slot):
        pltpu.make_async_copy(tbl_hbm.at[src_v.at[0]], bb.at[slot],
                              gsem).wait()

    def fire_s(j, slot):
        pltpu.async_copy(bf.at[slot], acc.at[dst_v.at[j]], ssem, add=True)

    def drain_s(slot):
        pltpu.make_async_copy(bf.at[slot], acc.at[dst_v.at[0]], ssem).wait()

    def convert(slot):
        def rows(i, carry):
            for u in range(8):
                r = i * 8 + u
                for g in range(2):
                    w = plsc.bitcast(bb[slot, r, pl.ds(32 * g, 32)],
                                     jnp.int32)
                    bf[slot, r, pl.ds(32 * g, 16)] = plsc.bitcast(
                        w << 16, jnp.float32)
                    bf[slot, r, pl.ds(32 * g + 16, 16)] = plsc.bitcast(
                        w & mask, jnp.float32)
            return carry

        lax.fori_loop(0, K // 8, rows, 0)

    fire_g(0, 0)

    def ring(m, carry):
        for b in range(NSLOT):
            j = m * NSLOT + b
            drain_g(b)

            @pl.when(j >= 2)
            def _():
                drain_s((b + 1) % NSLOT)

            @pl.when(j + 1 < NCH)
            def _():
                fire_g(j + 1, (b + 1) % NSLOT)

            convert(b)
            fire_s(j, b)
        return carry

    lax.fori_loop(0, NCH // NSLOT, ring, 0)
    drain_s((NCH - 2) % NSLOT)
    drain_s((NCH - 1) % NSLOT)
    plsc.subcore_barrier()
    pltpu.sync_copy(acc.at[pl.ds(s * sl, sl)], out_hbm.at[c, pl.ds(s * sl, sl)])


def _msg_pass(tbl, srcs, dsts, zeros2d):
    return pl.kernel(
        _mp_body,
        out_type=jax.ShapeDtypeStruct((NC, ACC_R, H), jnp.float32),
        mesh=_mesh(),
        scratch_types=[
            pltpu.VMEM((NCH, K), jnp.int32),
            pltpu.VMEM((NCH, K), jnp.int32),
            pltpu.VMEM((NSLOT, K, H), jnp.bfloat16),
            pltpu.VMEM((NSLOT, K, H), jnp.float32),
            pltpu.VMEM_SHARED((ACC_R, H), jnp.float32),
            pltpu.SemaphoreType.DMA,
            pltpu.SemaphoreType.DMA,
        ],
        compiler_params=_SC_PARAMS,
    )(tbl, srcs, dsts, zeros2d)



def _dinv_of(d0_ref, d1_ref):
    return lax.rsqrt(d0_ref[...] + d1_ref[...] + 1.0)


def _stageB_body(x_ref, w_ref, wc_ref, d0_ref, d1_ref, h_ref, tbl_ref):
    dinv = _dinv_of(d0_ref, d1_ref)
    x = x_ref[...]
    h_ref[...] = jnp.dot(x, w_ref[...],
                         preferred_element_type=jnp.float32) * dinv
    tbl_ref[...] = (jnp.dot(x, wc_ref[...], preferred_element_type=jnp.float32)
                    * dinv).astype(jnp.bfloat16)


def _stageB(x, w, wc, d0, d1):
    return pl.pallas_call(
        _stageB_body,
        grid=(NRB,),
        in_specs=[
            pl.BlockSpec((RB, D), lambda i: (i, 0)),
            pl.BlockSpec((D, D), lambda i: (0, 0)),
            pl.BlockSpec((D, D), lambda i: (0, 0)),
            pl.BlockSpec((RB, 1), lambda i: (i, 0)),
            pl.BlockSpec((RB, 1), lambda i: (i, 0)),
        ],
        out_specs=[
            pl.BlockSpec((RB, D), lambda i: (i, 0)),
            pl.BlockSpec((RB, D), lambda i: (i, 0)),
        ],
        out_shape=[
            jax.ShapeDtypeStruct((N, D), jnp.float32),
            jax.ShapeDtypeStruct((N, D), jnp.bfloat16),
        ],
    )(x, w, wc, d0, d1)


def _stageD_body(acc_ref, h_ref, d0_ref, d1_ref, w_ref, wc_ref, b_ref,
                 h2_ref, tbl_ref):
    dinv = _dinv_of(d0_ref, d1_ref)
    z = jnp.concatenate([acc_ref[0], acc_ref[1]], axis=1) + h_ref[...]
    a = jnp.maximum(dinv * z + b_ref[...][None, :], 0.0)
    h2_ref[...] = jnp.dot(a, w_ref[...],
                          preferred_element_type=jnp.float32) * dinv
    tbl_ref[...] = (jnp.dot(a, wc_ref[...], preferred_element_type=jnp.float32)
                    * dinv).astype(jnp.bfloat16)


def _stageD(acc, h, d0, d1, w, wc, b):
    return pl.pallas_call(
        _stageD_body,
        grid=(NRB,),
        in_specs=[
            pl.BlockSpec((NC, RB, H), lambda i: (0, i, 0)),
            pl.BlockSpec((RB, D), lambda i: (i, 0)),
            pl.BlockSpec((RB, 1), lambda i: (i, 0)),
            pl.BlockSpec((RB, 1), lambda i: (i, 0)),
            pl.BlockSpec((D, D), lambda i: (0, 0)),
            pl.BlockSpec((D, D), lambda i: (0, 0)),
            pl.BlockSpec((D,), lambda i: (0,)),
        ],
        out_specs=[
            pl.BlockSpec((RB, D), lambda i: (i, 0)),
            pl.BlockSpec((RB, D), lambda i: (i, 0)),
        ],
        out_shape=[
            jax.ShapeDtypeStruct((N, D), jnp.float32),
            jax.ShapeDtypeStruct((N, D), jnp.bfloat16),
        ],
    )(acc, h, d0, d1, w, wc, b)


def _stageF_body(acc_ref, h_ref, d0_ref, d1_ref, b2_ref, batch_ref,
                 wm1_ref, bm1_ref, wm2_ref, out_ref, gsum, cnt):
    i = pl.program_id(0)
    dinv = _dinv_of(d0_ref, d1_ref)
    z = jnp.concatenate([acc_ref[0], acc_ref[1]], axis=1) + h_ref[...]
    a = jnp.maximum(dinv * z + b2_ref[...][None, :], 0.0)
    b3 = batch_ref[0]
    oh = (jnp.broadcast_to(b3, (G, RB))
          == lax.broadcasted_iota(jnp.int32, (G, RB), 0)).astype(jnp.float32)

    @pl.when(i == 0)
    def _():
        gsum[...] = jnp.zeros((G, D), jnp.float32)
        cnt[...] = jnp.zeros((G, D), jnp.float32)

    gsum[...] += jnp.dot(oh, a, preferred_element_type=jnp.float32)
    cnt[...] += jnp.broadcast_to(jnp.sum(oh, axis=1, keepdims=True), (G, D))

    @pl.when(i == NRB - 1)
    def _():
        g = gsum[...] / jnp.maximum(cnt[...], 1.0)
        t = jnp.maximum(
            jnp.dot(g, wm1_ref[...], preferred_element_type=jnp.float32)
            + bm1_ref[...][None, :], 0.0)
        out_ref[...] = jnp.dot(t, wm2_ref[...],
                               preferred_element_type=jnp.float32)


def _stageF(acc, h, d0, d1, b2, batch3d, wm1, bm1, wm2):
    return pl.pallas_call(
        _stageF_body,
        grid=(NRB,),
        in_specs=[
            pl.BlockSpec((NC, RB, H), lambda i: (0, i, 0)),
            pl.BlockSpec((RB, D), lambda i: (i, 0)),
            pl.BlockSpec((RB, 1), lambda i: (i, 0)),
            pl.BlockSpec((RB, 1), lambda i: (i, 0)),
            pl.BlockSpec((D,), lambda i: (0,)),
            pl.BlockSpec((1, 1, RB), lambda i: (i, 0, 0)),
            pl.BlockSpec((D, D), lambda i: (0, 0)),
            pl.BlockSpec((D,), lambda i: (0,)),
            pl.BlockSpec((D, 1), lambda i: (0, 0)),
        ],
        out_specs=pl.BlockSpec((G, 1), lambda i: (0, 0)),
        out_shape=jax.ShapeDtypeStruct((G, 1), jnp.float32),
        scratch_shapes=[
            pltpu.VMEM((G, D), jnp.float32),
            pltpu.VMEM((G, D), jnp.float32),
        ],
    )(acc, h, d0, d1, b2, batch3d, wm1, bm1, wm2)



def kernel(x, edge_index, batch, W1, b1, W2, b2, Wm1, bm1, Wm2, bm2):
    src = edge_index[0]
    dst = edge_index[1]
    pad = TOT - E
    srcp = jnp.concatenate([src, jnp.zeros((pad,), jnp.int32)])
    dstp = jnp.concatenate([dst, jnp.full((pad,), N, jnp.int32)])
    srcp = srcp.reshape(NS, NCH, K)
    dsts = dstp.reshape(NS, NCH, K)
    srcs = jnp.stack([2 * srcp, 2 * srcp + 1])
    zeros1d = jnp.zeros((ACC_R,), jnp.float32)
    zeros2d = jnp.zeros((ACC_R, H), jnp.float32)
    batch3d = batch.reshape(NRB, 1, RB)
    inv = jnp.asarray(_INV_PERM)
    W1c = W1[:, inv]
    W2c = W2[:, inv]

    deg = _deg_counts(dsts, zeros1d)
    d0 = deg[0, 0].reshape(ACC_R, 1)
    d1 = deg[1, 0].reshape(ACC_R, 1)

    h1, tbl1 = _stageB(x, W1, W1c, d0, d1)
    acc1 = _msg_pass(tbl1.reshape(2 * N, H), srcs, dsts, zeros2d)
    h2, tbl2 = _stageD(acc1, h1, d0, d1, W2, W2c, b1)
    acc2 = _msg_pass(tbl2.reshape(2 * N, H), srcs, dsts, zeros2d)
    y = _stageF(acc2, h2, d0, d1, b2, batch3d, Wm1, bm1, Wm2)
    return y.reshape(-1) + bm2

# --- scband reference (transcript-rebuilt; emitter-appended) ---
"""Pipeline reference for scband-graph-cnn-12017318494297 (READ-ONLY COPY).

The authoritative reference and input builder live on the scoring server;
editing this copy changes nothing except your own understanding.
"""

import jax, jax.numpy as jnp
import numpy as np

N_NODES = 10000
N_EDGES = 320000
D_IN = 128
D_HID = 128
D_OUT = 1
N_GRAPHS = 16


def setup_inputs(seed: int = 0) -> dict:
    key = jax.random.key(seed)
    ks = jax.random.split(key, 12)
    x = jax.random.normal(ks[0], (N_NODES, D_IN), dtype=jnp.float32)
    edge_index = jax.random.randint(ks[1], (2, N_EDGES), 0, N_NODES, dtype=jnp.int32)
    batch = jnp.sort(jax.random.randint(ks[2], (N_NODES,), 0, N_GRAPHS, dtype=jnp.int32))
    s1 = 1.0 / np.sqrt(D_IN)
    s2 = 1.0 / np.sqrt(D_HID)
    W1 = jax.random.uniform(ks[3], (D_IN, D_HID), jnp.float32, -s1, s1)
    b1 = jax.random.uniform(ks[4], (D_HID,), jnp.float32, -s1, s1)
    W2 = jax.random.uniform(ks[5], (D_HID, D_HID), jnp.float32, -s2, s2)
    b2 = jax.random.uniform(ks[6], (D_HID,), jnp.float32, -s2, s2)
    Wm1 = jax.random.uniform(ks[7], (D_HID, D_HID), jnp.float32, -s2, s2)
    bm1 = jax.random.uniform(ks[8], (D_HID,), jnp.float32, -s2, s2)
    Wm2 = jax.random.uniform(ks[9], (D_HID, D_OUT), jnp.float32, -s2, s2)
    bm2 = jax.random.uniform(ks[10], (D_OUT,), jnp.float32, -s2, s2)
    return {"x": x, "edge_index": edge_index, "batch": batch,
            "W1": W1, "b1": b1, "W2": W2, "b2": b2,
            "Wm1": Wm1, "bm1": bm1, "Wm2": Wm2, "bm2": bm2}


def _gcn_conv(x, edge_index, W, b):
    # PyG GCNConv: add self-loops, symmetric D^{-1/2}(A+I)D^{-1/2} normalization
    N = x.shape[0]
    loop = jnp.arange(N, dtype=edge_index.dtype)
    src = jnp.concatenate([edge_index[0], loop])
    dst = jnp.concatenate([edge_index[1], loop])
    deg = jax.ops.segment_sum(jnp.ones(src.shape[0], x.dtype), dst, num_segments=N)
    dinv = jnp.where(deg > 0, 1.0 / jnp.sqrt(deg), 0.0)
    norm = dinv[src] * dinv[dst]
    h = x @ W
    msg = h[src] * norm[:, None]
    out = jax.ops.segment_sum(msg, dst, num_segments=N)
    return out + b


def _global_mean_pool(x, batch, num_graphs):
    s = jax.ops.segment_sum(x, batch, num_segments=num_graphs)
    cnt = jax.ops.segment_sum(jnp.ones(x.shape[0], x.dtype), batch, num_segments=num_graphs)
    return s / jnp.clip(cnt, 1.0, None)[:, None]


def reference(x, edge_index, batch, W1, b1, W2, b2, Wm1, bm1, Wm2, bm2):
    h = jax.nn.relu(_gcn_conv(x, edge_index, W1, b1))
    h = jax.nn.relu(_gcn_conv(h, edge_index, W2, b2))
    g = _global_mean_pool(h, batch, N_GRAPHS)
    g = jax.nn.relu(g @ Wm1 + bm1)
    out = g @ Wm2 + bm2
    return out.reshape(-1)

if __name__ == "__main__":
    import jax
    _d = setup_inputs()
    print(jax.jit(kernel)(*tuple(_d.values())))

</pallas_src>

<mosaic_0001>
#map = affine_map<(d0, d1) -> (0, 0)>
#map1 = affine_map<(d0, d1) -> (0, 0, 0, 0)>
#map2 = affine_map<(d0, d1) -> (0, 0, 0)>
module attributes {stable_mosaic.version = 14 : i64} {
  func.func @_mp_body(%arg0: i32, %arg1: i32, %arg2: memref<20000x64xbf16, #tpu.memory_space<hbm>>, %arg3: memref<2x16x159x128xi32, #tpu.memory_space<hbm>>, %arg4: memref<16x159x128xi32, #tpu.memory_space<hbm>>, %arg5: memref<10240x64xf32, #tpu.memory_space<hbm>>, %arg6: memref<2x10240x64xf32, #tpu.memory_space<hbm>>, %arg7: memref<159x128xi32, #tpu.memory_space<vmem>>, %arg8: memref<159x128xi32, #tpu.memory_space<vmem>>, %arg9: memref<3x128x64xbf16, #tpu.memory_space<vmem>>, %arg10: memref<3x128x64xf32, #tpu.memory_space<vmem>>, %arg11: memref<10240x64xf32, #tpu.memory_space<vmem_shared>>, %arg12: memref<!tpu.dma_semaphore, #tpu.memory_space<semaphore_mem>>, %arg13: memref<!tpu.dma_semaphore, #tpu.memory_space<semaphore_mem>>) attributes {dimension_semantics = [#tpu.dimension_semantics<core_parallel>, #tpu.dimension_semantics<subcore_parallel>], iteration_bounds = array<i64: 2, 16>, scalar_prefetch = 0 : i64, scratch_operands = 7 : i64, tpu.core_type = #tpu.core_type<sc_vector_subcore>, window_params = [{transform_indices = #map}, {transform_indices = #map1}, {transform_indices = #map2}, {transform_indices = #map}, {transform_indices = #map2}]} {
    "tpu.region"() ({
      %run_scoped3A = tpu.sem_alloc : memref<!tpu.dma_semaphore, #tpu.memory_space<semaphore_mem>>
      %dma_start3A_48 = arith.constant 0 : i32
      %dma_start3A_49 = arith.constant 0 : i32
      %dma_start3A_50 = tpu.memref_slice %arg3[%arg0, %arg1, %dma_start3A_48, %dma_start3A_49] : memref<2x16x159x128xi32, #tpu.memory_space<hbm>> -> memref<1x1x159x128xi32, #tpu.memory_space<hbm>>
      %dma_start3A_51 = tpu.memref_squeeze %dma_start3A_50 : memref<1x1x159x128xi32, #tpu.memory_space<hbm>> -> memref<159x128xi32, #tpu.memory_space<hbm>>
      %dma_start3A_52 = arith.constant 0 : i32
      %dma_start3A_53 = arith.constant 0 : i32
      %dma_start3A_54 = tpu.memref_slice %arg3[%arg0, %arg1, %dma_start3A_52, %dma_start3A_53] : memref<2x16x159x128xi32, #tpu.memory_space<hbm>> -> memref<1x1x159x128xi32, #tpu.memory_space<hbm>>
      %dma_start3A_55 = tpu.memref_squeeze %dma_start3A_54 : memref<1x1x159x128xi32, #tpu.memory_space<hbm>> -> memref<159x128xi32, #tpu.memory_space<hbm>>
      tpu.enqueue_dma source(%dma_start3A_55 : memref<159x128xi32, #tpu.memory_space<hbm>>) target(%arg7 : memref<159x128xi32, #tpu.memory_space<vmem>>) target_semaphore(%run_scoped3A : memref<!tpu.dma_semaphore, #tpu.memory_space<semaphore_mem>>)
      %dma_wait3A_56 = arith.constant 0 : i32
      %dma_wait3A_57 = arith.constant 0 : i32
      %dma_wait3A_58 = tpu.memref_slice %arg3[%arg0, %arg1, %dma_wait3A_56, %dma_wait3A_57] : memref<2x16x159x128xi32, #tpu.memory_space<hbm>> -> memref<1x1x159x128xi32, #tpu.memory_space<hbm>>
      %dma_wait3A_59 = tpu.memref_squeeze %dma_wait3A_58 : memref<1x1x159x128xi32, #tpu.memory_space<hbm>> -> memref<159x128xi32, #tpu.memory_space<hbm>>
      %dma_wait3A_60 = arith.constant 0 : i32
      %dma_wait3A_61 = arith.constant 0 : i32
      %dma_wait3A_62 = tpu.memref_slice %arg3[%arg0, %arg1, %dma_wait3A_60, %dma_wait3A_61] : memref<2x16x159x128xi32, #tpu.memory_space<hbm>> -> memref<1x1x159x128xi32, #tpu.memory_space<hbm>>
      %dma_wait3A_63 = tpu.memref_squeeze %dma_wait3A_62 : memref<1x1x159x128xi32, #tpu.memory_space<hbm>> -> memref<159x128xi32, #tpu.memory_space<hbm>>
      tpu.wait_dma2 semaphore(%run_scoped3A : memref<!tpu.dma_semaphore, #tpu.memory_space<semaphore_mem>>) src(%dma_wait3A_63 : memref<159x128xi32, #tpu.memory_space<hbm>>) dst(%arg7 : memref<159x128xi32, #tpu.memory_space<vmem>>)
      tpu.yield
    }) : () -> ()
    "tpu.region"() ({
      %run_scoped3A = tpu.sem_alloc : memref<!tpu.dma_semaphore, #tpu.memory_space<semaphore_mem>>
      %dma_start3A_48 = arith.constant 0 : i32
      %dma_start3A_49 = arith.constant 0 : i32
      %dma_start3A_50 = tpu.memref_slice %arg4[%arg1, %dma_start3A_48, %dma_start3A_49] : memref<16x159x128xi32, #tpu.memory_space<hbm>> -> memref<1x159x128xi32, #tpu.memory_space<hbm>>
      %dma_start3A_51 = tpu.memref_squeeze %dma_start3A_50 : memref<1x159x128xi32, #tpu.memory_space<hbm>> -> memref<159x128xi32, #tpu.memory_space<hbm>>
      %dma_start3A_52 = arith.constant 0 : i32
      %dma_start3A_53 = arith.constant 0 : i32
      %dma_start3A_54 = tpu.memref_slice %arg4[%arg1, %dma_start3A_52, %dma_start3A_53] : memref<16x159x128xi32, #tpu.memory_space<hbm>> -> memref<1x159x128xi32, #tpu.memory_space<hbm>>
      %dma_start3A_55 = tpu.memref_squeeze %dma_start3A_54 : memref<1x159x128xi32, #tpu.memory_space<hbm>> -> memref<159x128xi32, #tpu.memory_space<hbm>>
      tpu.enqueue_dma source(%dma_start3A_55 : memref<159x128xi32, #tpu.memory_space<hbm>>) target(%arg8 : memref<159x128xi32, #tpu.memory_space<vmem>>) target_semaphore(%run_scoped3A : memref<!tpu.dma_semaphore, #tpu.memory_space<semaphore_mem>>)
      %dma_wait3A_56 = arith.constant 0 : i32
      %dma_wait3A_57 = arith.constant 0 : i32
      %dma_wait3A_58 = tpu.memref_slice %arg4[%arg1, %dma_wait3A_56, %dma_wait3A_57] : memref<16x159x128xi32, #tpu.memory_space<hbm>> -> memref<1x159x128xi32, #tpu.memory_space<hbm>>
      %dma_wait3A_59 = tpu.memref_squeeze %dma_wait3A_58 : memref<1x159x128xi32, #tpu.memory_space<hbm>> -> memref<159x128xi32, #tpu.memory_space<hbm>>
      %dma_wait3A_60 = arith.constant 0 : i32
      %dma_wait3A_61 = arith.constant 0 : i32
      %dma_wait3A_62 = tpu.memref_slice %arg4[%arg1, %dma_wait3A_60, %dma_wait3A_61] : memref<16x159x128xi32, #tpu.memory_space<hbm>> -> memref<1x159x128xi32, #tpu.memory_space<hbm>>
      %dma_wait3A_63 = tpu.memref_squeeze %dma_wait3A_62 : memref<1x159x128xi32, #tpu.memory_space<hbm>> -> memref<159x128xi32, #tpu.memory_space<hbm>>
      tpu.wait_dma2 semaphore(%run_scoped3A : memref<!tpu.dma_semaphore, #tpu.memory_space<semaphore_mem>>) src(%dma_wait3A_63 : memref<159x128xi32, #tpu.memory_space<hbm>>) dst(%arg8 : memref<159x128xi32, #tpu.memory_space<vmem>>)
      tpu.yield
    }) : () -> ()
    %mul3A = arith.constant 640 : i32
    %mul3A_0 = arith.muli %arg1, %mul3A : i32
    %mul3A_1 = arith.constant 640 : i32
    %mul3A_2 = arith.muli %arg1, %mul3A_1 : i32
    "tpu.region"() ({
      %run_scoped3A = tpu.sem_alloc : memref<!tpu.dma_semaphore, #tpu.memory_space<semaphore_mem>>
      %dma_start3A_48 = arith.constant 0 : i32
      %dma_start3A_49 = tpu.memref_slice %arg11[%mul3A_2, %dma_start3A_48] : memref<10240x64xf32, #tpu.memory_space<vmem_shared>> -> memref<640x64xf32, #tpu.memory_space<vmem_shared>>
      %dma_start3A_50 = arith.constant 0 : i32
      %dma_start3A_51 = tpu.memref_slice %arg5[%mul3A_0, %dma_start3A_50] : memref<10240x64xf32, #tpu.memory_space<hbm>> -> memref<640x64xf32, #tpu.memory_space<hbm>>
      tpu.enqueue_dma source(%dma_start3A_51 : memref<640x64xf32, #tpu.memory_space<hbm>>) target(%dma_start3A_49 : memref<640x64xf32, #tpu.memory_space<vmem_shared>>) target_semaphore(%run_scoped3A : memref<!tpu.dma_semaphore, #tpu.memory_space<semaphore_mem>>)
      %dma_wait3A_52 = arith.constant 0 : i32
      %dma_wait3A_53 = tpu.memref_slice %arg11[%mul3A_2, %dma_wait3A_52] : memref<10240x64xf32, #tpu.memory_space<vmem_shared>> -> memref<640x64xf32, #tpu.memory_space<vmem_shared>>
      %dma_wait3A_54 = arith.constant 0 : i32
      %dma_wait3A_55 = tpu.memref_slice %arg5[%mul3A_0, %dma_wait3A_54] : memref<10240x64xf32, #tpu.memory_space<hbm>> -> memref<640x64xf32, #tpu.memory_space<hbm>>
      tpu.wait_dma2 semaphore(%run_scoped3A : memref<!tpu.dma_semaphore, #tpu.memory_space<semaphore_mem>>) src(%dma_wait3A_55 : memref<640x64xf32, #tpu.memory_space<hbm>>) dst(%dma_wait3A_53 : memref<640x64xf32, #tpu.memory_space<vmem_shared>>)
      tpu.yield
    }) : () -> ()
    %barrier3A = arith.constant 0 : index
    tpu.barrier barrier_id(%barrier3A)
    %broadcast_in_dim3A = arith.constant -65536 : i32
    %broadcast_in_dim3A_3 = vector.broadcast %broadcast_in_dim3A : i32 to vector<16xi32>
    %dma_start3A = arith.constant 0 : i32
    %dma_start3A_4 = arith.constant 0 : i32
    %dma_start3A_5 = arith.constant 0 : i32
    %dma_start3A_6 = arith.constant 0 : i32
    %dma_start3A_7 = tpu.memref_slice %arg9[%dma_start3A_4, %dma_start3A_5, %dma_start3A_6] : memref<3x128x64xbf16, #tpu.memory_space<vmem>> -> memref<1x128x64xbf16, #tpu.memory_space<vmem>>
    %dma_start3A_8 = tpu.memref_squeeze %dma_start3A_7 : memref<1x128x64xbf16, #tpu.memory_space<vmem>> -> memref<128x64xbf16, #tpu.memory_space<vmem>>
    %dma_start3A_9 = arith.constant 0 : i32
    %dma_start3A_10 = tpu.memref_slice %arg7[%dma_start3A, %dma_start3A_9] : memref<159x128xi32, #tpu.memory_space<vmem>> -> memref<1x128xi32, #tpu.memory_space<vmem>>
    %dma_start3A_11 = tpu.memref_squeeze %dma_start3A_10 : memref<1x128xi32, #tpu.memory_space<vmem>> -> memref<128xi32, #tpu.memory_space<vmem>>
    %dma_start3A_12 = arith.constant 0 : i32
    %dma_start3A_13 = arith.constant 0 : i32
    %dma_start3A_14 = tpu.memref_slice %arg2[%dma_start3A_12, %dma_start3A_13] : memref<20000x64xbf16, #tpu.memory_space<hbm>> -> memref<20000x64xbf16, #tpu.memory_space<hbm>>
    tpu.enqueue_indirect_dma source(%dma_start3A_14 : memref<20000x64xbf16, #tpu.memory_space<hbm>>) target(%dma_start3A_8 : memref<128x64xbf16, #tpu.memory_space<vmem>>) offsets(%dma_start3A_11 : memref<128xi32, #tpu.memory_space<vmem>>) semaphore(%arg12 : memref<!tpu.dma_semaphore, #tpu.memory_space<semaphore_mem>>)
    %scan3A = arith.constant 0 : i32
    %scan3A_15 = arith.constant 0 : i32
    %scan3A_16 = arith.constant 53 : i32
    %scan3A_17 = arith.addi %scan3A_15, %scan3A_16 : i32
    %scan3A_18 = arith.constant 1 : i32
    scf.for %scan3A_48 = %scan3A_15 to %scan3A_17 step %scan3A_18  : i32 {
      %mul3A_49 = arith.constant 3 : i32
      %mul3A_50 = arith.muli %scan3A_48, %mul3A_49 : i32
      %add3A = arith.constant 0 : i32
      %add3A_51 = arith.addi %mul3A_50, %add3A : i32
      %dma_wait3A_52 = arith.constant 0 : i32
      %dma_wait3A_53 = arith.constant 0 : i32
      %dma_wait3A_54 = arith.constant 0 : i32
      %dma_wait3A_55 = arith.constant 0 : i32
      %dma_wait3A_56 = tpu.memref_slice %arg9[%dma_wait3A_53, %dma_wait3A_54, %dma_wait3A_55] : memref<3x128x64xbf16, #tpu.memory_space<vmem>> -> memref<1x128x64xbf16, #tpu.memory_space<vmem>>
      %dma_wait3A_57 = tpu.memref_squeeze %dma_wait3A_56 : memref<1x128x64xbf16, #tpu.memory_space<vmem>> -> memref<128x64xbf16, #tpu.memory_space<vmem>>
      %dma_wait3A_58 = arith.constant 0 : i32
      %dma_wait3A_59 = tpu.memref_slice %arg7[%dma_wait3A_52, %dma_wait3A_58] : memref<159x128xi32, #tpu.memory_space<vmem>> -> memref<1x128xi32, #tpu.memory_space<vmem>>
      %dma_wait3A_60 = tpu.memref_squeeze %dma_wait3A_59 : memref<1x128xi32, #tpu.memory_space<vmem>> -> memref<128xi32, #tpu.memory_space<vmem>>
      %dma_wait3A_61 = arith.constant 0 : i32
      %dma_wait3A_62 = arith.constant 0 : i32
      %dma_wait3A_63 = tpu.memref_slice %arg2[%dma_wait3A_61, %dma_wait3A_62] : memref<20000x64xbf16, #tpu.memory_space<hbm>> -> memref<20000x64xbf16, #tpu.memory_space<hbm>>
      tpu.wait_indirect_dma semaphore(%arg12 : memref<!tpu.dma_semaphore, #tpu.memory_space<semaphore_mem>>) src(%dma_wait3A_63 : memref<20000x64xbf16, #tpu.memory_space<hbm>>) dst(%dma_wait3A_57 : memref<128x64xbf16, #tpu.memory_space<vmem>>)
      %ge3A = arith.constant 2 : i32
      %ge3A_64 = arith.cmpi sge, %add3A_51, %ge3A : i32
      %convert_element_type3A = arith.extui %ge3A_64 : i1 to i32
      %cond3A = arith.constant 0 : i32
      %cond3A_65 = arith.cmpi ne, %convert_element_type3A, %cond3A : i32
      scf.if %cond3A_65 {
        %dma_wait3A_179 = arith.constant 1 : i32
        %dma_wait3A_180 = arith.constant 0 : i32
        %dma_wait3A_181 = arith.constant 0 : i32
        %dma_wait3A_182 = arith.constant 0 : i32
        %dma_wait3A_183 = tpu.memref_slice %arg10[%dma_wait3A_179, %dma_wait3A_181, %dma_wait3A_182] : memref<3x128x64xf32, #tpu.memory_space<vmem>> -> memref<1x128x64xf32, #tpu.memory_space<vmem>>
        %dma_wait3A_184 = tpu.memref_squeeze %dma_wait3A_183 : memref<1x128x64xf32, #tpu.memory_space<vmem>> -> memref<128x64xf32, #tpu.memory_space<vmem>>
        %dma_wait3A_185 = arith.constant 0 : i32
        %dma_wait3A_186 = tpu.memref_slice %arg8[%dma_wait3A_180, %dma_wait3A_185] : memref<159x128xi32, #tpu.memory_space<vmem>> -> memref<1x128xi32, #tpu.memory_space<vmem>>
        %dma_wait3A_187 = tpu.memref_squeeze %dma_wait3A_186 : memref<1x128xi32, #tpu.memory_space<vmem>> -> memref<128xi32, #tpu.memory_space<vmem>>
        %dma_wait3A_188 = arith.constant 0 : i32
        %dma_wait3A_189 = arith.constant 0 : i32
        %dma_wait3A_190 = tpu.memref_slice %arg11[%dma_wait3A_188, %dma_wait3A_189] : memref<10240x64xf32, #tpu.memory_space<vmem_shared>> -> memref<10240x64xf32, #tpu.memory_space<vmem_shared>>
        tpu.wait_indirect_dma semaphore(%arg13 : memref<!tpu.dma_semaphore, #tpu.memory_space<semaphore_mem>>) src(%dma_wait3A_184 : memref<128x64xf32, #tpu.memory_space<vmem>>) dst(%dma_wait3A_190 : memref<10240x64xf32, #tpu.memory_space<vmem_shared>>)
      } else {
      }
      %add3A_66 = arith.constant 1 : i32
      %add3A_67 = arith.addi %add3A_51, %add3A_66 : i32
      %lt3A = arith.constant 159 : i32
      %lt3A_68 = arith.cmpi slt, %add3A_67, %lt3A : i32
      %convert_element_type3A_69 = arith.extui %lt3A_68 : i1 to i32
      %cond3A_70 = arith.constant 0 : i32
      %cond3A_71 = arith.cmpi ne, %convert_element_type3A_69, %cond3A_70 : i32
      scf.if %cond3A_71 {
        %add3A_179 = arith.constant 1 : i32
        %add3A_180 = arith.addi %add3A_51, %add3A_179 : i32
        %dma_start3A_181 = arith.constant 1 : i32
        %dma_start3A_182 = arith.constant 0 : i32
        %dma_start3A_183 = arith.constant 0 : i32
        %dma_start3A_184 = tpu.memref_slice %arg9[%dma_start3A_181, %dma_start3A_182, %dma_start3A_183] : memref<3x128x64xbf16, #tpu.memory_space<vmem>> -> memref<1x128x64xbf16, #tpu.memory_space<vmem>>
        %dma_start3A_185 = tpu.memref_squeeze %dma_start3A_184 : memref<1x128x64xbf16, #tpu.memory_space<vmem>> -> memref<128x64xbf16, #tpu.memory_space<vmem>>
        %dma_start3A_186 = arith.constant 0 : i32
        %dma_start3A_187 = tpu.memref_slice %arg7[%add3A_180, %dma_start3A_186] : memref<159x128xi32, #tpu.memory_space<vmem>> -> memref<1x128xi32, #tpu.memory_space<vmem>>
        %dma_start3A_188 = tpu.memref_squeeze %dma_start3A_187 : memref<1x128xi32, #tpu.memory_space<vmem>> -> memref<128xi32, #tpu.memory_space<vmem>>
        %dma_start3A_189 = arith.constant 0 : i32
        %dma_start3A_190 = arith.constant 0 : i32
        %dma_start3A_191 = tpu.memref_slice %arg2[%dma_start3A_189, %dma_start3A_190] : memref<20000x64xbf16, #tpu.memory_space<hbm>> -> memref<20000x64xbf16, #tpu.memory_space<hbm>>
        tpu.enqueue_indirect_dma source(%dma_start3A_191 : memref<20000x64xbf16, #tpu.memory_space<hbm>>) target(%dma_start3A_185 : memref<128x64xbf16, #tpu.memory_space<vmem>>) offsets(%dma_start3A_188 : memref<128xi32, #tpu.memory_space<vmem>>) semaphore(%arg12 : memref<!tpu.dma_semaphore, #tpu.memory_space<semaphore_mem>>)
      } else {
      }
      %scan3A_72 = arith.constant 0 : i32
      %scan3A_73 = arith.constant 0 : i32
      %scan3A_74 = arith.constant 16 : i32
      %scan3A_75 = arith.addi %scan3A_73, %scan3A_74 : i32
      %scan3A_76 = arith.constant 1 : i32
      scf.for %scan3A_179 = %scan3A_73 to %scan3A_75 step %scan3A_76  : i32 {
        %mul3A_180 = arith.constant 8 : i32
        %mul3A_181 = arith.muli %scan3A_179, %mul3A_180 : i32
        %add3A_182 = arith.constant 0 : i32
        %add3A_183 = arith.addi %mul3A_181, %add3A_182 : i32
        %get3A = arith.constant 0 : i32
        %get3A_184 = arith.index_cast %get3A : i32 to index
        %get3A_185 = arith.index_cast %add3A_183 : i32 to index
        %get3A_186 = arith.constant 0 : index
        %get3A_187 = tpu.vector_load %arg9[%get3A_184, %get3A_185, %get3A_186] {strides = array<i32>} : memref<3x128x64xbf16, #tpu.memory_space<vmem>>, vector<32xbf16>,
        %bitcast3A = vector.bitcast %get3A_187 : vector<32xbf16> to vector<16xi32>
        %shift_left3A = arith.constant 16 : i32
        %shift_left3A_188 = vector.broadcast %shift_left3A : i32 to vector<16xi32>
        %shift_left3A_189 = arith.shli %bitcast3A, %shift_left3A_188 : vector<16xi32>
        %bitcast3A_190 = vector.bitcast %shift_left3A_189 : vector<16xi32> to vector<16xf32>
        %swap3A = arith.constant 0 : i32
        %swap3A_191 = arith.index_cast %swap3A : i32 to index
        %swap3A_192 = arith.index_cast %add3A_183 : i32 to index
        %swap3A_193 = arith.constant 0 : index
        %swap3A_194 = tpu.vector_load %arg10[%swap3A_191, %swap3A_192, %swap3A_193] {strides = array<i32>} : memref<3x128x64xf32, #tpu.memory_space<vmem>>, vector<16xf32>,
        tpu.vector_store %arg10[%swap3A_191, %swap3A_192, %swap3A_193], %bitcast3A_190 {strides = array<i32>} : memref<3x128x64xf32, #tpu.memory_space<vmem>>, vector<16xf32>,
        %and3A = arith.andi %bitcast3A, %broadcast_in_dim3A_3 : vector<16xi32>
        %bitcast3A_195 = vector.bitcast %and3A : vector<16xi32> to vector<16xf32>
        %swap3A_196 = arith.constant 0 : i32
        %swap3A_197 = arith.index_cast %swap3A_196 : i32 to index
        %swap3A_198 = arith.index_cast %add3A_183 : i32 to index
        %swap3A_199 = arith.constant 16 : index
        %swap3A_200 = tpu.vector_load %arg10[%swap3A_197, %swap3A_198, %swap3A_199] {strides = array<i32>} : memref<3x128x64xf32, #tpu.memory_space<vmem>>, vector<16xf32>,
        tpu.vector_store %arg10[%swap3A_197, %swap3A_198, %swap3A_199], %bitcast3A_195 {strides = array<i32>} : memref<3x128x64xf32, #tpu.memory_space<vmem>>, vector<16xf32>,
        %get3A_201 = arith.constant 0 : i32
        %get3A_202 = arith.index_cast %get3A_201 : i32 to index
        %get3A_203 = arith.index_cast %add3A_183 : i32 to index
        %get3A_204 = arith.constant 32 : index
        %get3A_205 = tpu.vector_load %arg9[%get3A_202, %get3A_203, %get3A_204] {strides = array<i32>} : memref<3x128x64xbf16, #tpu.memory_space<vmem>>, vector<32xbf16>,
        %bitcast3A_206 = vector.bitcast %get3A_205 : vector<32xbf16> to vector<16xi32>
        %shift_left3A_207 = arith.constant 16 : i32
        %shift_left3A_208 = vector.broadcast %shift_left3A_207 : i32 to vector<16xi32>
        %shift_left3A_209 = arith.shli %bitcast3A_206, %shift_left3A_208 : vector<16xi32>
        %bitcast3A_210 = vector.bitcast %shift_left3A_209 : vector<16xi32> to vector<16xf32>
        %swap3A_211 = arith.constant 0 : i32
        %swap3A_212 = arith.index_cast %swap3A_211 : i32 to index
        %swap3A_213 = arith.index_cast %add3A_183 : i32 to index
        %swap3A_214 = arith.constant 32 : index
        %swap3A_215 = tpu.vector_load %arg10[%swap3A_212, %swap3A_213, %swap3A_214] {strides = array<i32>} : memref<3x128x64xf32, #tpu.memory_space<vmem>>, vector<16xf32>,
        tpu.vector_store %arg10[%swap3A_212, %swap3A_213, %swap3A_214], %bitcast3A_210 {strides = array<i32>} : memref<3x128x64xf32, #tpu.memory_space<vmem>>, vector<16xf32>,
        %and3A_216 = arith.andi %bitcast3A_206, %broadcast_in_dim3A_3 : vector<16xi32>
        %bitcast3A_217 = vector.bitcast %and3A_216 : vector<16xi32> to vector<16xf32>
        %swap3A_218 = arith.constant 0 : i32
        %swap3A_219 = arith.index_cast %swap3A_218 : i32 to index
        %swap3A_220 = arith.index_cast %add3A_183 : i32 to index
        %swap3A_221 = arith.constant 48 : index
        %swap3A_222 = tpu.vector_load %arg10[%swap3A_219, %swap3A_220, %swap3A_221] {strides = array<i32>} : memref<3x128x64xf32, #tpu.memory_space<vmem>>, vector<16xf32>,
        tpu.vector_store %arg10[%swap3A_219, %swap3A_220, %swap3A_221], %bitcast3A_217 {strides = array<i32>} : memref<3x128x64xf32, #tpu.memory_space<vmem>>, vector<16xf32>,
        %mul3A_223 = arith.constant 8 : i32
        %mul3A_224 = arith.muli %scan3A_179, %mul3A_223 : i32
        %add3A_225 = arith.constant 1 : i32
        %add3A_226 = arith.addi %mul3A_224, %add3A_225 : i32
        %get3A_227 = arith.constant 0 : i32
        %get3A_228 = arith.index_cast %get3A_227 : i32 to index
        %get3A_229 = arith.index_cast %add3A_226 : i32 to index
        %get3A_230 = arith.constant 0 : index
        %get3A_231 = tpu.vector_load %arg9[%get3A_228, %get3A_229, %get3A_230] {strides = array<i32>} : memref<3x128x64xbf16, #tpu.memory_space<vmem>>, vector<32xbf16>,
        %bitcast3A_232 = vector.bitcast %get3A_231 : vector<32xbf16> to vector<16xi32>
        %shift_left3A_233 = arith.constant 16 : i32
        %shift_left3A_234 = vector.broadcast %shift_left3A_233 : i32 to vector<16xi32>
        %shift_left3A_235 = arith.shli %bitcast3A_232, %shift_left3A_234 : vector<16xi32>
        %bitcast3A_236 = vector.bitcast %shift_left3A_235 : vector<16xi32> to vector<16xf32>
        %swap3A_237 = arith.constant 0 : i32
        %swap3A_238 = arith.index_cast %swap3A_237 : i32 to index
        %swap3A_239 = arith.index_cast %add3A_226 : i32 to index
        %swap3A_240 = arith.constant 0 : index
        %swap3A_241 = tpu.vector_load %arg10[%swap3A_238, %swap3A_239, %swap3A_240] {strides = array<i32>} : memref<3x128x64xf32, #tpu.memory_space<vmem>>, vector<16xf32>,
        tpu.vector_store %arg10[%swap3A_238, %swap3A_239, %swap3A_240], %bitcast3A_236 {strides = array<i32>} : memref<3x128x64xf32, #tpu.memory_space<vmem>>, vector<16xf32>,
        %and3A_242 = arith.andi %bitcast3A_232, %broadcast_in_dim3A_3 : vector<16xi32>
        %bitcast3A_243 = vector.bitcast %and3A_242 : vector<16xi32> to vector<16xf32>
        %swap3A_244 = arith.constant 0 : i32
        %swap3A_245 = arith.index_cast %swap3A_244 : i32 to index
        %swap3A_246 = arith.index_cast %add3A_226 : i32 to index
        %swap3A_247 = arith.constant 16 : index
        %swap3A_248 = tpu.vector_load %arg10[%swap3A_245, %swap3A_246, %swap3A_247] {strides = array<i32>} : memref<3x128x64xf32, #tpu.memory_space<vmem>>, vector<16xf32>,
        tpu.vector_store %arg10[%swap3A_245, %swap3A_246, %swap3A_247], %bitcast3A_243 {strides = array<i32>} : memref<3x128x64xf32, #tpu.memory_space<vmem>>, vector<16xf32>,
        %get3A_249 = arith.constant 0 : i32
        %get3A_250 = arith.index_cast %get3A_249 : i32 to index
        %get3A_251 = arith.index_cast %add3A_226 : i32 to index
        %get3A_252 = arith.constant 32 : index
        %get3A_253 = tpu.vector_load %arg9[%get3A_250, %get3A_251, %get3A_252] {strides = array<i32>} : memref<3x128x64xbf16, #tpu.memory_space<vmem>>, vector<32xbf16>,
        %bitcast3A_254 = vector.bitcast %get3A_253 : vector<32xbf16> to vector<16xi32>
        %shift_left3A_255 = arith.constant 16 : i32
        %shift_left3A_256 = vector.broadcast %shift_left3A_255 : i32 to vector<16xi32>
        %shift_left3A_257 = arith.shli %bitcast3A_254, %shift_left3A_256 : vector<16xi32>
        %bitcast3A_258 = vector.bitcast %shift_left3A_257 : vector<16xi32> to vector<16xf32>
        %swap3A_259 = arith.constant 0 : i32
        %swap3A_260 = arith.index_cast %swap3A_259 : i32 to index
        %swap3A_261 = arith.index_cast %add3A_226 : i32 to index
        %swap3A_262 = arith.constant 32 : index
        %swap3A_263 = tpu.vector_load %arg10[%swap3A_260, %swap3A_261, %swap3A_262] {strides = array<i32>} : memref<3x128x64xf32, #tpu.memory_space<vmem>>, vector<16xf32>,
        tpu.vector_store %arg10[%swap3A_260, %swap3A_261, %swap3A_262], %bitcast3A_258 {strides = array<i32>} : memref<3x128x64xf32, #tpu.memory_space<vmem>>, vector<16xf32>,
        %and3A_264 = arith.andi %bitcast3A_254, %broadcast_in_dim3A_3 : vector<16xi32>
        %bitcast3A_265 = vector.bitcast %and3A_264 : vector<16xi32> to vector<16xf32>
        %swap3A_266 = arith.constant 0 : i32
        %swap3A_267 = arith.index_cast %swap3A_266 : i32 to index
        %swap3A_268 = arith.index_cast %add3A_226 : i32 to index
        %swap3A_269 = arith.constant 48 : index
        %swap3A_270 = tpu.vector_load %arg10[%swap3A_267, %swap3A_268, %swap3A_269] {strides = array<i32>} : memref<3x128x64xf32, #tpu.memory_space<vmem>>, vector<16xf32>,
        tpu.vector_store %arg10[%swap3A_267, %swap3A_268, %swap3A_269], %bitcast3A_265 {strides = array<i32>} : memref<3x128x64xf32, #tpu.memory_space<vmem>>, vector<16xf32>,
        %mul3A_271 = arith.constant 8 : i32
        %mul3A_272 = arith.muli %scan3A_179, %mul3A_271 : i32
        %add3A_273 = arith.constant 2 : i32
        %add3A_274 = arith.addi %mul3A_272, %add3A_273 : i32
        %get3A_275 = arith.constant 0 : i32
        %get3A_276 = arith.index_cast %get3A_275 : i32 to index
        %get3A_277 = arith.index_cast %add3A_274 : i32 to index
        %get3A_278 = arith.constant 0 : index
        %get3A_279 = tpu.vector_load %arg9[%get3A_276, %get3A_277, %get3A_278] {strides = array<i32>} : memref<3x128x64xbf16, #tpu.memory_space<vmem>>, vector<32xbf16>,
        %bitcast3A_280 = vector.bitcast %get3A_279 : vector<32xbf16> to vector<16xi32>
        %shift_left3A_281 = arith.constant 16 : i32
        %shift_left3A_282 = vector.broadcast %shift_left3A_281 : i32 to vector<16xi32>
        %shift_left3A_283 = arith.shli %bitcast3A_280, %shift_left3A_282 : vector<16xi32>
        %bitcast3A_284 = vector.bitcast %shift_left3A_283 : vector<16xi32> to vector<16xf32>
        %swap3A_285 = arith.constant 0 : i32
        %swap3A_286 = arith.index_cast %swap3A_285 : i32 to index
        %swap3A_287 = arith.index_cast %add3A_274 : i32 to index
        %swap3A_288 = arith.constant 0 : index
        %swap3A_289 = tpu.vector_load %arg10[%swap3A_286, %swap3A_287, %swap3A_288] {strides = array<i32>} : memref<3x128x64xf32, #tpu.memory_space<vmem>>, vector<16xf32>,
        tpu.vector_store %arg10[%swap3A_286, %swap3A_287, %swap3A_288], %bitcast3A_284 {strides = array<i32>} : memref<3x128x64xf32, #tpu.memory_space<vmem>>, vector<16xf32>,
        %and3A_290 = arith.andi %bitcast3A_280, %broadcast_in_dim3A_3 : vector<16xi32>
        %bitcast3A_291 = vector.bitcast %and3A_290 : vector<16xi32> to vector<16xf32>
        %swap3A_292 = arith.constant 0 : i32
        %swap3A_293 = arith.index_cast %swap3A_292 : i32 to index
        %swap3A_294 = arith.index_cast %add3A_274 : i32 to index
        %swap3A_295 = arith.constant 16 : index
        %swap3A_296 = tpu.vector_load %arg10[%swap3A_293, %swap3A_294, %swap3A_295] {strides = array<i32>} : memref<3x128x64xf32, #tpu.memory_space<vmem>>, vector<16xf32>,
        tpu.vector_store %arg10[%swap3A_293, %swap3A_294, %swap3A_295], %bitcast3A_291 {strides = array<i32>} : memref<3x128x64xf32, #tpu.memory_space<vmem>>, vector<16xf32>,
        %get3A_297 = arith.constant 0 : i32
        %get3A_298 = arith.index_cast %get3A_297 : i32 to index
        %get3A_299 = arith.index_cast %add3A_274 : i32 to index
        %get3A_300 = arith.constant 32 : index
        %get3A_301 = tpu.vector_load %arg9[%get3A_298, %get3A_299, %get3A_300] {strides = array<i32>} : memref<3x128x64xbf16, #tpu.memory_space<vmem>>, vector<32xbf16>,
        %bitcast3A_302 = vector.bitcast %get3A_301 : vector<32xbf16> to vector<16xi32>
        %shift_left3A_303 = arith.constant 16 : i32
        %shift_left3A_304 = vector.broadcast %shift_left3A_303 : i32 to vector<16xi32>
        %shift_left3A_305 = arith.shli %bitcast3A_302, %shift_left3A_304 : vector<16xi32>
        %bitcast3A_306 = vector.bitcast %shift_left3A_305 : vector<16xi32> to vector<16xf32>
        %swap3A_307 = arith.constant 0 : i32
        %swap3A_308 = arith.index_cast %swap3A_307 : i32 to index
        %swap3A_309 = arith.index_cast %add3A_274 : i32 to index
        %swap3A_310 = arith.constant 32 : index
        %swap3A_311 = tpu.vector_load %arg10[%swap3A_308, %swap3A_309, %swap3A_310] {strides = array<i32>} : memref<3x128x64xf32, #tpu.memory_space<vmem>>, vector<16xf32>,
        tpu.vector_store %arg10[%swap3A_308, %swap3A_309, %swap3A_310], %bitcast3A_306 {strides = array<i32>} : memref<3x128x64xf32, #tpu.memory_space<vmem>>, vector<16xf32>,
        %and3A_312 = arith.andi %bitcast3A_302, %broadcast_in_dim3A_3 : vector<16xi32>
        %bitcast3A_313 = vector.bitcast %and3A_312 : vector<16xi32> to vector<16xf32>
        %swap3A_314 = arith.constant 0 : i32
        %swap3A_315 = arith.index_cast %swap3A_314 : i32 to index
        %swap3A_316 = arith.index_cast %add3A_274 : i32 to index
        %swap3A_317 = arith.constant 48 : index
        %swap3A_318 = tpu.vector_load %arg10[%swap3A_315, %swap3A_316, %swap3A_317] {strides = array<i32>} : memref<3x128x64xf32, #tpu.memory_space<vmem>>, vector<16xf32>,
        tpu.vector_store %arg10[%swap3A_315, %swap3A_316, %swap3A_317], %bitcast3A_313 {strides = array<i32>} : memref<3x128x64xf32, #tpu.memory_space<vmem>>, vector<16xf32>,
        %mul3A_319 = arith.constant 8 : i32
        %mul3A_320 = arith.muli %scan3A_179, %mul3A_319 : i32
        %add3A_321 = arith.constant 3 : i32
        %add3A_322 = arith.addi %mul3A_320, %add3A_321 : i32
        %get3A_323 = arith.constant 0 : i32
        %get3A_324 = arith.index_cast %get3A_323 : i32 to index
        %get3A_325 = arith.index_cast %add3A_322 : i32 to index
        %get3A_326 = arith.constant 0 : index
        %get3A_327 = tpu.vector_load %arg9[%get3A_324, %get3A_325, %get3A_326] {strides = array<i32>} : memref<3x128x64xbf16, #tpu.memory_space<vmem>>, vector<32xbf16>,
        %bitcast3A_328 = vector.bitcast %get3A_327 : vector<32xbf16> to vector<16xi32>
        %shift_left3A_329 = arith.constant 16 : i32
        %shift_left3A_330 = vector.broadcast %shift_left3A_329 : i32 to vector<16xi32>
        %shift_left3A_331 = arith.shli %bitcast3A_328, %shift_left3A_330 : vector<16xi32>
        %bitcast3A_332 = vector.bitcast %shift_left3A_331 : vector<16xi32> to vector<16xf32>
        %swap3A_333 = arith.constant 0 : i32
        %swap3A_334 = arith.index_cast %swap3A_333 : i32 to index
        %swap3A_335 = arith.index_cast %add3A_322 : i32 to index
        %swap3A_336 = arith.constant 0 : index
        %swap3A_337 = tpu.vector_load %arg10[%swap3A_334, %swap3A_335, %swap3A_336] {strides = array<i32>} : memref<3x128x64xf32, #tpu.memory_space<vmem>>, vector<16xf32>,
        tpu.vector_store %arg10[%swap3A_334, %swap3A_335, %swap3A_336], %bitcast3A_332 {strides = array<i32>} : memref<3x128x64xf32, #tpu.memory_space<vmem>>, vector<16xf32>,
        %and3A_338 = arith.andi %bitcast3A_328, %broadcast_in_dim3A_3 : vector<16xi32>
        %bitcast3A_339 = vector.bitcast %and3A_338 : vector<16xi32> to vector<16xf32>
        %swap3A_340 = arith.constant 0 : i32
        %swap3A_341 = arith.index_cast %swap3A_340 : i32 to index
        %swap3A_342 = arith.index_cast %add3A_322 : i32 to index
        %swap3A_343 = arith.constant 16 : index
        %swap3A_344 = tpu.vector_load %arg10[%swap3A_341, %swap3A_342, %swap3A_343] {strides = array<i32>} : memref<3x128x64xf32, #tpu.memory_space<vmem>>, vector<16xf32>,
        tpu.vector_store %arg10[%swap3A_341, %swap3A_342, %swap3A_343], %bitcast3A_339 {strides = array<i32>} : memref<3x128x64xf32, #tpu.memory_space<vmem>>, vector<16xf32>,
        %get3A_345 = arith.constant 0 : i32
        %get3A_346 = arith.index_cast %get3A_345 : i32 to index
        %get3A_347 = arith.index_cast %add3A_322 : i32 to index
        %get3A_348 = arith.constant 32 : index
        %get3A_349 = tpu.vector_load %arg9[%get3A_346, %get3A_347, %get3A_348] {strides = array<i32>} : memref<3x128x64xbf16, #tpu.memory_space<vmem>>, vector<32xbf16>,
        %bitcast3A_350 = vector.bitcast %get3A_349 : vector<32xbf16> to vector<16xi32>
        %shift_left3A_351 = arith.constant 16 : i32
        %shift_left3A_352 = vector.broadcast %shift_left3A_351 : i32 to vector<16xi32>
        %shift_left3A_353 = arith.shli %bitcast3A_350, %shift_left3A_352 : vector<16xi32>
        %bitcast3A_354 = vector.bitcast %shift_left3A_353 : vector<16xi32> to vector<16xf32>
        %swap3A_355 = arith.constant 0 : i32
        %swap3A_356 = arith.index_cast %swap3A_355 : i32 to index
        %swap3A_357 = arith.index_cast %add3A_322 : i32 to index
        %swap3A_358 = arith.constant 32 : index
        %swap3A_359 = tpu.vector_load %arg10[%swap3A_356, %swap3A_357, %swap3A_358] {strides = array<i32>} : memref<3x128x64xf32, #tpu.memory_space<vmem>>, vector<16xf32>,
        tpu.vector_store %arg10[%swap3A_356, %swap3A_357, %swap3A_358], %bitcast3A_354 {strides = array<i32>} : memref<3x128x64xf32, #tpu.memory_space<vmem>>, vector<16xf32>,
        %and3A_360 = arith.andi %bitcast3A_350, %broadcast_in_dim3A_3 : vector<16xi32>
        %bitcast3A_361 = vector.bitcast %and3A_360 : vector<16xi32> to vector<16xf32>
        %swap3A_362 = arith.constant 0 : i32
        %swap3A_363 = arith.index_cast %swap3A_362 : i32 to index
        %swap3A_364 = arith.index_cast %add3A_322 : i32 to index
        %swap3A_365 = arith.constant 48 : index
        %swap3A_366 = tpu.vector_load %arg10[%swap3A_363, %swap3A_364, %swap3A_365] {strides = array<i32>} : memref<3x128x64xf32, #tpu.memory_space<vmem>>, vector<16xf32>,
        tpu.vector_store %arg10[%swap3A_363, %swap3A_364, %swap3A_365], %bitcast3A_361 {strides = array<i32>} : memref<3x128x64xf32, #tpu.memory_space<vmem>>, vector<16xf32>,
        %mul3A_367 = arith.constant 8 : i32
        %mul3A_368 = arith.muli %scan3A_179, %mul3A_367 : i32
        %add3A_369 = arith.constant 4 : i32
        %add3A_370 = arith.addi %mul3A_368, %add3A_369 : i32
        %get3A_371 = arith.constant 0 : i32
        %get3A_372 = arith.index_cast %get3A_371 : i32 to index
        %get3A_373 = arith.index_cast %add3A_370 : i32 to index
        %get3A_374 = arith.constant 0 : index
        %get3A_375 = tpu.vector_load %arg9[%get3A_372, %get3A_373, %get3A_374] {strides = array<i32>} : memref<3x128x64xbf16, #tpu.memory_space<vmem>>, vector<32xbf16>,
        %bitcast3A_376 = vector.bitcast %get3A_375 : vector<32xbf16> to vector<16xi32>
        %shift_left3A_377 = arith.constant 16 : i32
        %shift_left3A_378 = vector.broadcast %shift_left3A_377 : i32 to vector<16xi32>
        %shift_left3A_379 = arith.shli %bitcast3A_376, %shift_left3A_378 : vector<16xi32>
        %bitcast3A_380 = vector.bitcast %shift_left3A_379 : vector<16xi32> to vector<16xf32>
        %swap3A_381 = arith.constant 0 : i32
        %swap3A_382 = arith.index_cast %swap3A_381 : i32 to index
        %swap3A_383 = arith.index_cast %add3A_370 : i32 to index
        %swap3A_384 = arith.constant 0 : index
        %swap3A_385 = tpu.vector_load %arg10[%swap3A_382, %swap3A_383, %swap3A_384] {strides = array<i32>} : memref<3x128x64xf32, #tpu.memory_space<vmem>>, vector<16xf32>,
        tpu.vector_store %arg10[%swap3A_382, %swap3A_383, %swap3A_384], %bitcast3A_380 {strides = array<i32>} : memref<3x128x64xf32, #tpu.memory_space<vmem>>, vector<16xf32>,
        %and3A_386 = arith.andi %bitcast3A_376, %broadcast_in_dim3A_3 : vector<16xi32>
        %bitcast3A_387 = vector.bitcast %and3A_386 : vector<16xi32> to vector<16xf32>
        %swap3A_388 = arith.constant 0 : i32
        %swap3A_389 = arith.index_cast %swap3A_388 : i32 to index
        %swap3A_390 = arith.index_cast %add3A_370 : i32 to index
        %swap3A_391 = arith.constant 16 : index
        %swap3A_392 = tpu.vector_load %arg10[%swap3A_389, %swap3A_390, %swap3A_391] {strides = array<i32>} : memref<3x128x64xf32, #tpu.memory_space<vmem>>, vector<16xf32>,
        tpu.vector_store %arg10[%swap3A_389, %swap3A_390, %swap3A_391], %bitcast3A_387 {strides = array<i32>} : memref<3x128x64xf32, #tpu.memory_space<vmem>>, vector<16xf32>,
        %get3A_393 = arith.constant 0 : i32
        %get3A_394 = arith.index_cast %get3A_393 : i32 to index
        %get3A_395 = arith.index_cast %add3A_370 : i32 to index
        %get3A_396 = arith.constant 32 : index
        %get3A_397 = tpu.vector_load %arg9[%get3A_394, %get3A_395, %get3A_396] {strides = array<i32>} : memref<3x128x64xbf16, #tpu.memory_space<vmem>>, vector<32xbf16>,
        %bitcast3A_398 = vector.bitcast %get3A_397 : vector<32xbf16> to vector<16xi32>
        %shift_left3A_399 = arith.constant 16 : i32
        %shift_left3A_400 = vector.broadcast %shift_left3A_399 : i32 to vector<16xi32>
        %shift_left3A_401 = arith.shli %bitcast3A_398, %shift_left3A_400 : vector<16xi32>
        %bitcast3A_402 = vector.bitcast %shift_left3A_401 : vector<16xi32> to vector<16xf32>
        %swap3A_403 = arith.constant 0 : i32
        %swap3A_404 = arith.index_cast %swap3A_403 : i32 to index
        %swap3A_405 = arith.index_cast %add3A_370 : i32 to index
        %swap3A_406 = arith.constant 32 : index
        %swap3A_407 = tpu.vector_load %arg10[%swap3A_404, %swap3A_405, %swap3A_406] {strides = array<i32>} : memref<3x128x64xf32, #tpu.memory_space<vmem>>, vector<16xf32>,
        tpu.vector_store %arg10[%swap3A_404, %swap3A_405, %swap3A_406], %bitcast3A_402 {strides = array<i32>} : memref<3x128x64xf32, #tpu.memory_space<vmem>>, vector<16xf32>,
        %and3A_408 = arith.andi %bitcast3A_398, %broadcast_in_dim3A_3 : vector<16xi32>
        %bitcast3A_409 = vector.bitcast %and3A_408 : vector<16xi32> to vector<16xf32>
        %swap3A_410 = arith.constant 0 : i32
        %swap3A_411 = arith.index_cast %swap3A_410 : i32 to index
        %swap3A_412 = arith.index_cast %add3A_370 : i32 to index
        %swap3A_413 = arith.constant 48 : index
        %swap3A_414 = tpu.vector_load %arg10[%swap3A_411, %swap3A_412, %swap3A_413] {strides = array<i32>} : memref<3x128x64xf32, #tpu.memory_space<vmem>>, vector<16xf32>,
        tpu.vector_store %arg10[%swap3A_411, %swap3A_412, %swap3A_413], %bitcast3A_409 {strides = array<i32>} : memref<3x128x64xf32, #tpu.memory_space<vmem>>, vector<16xf32>,
        %mul3A_415 = arith.constant 8 : i32
        %mul3A_416 = arith.muli %scan3A_179, %mul3A_415 : i32
        %add3A_417 = arith.constant 5 : i32
        %add3A_418 = arith.addi %mul3A_416, %add3A_417 : i32
        %get3A_419 = arith.constant 0 : i32
        %get3A_420 = arith.index_cast %get3A_419 : i32 to index
        %get3A_421 = arith.index_cast %add3A_418 : i32 to index
        %get3A_422 = arith.constant 0 : index
        %get3A_423 = tpu.vector_load %arg9[%get3A_420, %get3A_421, %get3A_422] {strides = array<i32>} : memref<3x128x64xbf16, #tpu.memory_space<vmem>>, vector<32xbf16>,
        %bitcast3A_424 = vector.bitcast %get3A_423 : vector<32xbf16> to vector<16xi32>
        %shift_left3A_425 = arith.constant 16 : i32
        %shift_left3A_426 = vector.broadcast %shift_left3A_425 : i32 to vector<16xi32>
        %shift_left3A_427 = arith.shli %bitcast3A_424, %shift_left3A_426 : vector<16xi32>
        %bitcast3A_428 = vector.bitcast %shift_left3A_427 : vector<16xi32> to vector<16xf32>
        %swap3A_429 = arith.constant 0 : i32
        %swap3A_430 = arith.index_cast %swap3A_429 : i32 to index
        %swap3A_431 = arith.index_cast %add3A_418 : i32 to index
        %swap3A_432 = arith.constant 0 : index
        %swap3A_433 = tpu.vector_load %arg10[%swap3A_430, %swap3A_431, %swap3A_432] {strides = array<i32>} : memref<3x128x64xf32, #tpu.memory_space<vmem>>, vector<16xf32>,
        tpu.vector_store %arg10[%swap3A_430, %swap3A_431, %swap3A_432], %bitcast3A_428 {strides = array<i32>} : memref<3x128x64xf32, #tpu.memory_space<vmem>>, vector<16xf32>,
        %and3A_434 = arith.andi %bitcast3A_424, %broadcast_in_dim3A_3 : vector<16xi32>
        %bitcast3A_435 = vector.bitcast %and3A_434 : vector<16xi32> to vector<16xf32>
        %swap3A_436 = arith.constant 0 : i32
        %swap3A_437 = arith.index_cast %swap3A_436 : i32 to index
        %swap3A_438 = arith.index_cast %add3A_418 : i32 to index
        %swap3A_439 = arith.constant 16 : index
        %swap3A_440 = tpu.vector_load %arg10[%swap3A_437, %swap3A_438, %swap3A_439] {strides = array<i32>} : memref<3x128x64xf32, #tpu.memory_space<vmem>>, vector<16xf32>,
        tpu.vector_store %arg10[%swap3A_437, %swap3A_438, %swap3A_439], %bitcast3A_435 {strides = array<i32>} : memref<3x128x64xf32, #tpu.memory_space<vmem>>, vector<16xf32>,
        %get3A_441 = arith.constant 0 : i32
        %get3A_442 = arith.index_cast %get3A_441 : i32 to index
        %get3A_443 = arith.index_cast %add3A_418 : i32 to index
        %get3A_444 = arith.constant 32 : index
        %get3A_445 = tpu.vector_load %arg9[%get3A_442, %get3A_443, %get3A_444] {strides = array<i32>} : memref<3x128x64xbf16, #tpu.memory_space<vmem>>, vector<32xbf16>,
        %bitcast3A_446 = vector.bitcast %get3A_445 : vector<32xbf16> to vector<16xi32>
        %shift_left3A_447 = arith.constant 16 : i32
        %shift_left3A_448 = vector.broadcast %shift_left3A_447 : i32 to vector<16xi32>
        %shift_left3A_449 = arith.shli %bitcast3A_446, %shift_left3A_448 : vector<16xi32>
        %bitcast3A_450 = vector.bitcast %shift_left3A_449 : vector<16xi32> to vector<16xf32>
        %swap3A_451 = arith.constant 0 : i32
        %swap3A_452 = arith.index_cast %swap3A_451 : i32 to index
        %swap3A_453 = arith.index_cast %add3A_418 : i32 to index
        %swap3A_454 = arith.constant 32 : index
        %swap3A_455 = tpu.vector_load %arg10[%swap3A_452, %swap3A_453, %swap3A_454] {strides = array<i32>} : memref<3x128x64xf32, #tpu.memory_space<vmem>>, vector<16xf32>,
        tpu.vector_store %arg10[%swap3A_452, %swap3A_453, %swap3A_454], %bitcast3A_450 {strides = array<i32>} : memref<3x128x64xf32, #tpu.memory_space<vmem>>, vector<16xf32>,
        %and3A_456 = arith.andi %bitcast3A_446, %broadcast_in_dim3A_3 : vector<16xi32>
        %bitcast3A_457 = vector.bitcast %and3A_456 : vector<16xi32> to vector<16xf32>
        %swap3A_458 = arith.constant 0 : i32
        %swap3A_459 = arith.index_cast %swap3A_458 : i32 to index
        %swap3A_460 = arith.index_cast %add3A_418 : i32 to index
        %swap3A_461 = arith.constant 48 : index
        %swap3A_462 = tpu.vector_load %arg10[%swap3A_459, %swap3A_460, %swap3A_461] {strides = array<i32>} : memref<3x128x64xf32, #tpu.memory_space<vmem>>, vector<16xf32>,
        tpu.vector_store %arg10[%swap3A_459, %swap3A_460, %swap3A_461], %bitcast3A_457 {strides = array<i32>} : memref<3x128x64xf32, #tpu.memory_space<vmem>>, vector<16xf32>,
        %mul3A_463 = arith.constant 8 : i32
        %mul3A_464 = arith.muli %scan3A_179, %mul3A_463 : i32
        %add3A_465 = arith.constant 6 : i32
        %add3A_466 = arith.addi %mul3A_464, %add3A_465 : i32
        %get3A_467 = arith.constant 0 : i32
        %get3A_468 = arith.index_cast %get3A_467 : i32 to index
        %get3A_469 = arith.index_cast %add3A_466 : i32 to index
        %get3A_470 = arith.constant 0 : index
        %get3A_471 = tpu.vector_load %arg9[%get3A_468, %get3A_469, %get3A_470] {strides = array<i32>} : memref<3x128x64xbf16, #tpu.memory_space<vmem>>, vector<32xbf16>,
        %bitcast3A_472 = vector.bitcast %get3A_471 : vector<32xbf16> to vector<16xi32>
        %shift_left3A_473 = arith.constant 16 : i32
        %shift_left3A_474 = vector.broadcast %shift_left3A_473 : i32 to vector<16xi32>
        %shift_left3A_475 = arith.shli %bitcast3A_472, %shift_left3A_474 : vector<16xi32>
        %bitcast3A_476 = vector.bitcast %shift_left3A_475 : vector<16xi32> to vector<16xf32>
        %swap3A_477 = arith.constant 0 : i32
        %swap3A_478 = arith.index_cast %swap3A_477 : i32 to index
        %swap3A_479 = arith.index_cast %add3A_466 : i32 to index
        %swap3A_480 = arith.constant 0 : index
        %swap3A_481 = tpu.vector_load %arg10[%swap3A_478, %swap3A_479, %swap3A_480] {strides = array<i32>} : memref<3x128x64xf32, #tpu.memory_space<vmem>>, vector<16xf32>,
        tpu.vector_store %arg10[%swap3A_478, %swap3A_479, %swap3A_480], %bitcast3A_476 {strides = array<i32>} : memref<3x128x64xf32, #tpu.memory_space<vmem>>, vector<16xf32>,
        %and3A_482 = arith.andi %bitcast3A_472, %broadcast_in_dim3A_3 : vector<16xi32>
        %bitcast3A_483 = vector.bitcast %and3A_482 : vector<16xi32> to vector<16xf32>
        %swap3A_484 = arith.constant 0 : i32
        %swap3A_485 = arith.index_cast %swap3A_484 : i32 to index
        %swap3A_486 = arith.index_cast %add3A_466 : i32 to index
        %swap3A_487 = arith.constant 16 : index
        %swap3A_488 = tpu.vector_load %arg10[%swap3A_485, %swap3A_486, %swap3A_487] {strides = array<i32>} : memref<3x128x64xf32, #tpu.memory_space<vmem>>, vector<16xf32>,
        tpu.vector_store %arg10[%swap3A_485, %swap3A_486, %swap3A_487], %bitcast3A_483 {strides = array<i32>} : memref<3x128x64xf32, #tpu.memory_space<vmem>>, vector<16xf32>,
        %get3A_489 = arith.constant 0 : i32
        %get3A_490 = arith.index_cast %get3A_489 : i32 to index
        %get3A_491 = arith.index_cast %add3A_466 : i32 to index
        %get3A_492 = arith.constant 32 : index
        %get3A_493 = tpu.vector_load %arg9[%get3A_490, %get3A_491, %get3A_492] {strides = array<i32>} : memref<3x128x64xbf16, #tpu.memory_space<vmem>>, vector<32xbf16>,
        %bitcast3A_494 = vector.bitcast %get3A_493 : vector<32xbf16> to vector<16xi32>
        %shift_left3A_495 = arith.constant 16 : i32
        %shift_left3A_496 = vector.broadcast %shift_left3A_495 : i32 to vector<16xi32>
        %shift_left3A_497 = arith.shli %bitcast3A_494, %shift_left3A_496 : vector<16xi32>
        %bitcast3A_498 = vector.bitcast %shift_left3A_497 : vector<16xi32> to vector<16xf32>
        %swap3A_499 = arith.constant 0 : i32
        %swap3A_500 = arith.index_cast %swap3A_499 : i32 to index
        %swap3A_501 = arith.index_cast %add3A_466 : i32 to index
        %swap3A_502 = arith.constant 32 : index
        %swap3A_503 = tpu.vector_load %arg10[%swap3A_500, %swap3A_501, %swap3A_502] {strides = array<i32>} : memref<3x128x64xf32, #tpu.memory_space<vmem>>, vector<16xf32>,
        tpu.vector_store %arg10[%swap3A_500, %swap3A_501, %swap3A_502], %bitcast3A_498 {strides = array<i32>} : memref<3x128x64xf32, #tpu.memory_space<vmem>>, vector<16xf32>,
        %and3A_504 = arith.andi %bitcast3A_494, %broadcast_in_dim3A_3 : vector<16xi32>
        %bitcast3A_505 = vector.bitcast %and3A_504 : vector<16xi32> to vector<16xf32>
        %swap3A_506 = arith.constant 0 : i32
        %swap3A_507 = arith.index_cast %swap3A_506 : i32 to index
        %swap3A_508 = arith.index_cast %add3A_466 : i32 to index
        %swap3A_509 = arith.constant 48 : index
        %swap3A_510 = tpu.vector_load %arg10[%swap3A_507, %swap3A_508, %swap3A_509] {strides = array<i32>} : memref<3x128x64xf32, #tpu.memory_space<vmem>>, vector<16xf32>,
        tpu.vector_store %arg10[%swap3A_507, %swap3A_508, %swap3A_509], %bitcast3A_505 {strides = array<i32>} : memref<3x128x64xf32, #tpu.memory_space<vmem>>, vector<16xf32>,
        %mul3A_511 = arith.constant 8 : i32
        %mul3A_512 = arith.muli %scan3A_179, %mul3A_511 : i32
        %add3A_513 = arith.constant 7 : i32
        %add3A_514 = arith.addi %mul3A_512, %add3A_513 : i32
        %get3A_515 = arith.constant 0 : i32
        %get3A_516 = arith.index_cast %get3A_515 : i32 to index
        %get3A_517 = arith.index_cast %add3A_514 : i32 to index
        %get3A_518 = arith.constant 0 : index
        %get3A_519 = tpu.vector_load %arg9[%get3A_516, %get3A_517, %get3A_518] {strides = array<i32>} : memref<3x128x64xbf16, #tpu.memory_space<vmem>>, vector<32xbf16>,
        %bitcast3A_520 = vector.bitcast %get3A_519 : vector<32xbf16> to vector<16xi32>
        %shift_left3A_521 = arith.constant 16 : i32
        %shift_left3A_522 = vector.broadcast %shift_left3A_521 : i32 to vector<16xi32>
        %shift_left3A_523 = arith.shli %bitcast3A_520, %shift_left3A_522 : vector<16xi32>
        %bitcast3A_524 = vector.bitcast %shift_left3A_523 : vector<16xi32> to vector<16xf32>
        %swap3A_525 = arith.constant 0 : i32
        %swap3A_526 = arith.index_cast %swap3A_525 : i32 to index
        %swap3A_527 = arith.index_cast %add3A_514 : i32 to index
        %swap3A_528 = arith.constant 0 : index
        %swap3A_529 = tpu.vector_load %arg10[%swap3A_526, %swap3A_527, %swap3A_528] {strides = array<i32>} : memref<3x128x64xf32, #tpu.memory_space<vmem>>, vector<16xf32>,
        tpu.vector_store %arg10[%swap3A_526, %swap3A_527, %swap3A_528], %bitcast3A_524 {strides = array<i32>} : memref<3x128x64xf32, #tpu.memory_space<vmem>>, vector<16xf32>,
        %and3A_530 = arith.andi %bitcast3A_520, %broadcast_in_dim3A_3 : vector<16xi32>
        %bitcast3A_531 = vector.bitcast %and3A_530 : vector<16xi32> to vector<16xf32>
        %swap3A_532 = arith.constant 0 : i32
        %swap3A_533 = arith.index_cast %swap3A_532 : i32 to index
        %swap3A_534 = arith.index_cast %add3A_514 : i32 to index
        %swap3A_535 = arith.constant 16 : index
        %swap3A_536 = tpu.vector_load %arg10[%swap3A_533, %swap3A_534, %swap3A_535] {strides = array<i32>} : memref<3x128x64xf32, #tpu.memory_space<vmem>>, vector<16xf32>,
        tpu.vector_store %arg10[%swap3A_533, %swap3A_534, %swap3A_535], %bitcast3A_531 {strides = array<i32>} : memref<3x128x64xf32, #tpu.memory_space<vmem>>, vector<16xf32>,
        %get3A_537 = arith.constant 0 : i32
        %get3A_538 = arith.index_cast %get3A_537 : i32 to index
        %get3A_539 = arith.index_cast %add3A_514 : i32 to index
        %get3A_540 = arith.constant 32 : index
        %get3A_541 = tpu.vector_load %arg9[%get3A_538, %get3A_539, %get3A_540] {strides = array<i32>} : memref<3x128x64xbf16, #tpu.memory_space<vmem>>, vector<32xbf16>,
        %bitcast3A_542 = vector.bitcast %get3A_541 : vector<32xbf16> to vector<16xi32>
        %shift_left3A_543 = arith.constant 16 : i32
        %shift_left3A_544 = vector.broadcast %shift_left3A_543 : i32 to vector<16xi32>
        %shift_left3A_545 = arith.shli %bitcast3A_542, %shift_left3A_544 : vector<16xi32>
        %bitcast3A_546 = vector.bitcast %shift_left3A_545 : vector<16xi32> to vector<16xf32>
        %swap3A_547 = arith.constant 0 : i32
        %swap3A_548 = arith.index_cast %swap3A_547 : i32 to index
        %swap3A_549 = arith.index_cast %add3A_514 : i32 to index
        %swap3A_550 = arith.constant 32 : index
        %swap3A_551 = tpu.vector_load %arg10[%swap3A_548, %swap3A_549, %swap3A_550] {strides = array<i32>} : memref<3x128x64xf32, #tpu.memory_space<vmem>>, vector<16xf32>,
        tpu.vector_store %arg10[%swap3A_548, %swap3A_549, %swap3A_550], %bitcast3A_546 {strides = array<i32>} : memref<3x128x64xf32, #tpu.memory_space<vmem>>, vector<16xf32>,
        %and3A_552 = arith.andi %bitcast3A_542, %broadcast_in_dim3A_3 : vector<16xi32>
        %bitcast3A_553 = vector.bitcast %and3A_552 : vector<16xi32> to vector<16xf32>
        %swap3A_554 = arith.constant 0 : i32
        %swap3A_555 = arith.index_cast %swap3A_554 : i32 to index
        %swap3A_556 = arith.index_cast %add3A_514 : i32 to index
        %swap3A_557 = arith.constant 48 : index
        %swap3A_558 = tpu.vector_load %arg10[%swap3A_555, %swap3A_556, %swap3A_557] {strides = array<i32>} : memref<3x128x64xf32, #tpu.memory_space<vmem>>, vector<16xf32>,
        tpu.vector_store %arg10[%swap3A_555, %swap3A_556, %swap3A_557], %bitcast3A_553 {strides = array<i32>} : memref<3x128x64xf32, #tpu.memory_space<vmem>>, vector<16xf32>,
      }
      %scan3A_77 = arith.constant 16 : i32
      %dma_start3A_78 = arith.constant 0 : i32
      %dma_start3A_79 = arith.constant 0 : i32
      %dma_start3A_80 = arith.constant 0 : i32
      %dma_start3A_81 = tpu.memref_slice %arg10[%dma_start3A_78, %dma_start3A_79, %dma_start3A_80] : memref<3x128x64xf32, #tpu.memory_space<vmem>> -> memref<1x128x64xf32, #tpu.memory_space<vmem>>
      %dma_start3A_82 = tpu.memref_squeeze %dma_start3A_81 : memref<1x128x64xf32, #tpu.memory_space<vmem>> -> memref<128x64xf32, #tpu.memory_space<vmem>>
      %dma_start3A_83 = arith.constant 0 : i32
      %dma_start3A_84 = tpu.memref_slice %arg8[%add3A_51, %dma_start3A_83] : memref<159x128xi32, #tpu.memory_space<vmem>> -> memref<1x128xi32, #tpu.memory_space<vmem>>
      %dma_start3A_85 = tpu.memref_squeeze %dma_start3A_84 : memref<1x128xi32, #tpu.memory_space<vmem>> -> memref<128xi32, #tpu.memory_space<vmem>>
      %dma_start3A_86 = arith.constant 0 : i32
      %dma_start3A_87 = arith.constant 0 : i32
      %dma_start3A_88 = tpu.memref_slice %arg11[%dma_start3A_86, %dma_start3A_87] : memref<10240x64xf32, #tpu.memory_space<vmem_shared>> -> memref<10240x64xf32, #tpu.memory_space<vmem_shared>>
      tpu.enqueue_indirect_dma source(%dma_start3A_82 : memref<128x64xf32, #tpu.memory_space<vmem>>) target(%dma_start3A_88 : memref<10240x64xf32, #tpu.memory_space<vmem_shared>>) offsets(%dma_start3A_85 : memref<128xi32, #tpu.memory_space<vmem>>) semaphore(%arg13 : memref<!tpu.dma_semaphore, #tpu.memory_space<semaphore_mem>>) {add = true}
      %mul3A_89 = arith.constant 3 : i32
      %mul3A_90 = arith.muli %scan3A_48, %mul3A_89 : i32
      %add3A_91 = arith.constant 1 : i32
      %add3A_92 = arith.addi %mul3A_90, %add3A_91 : i32
      %dma_wait3A_93 = arith.constant 0 : i32
      %dma_wait3A_94 = arith.constant 1 : i32
      %dma_wait3A_95 = arith.constant 0 : i32
      %dma_wait3A_96 = arith.constant 0 : i32
      %dma_wait3A_97 = tpu.memref_slice %arg9[%dma_wait3A_94, %dma_wait3A_95, %dma_wait3A_96] : memref<3x128x64xbf16, #tpu.memory_space<vmem>> -> memref<1x128x64xbf16, #tpu.memory_space<vmem>>
      %dma_wait3A_98 = tpu.memref_squeeze %dma_wait3A_97 : memref<1x128x64xbf16, #tpu.memory_space<vmem>> -> memref<128x64xbf16, #tpu.memory_space<vmem>>
      %dma_wait3A_99 = arith.constant 0 : i32
      %dma_wait3A_100 = tpu.memref_slice %arg7[%dma_wait3A_93, %dma_wait3A_99] : memref<159x128xi32, #tpu.memory_space<vmem>> -> memref<1x128xi32, #tpu.memory_space<vmem>>
      %dma_wait3A_101 = tpu.memref_squeeze %dma_wait3A_100 : memref<1x128xi32, #tpu.memory_space<vmem>> -> memref<128xi32, #tpu.memory_space<vmem>>
      %dma_wait3A_102 = arith.constant 0 : i32
      %dma_wait3A_103 = arith.constant 0 : i32
      %dma_wait3A_104 = tpu.memref_slice %arg2[%dma_wait3A_102, %dma_wait3A_103] : memref<20000x64xbf16, #tpu.memory_space<hbm>> -> memref<20000x64xbf16, #tpu.memory_space<hbm>>
      tpu.wait_indirect_dma semaphore(%arg12 : memref<!tpu.dma_semaphore, #tpu.memory_space<semaphore_mem>>) src(%dma_wait3A_104 : memref<20000x64xbf16, #tpu.memory_space<hbm>>) dst(%dma_wait3A_98 : memref<128x64xbf16, #tpu.memory_space<vmem>>)
      %ge3A_105 = arith.constant 2 : i32
      %ge3A_106 = arith.cmpi sge, %add3A_92, %ge3A_105 : i32
      %convert_element_type3A_107 = arith.extui %ge3A_106 : i1 to i32
      %cond3A_108 = arith.constant 0 : i32
      %cond3A_109 = arith.cmpi ne, %convert_element_type3A_107, %cond3A_108 : i32
      scf.if %cond3A_109 {
        %dma_wait3A_179 = arith.constant 2 : i32
        %dma_wait3A_180 = arith.constant 0 : i32
        %dma_wait3A_181 = arith.constant 0 : i32
        %dma_wait3A_182 = arith.constant 0 : i32
        %dma_wait3A_183 = tpu.memref_slice %arg10[%dma_wait3A_179, %dma_wait3A_181, %dma_wait3A_182] : memref<3x128x64xf32, #tpu.memory_space<vmem>> -> memref<1x128x64xf32, #tpu.memory_space<vmem>>
        %dma_wait3A_184 = tpu.memref_squeeze %dma_wait3A_183 : memref<1x128x64xf32, #tpu.memory_space<vmem>> -> memref<128x64xf32, #tpu.memory_space<vmem>>
        %dma_wait3A_185 = arith.constant 0 : i32
        %dma_wait3A_186 = tpu.memref_slice %arg8[%dma_wait3A_180, %dma_wait3A_185] : memref<159x128xi32, #tpu.memory_space<vmem>> -> memref<1x128xi32, #tpu.memory_space<vmem>>
        %dma_wait3A_187 = tpu.memref_squeeze %dma_wait3A_186 : memref<1x128xi32, #tpu.memory_space<vmem>> -> memref<128xi32, #tpu.memory_space<vmem>>
        %dma_wait3A_188 = arith.constant 0 : i32
        %dma_wait3A_189 = arith.constant 0 : i32
        %dma_wait3A_190 = tpu.memref_slice %arg11[%dma_wait3A_188, %dma_wait3A_189] : memref<10240x64xf32, #tpu.memory_space<vmem_shared>> -> memref<10240x64xf32, #tpu.memory_space<vmem_shared>>
        tpu.wait_indirect_dma semaphore(%arg13 : memref<!tpu.dma_semaphore, #tpu.memory_space<semaphore_mem>>) src(%dma_wait3A_184 : memref<128x64xf32, #tpu.memory_space<vmem>>) dst(%dma_wait3A_190 : memref<10240x64xf32, #tpu.memory_space<vmem_shared>>)
      } else {
      }
      %add3A_110 = arith.constant 1 : i32
      %add3A_111 = arith.addi %add3A_92, %add3A_110 : i32
      %lt3A_112 = arith.constant 159 : i32
      %lt3A_113 = arith.cmpi slt, %add3A_111, %lt3A_112 : i32
      %convert_element_type3A_114 = arith.extui %lt3A_113 : i1 to i32
      %cond3A_115 = arith.constant 0 : i32
      %cond3A_116 = arith.cmpi ne, %convert_element_type3A_114, %cond3A_115 : i32
      scf.if %cond3A_116 {
        %add3A_179 = arith.constant 1 : i32
        %add3A_180 = arith.addi %add3A_92, %add3A_179 : i32
        %dma_start3A_181 = arith.constant 2 : i32
        %dma_start3A_182 = arith.constant 0 : i32
        %dma_start3A_183 = arith.constant 0 : i32
        %dma_start3A_184 = tpu.memref_slice %arg9[%dma_start3A_181, %dma_start3A_182, %dma_start3A_183] : memref<3x128x64xbf16, #tpu.memory_space<vmem>> -> memref<1x128x64xbf16, #tpu.memory_space<vmem>>
        %dma_start3A_185 = tpu.memref_squeeze %dma_start3A_184 : memref<1x128x64xbf16, #tpu.memory_space<vmem>> -> memref<128x64xbf16, #tpu.memory_space<vmem>>
        %dma_start3A_186 = arith.constant 0 : i32
        %dma_start3A_187 = tpu.memref_slice %arg7[%add3A_180, %dma_start3A_186] : memref<159x128xi32, #tpu.memory_space<vmem>> -> memref<1x128xi32, #tpu.memory_space<vmem>>
        %dma_start3A_188 = tpu.memref_squeeze %dma_start3A_187 : memref<1x128xi32, #tpu.memory_space<vmem>> -> memref<128xi32, #tpu.memory_space<vmem>>
        %dma_start3A_189 = arith.constant 0 : i32
        %dma_start3A_190 = arith.constant 0 : i32
        %dma_start3A_191 = tpu.memref_slice %arg2[%dma_start3A_189, %dma_start3A_190] : memref<20000x64xbf16, #tpu.memory_space<hbm>> -> memref<20000x64xbf16, #tpu.memory_space<hbm>>
        tpu.enqueue_indirect_dma source(%dma_start3A_191 : memref<20000x64xbf16, #tpu.memory_space<hbm>>) target(%dma_start3A_185 : memref<128x64xbf16, #tpu.memory_space<vmem>>) offsets(%dma_start3A_188 : memref<128xi32, #tpu.memory_space<vmem>>) semaphore(%arg12 : memref<!tpu.dma_semaphore, #tpu.memory_space<semaphore_mem>>)
      } else {
      }
      %scan3A_117 = arith.constant 0 : i32
      %scan3A_118 = arith.constant 0 : i32
      %scan3A_119 = arith.constant 16 : i32
      %scan3A_120 = arith.addi %scan3A_118, %scan3A_119 : i32
      %scan3A_121 = arith.constant 1 : i32
      scf.for %scan3A_179 = %scan3A_118 to %scan3A_120 step %scan3A_121  : i32 {
        %mul3A_180 = arith.constant 8 : i32
        %mul3A_181 = arith.muli %scan3A_179, %mul3A_180 : i32
        %add3A_182 = arith.constant 0 : i32
        %add3A_183 = arith.addi %mul3A_181, %add3A_182 : i32
        %get3A = arith.constant 1 : i32
        %get3A_184 = arith.index_cast %get3A : i32 to index
        %get3A_185 = arith.index_cast %add3A_183 : i32 to index
        %get3A_186 = arith.constant 0 : index
        %get3A_187 = tpu.vector_load %arg9[%get3A_184, %get3A_185, %get3A_186] {strides = array<i32>} : memref<3x128x64xbf16, #tpu.memory_space<vmem>>, vector<32xbf16>,
        %bitcast3A = vector.bitcast %get3A_187 : vector<32xbf16> to vector<16xi32>
        %shift_left3A = arith.constant 16 : i32
        %shift_left3A_188 = vector.broadcast %shift_left3A : i32 to vector<16xi32>
        %shift_left3A_189 = arith.shli %bitcast3A, %shift_left3A_188 : vector<16xi32>
        %bitcast3A_190 = vector.bitcast %shift_left3A_189 : vector<16xi32> to vector<16xf32>
        %swap3A = arith.constant 1 : i32
        %swap3A_191 = arith.index_cast %swap3A : i32 to index
        %swap3A_192 = arith.index_cast %add3A_183 : i32 to index
        %swap3A_193 = arith.constant 0 : index
        %swap3A_194 = tpu.vector_load %arg10[%swap3A_191, %swap3A_192, %swap3A_193] {strides = array<i32>} : memref<3x128x64xf32, #tpu.memory_space<vmem>>, vector<16xf32>,
        tpu.vector_store %arg10[%swap3A_191, %swap3A_192, %swap3A_193], %bitcast3A_190 {strides = array<i32>} : memref<3x128x64xf32, #tpu.memory_space<vmem>>, vector<16xf32>,
        %and3A = arith.andi %bitcast3A, %broadcast_in_dim3A_3 : vector<16xi32>
        %bitcast3A_195 = vector.bitcast %and3A : vector<16xi32> to vector<16xf32>
        %swap3A_196 = arith.constant 1 : i32
        %swap3A_197 = arith.index_cast %swap3A_196 : i32 to index
        %swap3A_198 = arith.index_cast %add3A_183 : i32 to index
        %swap3A_199 = arith.constant 16 : index
        %swap3A_200 = tpu.vector_load %arg10[%swap3A_197, %swap3A_198, %swap3A_199] {strides = array<i32>} : memref<3x128x64xf32, #tpu.memory_space<vmem>>, vector<16xf32>,
        tpu.vector_store %arg10[%swap3A_197, %swap3A_198, %swap3A_199], %bitcast3A_195 {strides = array<i32>} : memref<3x128x64xf32, #tpu.memory_space<vmem>>, vector<16xf32>,
        %get3A_201 = arith.constant 1 : i32
        %get3A_202 = arith.index_cast %get3A_201 : i32 to index
        %get3A_203 = arith.index_cast %add3A_183 : i32 to index
        %get3A_204 = arith.constant 32 : index
        %get3A_205 = tpu.vector_load %arg9[%get3A_202, %get3A_203, %get3A_204] {strides = array<i32>} : memref<3x128x64xbf16, #tpu.memory_space<vmem>>, vector<32xbf16>,
        %bitcast3A_206 = vector.bitcast %get3A_205 : vector<32xbf16> to vector<16xi32>
        %shift_left3A_207 = arith.constant 16 : i32
        %shift_left3A_208 = vector.broadcast %shift_left3A_207 : i32 to vector<16xi32>
        %shift_left3A_209 = arith.shli %bitcast3A_206, %shift_left3A_208 : vector<16xi32>
        %bitcast3A_210 = vector.bitcast %shift_left3A_209 : vector<16xi32> to vector<16xf32>
        %swap3A_211 = arith.constant 1 : i32
        %swap3A_212 = arith.index_cast %swap3A_211 : i32 to index
        %swap3A_213 = arith.index_cast %add3A_183 : i32 to index
        %swap3A_214 = arith.constant 32 : index
        %swap3A_215 = tpu.vector_load %arg10[%swap3A_212, %swap3A_213, %swap3A_214] {strides = array<i32>} : memref<3x128x64xf32, #tpu.memory_space<vmem>>, vector<16xf32>,
        tpu.vector_store %arg10[%swap3A_212, %swap3A_213, %swap3A_214], %bitcast3A_210 {strides = array<i32>} : memref<3x128x64xf32, #tpu.memory_space<vmem>>, vector<16xf32>,
        %and3A_216 = arith.andi %bitcast3A_206, %broadcast_in_dim3A_3 : vector<16xi32>
        %bitcast3A_217 = vector.bitcast %and3A_216 : vector<16xi32> to vector<16xf32>
        %swap3A_218 = arith.constant 1 : i32
        %swap3A_219 = arith.index_cast %swap3A_218 : i32 to index
        %swap3A_220 = arith.index_cast %add3A_183 : i32 to index
        %swap3A_221 = arith.constant 48 : index
        %swap3A_222 = tpu.vector_load %arg10[%swap3A_219, %swap3A_220, %swap3A_221] {strides = array<i32>} : memref<3x128x64xf32, #tpu.memory_space<vmem>>, vector<16xf32>,
        tpu.vector_store %arg10[%swap3A_219, %swap3A_220, %swap3A_221], %bitcast3A_217 {strides = array<i32>} : memref<3x128x64xf32, #tpu.memory_space<vmem>>, vector<16xf32>,
        %mul3A_223 = arith.constant 8 : i32
        %mul3A_224 = arith.muli %scan3A_179, %mul3A_223 : i32
        %add3A_225 = arith.constant 1 : i32
        %add3A_226 = arith.addi %mul3A_224, %add3A_225 : i32
        %get3A_227 = arith.constant 1 : i32
        %get3A_228 = arith.index_cast %get3A_227 : i32 to index
        %get3A_229 = arith.index_cast %add3A_226 : i32 to index
        %get3A_230 = arith.constant 0 : index
        %get3A_231 = tpu.vector_load %arg9[%get3A_228, %get3A_229, %get3A_230] {strides = array<i32>} : memref<3x128x64xbf16, #tpu.memory_space<vmem>>, vector<32xbf16>,
        %bitcast3A_232 = vector.bitcast %get3A_231 : vector<32xbf16> to vector<16xi32>
        %shift_left3A_233 = arith.constant 16 : i32
        %shift_left3A_234 = vector.broadcast %shift_left3A_233 : i32 to vector<16xi32>
        %shift_left3A_235 = arith.shli %bitcast3A_232, %shift_left3A_234 : vector<16xi32>
        %bitcast3A_236 = vector.bitcast %shift_left3A_235 : vector<16xi32> to vector<16xf32>
        %swap3A_237 = arith.constant 1 : i32
        %swap3A_238 = arith.index_cast %swap3A_237 : i32 to index
        %swap3A_239 = arith.index_cast %add3A_226 : i32 to index
        %swap3A_240 = arith.constant 0 : index
        %swap3A_241 = tpu.vector_load %arg10[%swap3A_238, %swap3A_239, %swap3A_240] {strides = array<i32>} : memref<3x128x64xf32, #tpu.memory_space<vmem>>, vector<16xf32>,
        tpu.vector_store %arg10[%swap3A_238, %swap3A_239, %swap3A_240], %bitcast3A_236 {strides = array<i32>} : memref<3x128x64xf32, #tpu.memory_space<vmem>>, vector<16xf32>,
        %and3A_242 = arith.andi %bitcast3A_232, %broadcast_in_dim3A_3 : vector<16xi32>
        %bitcast3A_243 = vector.bitcast %and3A_242 : vector<16xi32> to vector<16xf32>
        %swap3A_244 = arith.constant 1 : i32
        %swap3A_245 = arith.index_cast %swap3A_244 : i32 to index
        %swap3A_246 = arith.index_cast %add3A_226 : i32 to index
        %swap3A_247 = arith.constant 16 : index
        %swap3A_248 = tpu.vector_load %arg10[%swap3A_245, %swap3A_246, %swap3A_247] {strides = array<i32>} : memref<3x128x64xf32, #tpu.memory_space<vmem>>, vector<16xf32>,
        tpu.vector_store %arg10[%swap3A_245, %swap3A_246, %swap3A_247], %bitcast3A_243 {strides = array<i32>} : memref<3x128x64xf32, #tpu.memory_space<vmem>>, vector<16xf32>,
        %get3A_249 = arith.constant 1 : i32
        %get3A_250 = arith.index_cast %get3A_249 : i32 to index
        %get3A_251 = arith.index_cast %add3A_226 : i32 to index
        %get3A_252 = arith.constant 32 : index
        %get3A_253 = tpu.vector_load %arg9[%get3A_250, %get3A_251, %get3A_252] {strides = array<i32>} : memref<3x128x64xbf16, #tpu.memory_space<vmem>>, vector<32xbf16>,
        %bitcast3A_254 = vector.bitcast %get3A_253 : vector<32xbf16> to vector<16xi32>
        %shift_left3A_255 = arith.constant 16 : i32
        %shift_left3A_256 = vector.broadcast %shift_left3A_255 : i32 to vector<16xi32>
        %shift_left3A_257 = arith.shli %bitcast3A_254, %shift_left3A_256 : vector<16xi32>
        %bitcast3A_258 = vector.bitcast %shift_left3A_257 : vector<16xi32> to vector<16xf32>
        %swap3A_259 = arith.constant 1 : i32
        %swap3A_260 = arith.index_cast %swap3A_259 : i32 to index
        %swap3A_261 = arith.index_cast %add3A_226 : i32 to index
        %swap3A_262 = arith.constant 32 : index
        %swap3A_263 = tpu.vector_load %arg10[%swap3A_260, %swap3A_261, %swap3A_262] {strides = array<i32>} : memref<3x128x64xf32, #tpu.memory_space<vmem>>, vector<16xf32>,
        tpu.vector_store %arg10[%swap3A_260, %swap3A_261, %swap3A_262], %bitcast3A_258 {strides = array<i32>} : memref<3x128x64xf32, #tpu.memory_space<vmem>>, vector<16xf32>,
        %and3A_264 = arith.andi %bitcast3A_254, %broadcast_in_dim3A_3 : vector<16xi32>
        %bitcast3A_265 = vector.bitcast %and3A_264 : vector<16xi32> to vector<16xf32>
        %swap3A_266 = arith.constant 1 : i32
        %swap3A_267 = arith.index_cast %swap3A_266 : i32 to index
        %swap3A_268 = arith.index_cast %add3A_226 : i32 to index
        %swap3A_269 = arith.constant 48 : index
        %swap3A_270 = tpu.vector_load %arg10[%swap3A_267, %swap3A_268, %swap3A_269] {strides = array<i32>} : memref<3x128x64xf32, #tpu.memory_space<vmem>>, vector<16xf32>,
        tpu.vector_store %arg10[%swap3A_267, %swap3A_268, %swap3A_269], %bitcast3A_265 {strides = array<i32>} : memref<3x128x64xf32, #tpu.memory_space<vmem>>, vector<16xf32>,
        %mul3A_271 = arith.constant 8 : i32
        %mul3A_272 = arith.muli %scan3A_179, %mul3A_271 : i32
        %add3A_273 = arith.constant 2 : i32
        %add3A_274 = arith.addi %mul3A_272, %add3A_273 : i32
        %get3A_275 = arith.constant 1 : i32
        %get3A_276 = arith.index_cast %get3A_275 : i32 to index
        %get3A_277 = arith.index_cast %add3A_274 : i32 to index
        %get3A_278 = arith.constant 0 : index
        %get3A_279 = tpu.vector_load %arg9[%get3A_276, %get3A_277, %get3A_278] {strides = array<i32>} : memref<3x128x64xbf16, #tpu.memory_space<vmem>>, vector<32xbf16>,
        %bitcast3A_280 = vector.bitcast %get3A_279 : vector<32xbf16> to vector<16xi32>
        %shift_left3A_281 = arith.constant 16 : i32
        %shift_left3A_282 = vector.broadcast %shift_left3A_281 : i32 to vector<16xi32>
        %shift_left3A_283 = arith.shli %bitcast3A_280, %shift_left3A_282 : vector<16xi32>
        %bitcast3A_284 = vector.bitcast %shift_left3A_283 : vector<16xi32> to vector<16xf32>
        %swap3A_285 = arith.constant 1 : i32
        %swap3A_286 = arith.index_cast %swap3A_285 : i32 to index
        %swap3A_287 = arith.index_cast %add3A_274 : i32 to index
        %swap3A_288 = arith.constant 0 : index
        %swap3A_289 = tpu.vector_load %arg10[%swap3A_286, %swap3A_287, %swap3A_288] {strides = array<i32>} : memref<3x128x64xf32, #tpu.memory_space<vmem>>, vector<16xf32>,
        tpu.vector_store %arg10[%swap3A_286, %swap3A_287, %swap3A_288], %bitcast3A_284 {strides = array<i32>} : memref<3x128x64xf32, #tpu.memory_space<vmem>>, vector<16xf32>,
        %and3A_290 = arith.andi %bitcast3A_280, %broadcast_in_dim3A_3 : vector<16xi32>
        %bitcast3A_291 = vector.bitcast %and3A_290 : vector<16xi32> to vector<16xf32>
        %swap3A_292 = arith.constant 1 : i32
        %swap3A_293 = arith.index_cast %swap3A_292 : i32 to index
        %swap3A_294 = arith.index_cast %add3A_274 : i32 to index
        %swap3A_295 = arith.constant 16 : index
        %swap3A_296 = tpu.vector_load %arg10[%swap3A_293, %swap3A_294, %swap3A_295] {strides = array<i32>} : memref<3x128x64xf32, #tpu.memory_space<vmem>>, vector<16xf32>,
        tpu.vector_store %arg10[%swap3A_293, %swap3A_294, %swap3A_295], %bitcast3A_291 {strides = array<i32>} : memref<3x128x64xf32, #tpu.memory_space<vmem>>, vector<16xf32>,
        %get3A_297 = arith.constant 1 : i32
        %get3A_298 = arith.index_cast %get3A_297 : i32 to index
        %get3A_299 = arith.index_cast %add3A_274 : i32 to index
        %get3A_300 = arith.constant 32 : index
        %get3A_301 = tpu.vector_load %arg9[%get3A_298, %get3A_299, %get3A_300] {strides = array<i32>} : memref<3x128x64xbf16, #tpu.memory_space<vmem>>, vector<32xbf16>,
        %bitcast3A_302 = vector.bitcast %get3A_301 : vector<32xbf16> to vector<16xi32>
        %shift_left3A_303 = arith.constant 16 : i32
        %shift_left3A_304 = vector.broadcast %shift_left3A_303 : i32 to vector<16xi32>
        %shift_left3A_305 = arith.shli %bitcast3A_302, %shift_left3A_304 : vector<16xi32>
        %bitcast3A_306 = vector.bitcast %shift_left3A_305 : vector<16xi32> to vector<16xf32>
        %swap3A_307 = arith.constant 1 : i32
        %swap3A_308 = arith.index_cast %swap3A_307 : i32 to index
        %swap3A_309 = arith.index_cast %add3A_274 : i32 to index
        %swap3A_310 = arith.constant 32 : index
        %swap3A_311 = tpu.vector_load %arg10[%swap3A_308, %swap3A_309, %swap3A_310] {strides = array<i32>} : memref<3x128x64xf32, #tpu.memory_space<vmem>>, vector<16xf32>,
        tpu.vector_store %arg10[%swap3A_308, %swap3A_309, %swap3A_310], %bitcast3A_306 {strides = array<i32>} : memref<3x128x64xf32, #tpu.memory_space<vmem>>, vector<16xf32>,
        %and3A_312 = arith.andi %bitcast3A_302, %broadcast_in_dim3A_3 : vector<16xi32>
        %bitcast3A_313 = vector.bitcast %and3A_312 : vector<16xi32> to vector<16xf32>
        %swap3A_314 = arith.constant 1 : i32
        %swap3A_315 = arith.index_cast %swap3A_314 : i32 to index
        %swap3A_316 = arith.index_cast %add3A_274 : i32 to index
        %swap3A_317 = arith.constant 48 : index
        %swap3A_318 = tpu.vector_load %arg10[%swap3A_315, %swap3A_316, %swap3A_317] {strides = array<i32>} : memref<3x128x64xf32, #tpu.memory_space<vmem>>, vector<16xf32>,
        tpu.vector_store %arg10[%swap3A_315, %swap3A_316, %swap3A_317], %bitcast3A_313 {strides = array<i32>} : memref<3x128x64xf32, #tpu.memory_space<vmem>>, vector<16xf32>,
        %mul3A_319 = arith.constant 8 : i32
        %mul3A_320 = arith.muli %scan3A_179, %mul3A_319 : i32
        %add3A_321 = arith.constant 3 : i32
        %add3A_322 = arith.addi %mul3A_320, %add3A_321 : i32
        %get3A_323 = arith.constant 1 : i32
        %get3A_324 = arith.index_cast %get3A_323 : i32 to index
        %get3A_325 = arith.index_cast %add3A_322 : i32 to index
        %get3A_326 = arith.constant 0 : index
        %get3A_327 = tpu.vector_load %arg9[%get3A_324, %get3A_325, %get3A_326] {strides = array<i32>} : memref<3x128x64xbf16, #tpu.memory_space<vmem>>, vector<32xbf16>,
        %bitcast3A_328 = vector.bitcast %get3A_327 : vector<32xbf16> to vector<16xi32>
        %shift_left3A_329 = arith.constant 16 : i32
        %shift_left3A_330 = vector.broadcast %shift_left3A_329 : i32 to vector<16xi32>
        %shift_left3A_331 = arith.shli %bitcast3A_328, %shift_left3A_330 : vector<16xi32>
        %bitcast3A_332 = vector.bitcast %shift_left3A_331 : vector<16xi32> to vector<16xf32>
        %swap3A_333 = arith.constant 1 : i32
        %swap3A_334 = arith.index_cast %swap3A_333 : i32 to index
        %swap3A_335 = arith.index_cast %add3A_322 : i32 to index
        %swap3A_336 = arith.constant 0 : index
        %swap3A_337 = tpu.vector_load %arg10[%swap3A_334, %swap3A_335, %swap3A_336] {strides = array<i32>} : memref<3x128x64xf32, #tpu.memory_space<vmem>>, vector<16xf32>,
        tpu.vector_store %arg10[%swap3A_334, %swap3A_335, %swap3A_336], %bitcast3A_332 {strides = array<i32>} : memref<3x128x64xf32, #tpu.memory_space<vmem>>, vector<16xf32>,
        %and3A_338 = arith.andi %bitcast3A_328, %broadcast_in_dim3A_3 : vector<16xi32>
        %bitcast3A_339 = vector.bitcast %and3A_338 : vector<16xi32> to vector<16xf32>
        %swap3A_340 = arith.constant 1 : i32
        %swap3A_341 = arith.index_cast %swap3A_340 : i32 to index
        %swap3A_342 = arith.index_cast %add3A_322 : i32 to index
        %swap3A_343 = arith.constant 16 : index
        %swap3A_344 = tpu.vector_load %arg10[%swap3A_341, %swap3A_342, %swap3A_343] {strides = array<i32>} : memref<3x128x64xf32, #tpu.memory_space<vmem>>, vector<16xf32>,
        tpu.vector_store %arg10[%swap3A_341, %swap3A_342, %swap3A_343], %bitcast3A_339 {strides = array<i32>} : memref<3x128x64xf32, #tpu.memory_space<vmem>>, vector<16xf32>,
        %get3A_345 = arith.constant 1 : i32
        %get3A_346 = arith.index_cast %get3A_345 : i32 to index
        %get3A_347 = arith.index_cast %add3A_322 : i32 to index
        %get3A_348 = arith.constant 32 : index
        %get3A_349 = tpu.vector_load %arg9[%get3A_346, %get3A_347, %get3A_348] {strides = array<i32>} : memref<3x128x64xbf16, #tpu.memory_space<vmem>>, vector<32xbf16>,
        %bitcast3A_350 = vector.bitcast %get3A_349 : vector<32xbf16> to vector<16xi32>
        %shift_left3A_351 = arith.constant 16 : i32
        %shift_left3A_352 = vector.broadcast %shift_left3A_351 : i32 to vector<16xi32>
        %shift_left3A_353 = arith.shli %bitcast3A_350, %shift_left3A_352 : vector<16xi32>
        %bitcast3A_354 = vector.bitcast %shift_left3A_353 : vector<16xi32> to vector<16xf32>
        %swap3A_355 = arith.constant 1 : i32
        %swap3A_356 = arith.index_cast %swap3A_355 : i32 to index
        %swap3A_357 = arith.index_cast %add3A_322 : i32 to index
        %swap3A_358 = arith.constant 32 : index
        %swap3A_359 = tpu.vector_load %arg10[%swap3A_356, %swap3A_357, %swap3A_358] {strides = array<i32>} : memref<3x128x64xf32, #tpu.memory_space<vmem>>, vector<16xf32>,
        tpu.vector_store %arg10[%swap3A_356, %swap3A_357, %swap3A_358], %bitcast3A_354 {strides = array<i32>} : memref<3x128x64xf32, #tpu.memory_space<vmem>>, vector<16xf32>,
        %and3A_360 = arith.andi %bitcast3A_350, %broadcast_in_dim3A_3 : vector<16xi32>
        %bitcast3A_361 = vector.bitcast %and3A_360 : vector<16xi32> to vector<16xf32>
        %swap3A_362 = arith.constant 1 : i32
        %swap3A_363 = arith.index_cast %swap3A_362 : i32 to index
        %swap3A_364 = arith.index_cast %add3A_322 : i32 to index
        %swap3A_365 = arith.constant 48 : index
        %swap3A_366 = tpu.vector_load %arg10[%swap3A_363, %swap3A_364, %swap3A_365] {strides = array<i32>} : memref<3x128x64xf32, #tpu.memory_space<vmem>>, vector<16xf32>,
        tpu.vector_store %arg10[%swap3A_363, %swap3A_364, %swap3A_365], %bitcast3A_361 {strides = array<i32>} : memref<3x128x64xf32, #tpu.memory_space<vmem>>, vector<16xf32>,
        %mul3A_367 = arith.constant 8 : i32
        %mul3A_368 = arith.muli %scan3A_179, %mul3A_367 : i32
        %add3A_369 = arith.constant 4 : i32
        %add3A_370 = arith.addi %mul3A_368, %add3A_369 : i32
        %get3A_371 = arith.constant 1 : i32
        %get3A_372 = arith.index_cast %get3A_371 : i32 to index
        %get3A_373 = arith.index_cast %add3A_370 : i32 to index
        %get3A_374 = arith.constant 0 : index
        %get3A_375 = tpu.vector_load %arg9[%get3A_372, %get3A_373, %get3A_374] {strides = array<i32>} : memref<3x128x64xbf16, #tpu.memory_space<vmem>>, vector<32xbf16>,
        %bitcast3A_376 = vector.bitcast %get3A_375 : vector<32xbf16> to vector<16xi32>
        %shift_left3A_377 = arith.constant 16 : i32
        %shift_left3A_378 = vector.broadcast %shift_left3A_377 : i32 to vector<16xi32>
        %shift_left3A_379 = arith.shli %bitcast3A_376, %shift_left3A_378 : vector<16xi32>
        %bitcast3A_380 = vector.bitcast %shift_left3A_379 : vector<16xi32> to vector<16xf32>
        %swap3A_381 = arith.constant 1 : i32
        %swap3A_382 = arith.index_cast %swap3A_381 : i32 to index
        %swap3A_383 = arith.index_cast %add3A_370 : i32 to index
        %swap3A_384 = arith.constant 0 : index
        %swap3A_385 = tpu.vector_load %arg10[%swap3A_382, %swap3A_383, %swap3A_384] {strides = array<i32>} : memref<3x128x64xf32, #tpu.memory_space<vmem>>, vector<16xf32>,
        tpu.vector_store %arg10[%swap3A_382, %swap3A_383, %swap3A_384], %bitcast3A_380 {strides = array<i32>} : memref<3x128x64xf32, #tpu.memory_space<vmem>>, vector<16xf32>,
        %and3A_386 = arith.andi %bitcast3A_376, %broadcast_in_dim3A_3 : vector<16xi32>
        %bitcast3A_387 = vector.bitcast %and3A_386 : vector<16xi32> to vector<16xf32>
        %swap3A_388 = arith.constant 1 : i32
        %swap3A_389 = arith.index_cast %swap3A_388 : i32 to index
        %swap3A_390 = arith.index_cast %add3A_370 : i32 to index
        %swap3A_391 = arith.constant 16 : index
        %swap3A_392 = tpu.vector_load %arg10[%swap3A_389, %swap3A_390, %swap3A_391] {strides = array<i32>} : memref<3x128x64xf32, #tpu.memory_space<vmem>>, vector<16xf32>,
        tpu.vector_store %arg10[%swap3A_389, %swap3A_390, %swap3A_391], %bitcast3A_387 {strides = array<i32>} : memref<3x128x64xf32, #tpu.memory_space<vmem>>, vector<16xf32>,
        %get3A_393 = arith.constant 1 : i32
        %get3A_394 = arith.index_cast %get3A_393 : i32 to index
        %get3A_395 = arith.index_cast %add3A_370 : i32 to index
        %get3A_396 = arith.constant 32 : index
        %get3A_397 = tpu.vector_load %arg9[%get3A_394, %get3A_395, %get3A_396] {strides = array<i32>} : memref<3x128x64xbf16, #tpu.memory_space<vmem>>, vector<32xbf16>,
        %bitcast3A_398 = vector.bitcast %get3A_397 : vector<32xbf16> to vector<16xi32>
        %shift_left3A_399 = arith.constant 16 : i32
        %shift_left3A_400 = vector.broadcast %shift_left3A_399 : i32 to vector<16xi32>
        %shift_left3A_401 = arith.shli %bitcast3A_398, %shift_left3A_400 : vector<16xi32>
        %bitcast3A_402 = vector.bitcast %shift_left3A_401 : vector<16xi32> to vector<16xf32>
        %swap3A_403 = arith.constant 1 : i32
        %swap3A_404 = arith.index_cast %swap3A_403 : i32 to index
        %swap3A_405 = arith.index_cast %add3A_370 : i32 to index
        %swap3A_406 = arith.constant 32 : index
        %swap3A_407 = tpu.vector_load %arg10[%swap3A_404, %swap3A_405, %swap3A_406] {strides = array<i32>} : memref<3x128x64xf32, #tpu.memory_space<vmem>>, vector<16xf32>,
        tpu.vector_store %arg10[%swap3A_404, %swap3A_405, %swap3A_406], %bitcast3A_402 {strides = array<i32>} : memref<3x128x64xf32, #tpu.memory_space<vmem>>, vector<16xf32>,
        %and3A_408 = arith.andi %bitcast3A_398, %broadcast_in_dim3A_3 : vector<16xi32>
        %bitcast3A_409 = vector.bitcast %and3A_408 : vector<16xi32> to vector<16xf32>
        %swap3A_410 = arith.constant 1 : i32
        %swap3A_411 = arith.index_cast %swap3A_410 : i32 to index
        %swap3A_412 = arith.index_cast %add3A_370 : i32 to index
        %swap3A_413 = arith.constant 48 : index
        %swap3A_414 = tpu.vector_load %arg10[%swap3A_411, %swap3A_412, %swap3A_413] {strides = array<i32>} : memref<3x128x64xf32, #tpu.memory_space<vmem>>, vector<16xf32>,
        tpu.vector_store %arg10[%swap3A_411, %swap3A_412, %swap3A_413], %bitcast3A_409 {strides = array<i32>} : memref<3x128x64xf32, #tpu.memory_space<vmem>>, vector<16xf32>,
        %mul3A_415 = arith.constant 8 : i32
        %mul3A_416 = arith.muli %scan3A_179, %mul3A_415 : i32
        %add3A_417 = arith.constant 5 : i32
        %add3A_418 = arith.addi %mul3A_416, %add3A_417 : i32
        %get3A_419 = arith.constant 1 : i32
        %get3A_420 = arith.index_cast %get3A_419 : i32 to index
        %get3A_421 = arith.index_cast %add3A_418 : i32 to index
        %get3A_422 = arith.constant 0 : index
        %get3A_423 = tpu.vector_load %arg9[%get3A_420, %get3A_421, %get3A_422] {strides = array<i32>} : memref<3x128x64xbf16, #tpu.memory_space<vmem>>, vector<32xbf16>,
        %bitcast3A_424 = vector.bitcast %get3A_423 : vector<32xbf16> to vector<16xi32>
        %shift_left3A_425 = arith.constant 16 : i32
        %shift_left3A_426 = vector.broadcast %shift_left3A_425 : i32 to vector<16xi32>
        %shift_left3A_427 = arith.shli %bitcast3A_424, %shift_left3A_426 : vector<16xi32>
        %bitcast3A_428 = vector.bitcast %shift_left3A_427 : vector<16xi32> to vector<16xf32>
        %swap3A_429 = arith.constant 1 : i32
        %swap3A_430 = arith.index_cast %swap3A_429 : i32 to index
        %swap3A_431 = arith.index_cast %add3A_418 : i32 to index
        %swap3A_432 = arith.constant 0 : index
        %swap3A_433 = tpu.vector_load %arg10[%swap3A_430, %swap3A_431, %swap3A_432] {strides = array<i32>} : memref<3x128x64xf32, #tpu.memory_space<vmem>>, vector<16xf32>,
        tpu.vector_store %arg10[%swap3A_430, %swap3A_431, %swap3A_432], %bitcast3A_428 {strides = array<i32>} : memref<3x128x64xf32, #tpu.memory_space<vmem>>, vector<16xf32>,
        %and3A_434 = arith.andi %bitcast3A_424, %broadcast_in_dim3A_3 : vector<16xi32>
        %bitcast3A_435 = vector.bitcast %and3A_434 : vector<16xi32> to vector<16xf32>
        %swap3A_436 = arith.constant 1 : i32
        %swap3A_437 = arith.index_cast %swap3A_436 : i32 to index
        %swap3A_438 = arith.index_cast %add3A_418 : i32 to index
        %swap3A_439 = arith.constant 16 : index
        %swap3A_440 = tpu.vector_load %arg10[%swap3A_437, %swap3A_438, %swap3A_439] {strides = array<i32>} : memref<3x128x64xf32, #tpu.memory_space<vmem>>, vector<16xf32>,
        tpu.vector_store %arg10[%swap3A_437, %swap3A_438, %swap3A_439], %bitcast3A_435 {strides = array<i32>} : memref<3x128x64xf32, #tpu.memory_space<vmem>>, vector<16xf32>,
        %get3A_441 = arith.constant 1 : i32
        %get3A_442 = arith.index_cast %get3A_441 : i32 to index
        %get3A_443 = arith.index_cast %add3A_418 : i32 to index
        %get3A_444 = arith.constant 32 : index
        %get3A_445 = tpu.vector_load %arg9[%get3A_442, %get3A_443, %get3A_444] {strides = array<i32>} : memref<3x128x64xbf16, #tpu.memory_space<vmem>>, vector<32xbf16>,
        %bitcast3A_446 = vector.bitcast %get3A_445 : vector<32xbf16> to vector<16xi32>
        %shift_left3A_447 = arith.constant 16 : i32
        %shift_left3A_448 = vector.broadcast %shift_left3A_447 : i32 to vector<16xi32>
        %shift_left3A_449 = arith.shli %bitcast3A_446, %shift_left3A_448 : vector<16xi32>
        %bitcast3A_450 = vector.bitcast %shift_left3A_449 : vector<16xi32> to vector<16xf32>
        %swap3A_451 = arith.constant 1 : i32
        %swap3A_452 = arith.index_cast %swap3A_451 : i32 to index
        %swap3A_453 = arith.index_cast %add3A_418 : i32 to index
        %swap3A_454 = arith.constant 32 : index
        %swap3A_455 = tpu.vector_load %arg10[%swap3A_452, %swap3A_453, %swap3A_454] {strides = array<i32>} : memref<3x128x64xf32, #tpu.memory_space<vmem>>, vector<16xf32>,
        tpu.vector_store %arg10[%swap3A_452, %swap3A_453, %swap3A_454], %bitcast3A_450 {strides = array<i32>} : memref<3x128x64xf32, #tpu.memory_space<vmem>>, vector<16xf32>,
        %and3A_456 = arith.andi %bitcast3A_446, %broadcast_in_dim3A_3 : vector<16xi32>
        %bitcast3A_457 = vector.bitcast %and3A_456 : vector<16xi32> to vector<16xf32>
        %swap3A_458 = arith.constant 1 : i32
        %swap3A_459 = arith.index_cast %swap3A_458 : i32 to index
        %swap3A_460 = arith.index_cast %add3A_418 : i32 to index
        %swap3A_461 = arith.constant 48 : index
        %swap3A_462 = tpu.vector_load %arg10[%swap3A_459, %swap3A_460, %swap3A_461] {strides = array<i32>} : memref<3x128x64xf32, #tpu.memory_space<vmem>>, vector<16xf32>,
        tpu.vector_store %arg10[%swap3A_459, %swap3A_460, %swap3A_461], %bitcast3A_457 {strides = array<i32>} : memref<3x128x64xf32, #tpu.memory_space<vmem>>, vector<16xf32>,
        %mul3A_463 = arith.constant 8 : i32
        %mul3A_464 = arith.muli %scan3A_179, %mul3A_463 : i32
        %add3A_465 = arith.constant 6 : i32
        %add3A_466 = arith.addi %mul3A_464, %add3A_465 : i32
        %get3A_467 = arith.constant 1 : i32
        %get3A_468 = arith.index_cast %get3A_467 : i32 to index
        %get3A_469 = arith.index_cast %add3A_466 : i32 to index
        %get3A_470 = arith.constant 0 : index
        %get3A_471 = tpu.vector_load %arg9[%get3A_468, %get3A_469, %get3A_470] {strides = array<i32>} : memref<3x128x64xbf16, #tpu.memory_space<vmem>>, vector<32xbf16>,
        %bitcast3A_472 = vector.bitcast %get3A_471 : vector<32xbf16> to vector<16xi32>
        %shift_left3A_473 = arith.constant 16 : i32
        %shift_left3A_474 = vector.broadcast %shift_left3A_473 : i32 to vector<16xi32>
        %shift_left3A_475 = arith.shli %bitcast3A_472, %shift_left3A_474 : vector<16xi32>
        %bitcast3A_476 = vector.bitcast %shift_left3A_475 : vector<16xi32> to vector<16xf32>
        %swap3A_477 = arith.constant 1 : i32
        %swap3A_478 = arith.index_cast %swap3A_477 : i32 to index
        %swap3A_479 = arith.index_cast %add3A_466 : i32 to index
        %swap3A_480 = arith.constant 0 : index
        %swap3A_481 = tpu.vector_load %arg10[%swap3A_478, %swap3A_479, %swap3A_480] {strides = array<i32>} : memref<3x128x64xf32, #tpu.memory_space<vmem>>, vector<16xf32>,
        tpu.vector_store %arg10[%swap3A_478, %swap3A_479, %swap3A_480], %bitcast3A_476 {strides = array<i32>} : memref<3x128x64xf32, #tpu.memory_space<vmem>>, vector<16xf32>,
        %and3A_482 = arith.andi %bitcast3A_472, %broadcast_in_dim3A_3 : vector<16xi32>
        %bitcast3A_483 = vector.bitcast %and3A_482 : vector<16xi32> to vector<16xf32>
        %swap3A_484 = arith.constant 1 : i32
        %swap3A_485 = arith.index_cast %swap3A_484 : i32 to index
        %swap3A_486 = arith.index_cast %add3A_466 : i32 to index
        %swap3A_487 = arith.constant 16 : index
        %swap3A_488 = tpu.vector_load %arg10[%swap3A_485, %swap3A_486, %swap3A_487] {strides = array<i32>} : memref<3x128x64xf32, #tpu.memory_space<vmem>>, vector<16xf32>,
        tpu.vector_store %arg10[%swap3A_485, %swap3A_486, %swap3A_487], %bitcast3A_483 {strides = array<i32>} : memref<3x128x64xf32, #tpu.memory_space<vmem>>, vector<16xf32>,
        %get3A_489 = arith.constant 1 : i32
        %get3A_490 = arith.index_cast %get3A_489 : i32 to index
        %get3A_491 = arith.index_cast %add3A_466 : i32 to index
        %get3A_492 = arith.constant 32 : index
        %get3A_493 = tpu.vector_load %arg9[%get3A_490, %get3A_491, %get3A_492] {strides = array<i32>} : memref<3x128x64xbf16, #tpu.memory_space<vmem>>, vector<32xbf16>,
        %bitcast3A_494 = vector.bitcast %get3A_493 : vector<32xbf16> to vector<16xi32>
        %shift_left3A_495 = arith.constant 16 : i32
        %shift_left3A_496 = vector.broadcast %shift_left3A_495 : i32 to vector<16xi32>
        %shift_left3A_497 = arith.shli %bitcast3A_494, %shift_left3A_496 : vector<16xi32>
        %bitcast3A_498 = vector.bitcast %shift_left3A_497 : vector<16xi32> to vector<16xf32>
        %swap3A_499 = arith.constant 1 : i32
        %swap3A_500 = arith.index_cast %swap3A_499 : i32 to index
        %swap3A_501 = arith.index_cast %add3A_466 : i32 to index
        %swap3A_502 = arith.constant 32 : index
        %swap3A_503 = tpu.vector_load %arg10[%swap3A_500, %swap3A_501, %swap3A_502] {strides = array<i32>} : memref<3x128x64xf32, #tpu.memory_space<vmem>>, vector<16xf32>,
        tpu.vector_store %arg10[%swap3A_500, %swap3A_501, %swap3A_502], %bitcast3A_498 {strides = array<i32>} : memref<3x128x64xf32, #tpu.memory_space<vmem>>, vector<16xf32>,
        %and3A_504 = arith.andi %bitcast3A_494, %broadcast_in_dim3A_3 : vector<16xi32>
        %bitcast3A_505 = vector.bitcast %and3A_504 : vector<16xi32> to vector<16xf32>
        %swap3A_506 = arith.constant 1 : i32
        %swap3A_507 = arith.index_cast %swap3A_506 : i32 to index
        %swap3A_508 = arith.index_cast %add3A_466 : i32 to index
        %swap3A_509 = arith.constant 48 : index
        %swap3A_510 = tpu.vector_load %arg10[%swap3A_507, %swap3A_508, %swap3A_509] {strides = array<i32>} : memref<3x128x64xf32, #tpu.memory_space<vmem>>, vector<16xf32>,
        tpu.vector_store %arg10[%swap3A_507, %swap3A_508, %swap3A_509], %bitcast3A_505 {strides = array<i32>} : memref<3x128x64xf32, #tpu.memory_space<vmem>>, vector<16xf32>,
        %mul3A_511 = arith.constant 8 : i32
        %mul3A_512 = arith.muli %scan3A_179, %mul3A_511 : i32
        %add3A_513 = arith.constant 7 : i32
        %add3A_514 = arith.addi %mul3A_512, %add3A_513 : i32
        %get3A_515 = arith.constant 1 : i32
        %get3A_516 = arith.index_cast %get3A_515 : i32 to index
        %get3A_517 = arith.index_cast %add3A_514 : i32 to index
        %get3A_518 = arith.constant 0 : index
        %get3A_519 = tpu.vector_load %arg9[%get3A_516, %get3A_517, %get3A_518] {strides = array<i32>} : memref<3x128x64xbf16, #tpu.memory_space<vmem>>, vector<32xbf16>,
        %bitcast3A_520 = vector.bitcast %get3A_519 : vector<32xbf16> to vector<16xi32>
        %shift_left3A_521 = arith.constant 16 : i32
        %shift_left3A_522 = vector.broadcast %shift_left3A_521 : i32 to vector<16xi32>
        %shift_left3A_523 = arith.shli %bitcast3A_520, %shift_left3A_522 : vector<16xi32>
        %bitcast3A_524 = vector.bitcast %shift_left3A_523 : vector<16xi32> to vector<16xf32>
        %swap3A_525 = arith.constant 1 : i32
        %swap3A_526 = arith.index_cast %swap3A_525 : i32 to index
        %swap3A_527 = arith.index_cast %add3A_514 : i32 to index
        %swap3A_528 = arith.constant 0 : index
        %swap3A_529 = tpu.vector_load %arg10[%swap3A_526, %swap3A_527, %swap3A_528] {strides = array<i32>} : memref<3x128x64xf32, #tpu.memory_space<vmem>>, vector<16xf32>,
        tpu.vector_store %arg10[%swap3A_526, %swap3A_527, %swap3A_528], %bitcast3A_524 {strides = array<i32>} : memref<3x128x64xf32, #tpu.memory_space<vmem>>, vector<16xf32>,
        %and3A_530 = arith.andi %bitcast3A_520, %broadcast_in_dim3A_3 : vector<16xi32>
        %bitcast3A_531 = vector.bitcast %and3A_530 : vector<16xi32> to vector<16xf32>
        %swap3A_532 = arith.constant 1 : i32
        %swap3A_533 = arith.index_cast %swap3A_532 : i32 to index
        %swap3A_534 = arith.index_cast %add3A_514 : i32 to index
        %swap3A_535 = arith.constant 16 : index
        %swap3A_536 = tpu.vector_load %arg10[%swap3A_533, %swap3A_534, %swap3A_535] {strides = array<i32>} : memref<3x128x64xf32, #tpu.memory_space<vmem>>, vector<16xf32>,
        tpu.vector_store %arg10[%swap3A_533, %swap3A_534, %swap3A_535], %bitcast3A_531 {strides = array<i32>} : memref<3x128x64xf32, #tpu.memory_space<vmem>>, vector<16xf32>,
        %get3A_537 = arith.constant 1 : i32
        %get3A_538 = arith.index_cast %get3A_537 : i32 to index
        %get3A_539 = arith.index_cast %add3A_514 : i32 to index
        %get3A_540 = arith.constant 32 : index
        %get3A_541 = tpu.vector_load %arg9[%get3A_538, %get3A_539, %get3A_540] {strides = array<i32>} : memref<3x128x64xbf16, #tpu.memory_space<vmem>>, vector<32xbf16>,
        %bitcast3A_542 = vector.bitcast %get3A_541 : vector<32xbf16> to vector<16xi32>
        %shift_left3A_543 = arith.constant 16 : i32
        %shift_left3A_544 = vector.broadcast %shift_left3A_543 : i32 to vector<16xi32>
        %shift_left3A_545 = arith.shli %bitcast3A_542, %shift_left3A_544 : vector<16xi32>
        %bitcast3A_546 = vector.bitcast %shift_left3A_545 : vector<16xi32> to vector<16xf32>
        %swap3A_547 = arith.constant 1 : i32
        %swap3A_548 = arith.index_cast %swap3A_547 : i32 to index
        %swap3A_549 = arith.index_cast %add3A_514 : i32 to index
        %swap3A_550 = arith.constant 32 : index
        %swap3A_551 = tpu.vector_load %arg10[%swap3A_548, %swap3A_549, %swap3A_550] {strides = array<i32>} : memref<3x128x64xf32, #tpu.memory_space<vmem>>, vector<16xf32>,
        tpu.vector_store %arg10[%swap3A_548, %swap3A_549, %swap3A_550], %bitcast3A_546 {strides = array<i32>} : memref<3x128x64xf32, #tpu.memory_space<vmem>>, vector<16xf32>,
        %and3A_552 = arith.andi %bitcast3A_542, %broadcast_in_dim3A_3 : vector<16xi32>
        %bitcast3A_553 = vector.bitcast %and3A_552 : vector<16xi32> to vector<16xf32>
        %swap3A_554 = arith.constant 1 : i32
        %swap3A_555 = arith.index_cast %swap3A_554 : i32 to index
        %swap3A_556 = arith.index_cast %add3A_514 : i32 to index
        %swap3A_557 = arith.constant 48 : index
        %swap3A_558 = tpu.vector_load %arg10[%swap3A_555, %swap3A_556, %swap3A_557] {strides = array<i32>} : memref<3x128x64xf32, #tpu.memory_space<vmem>>, vector<16xf32>,
        tpu.vector_store %arg10[%swap3A_555, %swap3A_556, %swap3A_557], %bitcast3A_553 {strides = array<i32>} : memref<3x128x64xf32, #tpu.memory_space<vmem>>, vector<16xf32>,
      }
      %scan3A_122 = arith.constant 16 : i32
      %dma_start3A_123 = arith.constant 1 : i32
      %dma_start3A_124 = arith.constant 0 : i32
      %dma_start3A_125 = arith.constant 0 : i32
      %dma_start3A_126 = tpu.memref_slice %arg10[%dma_start3A_123, %dma_start3A_124, %dma_start3A_125] : memref<3x128x64xf32, #tpu.memory_space<vmem>> -> memref<1x128x64xf32, #tpu.memory_space<vmem>>
      %dma_start3A_127 = tpu.memref_squeeze %dma_start3A_126 : memref<1x128x64xf32, #tpu.memory_space<vmem>> -> memref<128x64xf32, #tpu.memory_space<vmem>>
      %dma_start3A_128 = arith.constant 0 : i32
      %dma_start3A_129 = tpu.memref_slice %arg8[%add3A_92, %dma_start3A_128] : memref<159x128xi32, #tpu.memory_space<vmem>> -> memref<1x128xi32, #tpu.memory_space<vmem>>
      %dma_start3A_130 = tpu.memref_squeeze %dma_start3A_129 : memref<1x128xi32, #tpu.memory_space<vmem>> -> memref<128xi32, #tpu.memory_space<vmem>>
      %dma_start3A_131 = arith.constant 0 : i32
      %dma_start3A_132 = arith.constant 0 : i32
      %dma_start3A_133 = tpu.memref_slice %arg11[%dma_start3A_131, %dma_start3A_132] : memref<10240x64xf32, #tpu.memory_space<vmem_shared>> -> memref<10240x64xf32, #tpu.memory_space<vmem_shared>>
      tpu.enqueue_indirect_dma source(%dma_start3A_127 : memref<128x64xf32, #tpu.memory_space<vmem>>) target(%dma_start3A_133 : memref<10240x64xf32, #tpu.memory_space<vmem_shared>>) offsets(%dma_start3A_130 : memref<128xi32, #tpu.memory_space<vmem>>) semaphore(%arg13 : memref<!tpu.dma_semaphore, #tpu.memory_space<semaphore_mem>>) {add = true}
      %mul3A_134 = arith.constant 3 : i32
      %mul3A_135 = arith.muli %scan3A_48, %mul3A_134 : i32
      %add3A_136 = arith.constant 2 : i32
      %add3A_137 = arith.addi %mul3A_135, %add3A_136 : i32
      %dma_wait3A_138 = arith.constant 0 : i32
      %dma_wait3A_139 = arith.constant 2 : i32
      %dma_wait3A_140 = arith.constant 0 : i32
      %dma_wait3A_141 = arith.constant 0 : i32
      %dma_wait3A_142 = tpu.memref_slice %arg9[%dma_wait3A_139, %dma_wait3A_140, %dma_wait3A_141] : memref<3x128x64xbf16, #tpu.memory_space<vmem>> -> memref<1x128x64xbf16, #tpu.memory_space<vmem>>
      %dma_wait3A_143 = tpu.memref_squeeze %dma_wait3A_142 : memref<1x128x64xbf16, #tpu.memory_space<vmem>> -> memref<128x64xbf16, #tpu.memory_space<vmem>>
      %dma_wait3A_144 = arith.constant 0 : i32
      %dma_wait3A_145 = tpu.memref_slice %arg7[%dma_wait3A_138, %dma_wait3A_144] : memref<159x128xi32, #tpu.memory_space<vmem>> -> memref<1x128xi32, #tpu.memory_space<vmem>>
      %dma_wait3A_146 = tpu.memref_squeeze %dma_wait3A_145 : memref<1x128xi32, #tpu.memory_space<vmem>> -> memref<128xi32, #tpu.memory_space<vmem>>
      %dma_wait3A_147 = arith.constant 0 : i32
      %dma_wait3A_148 = arith.constant 0 : i32
      %dma_wait3A_149 = tpu.memref_slice %arg2[%dma_wait3A_147, %dma_wait3A_148] : memref<20000x64xbf16, #tpu.memory_space<hbm>> -> memref<20000x64xbf16, #tpu.memory_space<hbm>>
      tpu.wait_indirect_dma semaphore(%arg12 : memref<!tpu.dma_semaphore, #tpu.memory_space<semaphore_mem>>) src(%dma_wait3A_149 : memref<20000x64xbf16, #tpu.memory_space<hbm>>) dst(%dma_wait3A_143 : memref<128x64xbf16, #tpu.memory_space<vmem>>)
      %ge3A_150 = arith.constant 2 : i32
      %ge3A_151 = arith.cmpi sge, %add3A_137, %ge3A_150 : i32
      %convert_element_type3A_152 = arith.extui %ge3A_151 : i1 to i32
      %cond3A_153 = arith.constant 0 : i32
      %cond3A_154 = arith.cmpi ne, %convert_element_type3A_152, %cond3A_153 : i32
      scf.if %cond3A_154 {
        %dma_wait3A_179 = arith.constant 0 : i32
        %dma_wait3A_180 = arith.constant 0 : i32
        %dma_wait3A_181 = arith.constant 0 : i32
        %dma_wait3A_182 = arith.constant 0 : i32
        %dma_wait3A_183 = tpu.memref_slice %arg10[%dma_wait3A_179, %dma_wait3A_181, %dma_wait3A_182] : memref<3x128x64xf32, #tpu.memory_space<vmem>> -> memref<1x128x64xf32, #tpu.memory_space<vmem>>
        %dma_wait3A_184 = tpu.memref_squeeze %dma_wait3A_183 : memref<1x128x64xf32, #tpu.memory_space<vmem>> -> memref<128x64xf32, #tpu.memory_space<vmem>>
        %dma_wait3A_185 = arith.constant 0 : i32
        %dma_wait3A_186 = tpu.memref_slice %arg8[%dma_wait3A_180, %dma_wait3A_185] : memref<159x128xi32, #tpu.memory_space<vmem>> -> memref<1x128xi32, #tpu.memory_space<vmem>>
        %dma_wait3A_187 = tpu.memref_squeeze %dma_wait3A_186 : memref<1x128xi32, #tpu.memory_space<vmem>> -> memref<128xi32, #tpu.memory_space<vmem>>
        %dma_wait3A_188 = arith.constant 0 : i32
        %dma_wait3A_189 = arith.constant 0 : i32
        %dma_wait3A_190 = tpu.memref_slice %arg11[%dma_wait3A_188, %dma_wait3A_189] : memref<10240x64xf32, #tpu.memory_space<vmem_shared>> -> memref<10240x64xf32, #tpu.memory_space<vmem_shared>>
        tpu.wait_indirect_dma semaphore(%arg13 : memref<!tpu.dma_semaphore, #tpu.memory_space<semaphore_mem>>) src(%dma_wait3A_184 : memref<128x64xf32, #tpu.memory_space<vmem>>) dst(%dma_wait3A_190 : memref<10240x64xf32, #tpu.memory_space<vmem_shared>>)
      } else {
      }
      %add3A_155 = arith.constant 1 : i32
      %add3A_156 = arith.addi %add3A_137, %add3A_155 : i32
      %lt3A_157 = arith.constant 159 : i32
      %lt3A_158 = arith.cmpi slt, %add3A_156, %lt3A_157 : i32
      %convert_element_type3A_159 = arith.extui %lt3A_158 : i1 to i32
      %cond3A_160 = arith.constant 0 : i32
      %cond3A_161 = arith.cmpi ne, %convert_element_type3A_159, %cond3A_160 : i32
      scf.if %cond3A_161 {
        %add3A_179 = arith.constant 1 : i32
        %add3A_180 = arith.addi %add3A_137, %add3A_179 : i32
        %dma_start3A_181 = arith.constant 0 : i32
        %dma_start3A_182 = arith.constant 0 : i32
        %dma_start3A_183 = arith.constant 0 : i32
        %dma_start3A_184 = tpu.memref_slice %arg9[%dma_start3A_181, %dma_start3A_182, %dma_start3A_183] : memref<3x128x64xbf16, #tpu.memory_space<vmem>> -> memref<1x128x64xbf16, #tpu.memory_space<vmem>>
        %dma_start3A_185 = tpu.memref_squeeze %dma_start3A_184 : memref<1x128x64xbf16, #tpu.memory_space<vmem>> -> memref<128x64xbf16, #tpu.memory_space<vmem>>
        %dma_start3A_186 = arith.constant 0 : i32
        %dma_start3A_187 = tpu.memref_slice %arg7[%add3A_180, %dma_start3A_186] : memref<159x128xi32, #tpu.memory_space<vmem>> -> memref<1x128xi32, #tpu.memory_space<vmem>>
        %dma_start3A_188 = tpu.memref_squeeze %dma_start3A_187 : memref<1x128xi32, #tpu.memory_space<vmem>> -> memref<128xi32, #tpu.memory_space<vmem>>
        %dma_start3A_189 = arith.constant 0 : i32
        %dma_start3A_190 = arith.constant 0 : i32
        %dma_start3A_191 = tpu.memref_slice %arg2[%dma_start3A_189, %dma_start3A_190] : memref<20000x64xbf16, #tpu.memory_space<hbm>> -> memref<20000x64xbf16, #tpu.memory_space<hbm>>
        tpu.enqueue_indirect_dma source(%dma_start3A_191 : memref<20000x64xbf16, #tpu.memory_space<hbm>>) target(%dma_start3A_185 : memref<128x64xbf16, #tpu.memory_space<vmem>>) offsets(%dma_start3A_188 : memref<128xi32, #tpu.memory_space<vmem>>) semaphore(%arg12 : memref<!tpu.dma_semaphore, #tpu.memory_space<semaphore_mem>>)
      } else {
      }
      %scan3A_162 = arith.constant 0 : i32
      %scan3A_163 = arith.constant 0 : i32
      %scan3A_164 = arith.constant 16 : i32
      %scan3A_165 = arith.addi %scan3A_163, %scan3A_164 : i32
      %scan3A_166 = arith.constant 1 : i32
      scf.for %scan3A_179 = %scan3A_163 to %scan3A_165 step %scan3A_166  : i32 {
        %mul3A_180 = arith.constant 8 : i32
        %mul3A_181 = arith.muli %scan3A_179, %mul3A_180 : i32
        %add3A_182 = arith.constant 0 : i32
        %add3A_183 = arith.addi %mul3A_181, %add3A_182 : i32
        %get3A = arith.constant 2 : i32
        %get3A_184 = arith.index_cast %get3A : i32 to index
        %get3A_185 = arith.index_cast %add3A_183 : i32 to index
        %get3A_186 = arith.constant 0 : index
        %get3A_187 = tpu.vector_load %arg9[%get3A_184, %get3A_185, %get3A_186] {strides = array<i32>} : memref<3x128x64xbf16, #tpu.memory_space<vmem>>, vector<32xbf16>,
        %bitcast3A = vector.bitcast %get3A_187 : vector<32xbf16> to vector<16xi32>
        %shift_left3A = arith.constant 16 : i32
        %shift_left3A_188 = vector.broadcast %shift_left3A : i32 to vector<16xi32>
        %shift_left3A_189 = arith.shli %bitcast3A, %shift_left3A_188 : vector<16xi32>
        %bitcast3A_190 = vector.bitcast %shift_left3A_189 : vector<16xi32> to vector<16xf32>
        %swap3A = arith.constant 2 : i32
        %swap3A_191 = arith.index_cast %swap3A : i32 to index
        %swap3A_192 = arith.index_cast %add3A_183 : i32 to index
        %swap3A_193 = arith.constant 0 : index
        %swap3A_194 = tpu.vector_load %arg10[%swap3A_191, %swap3A_192, %swap3A_193] {strides = array<i32>} : memref<3x128x64xf32, #tpu.memory_space<vmem>>, vector<16xf32>,
        tpu.vector_store %arg10[%swap3A_191, %swap3A_192, %swap3A_193], %bitcast3A_190 {strides = array<i32>} : memref<3x128x64xf32, #tpu.memory_space<vmem>>, vector<16xf32>,
        %and3A = arith.andi %bitcast3A, %broadcast_in_dim3A_3 : vector<16xi32>
        %bitcast3A_195 = vector.bitcast %and3A : vector<16xi32> to vector<16xf32>
        %swap3A_196 = arith.constant 2 : i32
        %swap3A_197 = arith.index_cast %swap3A_196 : i32 to index
        %swap3A_198 = arith.index_cast %add3A_183 : i32 to index
        %swap3A_199 = arith.constant 16 : index
        %swap3A_200 = tpu.vector_load %arg10[%swap3A_197, %swap3A_198, %swap3A_199] {strides = array<i32>} : memref<3x128x64xf32, #tpu.memory_space<vmem>>, vector<16xf32>,
        tpu.vector_store %arg10[%swap3A_197, %swap3A_198, %swap3A_199], %bitcast3A_195 {strides = array<i32>} : memref<3x128x64xf32, #tpu.memory_space<vmem>>, vector<16xf32>,
        %get3A_201 = arith.constant 2 : i32
        %get3A_202 = arith.index_cast %get3A_201 : i32 to index
        %get3A_203 = arith.index_cast %add3A_183 : i32 to index
        %get3A_204 = arith.constant 32 : index
        %get3A_205 = tpu.vector_load %arg9[%get3A_202, %get3A_203, %get3A_204] {strides = array<i32>} : memref<3x128x64xbf16, #tpu.memory_space<vmem>>, vector<32xbf16>,
        %bitcast3A_206 = vector.bitcast %get3A_205 : vector<32xbf16> to vector<16xi32>
        %shift_left3A_207 = arith.constant 16 : i32
        %shift_left3A_208 = vector.broadcast %shift_left3A_207 : i32 to vector<16xi32>
        %shift_left3A_209 = arith.shli %bitcast3A_206, %shift_left3A_208 : vector<16xi32>
        %bitcast3A_210 = vector.bitcast %shift_left3A_209 : vector<16xi32> to vector<16xf32>
        %swap3A_211 = arith.constant 2 : i32
        %swap3A_212 = arith.index_cast %swap3A_211 : i32 to index
        %swap3A_213 = arith.index_cast %add3A_183 : i32 to index
        %swap3A_214 = arith.constant 32 : index
        %swap3A_215 = tpu.vector_load %arg10[%swap3A_212, %swap3A_213, %swap3A_214] {strides = array<i32>} : memref<3x128x64xf32, #tpu.memory_space<vmem>>, vector<16xf32>,
        tpu.vector_store %arg10[%swap3A_212, %swap3A_213, %swap3A_214], %bitcast3A_210 {strides = array<i32>} : memref<3x128x64xf32, #tpu.memory_space<vmem>>, vector<16xf32>,
        %and3A_216 = arith.andi %bitcast3A_206, %broadcast_in_dim3A_3 : vector<16xi32>
        %bitcast3A_217 = vector.bitcast %and3A_216 : vector<16xi32> to vector<16xf32>
        %swap3A_218 = arith.constant 2 : i32
        %swap3A_219 = arith.index_cast %swap3A_218 : i32 to index
        %swap3A_220 = arith.index_cast %add3A_183 : i32 to index
        %swap3A_221 = arith.constant 48 : index
        %swap3A_222 = tpu.vector_load %arg10[%swap3A_219, %swap3A_220, %swap3A_221] {strides = array<i32>} : memref<3x128x64xf32, #tpu.memory_space<vmem>>, vector<16xf32>,
        tpu.vector_store %arg10[%swap3A_219, %swap3A_220, %swap3A_221], %bitcast3A_217 {strides = array<i32>} : memref<3x128x64xf32, #tpu.memory_space<vmem>>, vector<16xf32>,
        %mul3A_223 = arith.constant 8 : i32
        %mul3A_224 = arith.muli %scan3A_179, %mul3A_223 : i32
        %add3A_225 = arith.constant 1 : i32
        %add3A_226 = arith.addi %mul3A_224, %add3A_225 : i32
        %get3A_227 = arith.constant 2 : i32
        %get3A_228 = arith.index_cast %get3A_227 : i32 to index
        %get3A_229 = arith.index_cast %add3A_226 : i32 to index
        %get3A_230 = arith.constant 0 : index
        %get3A_231 = tpu.vector_load %arg9[%get3A_228, %get3A_229, %get3A_230] {strides = array<i32>} : memref<3x128x64xbf16, #tpu.memory_space<vmem>>, vector<32xbf16>,
        %bitcast3A_232 = vector.bitcast %get3A_231 : vector<32xbf16> to vector<16xi32>
        %shift_left3A_233 = arith.constant 16 : i32
        %shift_left3A_234 = vector.broadcast %shift_left3A_233 : i32 to vector<16xi32>
        %shift_left3A_235 = arith.shli %bitcast3A_232, %shift_left3A_234 : vector<16xi32>
        %bitcast3A_236 = vector.bitcast %shift_left3A_235 : vector<16xi32> to vector<16xf32>
        %swap3A_237 = arith.constant 2 : i32
        %swap3A_238 = arith.index_cast %swap3A_237 : i32 to index
        %swap3A_239 = arith.index_cast %add3A_226 : i32 to index
        %swap3A_240 = arith.constant 0 : index
        %swap3A_241 = tpu.vector_load %arg10[%swap3A_238, %swap3A_239, %swap3A_240] {strides = array<i32>} : memref<3x128x64xf32, #tpu.memory_space<vmem>>, vector<16xf32>,
        tpu.vector_store %arg10[%swap3A_238, %swap3A_239, %swap3A_240], %bitcast3A_236 {strides = array<i32>} : memref<3x128x64xf32, #tpu.memory_space<vmem>>, vector<16xf32>,
        %and3A_242 = arith.andi %bitcast3A_232, %broadcast_in_dim3A_3 : vector<16xi32>
        %bitcast3A_243 = vector.bitcast %and3A_242 : vector<16xi32> to vector<16xf32>
        %swap3A_244 = arith.constant 2 : i32
        %swap3A_245 = arith.index_cast %swap3A_244 : i32 to index
        %swap3A_246 = arith.index_cast %add3A_226 : i32 to index
        %swap3A_247 = arith.constant 16 : index
        %swap3A_248 = tpu.vector_load %arg10[%swap3A_245, %swap3A_246, %swap3A_247] {strides = array<i32>} : memref<3x128x64xf32, #tpu.memory_space<vmem>>, vector<16xf32>,
        tpu.vector_store %arg10[%swap3A_245, %swap3A_246, %swap3A_247], %bitcast3A_243 {strides = array<i32>} : memref<3x128x64xf32, #tpu.memory_space<vmem>>, vector<16xf32>,
        %get3A_249 = arith.constant 2 : i32
        %get3A_250 = arith.index_cast %get3A_249 : i32 to index
        %get3A_251 = arith.index_cast %add3A_226 : i32 to index
        %get3A_252 = arith.constant 32 : index
        %get3A_253 = tpu.vector_load %arg9[%get3A_250, %get3A_251, %get3A_252] {strides = array<i32>} : memref<3x128x64xbf16, #tpu.memory_space<vmem>>, vector<32xbf16>,
        %bitcast3A_254 = vector.bitcast %get3A_253 : vector<32xbf16> to vector<16xi32>
        %shift_left3A_255 = arith.constant 16 : i32
        %shift_left3A_256 = vector.broadcast %shift_left3A_255 : i32 to vector<16xi32>
        %shift_left3A_257 = arith.shli %bitcast3A_254, %shift_left3A_256 : vector<16xi32>
        %bitcast3A_258 = vector.bitcast %shift_left3A_257 : vector<16xi32> to vector<16xf32>
        %swap3A_259 = arith.constant 2 : i32
        %swap3A_260 = arith.index_cast %swap3A_259 : i32 to index
        %swap3A_261 = arith.index_cast %add3A_226 : i32 to index
        %swap3A_262 = arith.constant 32 : index
        %swap3A_263 = tpu.vector_load %arg10[%swap3A_260, %swap3A_261, %swap3A_262] {strides = array<i32>} : memref<3x128x64xf32, #tpu.memory_space<vmem>>, vector<16xf32>,
        tpu.vector_store %arg10[%swap3A_260, %swap3A_261, %swap3A_262], %bitcast3A_258 {strides = array<i32>} : memref<3x128x64xf32, #tpu.memory_space<vmem>>, vector<16xf32>,
        %and3A_264 = arith.andi %bitcast3A_254, %broadcast_in_dim3A_3 : vector<16xi32>
        %bitcast3A_265 = vector.bitcast %and3A_264 : vector<16xi32> to vector<16xf32>
        %swap3A_266 = arith.constant 2 : i32
        %swap3A_267 = arith.index_cast %swap3A_266 : i32 to index
        %swap3A_268 = arith.index_cast %add3A_226 : i32 to index
        %swap3A_269 = arith.constant 48 : index
        %swap3A_270 = tpu.vector_load %arg10[%swap3A_267, %swap3A_268, %swap3A_269] {strides = array<i32>} : memref<3x128x64xf32, #tpu.memory_space<vmem>>, vector<16xf32>,
        tpu.vector_store %arg10[%swap3A_267, %swap3A_268, %swap3A_269], %bitcast3A_265 {strides = array<i32>} : memref<3x128x64xf32, #tpu.memory_space<vmem>>, vector<16xf32>,
        %mul3A_271 = arith.constant 8 : i32
        %mul3A_272 = arith.muli %scan3A_179, %mul3A_271 : i32
        %add3A_273 = arith.constant 2 : i32
        %add3A_274 = arith.addi %mul3A_272, %add3A_273 : i32
        %get3A_275 = arith.constant 2 : i32
        %get3A_276 = arith.index_cast %get3A_275 : i32 to index
        %get3A_277 = arith.index_cast %add3A_274 : i32 to index
        %get3A_278 = arith.constant 0 : index
        %get3A_279 = tpu.vector_load %arg9[%get3A_276, %get3A_277, %get3A_278] {strides = array<i32>} : memref<3x128x64xbf16, #tpu.memory_space<vmem>>, vector<32xbf16>,
        %bitcast3A_280 = vector.bitcast %get3A_279 : vector<32xbf16> to vector<16xi32>
        %shift_left3A_281 = arith.constant 16 : i32
        %shift_left3A_282 = vector.broadcast %shift_left3A_281 : i32 to vector<16xi32>
        %shift_left3A_283 = arith.shli %bitcast3A_280, %shift_left3A_282 : vector<16xi32>
        %bitcast3A_284 = vector.bitcast %shift_left3A_283 : vector<16xi32> to vector<16xf32>
        %swap3A_285 = arith.constant 2 : i32
        %swap3A_286 = arith.index_cast %swap3A_285 : i32 to index
        %swap3A_287 = arith.index_cast %add3A_274 : i32 to index
        %swap3A_288 = arith.constant 0 : index
        %swap3A_289 = tpu.vector_load %arg10[%swap3A_286, %swap3A_287, %swap3A_288] {strides = array<i32>} : memref<3x128x64xf32, #tpu.memory_space<vmem>>, vector<16xf32>,
        tpu.vector_store %arg10[%swap3A_286, %swap3A_287, %swap3A_288], %bitcast3A_284 {strides = array<i32>} : memref<3x128x64xf32, #tpu.memory_space<vmem>>, vector<16xf32>,
        %and3A_290 = arith.andi %bitcast3A_280, %broadcast_in_dim3A_3 : vector<16xi32>
        %bitcast3A_291 = vector.bitcast %and3A_290 : vector<16xi32> to vector<16xf32>
        %swap3A_292 = arith.constant 2 : i32
        %swap3A_293 = arith.index_cast %swap3A_292 : i32 to index
        %swap3A_294 = arith.index_cast %add3A_274 : i32 to index
        %swap3A_295 = arith.constant 16 : index
        %swap3A_296 = tpu.vector_load %arg10[%swap3A_293, %swap3A_294, %swap3A_295] {strides = array<i32>} : memref<3x128x64xf32, #tpu.memory_space<vmem>>, vector<16xf32>,
        tpu.vector_store %arg10[%swap3A_293, %swap3A_294, %swap3A_295], %bitcast3A_291 {strides = array<i32>} : memref<3x128x64xf32, #tpu.memory_space<vmem>>, vector<16xf32>,
        %get3A_297 = arith.constant 2 : i32
        %get3A_298 = arith.index_cast %get3A_297 : i32 to index
        %get3A_299 = arith.index_cast %add3A_274 : i32 to index
        %get3A_300 = arith.constant 32 : index
        %get3A_301 = tpu.vector_load %arg9[%get3A_298, %get3A_299, %get3A_300] {strides = array<i32>} : memref<3x128x64xbf16, #tpu.memory_space<vmem>>, vector<32xbf16>,
        %bitcast3A_302 = vector.bitcast %get3A_301 : vector<32xbf16> to vector<16xi32>
        %shift_left3A_303 = arith.constant 16 : i32
        %shift_left3A_304 = vector.broadcast %shift_left3A_303 : i32 to vector<16xi32>
        %shift_left3A_305 = arith.shli %bitcast3A_302, %shift_left3A_304 : vector<16xi32>
        %bitcast3A_306 = vector.bitcast %shift_left3A_305 : vector<16xi32> to vector<16xf32>
        %swap3A_307 = arith.constant 2 : i32
        %swap3A_308 = arith.index_cast %swap3A_307 : i32 to index
        %swap3A_309 = arith.index_cast %add3A_274 : i32 to index
        %swap3A_310 = arith.constant 32 : index
        %swap3A_311 = tpu.vector_load %arg10[%swap3A_308, %swap3A_309, %swap3A_310] {strides = array<i32>} : memref<3x128x64xf32, #tpu.memory_space<vmem>>, vector<16xf32>,
        tpu.vector_store %arg10[%swap3A_308, %swap3A_309, %swap3A_310], %bitcast3A_306 {strides = array<i32>} : memref<3x128x64xf32, #tpu.memory_space<vmem>>, vector<16xf32>,
        %and3A_312 = arith.andi %bitcast3A_302, %broadcast_in_dim3A_3 : vector<16xi32>
        %bitcast3A_313 = vector.bitcast %and3A_312 : vector<16xi32> to vector<16xf32>
        %swap3A_314 = arith.constant 2 : i32
        %swap3A_315 = arith.index_cast %swap3A_314 : i32 to index
        %swap3A_316 = arith.index_cast %add3A_274 : i32 to index
        %swap3A_317 = arith.constant 48 : index
        %swap3A_318 = tpu.vector_load %arg10[%swap3A_315, %swap3A_316, %swap3A_317] {strides = array<i32>} : memref<3x128x64xf32, #tpu.memory_space<vmem>>, vector<16xf32>,
        tpu.vector_store %arg10[%swap3A_315, %swap3A_316, %swap3A_317], %bitcast3A_313 {strides = array<i32>} : memref<3x128x64xf32, #tpu.memory_space<vmem>>, vector<16xf32>,
        %mul3A_319 = arith.constant 8 : i32
        %mul3A_320 = arith.muli %scan3A_179, %mul3A_319 : i32
        %add3A_321 = arith.constant 3 : i32
        %add3A_322 = arith.addi %mul3A_320, %add3A_321 : i32
        %get3A_323 = arith.constant 2 : i32
        %get3A_324 = arith.index_cast %get3A_323 : i32 to index
        %get3A_325 = arith.index_cast %add3A_322 : i32 to index
        %get3A_326 = arith.constant 0 : index
        %get3A_327 = tpu.vector_load %arg9[%get3A_324, %get3A_325, %get3A_326] {strides = array<i32>} : memref<3x128x64xbf16, #tpu.memory_space<vmem>>, vector<32xbf16>,
        %bitcast3A_328 = vector.bitcast %get3A_327 : vector<32xbf16> to vector<16xi32>
        %shift_left3A_329 = arith.constant 16 : i32
        %shift_left3A_330 = vector.broadcast %shift_left3A_329 : i32 to vector<16xi32>
        %shift_left3A_331 = arith.shli %bitcast3A_328, %shift_left3A_330 : vector<16xi32>
        %bitcast3A_332 = vector.bitcast %shift_left3A_331 : vector<16xi32> to vector<16xf32>
        %swap3A_333 = arith.constant 2 : i32
        %swap3A_334 = arith.index_cast %swap3A_333 : i32 to index
        %swap3A_335 = arith.index_cast %add3A_322 : i32 to index
        %swap3A_336 = arith.constant 0 : index
        %swap3A_337 = tpu.vector_load %arg10[%swap3A_334, %swap3A_335, %swap3A_336] {strides = array<i32>} : memref<3x128x64xf32, #tpu.memory_space<vmem>>, vector<16xf32>,
        tpu.vector_store %arg10[%swap3A_334, %swap3A_335, %swap3A_336], %bitcast3A_332 {strides = array<i32>} : memref<3x128x64xf32, #tpu.memory_space<vmem>>, vector<16xf32>,
        %and3A_338 = arith.andi %bitcast3A_328, %broadcast_in_dim3A_3 : vector<16xi32>
        %bitcast3A_339 = vector.bitcast %and3A_338 : vector<16xi32> to vector<16xf32>
        %swap3A_340 = arith.constant 2 : i32
        %swap3A_341 = arith.index_cast %swap3A_340 : i32 to index
        %swap3A_342 = arith.index_cast %add3A_322 : i32 to index
        %swap3A_343 = arith.constant 16 : index
        %swap3A_344 = tpu.vector_load %arg10[%swap3A_341, %swap3A_342, %swap3A_343] {strides = array<i32>} : memref<3x128x64xf32, #tpu.memory_space<vmem>>, vector<16xf32>,
        tpu.vector_store %arg10[%swap3A_341, %swap3A_342, %swap3A_343], %bitcast3A_339 {strides = array<i32>} : memref<3x128x64xf32, #tpu.memory_space<vmem>>, vector<16xf32>,
        %get3A_345 = arith.constant 2 : i32
        %get3A_346 = arith.index_cast %get3A_345 : i32 to index
        %get3A_347 = arith.index_cast %add3A_322 : i32 to index
        %get3A_348 = arith.constant 32 : index
        %get3A_349 = tpu.vector_load %arg9[%get3A_346, %get3A_347, %get3A_348] {strides = array<i32>} : memref<3x128x64xbf16, #tpu.memory_space<vmem>>, vector<32xbf16>,
        %bitcast3A_350 = vector.bitcast %get3A_349 : vector<32xbf16> to vector<16xi32>
        %shift_left3A_351 = arith.constant 16 : i32
        %shift_left3A_352 = vector.broadcast %shift_left3A_351 : i32 to vector<16xi32>
        %shift_left3A_353 = arith.shli %bitcast3A_350, %shift_left3A_352 : vector<16xi32>
        %bitcast3A_354 = vector.bitcast %shift_left3A_353 : vector<16xi32> to vector<16xf32>
        %swap3A_355 = arith.constant 2 : i32
        %swap3A_356 = arith.index_cast %swap3A_355 : i32 to index
        %swap3A_357 = arith.index_cast %add3A_322 : i32 to index
        %swap3A_358 = arith.constant 32 : index
        %swap3A_359 = tpu.vector_load %arg10[%swap3A_356, %swap3A_357, %swap3A_358] {strides = array<i32>} : memref<3x128x64xf32, #tpu.memory_space<vmem>>, vector<16xf32>,
        tpu.vector_store %arg10[%swap3A_356, %swap3A_357, %swap3A_358], %bitcast3A_354 {strides = array<i32>} : memref<3x128x64xf32, #tpu.memory_space<vmem>>, vector<16xf32>,
        %and3A_360 = arith.andi %bitcast3A_350, %broadcast_in_dim3A_3 : vector<16xi32>
        %bitcast3A_361 = vector.bitcast %and3A_360 : vector<16xi32> to vector<16xf32>
        %swap3A_362 = arith.constant 2 : i32
        %swap3A_363 = arith.index_cast %swap3A_362 : i32 to index
        %swap3A_364 = arith.index_cast %add3A_322 : i32 to index
        %swap3A_365 = arith.constant 48 : index
        %swap3A_366 = tpu.vector_load %arg10[%swap3A_363, %swap3A_364, %swap3A_365] {strides = array<i32>} : memref<3x128x64xf32, #tpu.memory_space<vmem>>, vector<16xf32>,
        tpu.vector_store %arg10[%swap3A_363, %swap3A_364, %swap3A_365], %bitcast3A_361 {strides = array<i32>} : memref<3x128x64xf32, #tpu.memory_space<vmem>>, vector<16xf32>,
        %mul3A_367 = arith.constant 8 : i32
        %mul3A_368 = arith.muli %scan3A_179, %mul3A_367 : i32
        %add3A_369 = arith.constant 4 : i32
        %add3A_370 = arith.addi %mul3A_368, %add3A_369 : i32
        %get3A_371 = arith.constant 2 : i32
        %get3A_372 = arith.index_cast %get3A_371 : i32 to index
        %get3A_373 = arith.index_cast %add3A_370 : i32 to index
        %get3A_374 = arith.constant 0 : index
        %get3A_375 = tpu.vector_load %arg9[%get3A_372, %get3A_373, %get3A_374] {strides = array<i32>} : memref<3x128x64xbf16, #tpu.memory_space<vmem>>, vector<32xbf16>,
        %bitcast3A_376 = vector.bitcast %get3A_375 : vector<32xbf16> to vector<16xi32>
        %shift_left3A_377 = arith.constant 16 : i32
        %shift_left3A_378 = vector.broadcast %shift_left3A_377 : i32 to vector<16xi32>
        %shift_left3A_379 = arith.shli %bitcast3A_376, %shift_left3A_378 : vector<16xi32>
        %bitcast3A_380 = vector.bitcast %shift_left3A_379 : vector<16xi32> to vector<16xf32>
        %swap3A_381 = arith.constant 2 : i32
        %swap3A_382 = arith.index_cast %swap3A_381 : i32 to index
        %swap3A_383 = arith.index_cast %add3A_370 : i32 to index
        %swap3A_384 = arith.constant 0 : index
        %swap3A_385 = tpu.vector_load %arg10[%swap3A_382, %swap3A_383, %swap3A_384] {strides = array<i32>} : memref<3x128x64xf32, #tpu.memory_space<vmem>>, vector<16xf32>,
        tpu.vector_store %arg10[%swap3A_382, %swap3A_383, %swap3A_384], %bitcast3A_380 {strides = array<i32>} : memref<3x128x64xf32, #tpu.memory_space<vmem>>, vector<16xf32>,
        %and3A_386 = arith.andi %bitcast3A_376, %broadcast_in_dim3A_3 : vector<16xi32>
        %bitcast3A_387 = vector.bitcast %and3A_386 : vector<16xi32> to vector<16xf32>
        %swap3A_388 = arith.constant 2 : i32
        %swap3A_389 = arith.index_cast %swap3A_388 : i32 to index
        %swap3A_390 = arith.index_cast %add3A_370 : i32 to index
        %swap3A_391 = arith.constant 16 : index
        %swap3A_392 = tpu.vector_load %arg10[%swap3A_389, %swap3A_390, %swap3A_391] {strides = array<i32>} : memref<3x128x64xf32, #tpu.memory_space<vmem>>, vector<16xf32>,
        tpu.vector_store %arg10[%swap3A_389, %swap3A_390, %swap3A_391], %bitcast3A_387 {strides = array<i32>} : memref<3x128x64xf32, #tpu.memory_space<vmem>>, vector<16xf32>,
        %get3A_393 = arith.constant 2 : i32
        %get3A_394 = arith.index_cast %get3A_393 : i32 to index
        %get3A_395 = arith.index_cast %add3A_370 : i32 to index
        %get3A_396 = arith.constant 32 : index
        %get3A_397 = tpu.vector_load %arg9[%get3A_394, %get3A_395, %get3A_396] {strides = array<i32>} : memref<3x128x64xbf16, #tpu.memory_space<vmem>>, vector<32xbf16>,
        %bitcast3A_398 = vector.bitcast %get3A_397 : vector<32xbf16> to vector<16xi32>
        %shift_left3A_399 = arith.constant 16 : i32
        %shift_left3A_400 = vector.broadcast %shift_left3A_399 : i32 to vector<16xi32>
        %shift_left3A_401 = arith.shli %bitcast3A_398, %shift_left3A_400 : vector<16xi32>
        %bitcast3A_402 = vector.bitcast %shift_left3A_401 : vector<16xi32> to vector<16xf32>
        %swap3A_403 = arith.constant 2 : i32
        %swap3A_404 = arith.index_cast %swap3A_403 : i32 to index
        %swap3A_405 = arith.index_cast %add3A_370 : i32 to index
        %swap3A_406 = arith.constant 32 : index
        %swap3A_407 = tpu.vector_load %arg10[%swap3A_404, %swap3A_405, %swap3A_406] {strides = array<i32>} : memref<3x128x64xf32, #tpu.memory_space<vmem>>, vector<16xf32>,
        tpu.vector_store %arg10[%swap3A_404, %swap3A_405, %swap3A_406], %bitcast3A_402 {strides = array<i32>} : memref<3x128x64xf32, #tpu.memory_space<vmem>>, vector<16xf32>,
        %and3A_408 = arith.andi %bitcast3A_398, %broadcast_in_dim3A_3 : vector<16xi32>
        %bitcast3A_409 = vector.bitcast %and3A_408 : vector<16xi32> to vector<16xf32>
        %swap3A_410 = arith.constant 2 : i32
        %swap3A_411 = arith.index_cast %swap3A_410 : i32 to index
        %swap3A_412 = arith.index_cast %add3A_370 : i32 to index
        %swap3A_413 = arith.constant 48 : index
        %swap3A_414 = tpu.vector_load %arg10[%swap3A_411, %swap3A_412, %swap3A_413] {strides = array<i32>} : memref<3x128x64xf32, #tpu.memory_space<vmem>>, vector<16xf32>,
        tpu.vector_store %arg10[%swap3A_411, %swap3A_412, %swap3A_413], %bitcast3A_409 {strides = array<i32>} : memref<3x128x64xf32, #tpu.memory_space<vmem>>, vector<16xf32>,
        %mul3A_415 = arith.constant 8 : i32
        %mul3A_416 = arith.muli %scan3A_179, %mul3A_415 : i32
        %add3A_417 = arith.constant 5 : i32
        %add3A_418 = arith.addi %mul3A_416, %add3A_417 : i32
        %get3A_419 = arith.constant 2 : i32
        %get3A_420 = arith.index_cast %get3A_419 : i32 to index
        %get3A_421 = arith.index_cast %add3A_418 : i32 to index
        %get3A_422 = arith.constant 0 : index
        %get3A_423 = tpu.vector_load %arg9[%get3A_420, %get3A_421, %get3A_422] {strides = array<i32>} : memref<3x128x64xbf16, #tpu.memory_space<vmem>>, vector<32xbf16>,
        %bitcast3A_424 = vector.bitcast %get3A_423 : vector<32xbf16> to vector<16xi32>
        %shift_left3A_425 = arith.constant 16 : i32
        %shift_left3A_426 = vector.broadcast %shift_left3A_425 : i32 to vector<16xi32>
        %shift_left3A_427 = arith.shli %bitcast3A_424, %shift_left3A_426 : vector<16xi32>
        %bitcast3A_428 = vector.bitcast %shift_left3A_427 : vector<16xi32> to vector<16xf32>
        %swap3A_429 = arith.constant 2 : i32
        %swap3A_430 = arith.index_cast %swap3A_429 : i32 to index
        %swap3A_431 = arith.index_cast %add3A_418 : i32 to index
        %swap3A_432 = arith.constant 0 : index
        %swap3A_433 = tpu.vector_load %arg10[%swap3A_430, %swap3A_431, %swap3A_432] {strides = array<i32>} : memref<3x128x64xf32, #tpu.memory_space<vmem>>, vector<16xf32>,
        tpu.vector_store %arg10[%swap3A_430, %swap3A_431, %swap3A_432], %bitcast3A_428 {strides = array<i32>} : memref<3x128x64xf32, #tpu.memory_space<vmem>>, vector<16xf32>,
        %and3A_434 = arith.andi %bitcast3A_424, %broadcast_in_dim3A_3 : vector<16xi32>
        %bitcast3A_435 = vector.bitcast %and3A_434 : vector<16xi32> to vector<16xf32>
        %swap3A_436 = arith.constant 2 : i32
        %swap3A_437 = arith.index_cast %swap3A_436 : i32 to index
        %swap3A_438 = arith.index_cast %add3A_418 : i32 to index
        %swap3A_439 = arith.constant 16 : index
        %swap3A_440 = tpu.vector_load %arg10[%swap3A_437, %swap3A_438, %swap3A_439] {strides = array<i32>} : memref<3x128x64xf32, #tpu.memory_space<vmem>>, vector<16xf32>,
        tpu.vector_store %arg10[%swap3A_437, %swap3A_438, %swap3A_439], %bitcast3A_435 {strides = array<i32>} : memref<3x128x64xf32, #tpu.memory_space<vmem>>, vector<16xf32>,
        %get3A_441 = arith.constant 2 : i32
        %get3A_442 = arith.index_cast %get3A_441 : i32 to index
        %get3A_443 = arith.index_cast %add3A_418 : i32 to index
        %get3A_444 = arith.constant 32 : index
        %get3A_445 = tpu.vector_load %arg9[%get3A_442, %get3A_443, %get3A_444] {strides = array<i32>} : memref<3x128x64xbf16, #tpu.memory_space<vmem>>, vector<32xbf16>,
        %bitcast3A_446 = vector.bitcast %get3A_445 : vector<32xbf16> to vector<16xi32>
        %shift_left3A_447 = arith.constant 16 : i32
        %shift_left3A_448 = vector.broadcast %shift_left3A_447 : i32 to vector<16xi32>
        %shift_left3A_449 = arith.shli %bitcast3A_446, %shift_left3A_448 : vector<16xi32>
        %bitcast3A_450 = vector.bitcast %shift_left3A_449 : vector<16xi32> to vector<16xf32>
        %swap3A_451 = arith.constant 2 : i32
        %swap3A_452 = arith.index_cast %swap3A_451 : i32 to index
        %swap3A_453 = arith.index_cast %add3A_418 : i32 to index
        %swap3A_454 = arith.constant 32 : index
        %swap3A_455 = tpu.vector_load %arg10[%swap3A_452, %swap3A_453, %swap3A_454] {strides = array<i32>} : memref<3x128x64xf32, #tpu.memory_space<vmem>>, vector<16xf32>,
        tpu.vector_store %arg10[%swap3A_452, %swap3A_453, %swap3A_454], %bitcast3A_450 {strides = array<i32>} : memref<3x128x64xf32, #tpu.memory_space<vmem>>, vector<16xf32>,
        %and3A_456 = arith.andi %bitcast3A_446, %broadcast_in_dim3A_3 : vector<16xi32>
        %bitcast3A_457 = vector.bitcast %and3A_456 : vector<16xi32> to vector<16xf32>
        %swap3A_458 = arith.constant 2 : i32
        %swap3A_459 = arith.index_cast %swap3A_458 : i32 to index
        %swap3A_460 = arith.index_cast %add3A_418 : i32 to index
        %swap3A_461 = arith.constant 48 : index
        %swap3A_462 = tpu.vector_load %arg10[%swap3A_459, %swap3A_460, %swap3A_461] {strides = array<i32>} : memref<3x128x64xf32, #tpu.memory_space<vmem>>, vector<16xf32>,
        tpu.vector_store %arg10[%swap3A_459, %swap3A_460, %swap3A_461], %bitcast3A_457 {strides = array<i32>} : memref<3x128x64xf32, #tpu.memory_space<vmem>>, vector<16xf32>,
        %mul3A_463 = arith.constant 8 : i32
        %mul3A_464 = arith.muli %scan3A_179, %mul3A_463 : i32
        %add3A_465 = arith.constant 6 : i32
        %add3A_466 = arith.addi %mul3A_464, %add3A_465 : i32
        %get3A_467 = arith.constant 2 : i32
        %get3A_468 = arith.index_cast %get3A_467 : i32 to index
        %get3A_469 = arith.index_cast %add3A_466 : i32 to index
        %get3A_470 = arith.constant 0 : index
        %get3A_471 = tpu.vector_load %arg9[%get3A_468, %get3A_469, %get3A_470] {strides = array<i32>} : memref<3x128x64xbf16, #tpu.memory_space<vmem>>, vector<32xbf16>,
        %bitcast3A_472 = vector.bitcast %get3A_471 : vector<32xbf16> to vector<16xi32>
        %shift_left3A_473 = arith.constant 16 : i32
        %shift_left3A_474 = vector.broadcast %shift_left3A_473 : i32 to vector<16xi32>
        %shift_left3A_475 = arith.shli %bitcast3A_472, %shift_left3A_474 : vector<16xi32>
        %bitcast3A_476 = vector.bitcast %shift_left3A_475 : vector<16xi32> to vector<16xf32>
        %swap3A_477 = arith.constant 2 : i32
        %swap3A_478 = arith.index_cast %swap3A_477 : i32 to index
        %swap3A_479 = arith.index_cast %add3A_466 : i32 to index
        %swap3A_480 = arith.constant 0 : index
        %swap3A_481 = tpu.vector_load %arg10[%swap3A_478, %swap3A_479, %swap3A_480] {strides = array<i32>} : memref<3x128x64xf32, #tpu.memory_space<vmem>>, vector<16xf32>,
        tpu.vector_store %arg10[%swap3A_478, %swap3A_479, %swap3A_480], %bitcast3A_476 {strides = array<i32>} : memref<3x128x64xf32, #tpu.memory_space<vmem>>, vector<16xf32>,
        %and3A_482 = arith.andi %bitcast3A_472, %broadcast_in_dim3A_3 : vector<16xi32>
        %bitcast3A_483 = vector.bitcast %and3A_482 : vector<16xi32> to vector<16xf32>
        %swap3A_484 = arith.constant 2 : i32
        %swap3A_485 = arith.index_cast %swap3A_484 : i32 to index
        %swap3A_486 = arith.index_cast %add3A_466 : i32 to index
        %swap3A_487 = arith.constant 16 : index
        %swap3A_488 = tpu.vector_load %arg10[%swap3A_485, %swap3A_486, %swap3A_487] {strides = array<i32>} : memref<3x128x64xf32, #tpu.memory_space<vmem>>, vector<16xf32>,
        tpu.vector_store %arg10[%swap3A_485, %swap3A_486, %swap3A_487], %bitcast3A_483 {strides = array<i32>} : memref<3x128x64xf32, #tpu.memory_space<vmem>>, vector<16xf32>,
        %get3A_489 = arith.constant 2 : i32
        %get3A_490 = arith.index_cast %get3A_489 : i32 to index
        %get3A_491 = arith.index_cast %add3A_466 : i32 to index
        %get3A_492 = arith.constant 32 : index
        %get3A_493 = tpu.vector_load %arg9[%get3A_490, %get3A_491, %get3A_492] {strides = array<i32>} : memref<3x128x64xbf16, #tpu.memory_space<vmem>>, vector<32xbf16>,
        %bitcast3A_494 = vector.bitcast %get3A_493 : vector<32xbf16> to vector<16xi32>
        %shift_left3A_495 = arith.constant 16 : i32
        %shift_left3A_496 = vector.broadcast %shift_left3A_495 : i32 to vector<16xi32>
        %shift_left3A_497 = arith.shli %bitcast3A_494, %shift_left3A_496 : vector<16xi32>
        %bitcast3A_498 = vector.bitcast %shift_left3A_497 : vector<16xi32> to vector<16xf32>
        %swap3A_499 = arith.constant 2 : i32
        %swap3A_500 = arith.index_cast %swap3A_499 : i32 to index
        %swap3A_501 = arith.index_cast %add3A_466 : i32 to index
        %swap3A_502 = arith.constant 32 : index
        %swap3A_503 = tpu.vector_load %arg10[%swap3A_500, %swap3A_501, %swap3A_502] {strides = array<i32>} : memref<3x128x64xf32, #tpu.memory_space<vmem>>, vector<16xf32>,
        tpu.vector_store %arg10[%swap3A_500, %swap3A_501, %swap3A_502], %bitcast3A_498 {strides = array<i32>} : memref<3x128x64xf32, #tpu.memory_space<vmem>>, vector<16xf32>,
        %and3A_504 = arith.andi %bitcast3A_494, %broadcast_in_dim3A_3 : vector<16xi32>
        %bitcast3A_505 = vector.bitcast %and3A_504 : vector<16xi32> to vector<16xf32>
        %swap3A_506 = arith.constant 2 : i32
        %swap3A_507 = arith.index_cast %swap3A_506 : i32 to index
        %swap3A_508 = arith.index_cast %add3A_466 : i32 to index
        %swap3A_509 = arith.constant 48 : index
        %swap3A_510 = tpu.vector_load %arg10[%swap3A_507, %swap3A_508, %swap3A_509] {strides = array<i32>} : memref<3x128x64xf32, #tpu.memory_space<vmem>>, vector<16xf32>,
        tpu.vector_store %arg10[%swap3A_507, %swap3A_508, %swap3A_509], %bitcast3A_505 {strides = array<i32>} : memref<3x128x64xf32, #tpu.memory_space<vmem>>, vector<16xf32>,
        %mul3A_511 = arith.constant 8 : i32
        %mul3A_512 = arith.muli %scan3A_179, %mul3A_511 : i32
        %add3A_513 = arith.constant 7 : i32
        %add3A_514 = arith.addi %mul3A_512, %add3A_513 : i32
        %get3A_515 = arith.constant 2 : i32
        %get3A_516 = arith.index_cast %get3A_515 : i32 to index
        %get3A_517 = arith.index_cast %add3A_514 : i32 to index
        %get3A_518 = arith.constant 0 : index
        %get3A_519 = tpu.vector_load %arg9[%get3A_516, %get3A_517, %get3A_518] {strides = array<i32>} : memref<3x128x64xbf16, #tpu.memory_space<vmem>>, vector<32xbf16>,
        %bitcast3A_520 = vector.bitcast %get3A_519 : vector<32xbf16> to vector<16xi32>
        %shift_left3A_521 = arith.constant 16 : i32
        %shift_left3A_522 = vector.broadcast %shift_left3A_521 : i32 to vector<16xi32>
        %shift_left3A_523 = arith.shli %bitcast3A_520, %shift_left3A_522 : vector<16xi32>
        %bitcast3A_524 = vector.bitcast %shift_left3A_523 : vector<16xi32> to vector<16xf32>
        %swap3A_525 = arith.constant 2 : i32
        %swap3A_526 = arith.index_cast %swap3A_525 : i32 to index
        %swap3A_527 = arith.index_cast %add3A_514 : i32 to index
        %swap3A_528 = arith.constant 0 : index
        %swap3A_529 = tpu.vector_load %arg10[%swap3A_526, %swap3A_527, %swap3A_528] {strides = array<i32>} : memref<3x128x64xf32, #tpu.memory_space<vmem>>, vector<16xf32>,
        tpu.vector_store %arg10[%swap3A_526, %swap3A_527, %swap3A_528], %bitcast3A_524 {strides = array<i32>} : memref<3x128x64xf32, #tpu.memory_space<vmem>>, vector<16xf32>,
        %and3A_530 = arith.andi %bitcast3A_520, %broadcast_in_dim3A_3 : vector<16xi32>
        %bitcast3A_531 = vector.bitcast %and3A_530 : vector<16xi32> to vector<16xf32>
        %swap3A_532 = arith.constant 2 : i32
        %swap3A_533 = arith.index_cast %swap3A_532 : i32 to index
        %swap3A_534 = arith.index_cast %add3A_514 : i32 to index
        %swap3A_535 = arith.constant 16 : index
        %swap3A_536 = tpu.vector_load %arg10[%swap3A_533, %swap3A_534, %swap3A_535] {strides = array<i32>} : memref<3x128x64xf32, #tpu.memory_space<vmem>>, vector<16xf32>,
        tpu.vector_store %arg10[%swap3A_533, %swap3A_534, %swap3A_535], %bitcast3A_531 {strides = array<i32>} : memref<3x128x64xf32, #tpu.memory_space<vmem>>, vector<16xf32>,
        %get3A_537 = arith.constant 2 : i32
        %get3A_538 = arith.index_cast %get3A_537 : i32 to index
        %get3A_539 = arith.index_cast %add3A_514 : i32 to index
        %get3A_540 = arith.constant 32 : index
        %get3A_541 = tpu.vector_load %arg9[%get3A_538, %get3A_539, %get3A_540] {strides = array<i32>} : memref<3x128x64xbf16, #tpu.memory_space<vmem>>, vector<32xbf16>,
        %bitcast3A_542 = vector.bitcast %get3A_541 : vector<32xbf16> to vector<16xi32>
        %shift_left3A_543 = arith.constant 16 : i32
        %shift_left3A_544 = vector.broadcast %shift_left3A_543 : i32 to vector<16xi32>
        %shift_left3A_545 = arith.shli %bitcast3A_542, %shift_left3A_544 : vector<16xi32>
        %bitcast3A_546 = vector.bitcast %shift_left3A_545 : vector<16xi32> to vector<16xf32>
        %swap3A_547 = arith.constant 2 : i32
        %swap3A_548 = arith.index_cast %swap3A_547 : i32 to index
        %swap3A_549 = arith.index_cast %add3A_514 : i32 to index
        %swap3A_550 = arith.constant 32 : index
        %swap3A_551 = tpu.vector_load %arg10[%swap3A_548, %swap3A_549, %swap3A_550] {strides = array<i32>} : memref<3x128x64xf32, #tpu.memory_space<vmem>>, vector<16xf32>,
        tpu.vector_store %arg10[%swap3A_548, %swap3A_549, %swap3A_550], %bitcast3A_546 {strides = array<i32>} : memref<3x128x64xf32, #tpu.memory_space<vmem>>, vector<16xf32>,
        %and3A_552 = arith.andi %bitcast3A_542, %broadcast_in_dim3A_3 : vector<16xi32>
        %bitcast3A_553 = vector.bitcast %and3A_552 : vector<16xi32> to vector<16xf32>
        %swap3A_554 = arith.constant 2 : i32
        %swap3A_555 = arith.index_cast %swap3A_554 : i32 to index
        %swap3A_556 = arith.index_cast %add3A_514 : i32 to index
        %swap3A_557 = arith.constant 48 : index
        %swap3A_558 = tpu.vector_load %arg10[%swap3A_555, %swap3A_556, %swap3A_557] {strides = array<i32>} : memref<3x128x64xf32, #tpu.memory_space<vmem>>, vector<16xf32>,
        tpu.vector_store %arg10[%swap3A_555, %swap3A_556, %swap3A_557], %bitcast3A_553 {strides = array<i32>} : memref<3x128x64xf32, #tpu.memory_space<vmem>>, vector<16xf32>,
      }
      %scan3A_167 = arith.constant 16 : i32
      %dma_start3A_168 = arith.constant 2 : i32
      %dma_start3A_169 = arith.constant 0 : i32
      %dma_start3A_170 = arith.constant 0 : i32
      %dma_start3A_171 = tpu.memref_slice %arg10[%dma_start3A_168, %dma_start3A_169, %dma_start3A_170] : memref<3x128x64xf32, #tpu.memory_space<vmem>> -> memref<1x128x64xf32, #tpu.memory_space<vmem>>
      %dma_start3A_172 = tpu.memref_squeeze %dma_start3A_171 : memref<1x128x64xf32, #tpu.memory_space<vmem>> -> memref<128x64xf32, #tpu.memory_space<vmem>>
      %dma_start3A_173 = arith.constant 0 : i32
      %dma_start3A_174 = tpu.memref_slice %arg8[%add3A_137, %dma_start3A_173] : memref<159x128xi32, #tpu.memory_space<vmem>> -> memref<1x128xi32, #tpu.memory_space<vmem>>
      %dma_start3A_175 = tpu.memref_squeeze %dma_start3A_174 : memref<1x128xi32, #tpu.memory_space<vmem>> -> memref<128xi32, #tpu.memory_space<vmem>>
      %dma_start3A_176 = arith.constant 0 : i32
      %dma_start3A_177 = arith.constant 0 : i32
      %dma_start3A_178 = tpu.memref_slice %arg11[%dma_start3A_176, %dma_start3A_177] : memref<10240x64xf32, #tpu.memory_space<vmem_shared>> -> memref<10240x64xf32, #tpu.memory_space<vmem_shared>>
      tpu.enqueue_indirect_dma source(%dma_start3A_172 : memref<128x64xf32, #tpu.memory_space<vmem>>) target(%dma_start3A_178 : memref<10240x64xf32, #tpu.memory_space<vmem_shared>>) offsets(%dma_start3A_175 : memref<128xi32, #tpu.memory_space<vmem>>) semaphore(%arg13 : memref<!tpu.dma_semaphore, #tpu.memory_space<semaphore_mem>>) {add = true}
    }
    %scan3A_19 = arith.constant 53 : i32
    %dma_wait3A = arith.constant 1 : i32
    %dma_wait3A_20 = arith.constant 0 : i32
    %dma_wait3A_21 = arith.constant 0 : i32
    %dma_wait3A_22 = arith.constant 0 : i32
    %dma_wait3A_23 = tpu.memref_slice %arg10[%dma_wait3A, %dma_wait3A_21, %dma_wait3A_22] : memref<3x128x64xf32, #tpu.memory_space<vmem>> -> memref<1x128x64xf32, #tpu.memory_space<vmem>>
    %dma_wait3A_24 = tpu.memref_squeeze %dma_wait3A_23 : memref<1x128x64xf32, #tpu.memory_space<vmem>> -> memref<128x64xf32, #tpu.memory_space<vmem>>
    %dma_wait3A_25 = arith.constant 0 : i32
    %dma_wait3A_26 = tpu.memref_slice %arg8[%dma_wait3A_20, %dma_wait3A_25] : memref<159x128xi32, #tpu.memory_space<vmem>> -> memref<1x128xi32, #tpu.memory_space<vmem>>
    %dma_wait3A_27 = tpu.memref_squeeze %dma_wait3A_26 : memref<1x128xi32, #tpu.memory_space<vmem>> -> memref<128xi32, #tpu.memory_space<vmem>>
    %dma_wait3A_28 = arith.constant 0 : i32
    %dma_wait3A_29 = arith.constant 0 : i32
    %dma_wait3A_30 = tpu.memref_slice %arg11[%dma_wait3A_28, %dma_wait3A_29] : memref<10240x64xf32, #tpu.memory_space<vmem_shared>> -> memref<10240x64xf32, #tpu.memory_space<vmem_shared>>
    tpu.wait_indirect_dma semaphore(%arg13 : memref<!tpu.dma_semaphore, #tpu.memory_space<semaphore_mem>>) src(%dma_wait3A_24 : memref<128x64xf32, #tpu.memory_space<vmem>>) dst(%dma_wait3A_30 : memref<10240x64xf32, #tpu.memory_space<vmem_shared>>)
    %dma_wait3A_31 = arith.constant 2 : i32
    %dma_wait3A_32 = arith.constant 0 : i32
    %dma_wait3A_33 = arith.constant 0 : i32
    %dma_wait3A_34 = arith.constant 0 : i32
    %dma_wait3A_35 = tpu.memref_slice %arg10[%dma_wait3A_31, %dma_wait3A_33, %dma_wait3A_34] : memref<3x128x64xf32, #tpu.memory_space<vmem>> -> memref<1x128x64xf32, #tpu.memory_space<vmem>>
    %dma_wait3A_36 = tpu.memref_squeeze %dma_wait3A_35 : memref<1x128x64xf32, #tpu.memory_space<vmem>> -> memref<128x64xf32, #tpu.memory_space<vmem>>
    %dma_wait3A_37 = arith.constant 0 : i32
    %dma_wait3A_38 = tpu.memref_slice %arg8[%dma_wait3A_32, %dma_wait3A_37] : memref<159x128xi32, #tpu.memory_space<vmem>> -> memref<1x128xi32, #tpu.memory_space<vmem>>
    %dma_wait3A_39 = tpu.memref_squeeze %dma_wait3A_38 : memref<1x128xi32, #tpu.memory_space<vmem>> -> memref<128xi32, #tpu.memory_space<vmem>>
    %dma_wait3A_40 = arith.constant 0 : i32
    %dma_wait3A_41 = arith.constant 0 : i32
    %dma_wait3A_42 = tpu.memref_slice %arg11[%dma_wait3A_40, %dma_wait3A_41] : memref<10240x64xf32, #tpu.memory_space<vmem_shared>> -> memref<10240x64xf32, #tpu.memory_space<vmem_shared>>
    tpu.wait_indirect_dma semaphore(%arg13 : memref<!tpu.dma_semaphore, #tpu.memory_space<semaphore_mem>>) src(%dma_wait3A_36 : memref<128x64xf32, #tpu.memory_space<vmem>>) dst(%dma_wait3A_42 : memref<10240x64xf32, #tpu.memory_space<vmem_shared>>)
    %barrier3A_43 = arith.constant 0 : index
    tpu.barrier barrier_id(%barrier3A_43)
    %mul3A_44 = arith.constant 640 : i32
    %mul3A_45 = arith.muli %arg1, %mul3A_44 : i32
    %mul3A_46 = arith.constant 640 : i32
    %mul3A_47 = arith.muli %arg1, %mul3A_46 : i32
    "tpu.region"() ({
      %run_scoped3A = tpu.sem_alloc : memref<!tpu.dma_semaphore, #tpu.memory_space<semaphore_mem>>
      %dma_start3A_48 = arith.constant 0 : i32
      %dma_start3A_49 = tpu.memref_slice %arg6[%arg0, %mul3A_47, %dma_start3A_48] : memref<2x10240x64xf32, #tpu.memory_space<hbm>> -> memref<1x640x64xf32, #tpu.memory_space<hbm>>
      %dma_start3A_50 = tpu.memref_squeeze %dma_start3A_49 : memref<1x640x64xf32, #tpu.memory_space<hbm>> -> memref<640x64xf32, #tpu.memory_space<hbm>>
      %dma_start3A_51 = arith.constant 0 : i32
      %dma_start3A_52 = tpu.memref_slice %arg11[%mul3A_45, %dma_start3A_51] : memref<10240x64xf32, #tpu.memory_space<vmem_shared>> -> memref<640x64xf32, #tpu.memory_space<vmem_shared>>
      tpu.enqueue_dma source(%dma_start3A_52 : memref<640x64xf32, #tpu.memory_space<vmem_shared>>) target(%dma_start3A_50 : memref<640x64xf32, #tpu.memory_space<hbm>>) target_semaphore(%run_scoped3A : memref<!tpu.dma_semaphore, #tpu.memory_space<semaphore_mem>>)
      %dma_wait3A_53 = arith.constant 0 : i32
      %dma_wait3A_54 = tpu.memref_slice %arg6[%arg0, %mul3A_47, %dma_wait3A_53] : memref<2x10240x64xf32, #tpu.memory_space<hbm>> -> memref<1x640x64xf32, #tpu.memory_space<hbm>>
      %dma_wait3A_55 = tpu.memref_squeeze %dma_wait3A_54 : memref<1x640x64xf32, #tpu.memory_space<hbm>> -> memref<640x64xf32, #tpu.memory_space<hbm>>
      %dma_wait3A_56 = arith.constant 0 : i32
      %dma_wait3A_57 = tpu.memref_slice %arg11[%mul3A_45, %dma_wait3A_56] : memref<10240x64xf32, #tpu.memory_space<vmem_shared>> -> memref<640x64xf32, #tpu.memory_space<vmem_shared>>
      tpu.wait_dma2 semaphore(%run_scoped3A : memref<!tpu.dma_semaphore, #tpu.memory_space<semaphore_mem>>) src(%dma_wait3A_57 : memref<640x64xf32, #tpu.memory_space<vmem_shared>>) dst(%dma_wait3A_55 : memref<640x64xf32, #tpu.memory_space<hbm>>)
      tpu.yield
    }) : () -> ()
    return
  }
}

#map = affine_map<(d0, d1) -> (0, 0, 0)>
#map1 = affine_map<(d0, d1) -> (0)>
module attributes {stable_mosaic.version = 14 : i64} {
  func.func @_deg_body(%arg0: i32, %arg1: i32, %arg2: memref<16x159x128xi32, #tpu.memory_space<hbm>>, %arg3: memref<10240xf32, #tpu.memory_space<hbm>>, %arg4: memref<2x1x10240xf32, #tpu.memory_space<hbm>>, %arg5: memref<159x128xi32, #tpu.memory_space<vmem>>, %arg6: memref<128xf32, #tpu.memory_space<vmem>>, %arg7: memref<10240xf32, #tpu.memory_space<vmem_shared>>, %arg8: memref<!tpu.dma_semaphore, #tpu.memory_space<semaphore_mem>>) attributes {dimension_semantics = [#tpu.dimension_semantics<core_parallel>, #tpu.dimension_semantics<subcore_parallel>], iteration_bounds = array<i64: 2, 16>, scalar_prefetch = 0 : i64, scratch_operands = 4 : i64, tpu.core_type = #tpu.core_type<sc_vector_subcore>, window_params = [{transform_indices = #map}, {transform_indices = #map1}, {transform_indices = #map}]} {
    "tpu.region"() ({
      %run_scoped3A_60 = tpu.sem_alloc : memref<!tpu.dma_semaphore, #tpu.memory_space<semaphore_mem>>
      %dma_start3A = arith.constant 0 : i32
      %dma_start3A_61 = arith.constant 0 : i32
      %dma_start3A_62 = tpu.memref_slice %arg2[%arg1, %dma_start3A, %dma_start3A_61] : memref<16x159x128xi32, #tpu.memory_space<hbm>> -> memref<1x159x128xi32, #tpu.memory_space<hbm>>
      %dma_start3A_63 = tpu.memref_squeeze %dma_start3A_62 : memref<1x159x128xi32, #tpu.memory_space<hbm>> -> memref<159x128xi32, #tpu.memory_space<hbm>>
      %dma_start3A_64 = arith.constant 0 : i32
      %dma_start3A_65 = arith.constant 0 : i32
      %dma_start3A_66 = tpu.memref_slice %arg2[%arg1, %dma_start3A_64, %dma_start3A_65] : memref<16x159x128xi32, #tpu.memory_space<hbm>> -> memref<1x159x128xi32, #tpu.memory_space<hbm>>
      %dma_start3A_67 = tpu.memref_squeeze %dma_start3A_66 : memref<1x159x128xi32, #tpu.memory_space<hbm>> -> memref<159x128xi32, #tpu.memory_space<hbm>>
      tpu.enqueue_dma source(%dma_start3A_67 : memref<159x128xi32, #tpu.memory_space<hbm>>) target(%arg5 : memref<159x128xi32, #tpu.memory_space<vmem>>) target_semaphore(%run_scoped3A_60 : memref<!tpu.dma_semaphore, #tpu.memory_space<semaphore_mem>>)
      %dma_wait3A = arith.constant 0 : i32
      %dma_wait3A_68 = arith.constant 0 : i32
      %dma_wait3A_69 = tpu.memref_slice %arg2[%arg1, %dma_wait3A, %dma_wait3A_68] : memref<16x159x128xi32, #tpu.memory_space<hbm>> -> memref<1x159x128xi32, #tpu.memory_space<hbm>>
      %dma_wait3A_70 = tpu.memref_squeeze %dma_wait3A_69 : memref<1x159x128xi32, #tpu.memory_space<hbm>> -> memref<159x128xi32, #tpu.memory_space<hbm>>
      %dma_wait3A_71 = arith.constant 0 : i32
      %dma_wait3A_72 = arith.constant 0 : i32
      %dma_wait3A_73 = tpu.memref_slice %arg2[%arg1, %dma_wait3A_71, %dma_wait3A_72] : memref<16x159x128xi32, #tpu.memory_space<hbm>> -> memref<1x159x128xi32, #tpu.memory_space<hbm>>
      %dma_wait3A_74 = tpu.memref_squeeze %dma_wait3A_73 : memref<1x159x128xi32, #tpu.memory_space<hbm>> -> memref<159x128xi32, #tpu.memory_space<hbm>>
      tpu.wait_dma2 semaphore(%run_scoped3A_60 : memref<!tpu.dma_semaphore, #tpu.memory_space<semaphore_mem>>) src(%dma_wait3A_74 : memref<159x128xi32, #tpu.memory_space<hbm>>) dst(%arg5 : memref<159x128xi32, #tpu.memory_space<vmem>>)
      tpu.yield
    }) : () -> ()
    %broadcast_in_dim3A = arith.constant 1.000000e+00 : f32
    %broadcast_in_dim3A_0 = vector.broadcast %broadcast_in_dim3A : f32 to vector<16xf32>
    %swap3A = arith.constant 0 : index
    %swap3A_1 = tpu.vector_load %arg6[%swap3A] {strides = array<i32>} : memref<128xf32, #tpu.memory_space<vmem>>, vector<16xf32>,
    tpu.vector_store %arg6[%swap3A], %broadcast_in_dim3A_0 {strides = array<i32>} : memref<128xf32, #tpu.memory_space<vmem>>, vector<16xf32>,
    %broadcast_in_dim3A_2 = arith.constant 1.000000e+00 : f32
    %broadcast_in_dim3A_3 = vector.broadcast %broadcast_in_dim3A_2 : f32 to vector<16xf32>
    %swap3A_4 = arith.constant 16 : index
    %swap3A_5 = tpu.vector_load %arg6[%swap3A_4] {strides = array<i32>} : memref<128xf32, #tpu.memory_space<vmem>>, vector<16xf32>,
    tpu.vector_store %arg6[%swap3A_4], %broadcast_in_dim3A_3 {strides = array<i32>} : memref<128xf32, #tpu.memory_space<vmem>>, vector<16xf32>,
    %broadcast_in_dim3A_6 = arith.constant 1.000000e+00 : f32
    %broadcast_in_dim3A_7 = vector.broadcast %broadcast_in_dim3A_6 : f32 to vector<16xf32>
    %swap3A_8 = arith.constant 32 : index
    %swap3A_9 = tpu.vector_load %arg6[%swap3A_8] {strides = array<i32>} : memref<128xf32, #tpu.memory_space<vmem>>, vector<16xf32>,
    tpu.vector_store %arg6[%swap3A_8], %broadcast_in_dim3A_7 {strides = array<i32>} : memref<128xf32, #tpu.memory_space<vmem>>, vector<16xf32>,
    %broadcast_in_dim3A_10 = arith.constant 1.000000e+00 : f32
    %broadcast_in_dim3A_11 = vector.broadcast %broadcast_in_dim3A_10 : f32 to vector<16xf32>
    %swap3A_12 = arith.constant 48 : index
    %swap3A_13 = tpu.vector_load %arg6[%swap3A_12] {strides = array<i32>} : memref<128xf32, #tpu.memory_space<vmem>>, vector<16xf32>,
    tpu.vector_store %arg6[%swap3A_12], %broadcast_in_dim3A_11 {strides = array<i32>} : memref<128xf32, #tpu.memory_space<vmem>>, vector<16xf32>,
    %broadcast_in_dim3A_14 = arith.constant 1.000000e+00 : f32
    %broadcast_in_dim3A_15 = vector.broadcast %broadcast_in_dim3A_14 : f32 to vector<16xf32>
    %swap3A_16 = arith.constant 64 : index
    %swap3A_17 = tpu.vector_load %arg6[%swap3A_16] {strides = array<i32>} : memref<128xf32, #tpu.memory_space<vmem>>, vector<16xf32>,
    tpu.vector_store %arg6[%swap3A_16], %broadcast_in_dim3A_15 {strides = array<i32>} : memref<128xf32, #tpu.memory_space<vmem>>, vector<16xf32>,
    %broadcast_in_dim3A_18 = arith.constant 1.000000e+00 : f32
    %broadcast_in_dim3A_19 = vector.broadcast %broadcast_in_dim3A_18 : f32 to vector<16xf32>
    %swap3A_20 = arith.constant 80 : index
    %swap3A_21 = tpu.vector_load %arg6[%swap3A_20] {strides = array<i32>} : memref<128xf32, #tpu.memory_space<vmem>>, vector<16xf32>,
    tpu.vector_store %arg6[%swap3A_20], %broadcast_in_dim3A_19 {strides = array<i32>} : memref<128xf32, #tpu.memory_space<vmem>>, vector<16xf32>,
    %broadcast_in_dim3A_22 = arith.constant 1.000000e+00 : f32
    %broadcast_in_dim3A_23 = vector.broadcast %broadcast_in_dim3A_22 : f32 to vector<16xf32>
    %swap3A_24 = arith.constant 96 : index
    %swap3A_25 = tpu.vector_load %arg6[%swap3A_24] {strides = array<i32>} : memref<128xf32, #tpu.memory_space<vmem>>, vector<16xf32>,
    tpu.vector_store %arg6[%swap3A_24], %broadcast_in_dim3A_23 {strides = array<i32>} : memref<128xf32, #tpu.memory_space<vmem>>, vector<16xf32>,
    %broadcast_in_dim3A_26 = arith.constant 1.000000e+00 : f32
    %broadcast_in_dim3A_27 = vector.broadcast %broadcast_in_dim3A_26 : f32 to vector<16xf32>
    %swap3A_28 = arith.constant 112 : index
    %swap3A_29 = tpu.vector_load %arg6[%swap3A_28] {strides = array<i32>} : memref<128xf32, #tpu.memory_space<vmem>>, vector<16xf32>,
    tpu.vector_store %arg6[%swap3A_28], %broadcast_in_dim3A_27 {strides = array<i32>} : memref<128xf32, #tpu.memory_space<vmem>>, vector<16xf32>,
    %mul3A = arith.constant 640 : i32
    %mul3A_30 = arith.muli %arg1, %mul3A : i32
    %mul3A_31 = arith.constant 640 : i32
    %mul3A_32 = arith.muli %arg1, %mul3A_31 : i32
    "tpu.region"() ({
      %run_scoped3A_60 = tpu.sem_alloc : memref<!tpu.dma_semaphore, #tpu.memory_space<semaphore_mem>>
      %dma_start3A = tpu.memref_slice %arg7[%mul3A_32] : memref<10240xf32, #tpu.memory_space<vmem_shared>> -> memref<640xf32, #tpu.memory_space<vmem_shared>>
      %dma_start3A_61 = tpu.memref_slice %arg3[%mul3A_30] : memref<10240xf32, #tpu.memory_space<hbm>> -> memref<640xf32, #tpu.memory_space<hbm>>
      tpu.enqueue_dma source(%dma_start3A_61 : memref<640xf32, #tpu.memory_space<hbm>>) target(%dma_start3A : memref<640xf32, #tpu.memory_space<vmem_shared>>) target_semaphore(%run_scoped3A_60 : memref<!tpu.dma_semaphore, #tpu.memory_space<semaphore_mem>>)
      %dma_wait3A = tpu.memref_slice %arg7[%mul3A_32] : memref<10240xf32, #tpu.memory_space<vmem_shared>> -> memref<640xf32, #tpu.memory_space<vmem_shared>>
      %dma_wait3A_62 = tpu.memref_slice %arg3[%mul3A_30] : memref<10240xf32, #tpu.memory_space<hbm>> -> memref<640xf32, #tpu.memory_space<hbm>>
      tpu.wait_dma2 semaphore(%run_scoped3A_60 : memref<!tpu.dma_semaphore, #tpu.memory_space<semaphore_mem>>) src(%dma_wait3A_62 : memref<640xf32, #tpu.memory_space<hbm>>) dst(%dma_wait3A : memref<640xf32, #tpu.memory_space<vmem_shared>>)
      tpu.yield
    }) : () -> ()
    %barrier3A = arith.constant 0 : index
    tpu.barrier barrier_id(%barrier3A)
    %mul3A_33 = arith.constant 80 : i32
    %mul3A_34 = arith.muli %arg0, %mul3A_33 : i32
    %sub3A = arith.constant 80 : i32
    %sub3A_35 = arith.subi %sub3A, %arg0 : i32
    %while3A = arith.constant 0 : i32
    %while3A_36 = arith.constant 0 : i32
    %while3A_37 = arith.subi %sub3A_35, %while3A_36 : i32
    %while3A_38 = arith.addi %while3A_36, %while3A_37 : i32
    %while3A_39 = arith.constant 1 : i32
    %while3A_40 = arith.divsi %while3A_37, %while3A_39 : i32
    %while3A_41 = arith.muli %while3A_40, %while3A_39 : i32
    %while3A_42 = arith.addi %while3A_36, %while3A_41 : i32
    %while3A_43 = arith.constant 1 : i32
    scf.for %while3A_60 = %while3A_36 to %while3A_42 step %while3A_43  : i32 {
      %add3A = arith.addi %mul3A_34, %while3A_60 : i32
      %dma_start3A = arith.constant 0 : i32
      %dma_start3A_61 = tpu.memref_slice %arg5[%add3A, %dma_start3A] : memref<159x128xi32, #tpu.memory_space<vmem>> -> memref<1x128xi32, #tpu.memory_space<vmem>>
      %dma_start3A_62 = tpu.memref_squeeze %dma_start3A_61 : memref<1x128xi32, #tpu.memory_space<vmem>> -> memref<128xi32, #tpu.memory_space<vmem>>
      %dma_start3A_63 = arith.constant 0 : i32
      %dma_start3A_64 = tpu.memref_slice %arg7[%dma_start3A_63] : memref<10240xf32, #tpu.memory_space<vmem_shared>> -> memref<10240xf32, #tpu.memory_space<vmem_shared>>
      tpu.enqueue_indirect_dma source(%arg6 : memref<128xf32, #tpu.memory_space<vmem>>) target(%dma_start3A_64 : memref<10240xf32, #tpu.memory_space<vmem_shared>>) offsets(%dma_start3A_62 : memref<128xi32, #tpu.memory_space<vmem>>) semaphore(%arg8 : memref<!tpu.dma_semaphore, #tpu.memory_space<semaphore_mem>>) {add = true}
    }
    %while3A_44 = arith.constant 1 : i32
    scf.for %while3A_60 = %while3A_42 to %while3A_38 step %while3A_44  : i32 {
      %add3A = arith.addi %mul3A_34, %while3A_60 : i32
      %dma_start3A = arith.constant 0 : i32
      %dma_start3A_61 = tpu.memref_slice %arg5[%add3A, %dma_start3A] : memref<159x128xi32, #tpu.memory_space<vmem>> -> memref<1x128xi32, #tpu.memory_space<vmem>>
      %dma_start3A_62 = tpu.memref_squeeze %dma_start3A_61 : memref<1x128xi32, #tpu.memory_space<vmem>> -> memref<128xi32, #tpu.memory_space<vmem>>
      %dma_start3A_63 = arith.constant 0 : i32
      %dma_start3A_64 = tpu.memref_slice %arg7[%dma_start3A_63] : memref<10240xf32, #tpu.memory_space<vmem_shared>> -> memref<10240xf32, #tpu.memory_space<vmem_shared>>
      tpu.enqueue_indirect_dma source(%arg6 : memref<128xf32, #tpu.memory_space<vmem>>) target(%dma_start3A_64 : memref<10240xf32, #tpu.memory_space<vmem_shared>>) offsets(%dma_start3A_62 : memref<128xi32, #tpu.memory_space<vmem>>) semaphore(%arg8 : memref<!tpu.dma_semaphore, #tpu.memory_space<semaphore_mem>>) {add = true}
    }
    %while3A_45 = arith.constant 0 : i32
    %while3A_46 = arith.constant 0 : i32
    %while3A_47 = arith.subi %sub3A_35, %while3A_46 : i32
    %while3A_48 = arith.addi %while3A_46, %while3A_47 : i32
    %while3A_49 = arith.constant 1 : i32
    %while3A_50 = arith.divsi %while3A_47, %while3A_49 : i32
    %while3A_51 = arith.muli %while3A_50, %while3A_49 : i32
    %while3A_52 = arith.addi %while3A_46, %while3A_51 : i32
    %while3A_53 = arith.constant 1 : i32
    scf.for %while3A_60 = %while3A_46 to %while3A_52 step %while3A_53  : i32 {
      %dma_wait3A = arith.constant 0 : i32
      %dma_wait3A_61 = arith.constant 0 : i32
      %dma_wait3A_62 = tpu.memref_slice %arg5[%dma_wait3A, %dma_wait3A_61] : memref<159x128xi32, #tpu.memory_space<vmem>> -> memref<1x128xi32, #tpu.memory_space<vmem>>
      %dma_wait3A_63 = tpu.memref_squeeze %dma_wait3A_62 : memref<1x128xi32, #tpu.memory_space<vmem>> -> memref<128xi32, #tpu.memory_space<vmem>>
      %dma_wait3A_64 = arith.constant 0 : i32
      %dma_wait3A_65 = tpu.memref_slice %arg7[%dma_wait3A_64] : memref<10240xf32, #tpu.memory_space<vmem_shared>> -> memref<10240xf32, #tpu.memory_space<vmem_shared>>
      tpu.wait_indirect_dma semaphore(%arg8 : memref<!tpu.dma_semaphore, #tpu.memory_space<semaphore_mem>>) src(%arg6 : memref<128xf32, #tpu.memory_space<vmem>>) dst(%dma_wait3A_65 : memref<10240xf32, #tpu.memory_space<vmem_shared>>)
    }
    %while3A_54 = arith.constant 1 : i32
    scf.for %while3A_60 = %while3A_52 to %while3A_48 step %while3A_54  : i32 {
      %dma_wait3A = arith.constant 0 : i32
      %dma_wait3A_61 = arith.constant 0 : i32
      %dma_wait3A_62 = tpu.memref_slice %arg5[%dma_wait3A, %dma_wait3A_61] : memref<159x128xi32, #tpu.memory_space<vmem>> -> memref<1x128xi32, #tpu.memory_space<vmem>>
      %dma_wait3A_63 = tpu.memref_squeeze %dma_wait3A_62 : memref<1x128xi32, #tpu.memory_space<vmem>> -> memref<128xi32, #tpu.memory_space<vmem>>
      %dma_wait3A_64 = arith.constant 0 : i32
      %dma_wait3A_65 = tpu.memref_slice %arg7[%dma_wait3A_64] : memref<10240xf32, #tpu.memory_space<vmem_shared>> -> memref<10240xf32, #tpu.memory_space<vmem_shared>>
      tpu.wait_indirect_dma semaphore(%arg8 : memref<!tpu.dma_semaphore, #tpu.memory_space<semaphore_mem>>) src(%arg6 : memref<128xf32, #tpu.memory_space<vmem>>) dst(%dma_wait3A_65 : memref<10240xf32, #tpu.memory_space<vmem_shared>>)
    }
    %barrier3A_55 = arith.constant 0 : index
    tpu.barrier barrier_id(%barrier3A_55)
    %mul3A_56 = arith.constant 640 : i32
    %mul3A_57 = arith.muli %arg1, %mul3A_56 : i32
    %mul3A_58 = arith.constant 640 : i32
    %mul3A_59 = arith.muli %arg1, %mul3A_58 : i32
    %run_scoped3A = arith.constant 0 : i32
    "tpu.region"() ({
      %run_scoped3A_60 = tpu.sem_alloc : memref<!tpu.dma_semaphore, #tpu.memory_space<semaphore_mem>>
      %dma_start3A = tpu.memref_slice %arg4[%arg0, %run_scoped3A, %mul3A_59] : memref<2x1x10240xf32, #tpu.memory_space<hbm>> -> memref<1x1x640xf32, #tpu.memory_space<hbm>>
      %dma_start3A_61 = tpu.memref_squeeze %dma_start3A : memref<1x1x640xf32, #tpu.memory_space<hbm>> -> memref<640xf32, #tpu.memory_space<hbm>>
      %dma_start3A_62 = tpu.memref_slice %arg7[%mul3A_57] : memref<10240xf32, #tpu.memory_space<vmem_shared>> -> memref<640xf32, #tpu.memory_space<vmem_shared>>
      tpu.enqueue_dma source(%dma_start3A_62 : memref<640xf32, #tpu.memory_space<vmem_shared>>) target(%dma_start3A_61 : memref<640xf32, #tpu.memory_space<hbm>>) target_semaphore(%run_scoped3A_60 : memref<!tpu.dma_semaphore, #tpu.memory_space<semaphore_mem>>)
      %dma_wait3A = tpu.memref_slice %arg4[%arg0, %run_scoped3A, %mul3A_59] : memref<2x1x10240xf32, #tpu.memory_space<hbm>> -> memref<1x1x640xf32, #tpu.memory_space<hbm>>
      %dma_wait3A_63 = tpu.memref_squeeze %dma_wait3A : memref<1x1x640xf32, #tpu.memory_space<hbm>> -> memref<640xf32, #tpu.memory_space<hbm>>
      %dma_wait3A_64 = tpu.memref_slice %arg7[%mul3A_57] : memref<10240xf32, #tpu.memory_space<vmem_shared>> -> memref<640xf32, #tpu.memory_space<vmem_shared>>
      tpu.wait_dma2 semaphore(%run_scoped3A_60 : memref<!tpu.dma_semaphore, #tpu.memory_space<semaphore_mem>>) src(%dma_wait3A_64 : memref<640xf32, #tpu.memory_space<vmem_shared>>) dst(%dma_wait3A_63 : memref<640xf32, #tpu.memory_space<hbm>>)
      tpu.yield
    }) : () -> ()
    return
  }
}

#map = affine_map<(d0, d1) -> (0, 0)>
#map1 = affine_map<(d0, d1) -> (0, 0, 0, 0)>
#map2 = affine_map<(d0, d1) -> (0, 0, 0)>
module attributes {stable_mosaic.version = 14 : i64} {
  func.func @_mp_body(%arg0: i32, %arg1: i32, %arg2: memref<20000x64xbf16, #tpu.memory_space<hbm>>, %arg3: memref<2x16x159x128xi32, #tpu.memory_space<hbm>>, %arg4: memref<16x159x128xi32, #tpu.memory_space<hbm>>, %arg5: memref<10240x64xf32, #tpu.memory_space<hbm>>, %arg6: memref<2x10240x64xf32, #tpu.memory_space<hbm>>, %arg7: memref<159x128xi32, #tpu.memory_space<vmem>>, %arg8: memref<159x128xi32, #tpu.memory_space<vmem>>, %arg9: memref<3x128x64xbf16, #tpu.memory_space<vmem>>, %arg10: memref<3x128x64xf32, #tpu.memory_space<vmem>>, %arg11: memref<10240x64xf32, #tpu.memory_space<vmem_shared>>, %arg12: memref<!tpu.dma_semaphore, #tpu.memory_space<semaphore_mem>>, %arg13: memref<!tpu.dma_semaphore, #tpu.memory_space<semaphore_mem>>) attributes {dimension_semantics = [#tpu.dimension_semantics<core_parallel>, #tpu.dimension_semantics<subcore_parallel>], iteration_bounds = array<i64: 2, 16>, scalar_prefetch = 0 : i64, scratch_operands = 7 : i64, tpu.core_type = #tpu.core_type<sc_vector_subcore>, window_params = [{transform_indices = #map}, {transform_indices = #map1}, {transform_indices = #map2}, {transform_indices = #map}, {transform_indices = #map2}]} {
    "tpu.region"() ({
      %run_scoped3A = tpu.sem_alloc : memref<!tpu.dma_semaphore, #tpu.memory_space<semaphore_mem>>
      %dma_start3A_48 = arith.constant 0 : i32
      %dma_start3A_49 = arith.constant 0 : i32
      %dma_start3A_50 = tpu.memref_slice %arg3[%arg0, %arg1, %dma_start3A_48, %dma_start3A_49] : memref<2x16x159x128xi32, #tpu.memory_space<hbm>> -> memref<1x1x159x128xi32, #tpu.memory_space<hbm>>
      %dma_start3A_51 = tpu.memref_squeeze %dma_start3A_50 : memref<1x1x159x128xi32, #tpu.memory_space<hbm>> -> memref<159x128xi32, #tpu.memory_space<hbm>>
      %dma_start3A_52 = arith.constant 0 : i32
      %dma_start3A_53 = arith.constant 0 : i32
      %dma_start3A_54 = tpu.memref_slice %arg3[%arg0, %arg1, %dma_start3A_52, %dma_start3A_53] : memref<2x16x159x128xi32, #tpu.memory_space<hbm>> -> memref<1x1x159x128xi32, #tpu.memory_space<hbm>>
      %dma_start3A_55 = tpu.memref_squeeze %dma_start3A_54 : memref<1x1x159x128xi32, #tpu.memory_space<hbm>> -> memref<159x128xi32, #tpu.memory_space<hbm>>
      tpu.enqueue_dma source(%dma_start3A_55 : memref<159x128xi32, #tpu.memory_space<hbm>>) target(%arg7 : memref<159x128xi32, #tpu.memory_space<vmem>>) target_semaphore(%run_scoped3A : memref<!tpu.dma_semaphore, #tpu.memory_space<semaphore_mem>>)
      %dma_wait3A_56 = arith.constant 0 : i32
      %dma_wait3A_57 = arith.constant 0 : i32
      %dma_wait3A_58 = tpu.memref_slice %arg3[%arg0, %arg1, %dma_wait3A_56, %dma_wait3A_57] : memref<2x16x159x128xi32, #tpu.memory_space<hbm>> -> memref<1x1x159x128xi32, #tpu.memory_space<hbm>>
      %dma_wait3A_59 = tpu.memref_squeeze %dma_wait3A_58 : memref<1x1x159x128xi32, #tpu.memory_space<hbm>> -> memref<159x128xi32, #tpu.memory_space<hbm>>
      %dma_wait3A_60 = arith.constant 0 : i32
      %dma_wait3A_61 = arith.constant 0 : i32
      %dma_wait3A_62 = tpu.memref_slice %arg3[%arg0, %arg1, %dma_wait3A_60, %dma_wait3A_61] : memref<2x16x159x128xi32, #tpu.memory_space<hbm>> -> memref<1x1x159x128xi32, #tpu.memory_space<hbm>>
      %dma_wait3A_63 = tpu.memref_squeeze %dma_wait3A_62 : memref<1x1x159x128xi32, #tpu.memory_space<hbm>> -> memref<159x128xi32, #tpu.memory_space<hbm>>
      tpu.wait_dma2 semaphore(%run_scoped3A : memref<!tpu.dma_semaphore, #tpu.memory_space<semaphore_mem>>) src(%dma_wait3A_63 : memref<159x128xi32, #tpu.memory_space<hbm>>) dst(%arg7 : memref<159x128xi32, #tpu.memory_space<vmem>>)
      tpu.yield
    }) : () -> ()
    "tpu.region"() ({
      %run_scoped3A = tpu.sem_alloc : memref<!tpu.dma_semaphore, #tpu.memory_space<semaphore_mem>>
      %dma_start3A_48 = arith.constant 0 : i32
      %dma_start3A_49 = arith.constant 0 : i32
      %dma_start3A_50 = tpu.memref_slice %arg4[%arg1, %dma_start3A_48, %dma_start3A_49] : memref<16x159x128xi32, #tpu.memory_space<hbm>> -> memref<1x159x128xi32, #tpu.memory_space<hbm>>
      %dma_start3A_51 = tpu.memref_squeeze %dma_start3A_50 : memref<1x159x128xi32, #tpu.memory_space<hbm>> -> memref<159x128xi32, #tpu.memory_space<hbm>>
      %dma_start3A_52 = arith.constant 0 : i32
      %dma_start3A_53 = arith.constant 0 : i32
      %dma_start3A_54 = tpu.memref_slice %arg4[%arg1, %dma_start3A_52, %dma_start3A_53] : memref<16x159x128xi32, #tpu.memory_space<hbm>> -> memref<1x159x128xi32, #tpu.memory_space<hbm>>
      %dma_start3A_55 = tpu.memref_squeeze %dma_start3A_54 : memref<1x159x128xi32, #tpu.memory_space<hbm>> -> memref<159x128xi32, #tpu.memory_space<hbm>>
      tpu.enqueue_dma source(%dma_start3A_55 : memref<159x128xi32, #tpu.memory_space<hbm>>) target(%arg8 : memref<159x128xi32, #tpu.memory_space<vmem>>) target_semaphore(%run_scoped3A : memref<!tpu.dma_semaphore, #tpu.memory_space<semaphore_mem>>)
      %dma_wait3A_56 = arith.constant 0 : i32
      %dma_wait3A_57 = arith.constant 0 : i32
      %dma_wait3A_58 = tpu.memref_slice %arg4[%arg1, %dma_wait3A_56, %dma_wait3A_57] : memref<16x159x128xi32, #tpu.memory_space<hbm>> -> memref<1x159x128xi32, #tpu.memory_space<hbm>>
      %dma_wait3A_59 = tpu.memref_squeeze %dma_wait3A_58 : memref<1x159x128xi32, #tpu.memory_space<hbm>> -> memref<159x128xi32, #tpu.memory_space<hbm>>
      %dma_wait3A_60 = arith.constant 0 : i32
      %dma_wait3A_61 = arith.constant 0 : i32
      %dma_wait3A_62 = tpu.memref_slice %arg4[%arg1, %dma_wait3A_60, %dma_wait3A_61] : memref<16x159x128xi32, #tpu.memory_space<hbm>> -> memref<1x159x128xi32, #tpu.memory_space<hbm>>
      %dma_wait3A_63 = tpu.memref_squeeze %dma_wait3A_62 : memref<1x159x128xi32, #tpu.memory_space<hbm>> -> memref<159x128xi32, #tpu.memory_space<hbm>>
      tpu.wait_dma2 semaphore(%run_scoped3A : memref<!tpu.dma_semaphore, #tpu.memory_space<semaphore_mem>>) src(%dma_wait3A_63 : memref<159x128xi32, #tpu.memory_space<hbm>>) dst(%arg8 : memref<159x128xi32, #tpu.memory_space<vmem>>)
      tpu.yield
    }) : () -> ()
    %mul3A = arith.constant 640 : i32
    %mul3A_0 = arith.muli %arg1, %mul3A : i32
    %mul3A_1 = arith.constant 640 : i32
    %mul3A_2 = arith.muli %arg1, %mul3A_1 : i32
    "tpu.region"() ({
      %run_scoped3A = tpu.sem_alloc : memref<!tpu.dma_semaphore, #tpu.memory_space<semaphore_mem>>
      %dma_start3A_48 = arith.constant 0 : i32
      %dma_start3A_49 = tpu.memref_slice %arg11[%mul3A_2, %dma_start3A_48] : memref<10240x64xf32, #tpu.memory_space<vmem_shared>> -> memref<640x64xf32, #tpu.memory_space<vmem_shared>>
      %dma_start3A_50 = arith.constant 0 : i32
      %dma_start3A_51 = tpu.memref_slice %arg5[%mul3A_0, %dma_start3A_50] : memref<10240x64xf32, #tpu.memory_space<hbm>> -> memref<640x64xf32, #tpu.memory_space<hbm>>
      tpu.enqueue_dma source(%dma_start3A_51 : memref<640x64xf32, #tpu.memory_space<hbm>>) target(%dma_start3A_49 : memref<640x64xf32, #tpu.memory_space<vmem_shared>>) target_semaphore(%run_scoped3A : memref<!tpu.dma_semaphore, #tpu.memory_space<semaphore_mem>>)
      %dma_wait3A_52 = arith.constant 0 : i32
      %dma_wait3A_53 = tpu.memref_slice %arg11[%mul3A_2, %dma_wait3A_52] : memref<10240x64xf32, #tpu.memory_space<vmem_shared>> -> memref<640x64xf32, #tpu.memory_space<vmem_shared>>
      %dma_wait3A_54 = arith.constant 0 : i32
      %dma_wait3A_55 = tpu.memref_slice %arg5[%mul3A_0, %dma_wait3A_54] : memref<10240x64xf32, #tpu.memory_space<hbm>> -> memref<640x64xf32, #tpu.memory_space<hbm>>
      tpu.wait_dma2 semaphore(%run_scoped3A : memref<!tpu.dma_semaphore, #tpu.memory_space<semaphore_mem>>) src(%dma_wait3A_55 : memref<640x64xf32, #tpu.memory_space<hbm>>) dst(%dma_wait3A_53 : memref<640x64xf32, #tpu.memory_space<vmem_shared>>)
      tpu.yield
    }) : () -> ()
    %barrier3A = arith.constant 0 : index
    tpu.barrier barrier_id(%barrier3A)
    %broadcast_in_dim3A = arith.constant -65536 : i32
    %broadcast_in_dim3A_3 = vector.broadcast %broadcast_in_dim3A : i32 to vector<16xi32>
    %dma_start3A = arith.constant 0 : i32
    %dma_start3A_4 = arith.constant 0 : i32
    %dma_start3A_5 = arith.constant 0 : i32
    %dma_start3A_6 = arith.constant 0 : i32
    %dma_start3A_7 = tpu.memref_slice %arg9[%dma_start3A_4, %dma_start3A_5, %dma_start3A_6] : memref<3x128x64xbf16, #tpu.memory_space<vmem>> -> memref<1x128x64xbf16, #tpu.memory_space<vmem>>
    %dma_start3A_8 = tpu.memref_squeeze %dma_start3A_7 : memref<1x128x64xbf16, #tpu.memory_space<vmem>> -> memref<128x64xbf16, #tpu.memory_space<vmem>>
    %dma_start3A_9 = arith.constant 0 : i32
    %dma_start3A_10 = tpu.memref_slice %arg7[%dma_start3A, %dma_start3A_9] : memref<159x128xi32, #tpu.memory_space<vmem>> -> memref<1x128xi32, #tpu.memory_space<vmem>>
    %dma_start3A_11 = tpu.memref_squeeze %dma_start3A_10 : memref<1x128xi32, #tpu.memory_space<vmem>> -> memref<128xi32, #tpu.memory_space<vmem>>
    %dma_start3A_12 = arith.constant 0 : i32
    %dma_start3A_13 = arith.constant 0 : i32
    %dma_start3A_14 = tpu.memref_slice %arg2[%dma_start3A_12, %dma_start3A_13] : memref<20000x64xbf16, #tpu.memory_space<hbm>> -> memref<20000x64xbf16, #tpu.memory_space<hbm>>
    tpu.enqueue_indirect_dma source(%dma_start3A_14 : memref<20000x64xbf16, #tpu.memory_space<hbm>>) target(%dma_start3A_8 : memref<128x64xbf16, #tpu.memory_space<vmem>>) offsets(%dma_start3A_11 : memref<128xi32, #tpu.memory_space<vmem>>) semaphore(%arg12 : memref<!tpu.dma_semaphore, #tpu.memory_space<semaphore_mem>>)
    %scan3A = arith.constant 0 : i32
    %scan3A_15 = arith.constant 0 : i32
    %scan3A_16 = arith.constant 53 : i32
    %scan3A_17 = arith.addi %scan3A_15, %scan3A_16 : i32
    %scan3A_18 = arith.constant 1 : i32
    scf.for %scan3A_48 = %scan3A_15 to %scan3A_17 step %scan3A_18  : i32 {
      %mul3A_49 = arith.constant 3 : i32
      %mul3A_50 = arith.muli %scan3A_48, %mul3A_49 : i32
      %add3A = arith.constant 0 : i32
      %add3A_51 = arith.addi %mul3A_50, %add3A : i32
      %dma_wait3A_52 = arith.constant 0 : i32
      %dma_wait3A_53 = arith.constant 0 : i32
      %dma_wait3A_54 = arith.constant 0 : i32
      %dma_wait3A_55 = arith.constant 0 : i32
      %dma_wait3A_56 = tpu.memref_slice %arg9[%dma_wait3A_53, %dma_wait3A_54, %dma_wait3A_55] : memref<3x128x64xbf16, #tpu.memory_space<vmem>> -> memref<1x128x64xbf16, #tpu.memory_space<vmem>>
      %dma_wait3A_57 = tpu.memref_squeeze %dma_wait3A_56 : memref<1x128x64xbf16, #tpu.memory_space<vmem>> -> memref<128x64xbf16, #tpu.memory_space<vmem>>
      %dma_wait3A_58 = arith.constant 0 : i32
      %dma_wait3A_59 = tpu.memref_slice %arg7[%dma_wait3A_52, %dma_wait3A_58] : memref<159x128xi32, #tpu.memory_space<vmem>> -> memref<1x128xi32, #tpu.memory_space<vmem>>
      %dma_wait3A_60 = tpu.memref_squeeze %dma_wait3A_59 : memref<1x128xi32, #tpu.memory_space<vmem>> -> memref<128xi32, #tpu.memory_space<vmem>>
      %dma_wait3A_61 = arith.constant 0 : i32
      %dma_wait3A_62 = arith.constant 0 : i32
      %dma_wait3A_63 = tpu.memref_slice %arg2[%dma_wait3A_61, %dma_wait3A_62] : memref<20000x64xbf16, #tpu.memory_space<hbm>> -> memref<20000x64xbf16, #tpu.memory_space<hbm>>
      tpu.wait_indirect_dma semaphore(%arg12 : memref<!tpu.dma_semaphore, #tpu.memory_space<semaphore_mem>>) src(%dma_wait3A_63 : memref<20000x64xbf16, #tpu.memory_space<hbm>>) dst(%dma_wait3A_57 : memref<128x64xbf16, #tpu.memory_space<vmem>>)
      %ge3A = arith.constant 2 : i32
      %ge3A_64 = arith.cmpi sge, %add3A_51, %ge3A : i32
      %convert_element_type3A = arith.extui %ge3A_64 : i1 to i32
      %cond3A = arith.constant 0 : i32
      %cond3A_65 = arith.cmpi ne, %convert_element_type3A, %cond3A : i32
      scf.if %cond3A_65 {
        %dma_wait3A_179 = arith.constant 1 : i32
        %dma_wait3A_180 = arith.constant 0 : i32
        %dma_wait3A_181 = arith.constant 0 : i32
        %dma_wait3A_182 = arith.constant 0 : i32
        %dma_wait3A_183 = tpu.memref_slice %arg10[%dma_wait3A_179, %dma_wait3A_181, %dma_wait3A_182] : memref<3x128x64xf32, #tpu.memory_space<vmem>> -> memref<1x128x64xf32, #tpu.memory_space<vmem>>
        %dma_wait3A_184 = tpu.memref_squeeze %dma_wait3A_183 : memref<1x128x64xf32, #tpu.memory_space<vmem>> -> memref<128x64xf32, #tpu.memory_space<vmem>>
        %dma_wait3A_185 = arith.constant 0 : i32
        %dma_wait3A_186 = tpu.memref_slice %arg8[%dma_wait3A_180, %dma_wait3A_185] : memref<159x128xi32, #tpu.memory_space<vmem>> -> memref<1x128xi32, #tpu.memory_space<vmem>>
        %dma_wait3A_187 = tpu.memref_squeeze %dma_wait3A_186 : memref<1x128xi32, #tpu.memory_space<vmem>> -> memref<128xi32, #tpu.memory_space<vmem>>
        %dma_wait3A_188 = arith.constant 0 : i32
        %dma_wait3A_189 = arith.constant 0 : i32
        %dma_wait3A_190 = tpu.memref_slice %arg11[%dma_wait3A_188, %dma_wait3A_189] : memref<10240x64xf32, #tpu.memory_space<vmem_shared>> -> memref<10240x64xf32, #tpu.memory_space<vmem_shared>>
        tpu.wait_indirect_dma semaphore(%arg13 : memref<!tpu.dma_semaphore, #tpu.memory_space<semaphore_mem>>) src(%dma_wait3A_184 : memref<128x64xf32, #tpu.memory_space<vmem>>) dst(%dma_wait3A_190 : memref<10240x64xf32, #tpu.memory_space<vmem_shared>>)
      } else {
      }
      %add3A_66 = arith.constant 1 : i32
      %add3A_67 = arith.addi %add3A_51, %add3A_66 : i32
      %lt3A = arith.constant 159 : i32
      %lt3A_68 = arith.cmpi slt, %add3A_67, %lt3A : i32
      %convert_element_type3A_69 = arith.extui %lt3A_68 : i1 to i32
      %cond3A_70 = arith.constant 0 : i32
      %cond3A_71 = arith.cmpi ne, %convert_element_type3A_69, %cond3A_70 : i32
      scf.if %cond3A_71 {
        %add3A_179 = arith.constant 1 : i32
        %add3A_180 = arith.addi %add3A_51, %add3A_179 : i32
        %dma_start3A_181 = arith.constant 1 : i32
        %dma_start3A_182 = arith.constant 0 : i32
        %dma_start3A_183 = arith.constant 0 : i32
        %dma_start3A_184 = tpu.memref_slice %arg9[%dma_start3A_181, %dma_start3A_182, %dma_start3A_183] : memref<3x128x64xbf16, #tpu.memory_space<vmem>> -> memref<1x128x64xbf16, #tpu.memory_space<vmem>>
        %dma_start3A_185 = tpu.memref_squeeze %dma_start3A_184 : memref<1x128x64xbf16, #tpu.memory_space<vmem>> -> memref<128x64xbf16, #tpu.memory_space<vmem>>
        %dma_start3A_186 = arith.constant 0 : i32
        %dma_start3A_187 = tpu.memref_slice %arg7[%add3A_180, %dma_start3A_186] : memref<159x128xi32, #tpu.memory_space<vmem>> -> memref<1x128xi32, #tpu.memory_space<vmem>>
        %dma_start3A_188 = tpu.memref_squeeze %dma_start3A_187 : memref<1x128xi32, #tpu.memory_space<vmem>> -> memref<128xi32, #tpu.memory_space<vmem>>
        %dma_start3A_189 = arith.constant 0 : i32
        %dma_start3A_190 = arith.constant 0 : i32
        %dma_start3A_191 = tpu.memref_slice %arg2[%dma_start3A_189, %dma_start3A_190] : memref<20000x64xbf16, #tpu.memory_space<hbm>> -> memref<20000x64xbf16, #tpu.memory_space<hbm>>
        tpu.enqueue_indirect_dma source(%dma_start3A_191 : memref<20000x64xbf16, #tpu.memory_space<hbm>>) target(%dma_start3A_185 : memref<128x64xbf16, #tpu.memory_space<vmem>>) offsets(%dma_start3A_188 : memref<128xi32, #tpu.memory_space<vmem>>) semaphore(%arg12 : memref<!tpu.dma_semaphore, #tpu.memory_space<semaphore_mem>>)
      } else {
      }
      %scan3A_72 = arith.constant 0 : i32
      %scan3A_73 = arith.constant 0 : i32
      %scan3A_74 = arith.constant 16 : i32
      %scan3A_75 = arith.addi %scan3A_73, %scan3A_74 : i32
      %scan3A_76 = arith.constant 1 : i32
      scf.for %scan3A_179 = %scan3A_73 to %scan3A_75 step %scan3A_76  : i32 {
        %mul3A_180 = arith.constant 8 : i32
        %mul3A_181 = arith.muli %scan3A_179, %mul3A_180 : i32
        %add3A_182 = arith.constant 0 : i32
        %add3A_183 = arith.addi %mul3A_181, %add3A_182 : i32
        %get3A = arith.constant 0 : i32
        %get3A_184 = arith.index_cast %get3A : i32 to index
        %get3A_185 = arith.index_cast %add3A_183 : i32 to index
        %get3A_186 = arith.constant 0 : index
        %get3A_187 = tpu.vector_load %arg9[%get3A_184, %get3A_185, %get3A_186] {strides = array<i32>} : memref<3x128x64xbf16, #tpu.memory_space<vmem>>, vector<32xbf16>,
        %bitcast3A = vector.bitcast %get3A_187 : vector<32xbf16> to vector<16xi32>
        %shift_left3A = arith.constant 16 : i32
        %shift_left3A_188 = vector.broadcast %shift_left3A : i32 to vector<16xi32>
        %shift_left3A_189 = arith.shli %bitcast3A, %shift_left3A_188 : vector<16xi32>
        %bitcast3A_190 = vector.bitcast %shift_left3A_189 : vector<16xi32> to vector<16xf32>
        %swap3A = arith.constant 0 : i32
        %swap3A_191 = arith.index_cast %swap3A : i32 to index
        %swap3A_192 = arith.index_cast %add3A_183 : i32 to index
        %swap3A_193 = arith.constant 0 : index
        %swap3A_194 = tpu.vector_load %arg10[%swap3A_191, %swap3A_192, %swap3A_193] {strides = array<i32>} : memref<3x128x64xf32, #tpu.memory_space<vmem>>, vector<16xf32>,
        tpu.vector_store %arg10[%swap3A_191, %swap3A_192, %swap3A_193], %bitcast3A_190 {strides = array<i32>} : memref<3x128x64xf32, #tpu.memory_space<vmem>>, vector<16xf32>,
        %and3A = arith.andi %bitcast3A, %broadcast_in_dim3A_3 : vector<16xi32>
        %bitcast3A_195 = vector.bitcast %and3A : vector<16xi32> to vector<16xf32>
        %swap3A_196 = arith.constant 0 : i32
        %swap3A_197 = arith.index_cast %swap3A_196 : i32 to index
        %swap3A_198 = arith.index_cast %add3A_183 : i32 to index
        %swap3A_199 = arith.constant 16 : index
        %swap3A_200 = tpu.vector_load %arg10[%swap3A_197, %swap3A_198, %swap3A_199] {strides = array<i32>} : memref<3x128x64xf32, #tpu.memory_space<vmem>>, vector<16xf32>,
        tpu.vector_store %arg10[%swap3A_197, %swap3A_198, %swap3A_199], %bitcast3A_195 {strides = array<i32>} : memref<3x128x64xf32, #tpu.memory_space<vmem>>, vector<16xf32>,
        %get3A_201 = arith.constant 0 : i32
        %get3A_202 = arith.index_cast %get3A_201 : i32 to index
        %get3A_203 = arith.index_cast %add3A_183 : i32 to index
        %get3A_204 = arith.constant 32 : index
        %get3A_205 = tpu.vector_load %arg9[%get3A_202, %get3A_203, %get3A_204] {strides = array<i32>} : memref<3x128x64xbf16, #tpu.memory_space<vmem>>, vector<32xbf16>,
        %bitcast3A_206 = vector.bitcast %get3A_205 : vector<32xbf16> to vector<16xi32>
        %shift_left3A_207 = arith.constant 16 : i32
        %shift_left3A_208 = vector.broadcast %shift_left3A_207 : i32 to vector<16xi32>
        %shift_left3A_209 = arith.shli %bitcast3A_206, %shift_left3A_208 : vector<16xi32>
        %bitcast3A_210 = vector.bitcast %shift_left3A_209 : vector<16xi32> to vector<16xf32>
        %swap3A_211 = arith.constant 0 : i32
        %swap3A_212 = arith.index_cast %swap3A_211 : i32 to index
        %swap3A_213 = arith.index_cast %add3A_183 : i32 to index
        %swap3A_214 = arith.constant 32 : index
        %swap3A_215 = tpu.vector_load %arg10[%swap3A_212, %swap3A_213, %swap3A_214] {strides = array<i32>} : memref<3x128x64xf32, #tpu.memory_space<vmem>>, vector<16xf32>,
        tpu.vector_store %arg10[%swap3A_212, %swap3A_213, %swap3A_214], %bitcast3A_210 {strides = array<i32>} : memref<3x128x64xf32, #tpu.memory_space<vmem>>, vector<16xf32>,
        %and3A_216 = arith.andi %bitcast3A_206, %broadcast_in_dim3A_3 : vector<16xi32>
        %bitcast3A_217 = vector.bitcast %and3A_216 : vector<16xi32> to vector<16xf32>
        %swap3A_218 = arith.constant 0 : i32
        %swap3A_219 = arith.index_cast %swap3A_218 : i32 to index
        %swap3A_220 = arith.index_cast %add3A_183 : i32 to index
        %swap3A_221 = arith.constant 48 : index
        %swap3A_222 = tpu.vector_load %arg10[%swap3A_219, %swap3A_220, %swap3A_221] {strides = array<i32>} : memref<3x128x64xf32, #tpu.memory_space<vmem>>, vector<16xf32>,
        tpu.vector_store %arg10[%swap3A_219, %swap3A_220, %swap3A_221], %bitcast3A_217 {strides = array<i32>} : memref<3x128x64xf32, #tpu.memory_space<vmem>>, vector<16xf32>,
        %mul3A_223 = arith.constant 8 : i32
        %mul3A_224 = arith.muli %scan3A_179, %mul3A_223 : i32
        %add3A_225 = arith.constant 1 : i32
        %add3A_226 = arith.addi %mul3A_224, %add3A_225 : i32
        %get3A_227 = arith.constant 0 : i32
        %get3A_228 = arith.index_cast %get3A_227 : i32 to index
        %get3A_229 = arith.index_cast %add3A_226 : i32 to index
        %get3A_230 = arith.constant 0 : index
        %get3A_231 = tpu.vector_load %arg9[%get3A_228, %get3A_229, %get3A_230] {strides = array<i32>} : memref<3x128x64xbf16, #tpu.memory_space<vmem>>, vector<32xbf16>,
        %bitcast3A_232 = vector.bitcast %get3A_231 : vector<32xbf16> to vector<16xi32>
        %shift_left3A_233 = arith.constant 16 : i32
        %shift_left3A_234 = vector.broadcast %shift_left3A_233 : i32 to vector<16xi32>
        %shift_left3A_235 = arith.shli %bitcast3A_232, %shift_left3A_234 : vector<16xi32>
        %bitcast3A_236 = vector.bitcast %shift_left3A_235 : vector<16xi32> to vector<16xf32>
        %swap3A_237 = arith.constant 0 : i32
        %swap3A_238 = arith.index_cast %swap3A_237 : i32 to index
        %swap3A_239 = arith.index_cast %add3A_226 : i32 to index
        %swap3A_240 = arith.constant 0 : index
        %swap3A_241 = tpu.vector_load %arg10[%swap3A_238, %swap3A_239, %swap3A_240] {strides = array<i32>} : memref<3x128x64xf32, #tpu.memory_space<vmem>>, vector<16xf32>,
        tpu.vector_store %arg10[%swap3A_238, %swap3A_239, %swap3A_240], %bitcast3A_236 {strides = array<i32>} : memref<3x128x64xf32, #tpu.memory_space<vmem>>, vector<16xf32>,
        %and3A_242 = arith.andi %bitcast3A_232, %broadcast_in_dim3A_3 : vector<16xi32>
        %bitcast3A_243 = vector.bitcast %and3A_242 : vector<16xi32> to vector<16xf32>
        %swap3A_244 = arith.constant 0 : i32
        %swap3A_245 = arith.index_cast %swap3A_244 : i32 to index
        %swap3A_246 = arith.index_cast %add3A_226 : i32 to index
        %swap3A_247 = arith.constant 16 : index
        %swap3A_248 = tpu.vector_load %arg10[%swap3A_245, %swap3A_246, %swap3A_247] {strides = array<i32>} : memref<3x128x64xf32, #tpu.memory_space<vmem>>, vector<16xf32>,
        tpu.vector_store %arg10[%swap3A_245, %swap3A_246, %swap3A_247], %bitcast3A_243 {strides = array<i32>} : memref<3x128x64xf32, #tpu.memory_space<vmem>>, vector<16xf32>,
        %get3A_249 = arith.constant 0 : i32
        %get3A_250 = arith.index_cast %get3A_249 : i32 to index
        %get3A_251 = arith.index_cast %add3A_226 : i32 to index
        %get3A_252 = arith.constant 32 : index
        %get3A_253 = tpu.vector_load %arg9[%get3A_250, %get3A_251, %get3A_252] {strides = array<i32>} : memref<3x128x64xbf16, #tpu.memory_space<vmem>>, vector<32xbf16>,
        %bitcast3A_254 = vector.bitcast %get3A_253 : vector<32xbf16> to vector<16xi32>
        %shift_left3A_255 = arith.constant 16 : i32
        %shift_left3A_256 = vector.broadcast %shift_left3A_255 : i32 to vector<16xi32>
        %shift_left3A_257 = arith.shli %bitcast3A_254, %shift_left3A_256 : vector<16xi32>
        %bitcast3A_258 = vector.bitcast %shift_left3A_257 : vector<16xi32> to vector<16xf32>
        %swap3A_259 = arith.constant 0 : i32
        %swap3A_260 = arith.index_cast %swap3A_259 : i32 to index
        %swap3A_261 = arith.index_cast %add3A_226 : i32 to index
        %swap3A_262 = arith.constant 32 : index
        %swap3A_263 = tpu.vector_load %arg10[%swap3A_260, %swap3A_261, %swap3A_262] {strides = array<i32>} : memref<3x128x64xf32, #tpu.memory_space<vmem>>, vector<16xf32>,
        tpu.vector_store %arg10[%swap3A_260, %swap3A_261, %swap3A_262], %bitcast3A_258 {strides = array<i32>} : memref<3x128x64xf32, #tpu.memory_space<vmem>>, vector<16xf32>,
        %and3A_264 = arith.andi %bitcast3A_254, %broadcast_in_dim3A_3 : vector<16xi32>
        %bitcast3A_265 = vector.bitcast %and3A_264 : vector<16xi32> to vector<16xf32>
        %swap3A_266 = arith.constant 0 : i32
        %swap3A_267 = arith.index_cast %swap3A_266 : i32 to index
        %swap3A_268 = arith.index_cast %add3A_226 : i32 to index
        %swap3A_269 = arith.constant 48 : index
        %swap3A_270 = tpu.vector_load %arg10[%swap3A_267, %swap3A_268, %swap3A_269] {strides = array<i32>} : memref<3x128x64xf32, #tpu.memory_space<vmem>>, vector<16xf32>,
        tpu.vector_store %arg10[%swap3A_267, %swap3A_268, %swap3A_269], %bitcast3A_265 {strides = array<i32>} : memref<3x128x64xf32, #tpu.memory_space<vmem>>, vector<16xf32>,
        %mul3A_271 = arith.constant 8 : i32
        %mul3A_272 = arith.muli %scan3A_179, %mul3A_271 : i32
        %add3A_273 = arith.constant 2 : i32
        %add3A_274 = arith.addi %mul3A_272, %add3A_273 : i32
        %get3A_275 = arith.constant 0 : i32
        %get3A_276 = arith.index_cast %get3A_275 : i32 to index
        %get3A_277 = arith.index_cast %add3A_274 : i32 to index
        %get3A_278 = arith.constant 0 : index
        %get3A_279 = tpu.vector_load %arg9[%get3A_276, %get3A_277, %get3A_278] {strides = array<i32>} : memref<3x128x64xbf16, #tpu.memory_space<vmem>>, vector<32xbf16>,
        %bitcast3A_280 = vector.bitcast %get3A_279 : vector<32xbf16> to vector<16xi32>
        %shift_left3A_281 = arith.constant 16 : i32
        %shift_left3A_282 = vector.broadcast %shift_left3A_281 : i32 to vector<16xi32>
        %shift_left3A_283 = arith.shli %bitcast3A_280, %shift_left3A_282 : vector<16xi32>
        %bitcast3A_284 = vector.bitcast %shift_left3A_283 : vector<16xi32> to vector<16xf32>
        %swap3A_285 = arith.constant 0 : i32
        %swap3A_286 = arith.index_cast %swap3A_285 : i32 to index
        %swap3A_287 = arith.index_cast %add3A_274 : i32 to index
        %swap3A_288 = arith.constant 0 : index
        %swap3A_289 = tpu.vector_load %arg10[%swap3A_286, %swap3A_287, %swap3A_288] {strides = array<i32>} : memref<3x128x64xf32, #tpu.memory_space<vmem>>, vector<16xf32>,
        tpu.vector_store %arg10[%swap3A_286, %swap3A_287, %swap3A_288], %bitcast3A_284 {strides = array<i32>} : memref<3x128x64xf32, #tpu.memory_space<vmem>>, vector<16xf32>,
        %and3A_290 = arith.andi %bitcast3A_280, %broadcast_in_dim3A_3 : vector<16xi32>
        %bitcast3A_291 = vector.bitcast %and3A_290 : vector<16xi32> to vector<16xf32>
        %swap3A_292 = arith.constant 0 : i32
        %swap3A_293 = arith.index_cast %swap3A_292 : i32 to index
        %swap3A_294 = arith.index_cast %add3A_274 : i32 to index
        %swap3A_295 = arith.constant 16 : index
        %swap3A_296 = tpu.vector_load %arg10[%swap3A_293, %swap3A_294, %swap3A_295] {strides = array<i32>} : memref<3x128x64xf32, #tpu.memory_space<vmem>>, vector<16xf32>,
        tpu.vector_store %arg10[%swap3A_293, %swap3A_294, %swap3A_295], %bitcast3A_291 {strides = array<i32>} : memref<3x128x64xf32, #tpu.memory_space<vmem>>, vector<16xf32>,
        %get3A_297 = arith.constant 0 : i32
        %get3A_298 = arith.index_cast %get3A_297 : i32 to index
        %get3A_299 = arith.index_cast %add3A_274 : i32 to index
        %get3A_300 = arith.constant 32 : index
        %get3A_301 = tpu.vector_load %arg9[%get3A_298, %get3A_299, %get3A_300] {strides = array<i32>} : memref<3x128x64xbf16, #tpu.memory_space<vmem>>, vector<32xbf16>,
        %bitcast3A_302 = vector.bitcast %get3A_301 : vector<32xbf16> to vector<16xi32>
        %shift_left3A_303 = arith.constant 16 : i32
        %shift_left3A_304 = vector.broadcast %shift_left3A_303 : i32 to vector<16xi32>
        %shift_left3A_305 = arith.shli %bitcast3A_302, %shift_left3A_304 : vector<16xi32>
        %bitcast3A_306 = vector.bitcast %shift_left3A_305 : vector<16xi32> to vector<16xf32>
        %swap3A_307 = arith.constant 0 : i32
        %swap3A_308 = arith.index_cast %swap3A_307 : i32 to index
        %swap3A_309 = arith.index_cast %add3A_274 : i32 to index
        %swap3A_310 = arith.constant 32 : index
        %swap3A_311 = tpu.vector_load %arg10[%swap3A_308, %swap3A_309, %swap3A_310] {strides = array<i32>} : memref<3x128x64xf32, #tpu.memory_space<vmem>>, vector<16xf32>,
        tpu.vector_store %arg10[%swap3A_308, %swap3A_309, %swap3A_310], %bitcast3A_306 {strides = array<i32>} : memref<3x128x64xf32, #tpu.memory_space<vmem>>, vector<16xf32>,
        %and3A_312 = arith.andi %bitcast3A_302, %broadcast_in_dim3A_3 : vector<16xi32>
        %bitcast3A_313 = vector.bitcast %and3A_312 : vector<16xi32> to vector<16xf32>
        %swap3A_314 = arith.constant 0 : i32
        %swap3A_315 = arith.index_cast %swap3A_314 : i32 to index
        %swap3A_316 = arith.index_cast %add3A_274 : i32 to index
        %swap3A_317 = arith.constant 48 : index
        %swap3A_318 = tpu.vector_load %arg10[%swap3A_315, %swap3A_316, %swap3A_317] {strides = array<i32>} : memref<3x128x64xf32, #tpu.memory_space<vmem>>, vector<16xf32>,
        tpu.vector_store %arg10[%swap3A_315, %swap3A_316, %swap3A_317], %bitcast3A_313 {strides = array<i32>} : memref<3x128x64xf32, #tpu.memory_space<vmem>>, vector<16xf32>,
        %mul3A_319 = arith.constant 8 : i32
        %mul3A_320 = arith.muli %scan3A_179, %mul3A_319 : i32
        %add3A_321 = arith.constant 3 : i32
        %add3A_322 = arith.addi %mul3A_320, %add3A_321 : i32
        %get3A_323 = arith.constant 0 : i32
        %get3A_324 = arith.index_cast %get3A_323 : i32 to index
        %get3A_325 = arith.index_cast %add3A_322 : i32 to index
        %get3A_326 = arith.constant 0 : index
        %get3A_327 = tpu.vector_load %arg9[%get3A_324, %get3A_325, %get3A_326] {strides = array<i32>} : memref<3x128x64xbf16, #tpu.memory_space<vmem>>, vector<32xbf16>,
        %bitcast3A_328 = vector.bitcast %get3A_327 : vector<32xbf16> to vector<16xi32>
        %shift_left3A_329 = arith.constant 16 : i32
        %shift_left3A_330 = vector.broadcast %shift_left3A_329 : i32 to vector<16xi32>
        %shift_left3A_331 = arith.shli %bitcast3A_328, %shift_left3A_330 : vector<16xi32>
        %bitcast3A_332 = vector.bitcast %shift_left3A_331 : vector<16xi32> to vector<16xf32>
        %swap3A_333 = arith.constant 0 : i32
        %swap3A_334 = arith.index_cast %swap3A_333 : i32 to index
        %swap3A_335 = arith.index_cast %add3A_322 : i32 to index
        %swap3A_336 = arith.constant 0 : index
        %swap3A_337 = tpu.vector_load %arg10[%swap3A_334, %swap3A_335, %swap3A_336] {strides = array<i32>} : memref<3x128x64xf32, #tpu.memory_space<vmem>>, vector<16xf32>,
        tpu.vector_store %arg10[%swap3A_334, %swap3A_335, %swap3A_336], %bitcast3A_332 {strides = array<i32>} : memref<3x128x64xf32, #tpu.memory_space<vmem>>, vector<16xf32>,
        %and3A_338 = arith.andi %bitcast3A_328, %broadcast_in_dim3A_3 : vector<16xi32>
        %bitcast3A_339 = vector.bitcast %and3A_338 : vector<16xi32> to vector<16xf32>
        %swap3A_340 = arith.constant 0 : i32
        %swap3A_341 = arith.index_cast %swap3A_340 : i32 to index
        %swap3A_342 = arith.index_cast %add3A_322 : i32 to index
        %swap3A_343 = arith.constant 16 : index
        %swap3A_344 = tpu.vector_load %arg10[%swap3A_341, %swap3A_342, %swap3A_343] {strides = array<i32>} : memref<3x128x64xf32, #tpu.memory_space<vmem>>, vector<16xf32>,
        tpu.vector_store %arg10[%swap3A_341, %swap3A_342, %swap3A_343], %bitcast3A_339 {strides = array<i32>} : memref<3x128x64xf32, #tpu.memory_space<vmem>>, vector<16xf32>,
        %get3A_345 = arith.constant 0 : i32
        %get3A_346 = arith.index_cast %get3A_345 : i32 to index
        %get3A_347 = arith.index_cast %add3A_322 : i32 to index
        %get3A_348 = arith.constant 32 : index
        %get3A_349 = tpu.vector_load %arg9[%get3A_346, %get3A_347, %get3A_348] {strides = array<i32>} : memref<3x128x64xbf16, #tpu.memory_space<vmem>>, vector<32xbf16>,
        %bitcast3A_350 = vector.bitcast %get3A_349 : vector<32xbf16> to vector<16xi32>
        %shift_left3A_351 = arith.constant 16 : i32
        %shift_left3A_352 = vector.broadcast %shift_left3A_351 : i32 to vector<16xi32>
        %shift_left3A_353 = arith.shli %bitcast3A_350, %shift_left3A_352 : vector<16xi32>
        %bitcast3A_354 = vector.bitcast %shift_left3A_353 : vector<16xi32> to vector<16xf32>
        %swap3A_355 = arith.constant 0 : i32
        %swap3A_356 = arith.index_cast %swap3A_355 : i32 to index
        %swap3A_357 = arith.index_cast %add3A_322 : i32 to index
        %swap3A_358 = arith.constant 32 : index
        %swap3A_359 = tpu.vector_load %arg10[%swap3A_356, %swap3A_357, %swap3A_358] {strides = array<i32>} : memref<3x128x64xf32, #tpu.memory_space<vmem>>, vector<16xf32>,
        tpu.vector_store %arg10[%swap3A_356, %swap3A_357, %swap3A_358], %bitcast3A_354 {strides = array<i32>} : memref<3x128x64xf32, #tpu.memory_space<vmem>>, vector<16xf32>,
        %and3A_360 = arith.andi %bitcast3A_350, %broadcast_in_dim3A_3 : vector<16xi32>
        %bitcast3A_361 = vector.bitcast %and3A_360 : vector<16xi32> to vector<16xf32>
        %swap3A_362 = arith.constant 0 : i32
        %swap3A_363 = arith.index_cast %swap3A_362 : i32 to index
        %swap3A_364 = arith.index_cast %add3A_322 : i32 to index
        %swap3A_365 = arith.constant 48 : index
        %swap3A_366 = tpu.vector_load %arg10[%swap3A_363, %swap3A_364, %swap3A_365] {strides = array<i32>} : memref<3x128x64xf32, #tpu.memory_space<vmem>>, vector<16xf32>,
        tpu.vector_store %arg10[%swap3A_363, %swap3A_364, %swap3A_365], %bitcast3A_361 {strides = array<i32>} : memref<3x128x64xf32, #tpu.memory_space<vmem>>, vector<16xf32>,
        %mul3A_367 = arith.constant 8 : i32
        %mul3A_368 = arith.muli %scan3A_179, %mul3A_367 : i32
        %add3A_369 = arith.constant 4 : i32
        %add3A_370 = arith.addi %mul3A_368, %add3A_369 : i32
        %get3A_371 = arith.constant 0 : i32
        %get3A_372 = arith.index_cast %get3A_371 : i32 to index
        %get3A_373 = arith.index_cast %add3A_370 : i32 to index
        %get3A_374 = arith.constant 0 : index
        %get3A_375 = tpu.vector_load %arg9[%get3A_372, %get3A_373, %get3A_374] {strides = array<i32>} : memref<3x128x64xbf16, #tpu.memory_space<vmem>>, vector<32xbf16>,
        %bitcast3A_376 = vector.bitcast %get3A_375 : vector<32xbf16> to vector<16xi32>
        %shift_left3A_377 = arith.constant 16 : i32
        %shift_left3A_378 = vector.broadcast %shift_left3A_377 : i32 to vector<16xi32>
        %shift_left3A_379 = arith.shli %bitcast3A_376, %shift_left3A_378 : vector<16xi32>
        %bitcast3A_380 = vector.bitcast %shift_left3A_379 : vector<16xi32> to vector<16xf32>
        %swap3A_381 = arith.constant 0 : i32
        %swap3A_382 = arith.index_cast %swap3A_381 : i32 to index
        %swap3A_383 = arith.index_cast %add3A_370 : i32 to index
        %swap3A_384 = arith.constant 0 : index
        %swap3A_385 = tpu.vector_load %arg10[%swap3A_382, %swap3A_383, %swap3A_384] {strides = array<i32>} : memref<3x128x64xf32, #tpu.memory_space<vmem>>, vector<16xf32>,
        tpu.vector_store %arg10[%swap3A_382, %swap3A_383, %swap3A_384], %bitcast3A_380 {strides = array<i32>} : memref<3x128x64xf32, #tpu.memory_space<vmem>>, vector<16xf32>,
        %and3A_386 = arith.andi %bitcast3A_376, %broadcast_in_dim3A_3 : vector<16xi32>
        %bitcast3A_387 = vector.bitcast %and3A_386 : vector<16xi32> to vector<16xf32>
        %swap3A_388 = arith.constant 0 : i32
        %swap3A_389 = arith.index_cast %swap3A_388 : i32 to index
        %swap3A_390 = arith.index_cast %add3A_370 : i32 to index
        %swap3A_391 = arith.constant 16 : index
        %swap3A_392 = tpu.vector_load %arg10[%swap3A_389, %swap3A_390, %swap3A_391] {strides = array<i32>} : memref<3x128x64xf32, #tpu.memory_space<vmem>>, vector<16xf32>,
        tpu.vector_store %arg10[%swap3A_389, %swap3A_390, %swap3A_391], %bitcast3A_387 {strides = array<i32>} : memref<3x128x64xf32, #tpu.memory_space<vmem>>, vector<16xf32>,
        %get3A_393 = arith.constant 0 : i32
        %get3A_394 = arith.index_cast %get3A_393 : i32 to index
        %get3A_395 = arith.index_cast %add3A_370 : i32 to index
        %get3A_396 = arith.constant 32 : index
        %get3A_397 = tpu.vector_load %arg9[%get3A_394, %get3A_395, %get3A_396] {strides = array<i32>} : memref<3x128x64xbf16, #tpu.memory_space<vmem>>, vector<32xbf16>,
        %bitcast3A_398 = vector.bitcast %get3A_397 : vector<32xbf16> to vector<16xi32>
        %shift_left3A_399 = arith.constant 16 : i32
        %shift_left3A_400 = vector.broadcast %shift_left3A_399 : i32 to vector<16xi32>
        %shift_left3A_401 = arith.shli %bitcast3A_398, %shift_left3A_400 : vector<16xi32>
        %bitcast3A_402 = vector.bitcast %shift_left3A_401 : vector<16xi32> to vector<16xf32>
        %swap3A_403 = arith.constant 0 : i32
        %swap3A_404 = arith.index_cast %swap3A_403 : i32 to index
        %swap3A_405 = arith.index_cast %add3A_370 : i32 to index
        %swap3A_406 = arith.constant 32 : index
        %swap3A_407 = tpu.vector_load %arg10[%swap3A_404, %swap3A_405, %swap3A_406] {strides = array<i32>} : memref<3x128x64xf32, #tpu.memory_space<vmem>>, vector<16xf32>,
        tpu.vector_store %arg10[%swap3A_404, %swap3A_405, %swap3A_406], %bitcast3A_402 {strides = array<i32>} : memref<3x128x64xf32, #tpu.memory_space<vmem>>, vector<16xf32>,
        %and3A_408 = arith.andi %bitcast3A_398, %broadcast_in_dim3A_3 : vector<16xi32>
        %bitcast3A_409 = vector.bitcast %and3A_408 : vector<16xi32> to vector<16xf32>
        %swap3A_410 = arith.constant 0 : i32
        %swap3A_411 = arith.index_cast %swap3A_410 : i32 to index
        %swap3A_412 = arith.index_cast %add3A_370 : i32 to index
        %swap3A_413 = arith.constant 48 : index
        %swap3A_414 = tpu.vector_load %arg10[%swap3A_411, %swap3A_412, %swap3A_413] {strides = array<i32>} : memref<3x128x64xf32, #tpu.memory_space<vmem>>, vector<16xf32>,
        tpu.vector_store %arg10[%swap3A_411, %swap3A_412, %swap3A_413], %bitcast3A_409 {strides = array<i32>} : memref<3x128x64xf32, #tpu.memory_space<vmem>>, vector<16xf32>,
        %mul3A_415 = arith.constant 8 : i32
        %mul3A_416 = arith.muli %scan3A_179, %mul3A_415 : i32
        %add3A_417 = arith.constant 5 : i32
        %add3A_418 = arith.addi %mul3A_416, %add3A_417 : i32
        %get3A_419 = arith.constant 0 : i32
        %get3A_420 = arith.index_cast %get3A_419 : i32 to index
        %get3A_421 = arith.index_cast %add3A_418 : i32 to index
        %get3A_422 = arith.constant 0 : index
        %get3A_423 = tpu.vector_load %arg9[%get3A_420, %get3A_421, %get3A_422] {strides = array<i32>} : memref<3x128x64xbf16, #tpu.memory_space<vmem>>, vector<32xbf16>,
        %bitcast3A_424 = vector.bitcast %get3A_423 : vector<32xbf16> to vector<16xi32>
        %shift_left3A_425 = arith.constant 16 : i32
        %shift_left3A_426 = vector.broadcast %shift_left3A_425 : i32 to vector<16xi32>
        %shift_left3A_427 = arith.shli %bitcast3A_424, %shift_left3A_426 : vector<16xi32>
        %bitcast3A_428 = vector.bitcast %shift_left3A_427 : vector<16xi32> to vector<16xf32>
        %swap3A_429 = arith.constant 0 : i32
        %swap3A_430 = arith.index_cast %swap3A_429 : i32 to index
        %swap3A_431 = arith.index_cast %add3A_418 : i32 to index
        %swap3A_432 = arith.constant 0 : index
        %swap3A_433 = tpu.vector_load %arg10[%swap3A_430, %swap3A_431, %swap3A_432] {strides = array<i32>} : memref<3x128x64xf32, #tpu.memory_space<vmem>>, vector<16xf32>,
        tpu.vector_store %arg10[%swap3A_430, %swap3A_431, %swap3A_432], %bitcast3A_428 {strides = array<i32>} : memref<3x128x64xf32, #tpu.memory_space<vmem>>, vector<16xf32>,
        %and3A_434 = arith.andi %bitcast3A_424, %broadcast_in_dim3A_3 : vector<16xi32>
        %bitcast3A_435 = vector.bitcast %and3A_434 : vector<16xi32> to vector<16xf32>
        %swap3A_436 = arith.constant 0 : i32
        %swap3A_437 = arith.index_cast %swap3A_436 : i32 to index
        %swap3A_438 = arith.index_cast %add3A_418 : i32 to index
        %swap3A_439 = arith.constant 16 : index
        %swap3A_440 = tpu.vector_load %arg10[%swap3A_437, %swap3A_438, %swap3A_439] {strides = array<i32>} : memref<3x128x64xf32, #tpu.memory_space<vmem>>, vector<16xf32>,
        tpu.vector_store %arg10[%swap3A_437, %swap3A_438, %swap3A_439], %bitcast3A_435 {strides = array<i32>} : memref<3x128x64xf32, #tpu.memory_space<vmem>>, vector<16xf32>,
        %get3A_441 = arith.constant 0 : i32
        %get3A_442 = arith.index_cast %get3A_441 : i32 to index
        %get3A_443 = arith.index_cast %add3A_418 : i32 to index
        %get3A_444 = arith.constant 32 : index
        %get3A_445 = tpu.vector_load %arg9[%get3A_442, %get3A_443, %get3A_444] {strides = array<i32>} : memref<3x128x64xbf16, #tpu.memory_space<vmem>>, vector<32xbf16>,
        %bitcast3A_446 = vector.bitcast %get3A_445 : vector<32xbf16> to vector<16xi32>
        %shift_left3A_447 = arith.constant 16 : i32
        %shift_left3A_448 = vector.broadcast %shift_left3A_447 : i32 to vector<16xi32>
        %shift_left3A_449 = arith.shli %bitcast3A_446, %shift_left3A_448 : vector<16xi32>
        %bitcast3A_450 = vector.bitcast %shift_left3A_449 : vector<16xi32> to vector<16xf32>
        %swap3A_451 = arith.constant 0 : i32
        %swap3A_452 = arith.index_cast %swap3A_451 : i32 to index
        %swap3A_453 = arith.index_cast %add3A_418 : i32 to index
        %swap3A_454 = arith.constant 32 : index
        %swap3A_455 = tpu.vector_load %arg10[%swap3A_452, %swap3A_453, %swap3A_454] {strides = array<i32>} : memref<3x128x64xf32, #tpu.memory_space<vmem>>, vector<16xf32>,
        tpu.vector_store %arg10[%swap3A_452, %swap3A_453, %swap3A_454], %bitcast3A_450 {strides = array<i32>} : memref<3x128x64xf32, #tpu.memory_space<vmem>>, vector<16xf32>,
        %and3A_456 = arith.andi %bitcast3A_446, %broadcast_in_dim3A_3 : vector<16xi32>
        %bitcast3A_457 = vector.bitcast %and3A_456 : vector<16xi32> to vector<16xf32>
        %swap3A_458 = arith.constant 0 : i32
        %swap3A_459 = arith.index_cast %swap3A_458 : i32 to index
        %swap3A_460 = arith.index_cast %add3A_418 : i32 to index
        %swap3A_461 = arith.constant 48 : index
        %swap3A_462 = tpu.vector_load %arg10[%swap3A_459, %swap3A_460, %swap3A_461] {strides = array<i32>} : memref<3x128x64xf32, #tpu.memory_space<vmem>>, vector<16xf32>,
        tpu.vector_store %arg10[%swap3A_459, %swap3A_460, %swap3A_461], %bitcast3A_457 {strides = array<i32>} : memref<3x128x64xf32, #tpu.memory_space<vmem>>, vector<16xf32>,
        %mul3A_463 = arith.constant 8 : i32
        %mul3A_464 = arith.muli %scan3A_179, %mul3A_463 : i32
        %add3A_465 = arith.constant 6 : i32
        %add3A_466 = arith.addi %mul3A_464, %add3A_465 : i32
        %get3A_467 = arith.constant 0 : i32
        %get3A_468 = arith.index_cast %get3A_467 : i32 to index
        %get3A_469 = arith.index_cast %add3A_466 : i32 to index
        %get3A_470 = arith.constant 0 : index
        %get3A_471 = tpu.vector_load %arg9[%get3A_468, %get3A_469, %get3A_470] {strides = array<i32>} : memref<3x128x64xbf16, #tpu.memory_space<vmem>>, vector<32xbf16>,
        %bitcast3A_472 = vector.bitcast %get3A_471 : vector<32xbf16> to vector<16xi32>
        %shift_left3A_473 = arith.constant 16 : i32
        %shift_left3A_474 = vector.broadcast %shift_left3A_473 : i32 to vector<16xi32>
        %shift_left3A_475 = arith.shli %bitcast3A_472, %shift_left3A_474 : vector<16xi32>
        %bitcast3A_476 = vector.bitcast %shift_left3A_475 : vector<16xi32> to vector<16xf32>
        %swap3A_477 = arith.constant 0 : i32
        %swap3A_478 = arith.index_cast %swap3A_477 : i32 to index
        %swap3A_479 = arith.index_cast %add3A_466 : i32 to index
        %swap3A_480 = arith.constant 0 : index
        %swap3A_481 = tpu.vector_load %arg10[%swap3A_478, %swap3A_479, %swap3A_480] {strides = array<i32>} : memref<3x128x64xf32, #tpu.memory_space<vmem>>, vector<16xf32>,
        tpu.vector_store %arg10[%swap3A_478, %swap3A_479, %swap3A_480], %bitcast3A_476 {strides = array<i32>} : memref<3x128x64xf32, #tpu.memory_space<vmem>>, vector<16xf32>,
        %and3A_482 = arith.andi %bitcast3A_472, %broadcast_in_dim3A_3 : vector<16xi32>
        %bitcast3A_483 = vector.bitcast %and3A_482 : vector<16xi32> to vector<16xf32>
        %swap3A_484 = arith.constant 0 : i32
        %swap3A_485 = arith.index_cast %swap3A_484 : i32 to index
        %swap3A_486 = arith.index_cast %add3A_466 : i32 to index
        %swap3A_487 = arith.constant 16 : index
        %swap3A_488 = tpu.vector_load %arg10[%swap3A_485, %swap3A_486, %swap3A_487] {strides = array<i32>} : memref<3x128x64xf32, #tpu.memory_space<vmem>>, vector<16xf32>,
        tpu.vector_store %arg10[%swap3A_485, %swap3A_486, %swap3A_487], %bitcast3A_483 {strides = array<i32>} : memref<3x128x64xf32, #tpu.memory_space<vmem>>, vector<16xf32>,
        %get3A_489 = arith.constant 0 : i32
        %get3A_490 = arith.index_cast %get3A_489 : i32 to index
        %get3A_491 = arith.index_cast %add3A_466 : i32 to index
        %get3A_492 = arith.constant 32 : index
        %get3A_493 = tpu.vector_load %arg9[%get3A_490, %get3A_491, %get3A_492] {strides = array<i32>} : memref<3x128x64xbf16, #tpu.memory_space<vmem>>, vector<32xbf16>,
        %bitcast3A_494 = vector.bitcast %get3A_493 : vector<32xbf16> to vector<16xi32>
        %shift_left3A_495 = arith.constant 16 : i32
        %shift_left3A_496 = vector.broadcast %shift_left3A_495 : i32 to vector<16xi32>
        %shift_left3A_497 = arith.shli %bitcast3A_494, %shift_left3A_496 : vector<16xi32>
        %bitcast3A_498 = vector.bitcast %shift_left3A_497 : vector<16xi32> to vector<16xf32>
        %swap3A_499 = arith.constant 0 : i32
        %swap3A_500 = arith.index_cast %swap3A_499 : i32 to index
        %swap3A_501 = arith.index_cast %add3A_466 : i32 to index
        %swap3A_502 = arith.constant 32 : index
        %swap3A_503 = tpu.vector_load %arg10[%swap3A_500, %swap3A_501, %swap3A_502] {strides = array<i32>} : memref<3x128x64xf32, #tpu.memory_space<vmem>>, vector<16xf32>,
        tpu.vector_store %arg10[%swap3A_500, %swap3A_501, %swap3A_502], %bitcast3A_498 {strides = array<i32>} : memref<3x128x64xf32, #tpu.memory_space<vmem>>, vector<16xf32>,
        %and3A_504 = arith.andi %bitcast3A_494, %broadcast_in_dim3A_3 : vector<16xi32>
        %bitcast3A_505 = vector.bitcast %and3A_504 : vector<16xi32> to vector<16xf32>
        %swap3A_506 = arith.constant 0 : i32
        %swap3A_507 = arith.index_cast %swap3A_506 : i32 to index
        %swap3A_508 = arith.index_cast %add3A_466 : i32 to index
        %swap3A_509 = arith.constant 48 : index
        %swap3A_510 = tpu.vector_load %arg10[%swap3A_507, %swap3A_508, %swap3A_509] {strides = array<i32>} : memref<3x128x64xf32, #tpu.memory_space<vmem>>, vector<16xf32>,
        tpu.vector_store %arg10[%swap3A_507, %swap3A_508, %swap3A_509], %bitcast3A_505 {strides = array<i32>} : memref<3x128x64xf32, #tpu.memory_space<vmem>>, vector<16xf32>,
        %mul3A_511 = arith.constant 8 : i32
        %mul3A_512 = arith.muli %scan3A_179, %mul3A_511 : i32
        %add3A_513 = arith.constant 7 : i32
        %add3A_514 = arith.addi %mul3A_512, %add3A_513 : i32
        %get3A_515 = arith.constant 0 : i32
        %get3A_516 = arith.index_cast %get3A_515 : i32 to index
        %get3A_517 = arith.index_cast %add3A_514 : i32 to index
        %get3A_518 = arith.constant 0 : index
        %get3A_519 = tpu.vector_load %arg9[%get3A_516, %get3A_517, %get3A_518] {strides = array<i32>} : memref<3x128x64xbf16, #tpu.memory_space<vmem>>, vector<32xbf16>,
        %bitcast3A_520 = vector.bitcast %get3A_519 : vector<32xbf16> to vector<16xi32>
        %shift_left3A_521 = arith.constant 16 : i32
        %shift_left3A_522 = vector.broadcast %shift_left3A_521 : i32 to vector<16xi32>
        %shift_left3A_523 = arith.shli %bitcast3A_520, %shift_left3A_522 : vector<16xi32>
        %bitcast3A_524 = vector.bitcast %shift_left3A_523 : vector<16xi32> to vector<16xf32>
        %swap3A_525 = arith.constant 0 : i32
        %swap3A_526 = arith.index_cast %swap3A_525 : i32 to index
        %swap3A_527 = arith.index_cast %add3A_514 : i32 to index
        %swap3A_528 = arith.constant 0 : index
        %swap3A_529 = tpu.vector_load %arg10[%swap3A_526, %swap3A_527, %swap3A_528] {strides = array<i32>} : memref<3x128x64xf32, #tpu.memory_space<vmem>>, vector<16xf32>,
        tpu.vector_store %arg10[%swap3A_526, %swap3A_527, %swap3A_528], %bitcast3A_524 {strides = array<i32>} : memref<3x128x64xf32, #tpu.memory_space<vmem>>, vector<16xf32>,
        %and3A_530 = arith.andi %bitcast3A_520, %broadcast_in_dim3A_3 : vector<16xi32>
        %bitcast3A_531 = vector.bitcast %and3A_530 : vector<16xi32> to vector<16xf32>
        %swap3A_532 = arith.constant 0 : i32
        %swap3A_533 = arith.index_cast %swap3A_532 : i32 to index
        %swap3A_534 = arith.index_cast %add3A_514 : i32 to index
        %swap3A_535 = arith.constant 16 : index
        %swap3A_536 = tpu.vector_load %arg10[%swap3A_533, %swap3A_534, %swap3A_535] {strides = array<i32>} : memref<3x128x64xf32, #tpu.memory_space<vmem>>, vector<16xf32>,
        tpu.vector_store %arg10[%swap3A_533, %swap3A_534, %swap3A_535], %bitcast3A_531 {strides = array<i32>} : memref<3x128x64xf32, #tpu.memory_space<vmem>>, vector<16xf32>,
        %get3A_537 = arith.constant 0 : i32
        %get3A_538 = arith.index_cast %get3A_537 : i32 to index
        %get3A_539 = arith.index_cast %add3A_514 : i32 to index
        %get3A_540 = arith.constant 32 : index
        %get3A_541 = tpu.vector_load %arg9[%get3A_538, %get3A_539, %get3A_540] {strides = array<i32>} : memref<3x128x64xbf16, #tpu.memory_space<vmem>>, vector<32xbf16>,
        %bitcast3A_542 = vector.bitcast %get3A_541 : vector<32xbf16> to vector<16xi32>
        %shift_left3A_543 = arith.constant 16 : i32
        %shift_left3A_544 = vector.broadcast %shift_left3A_543 : i32 to vector<16xi32>
        %shift_left3A_545 = arith.shli %bitcast3A_542, %shift_left3A_544 : vector<16xi32>
        %bitcast3A_546 = vector.bitcast %shift_left3A_545 : vector<16xi32> to vector<16xf32>
        %swap3A_547 = arith.constant 0 : i32
        %swap3A_548 = arith.index_cast %swap3A_547 : i32 to index
        %swap3A_549 = arith.index_cast %add3A_514 : i32 to index
        %swap3A_550 = arith.constant 32 : index
        %swap3A_551 = tpu.vector_load %arg10[%swap3A_548, %swap3A_549, %swap3A_550] {strides = array<i32>} : memref<3x128x64xf32, #tpu.memory_space<vmem>>, vector<16xf32>,
        tpu.vector_store %arg10[%swap3A_548, %swap3A_549, %swap3A_550], %bitcast3A_546 {strides = array<i32>} : memref<3x128x64xf32, #tpu.memory_space<vmem>>, vector<16xf32>,
        %and3A_552 = arith.andi %bitcast3A_542, %broadcast_in_dim3A_3 : vector<16xi32>
        %bitcast3A_553 = vector.bitcast %and3A_552 : vector<16xi32> to vector<16xf32>
        %swap3A_554 = arith.constant 0 : i32
        %swap3A_555 = arith.index_cast %swap3A_554 : i32 to index
        %swap3A_556 = arith.index_cast %add3A_514 : i32 to index
        %swap3A_557 = arith.constant 48 : index
        %swap3A_558 = tpu.vector_load %arg10[%swap3A_555, %swap3A_556, %swap3A_557] {strides = array<i32>} : memref<3x128x64xf32, #tpu.memory_space<vmem>>, vector<16xf32>,
        tpu.vector_store %arg10[%swap3A_555, %swap3A_556, %swap3A_557], %bitcast3A_553 {strides = array<i32>} : memref<3x128x64xf32, #tpu.memory_space<vmem>>, vector<16xf32>,
      }
      %scan3A_77 = arith.constant 16 : i32
      %dma_start3A_78 = arith.constant 0 : i32
      %dma_start3A_79 = arith.constant 0 : i32
      %dma_start3A_80 = arith.constant 0 : i32
      %dma_start3A_81 = tpu.memref_slice %arg10[%dma_start3A_78, %dma_start3A_79, %dma_start3A_80] : memref<3x128x64xf32, #tpu.memory_space<vmem>> -> memref<1x128x64xf32, #tpu.memory_space<vmem>>
      %dma_start3A_82 = tpu.memref_squeeze %dma_start3A_81 : memref<1x128x64xf32, #tpu.memory_space<vmem>> -> memref<128x64xf32, #tpu.memory_space<vmem>>
      %dma_start3A_83 = arith.constant 0 : i32
      %dma_start3A_84 = tpu.memref_slice %arg8[%add3A_51, %dma_start3A_83] : memref<159x128xi32, #tpu.memory_space<vmem>> -> memref<1x128xi32, #tpu.memory_space<vmem>>
      %dma_start3A_85 = tpu.memref_squeeze %dma_start3A_84 : memref<1x128xi32, #tpu.memory_space<vmem>> -> memref<128xi32, #tpu.memory_space<vmem>>
      %dma_start3A_86 = arith.constant 0 : i32
      %dma_start3A_87 = arith.constant 0 : i32
      %dma_start3A_88 = tpu.memref_slice %arg11[%dma_start3A_86, %dma_start3A_87] : memref<10240x64xf32, #tpu.memory_space<vmem_shared>> -> memref<10240x64xf32, #tpu.memory_space<vmem_shared>>
      tpu.enqueue_indirect_dma source(%dma_start3A_82 : memref<128x64xf32, #tpu.memory_space<vmem>>) target(%dma_start3A_88 : memref<10240x64xf32, #tpu.memory_space<vmem_shared>>) offsets(%dma_start3A_85 : memref<128xi32, #tpu.memory_space<vmem>>) semaphore(%arg13 : memref<!tpu.dma_semaphore, #tpu.memory_space<semaphore_mem>>) {add = true}
      %mul3A_89 = arith.constant 3 : i32
      %mul3A_90 = arith.muli %scan3A_48, %mul3A_89 : i32
      %add3A_91 = arith.constant 1 : i32
      %add3A_92 = arith.addi %mul3A_90, %add3A_91 : i32
      %dma_wait3A_93 = arith.constant 0 : i32
      %dma_wait3A_94 = arith.constant 1 : i32
      %dma_wait3A_95 = arith.constant 0 : i32
      %dma_wait3A_96 = arith.constant 0 : i32
      %dma_wait3A_97 = tpu.memref_slice %arg9[%dma_wait3A_94, %dma_wait3A_95, %dma_wait3A_96] : memref<3x128x64xbf16, #tpu.memory_space<vmem>> -> memref<1x128x64xbf16, #tpu.memory_space<vmem>>
      %dma_wait3A_98 = tpu.memref_squeeze %dma_wait3A_97 : memref<1x128x64xbf16, #tpu.memory_space<vmem>> -> memref<128x64xbf16, #tpu.memory_space<vmem>>
      %dma_wait3A_99 = arith.constant 0 : i32
      %dma_wait3A_100 = tpu.memref_slice %arg7[%dma_wait3A_93, %dma_wait3A_99] : memref<159x128xi32, #tpu.memory_space<vmem>> -> memref<1x128xi32, #tpu.memory_space<vmem>>
      %dma_wait3A_101 = tpu.memref_squeeze %dma_wait3A_100 : memref<1x128xi32, #tpu.memory_space<vmem>> -> memref<128xi32, #tpu.memory_space<vmem>>
      %dma_wait3A_102 = arith.constant 0 : i32
      %dma_wait3A_103 = arith.constant 0 : i32
      %dma_wait3A_104 = tpu.memref_slice %arg2[%dma_wait3A_102, %dma_wait3A_103] : memref<20000x64xbf16, #tpu.memory_space<hbm>> -> memref<20000x64xbf16, #tpu.memory_space<hbm>>
      tpu.wait_indirect_dma semaphore(%arg12 : memref<!tpu.dma_semaphore, #tpu.memory_space<semaphore_mem>>) src(%dma_wait3A_104 : memref<20000x64xbf16, #tpu.memory_space<hbm>>) dst(%dma_wait3A_98 : memref<128x64xbf16, #tpu.memory_space<vmem>>)
      %ge3A_105 = arith.constant 2 : i32
      %ge3A_106 = arith.cmpi sge, %add3A_92, %ge3A_105 : i32
      %convert_element_type3A_107 = arith.extui %ge3A_106 : i1 to i32
      %cond3A_108 = arith.constant 0 : i32
      %cond3A_109 = arith.cmpi ne, %convert_element_type3A_107, %cond3A_108 : i32
      scf.if %cond3A_109 {
        %dma_wait3A_179 = arith.constant 2 : i32
        %dma_wait3A_180 = arith.constant 0 : i32
        %dma_wait3A_181 = arith.constant 0 : i32
        %dma_wait3A_182 = arith.constant 0 : i32
        %dma_wait3A_183 = tpu.memref_slice %arg10[%dma_wait3A_179, %dma_wait3A_181, %dma_wait3A_182] : memref<3x128x64xf32, #tpu.memory_space<vmem>> -> memref<1x128x64xf32, #tpu.memory_space<vmem>>
        %dma_wait3A_184 = tpu.memref_squeeze %dma_wait3A_183 : memref<1x128x64xf32, #tpu.memory_space<vmem>> -> memref<128x64xf32, #tpu.memory_space<vmem>>
        %dma_wait3A_185 = arith.constant 0 : i32
        %dma_wait3A_186 = tpu.memref_slice %arg8[%dma_wait3A_180, %dma_wait3A_185] : memref<159x128xi32, #tpu.memory_space<vmem>> -> memref<1x128xi32, #tpu.memory_space<vmem>>
        %dma_wait3A_187 = tpu.memref_squeeze %dma_wait3A_186 : memref<1x128xi32, #tpu.memory_space<vmem>> -> memref<128xi32, #tpu.memory_space<vmem>>
        %dma_wait3A_188 = arith.constant 0 : i32
        %dma_wait3A_189 = arith.constant 0 : i32
        %dma_wait3A_190 = tpu.memref_slice %arg11[%dma_wait3A_188, %dma_wait3A_189] : memref<10240x64xf32, #tpu.memory_space<vmem_shared>> -> memref<10240x64xf32, #tpu.memory_space<vmem_shared>>
        tpu.wait_indirect_dma semaphore(%arg13 : memref<!tpu.dma_semaphore, #tpu.memory_space<semaphore_mem>>) src(%dma_wait3A_184 : memref<128x64xf32, #tpu.memory_space<vmem>>) dst(%dma_wait3A_190 : memref<10240x64xf32, #tpu.memory_space<vmem_shared>>)
      } else {
      }
      %add3A_110 = arith.constant 1 : i32
      %add3A_111 = arith.addi %add3A_92, %add3A_110 : i32
      %lt3A_112 = arith.constant 159 : i32
      %lt3A_113 = arith.cmpi slt, %add3A_111, %lt3A_112 : i32
      %convert_element_type3A_114 = arith.extui %lt3A_113 : i1 to i32
      %cond3A_115 = arith.constant 0 : i32
      %cond3A_116 = arith.cmpi ne, %convert_element_type3A_114, %cond3A_115 : i32
      scf.if %cond3A_116 {
        %add3A_179 = arith.constant 1 : i32
        %add3A_180 = arith.addi %add3A_92, %add3A_179 : i32
        %dma_start3A_181 = arith.constant 2 : i32
        %dma_start3A_182 = arith.constant 0 : i32
        %dma_start3A_183 = arith.constant 0 : i32
        %dma_start3A_184 = tpu.memref_slice %arg9[%dma_start3A_181, %dma_start3A_182, %dma_start3A_183] : memref<3x128x64xbf16, #tpu.memory_space<vmem>> -> memref<1x128x64xbf16, #tpu.memory_space<vmem>>
        %dma_start3A_185 = tpu.memref_squeeze %dma_start3A_184 : memref<1x128x64xbf16, #tpu.memory_space<vmem>> -> memref<128x64xbf16, #tpu.memory_space<vmem>>
        %dma_start3A_186 = arith.constant 0 : i32
        %dma_start3A_187 = tpu.memref_slice %arg7[%add3A_180, %dma_start3A_186] : memref<159x128xi32, #tpu.memory_space<vmem>> -> memref<1x128xi32, #tpu.memory_space<vmem>>
        %dma_start3A_188 = tpu.memref_squeeze %dma_start3A_187 : memref<1x128xi32, #tpu.memory_space<vmem>> -> memref<128xi32, #tpu.memory_space<vmem>>
        %dma_start3A_189 = arith.constant 0 : i32
        %dma_start3A_190 = arith.constant 0 : i32
        %dma_start3A_191 = tpu.memref_slice %arg2[%dma_start3A_189, %dma_start3A_190] : memref<20000x64xbf16, #tpu.memory_space<hbm>> -> memref<20000x64xbf16, #tpu.memory_space<hbm>>
        tpu.enqueue_indirect_dma source(%dma_start3A_191 : memref<20000x64xbf16, #tpu.memory_space<hbm>>) target(%dma_start3A_185 : memref<128x64xbf16, #tpu.memory_space<vmem>>) offsets(%dma_start3A_188 : memref<128xi32, #tpu.memory_space<vmem>>) semaphore(%arg12 : memref<!tpu.dma_semaphore, #tpu.memory_space<semaphore_mem>>)
      } else {
      }
      %scan3A_117 = arith.constant 0 : i32
      %scan3A_118 = arith.constant 0 : i32
      %scan3A_119 = arith.constant 16 : i32
      %scan3A_120 = arith.addi %scan3A_118, %scan3A_119 : i32
      %scan3A_121 = arith.constant 1 : i32
      scf.for %scan3A_179 = %scan3A_118 to %scan3A_120 step %scan3A_121  : i32 {
        %mul3A_180 = arith.constant 8 : i32
        %mul3A_181 = arith.muli %scan3A_179, %mul3A_180 : i32
        %add3A_182 = arith.constant 0 : i32
        %add3A_183 = arith.addi %mul3A_181, %add3A_182 : i32
        %get3A = arith.constant 1 : i32
        %get3A_184 = arith.index_cast %get3A : i32 to index
        %get3A_185 = arith.index_cast %add3A_183 : i32 to index
        %get3A_186 = arith.constant 0 : index
        %get3A_187 = tpu.vector_load %arg9[%get3A_184, %get3A_185, %get3A_186] {strides = array<i32>} : memref<3x128x64xbf16, #tpu.memory_space<vmem>>, vector<32xbf16>,
        %bitcast3A = vector.bitcast %get3A_187 : vector<32xbf16> to vector<16xi32>
        %shift_left3A = arith.constant 16 : i32
        %shift_left3A_188 = vector.broadcast %shift_left3A : i32 to vector<16xi32>
        %shift_left3A_189 = arith.shli %bitcast3A, %shift_left3A_188 : vector<16xi32>
        %bitcast3A_190 = vector.bitcast %shift_left3A_189 : vector<16xi32> to vector<16xf32>
        %swap3A = arith.constant 1 : i32
        %swap3A_191 = arith.index_cast %swap3A : i32 to index
        %swap3A_192 = arith.index_cast %add3A_183 : i32 to index
        %swap3A_193 = arith.constant 0 : index
        %swap3A_194 = tpu.vector_load %arg10[%swap3A_191, %swap3A_192, %swap3A_193] {strides = array<i32>} : memref<3x128x64xf32, #tpu.memory_space<vmem>>, vector<16xf32>,
        tpu.vector_store %arg10[%swap3A_191, %swap3A_192, %swap3A_193], %bitcast3A_190 {strides = array<i32>} : memref<3x128x64xf32, #tpu.memory_space<vmem>>, vector<16xf32>,
        %and3A = arith.andi %bitcast3A, %broadcast_in_dim3A_3 : vector<16xi32>
        %bitcast3A_195 = vector.bitcast %and3A : vector<16xi32> to vector<16xf32>
        %swap3A_196 = arith.constant 1 : i32
        %swap3A_197 = arith.index_cast %swap3A_196 : i32 to index
        %swap3A_198 = arith.index_cast %add3A_183 : i32 to index
        %swap3A_199 = arith.constant 16 : index
        %swap3A_200 = tpu.vector_load %arg10[%swap3A_197, %swap3A_198, %swap3A_199] {strides = array<i32>} : memref<3x128x64xf32, #tpu.memory_space<vmem>>, vector<16xf32>,
        tpu.vector_store %arg10[%swap3A_197, %swap3A_198, %swap3A_199], %bitcast3A_195 {strides = array<i32>} : memref<3x128x64xf32, #tpu.memory_space<vmem>>, vector<16xf32>,
        %get3A_201 = arith.constant 1 : i32
        %get3A_202 = arith.index_cast %get3A_201 : i32 to index
        %get3A_203 = arith.index_cast %add3A_183 : i32 to index
        %get3A_204 = arith.constant 32 : index
        %get3A_205 = tpu.vector_load %arg9[%get3A_202, %get3A_203, %get3A_204] {strides = array<i32>} : memref<3x128x64xbf16, #tpu.memory_space<vmem>>, vector<32xbf16>,
        %bitcast3A_206 = vector.bitcast %get3A_205 : vector<32xbf16> to vector<16xi32>
        %shift_left3A_207 = arith.constant 16 : i32
        %shift_left3A_208 = vector.broadcast %shift_left3A_207 : i32 to vector<16xi32>
        %shift_left3A_209 = arith.shli %bitcast3A_206, %shift_left3A_208 : vector<16xi32>
        %bitcast3A_210 = vector.bitcast %shift_left3A_209 : vector<16xi32> to vector<16xf32>
        %swap3A_211 = arith.constant 1 : i32
        %swap3A_212 = arith.index_cast %swap3A_211 : i32 to index
        %swap3A_213 = arith.index_cast %add3A_183 : i32 to index
        %swap3A_214 = arith.constant 32 : index
        %swap3A_215 = tpu.vector_load %arg10[%swap3A_212, %swap3A_213, %swap3A_214] {strides = array<i32>} : memref<3x128x64xf32, #tpu.memory_space<vmem>>, vector<16xf32>,
        tpu.vector_store %arg10[%swap3A_212, %swap3A_213, %swap3A_214], %bitcast3A_210 {strides = array<i32>} : memref<3x128x64xf32, #tpu.memory_space<vmem>>, vector<16xf32>,
        %and3A_216 = arith.andi %bitcast3A_206, %broadcast_in_dim3A_3 : vector<16xi32>
        %bitcast3A_217 = vector.bitcast %and3A_216 : vector<16xi32> to vector<16xf32>
        %swap3A_218 = arith.constant 1 : i32
        %swap3A_219 = arith.index_cast %swap3A_218 : i32 to index
        %swap3A_220 = arith.index_cast %add3A_183 : i32 to index
        %swap3A_221 = arith.constant 48 : index
        %swap3A_222 = tpu.vector_load %arg10[%swap3A_219, %swap3A_220, %swap3A_221] {strides = array<i32>} : memref<3x128x64xf32, #tpu.memory_space<vmem>>, vector<16xf32>,
        tpu.vector_store %arg10[%swap3A_219, %swap3A_220, %swap3A_221], %bitcast3A_217 {strides = array<i32>} : memref<3x128x64xf32, #tpu.memory_space<vmem>>, vector<16xf32>,
        %mul3A_223 = arith.constant 8 : i32
        %mul3A_224 = arith.muli %scan3A_179, %mul3A_223 : i32
        %add3A_225 = arith.constant 1 : i32
        %add3A_226 = arith.addi %mul3A_224, %add3A_225 : i32
        %get3A_227 = arith.constant 1 : i32
        %get3A_228 = arith.index_cast %get3A_227 : i32 to index
        %get3A_229 = arith.index_cast %add3A_226 : i32 to index
        %get3A_230 = arith.constant 0 : index
        %get3A_231 = tpu.vector_load %arg9[%get3A_228, %get3A_229, %get3A_230] {strides = array<i32>} : memref<3x128x64xbf16, #tpu.memory_space<vmem>>, vector<32xbf16>,
        %bitcast3A_232 = vector.bitcast %get3A_231 : vector<32xbf16> to vector<16xi32>
        %shift_left3A_233 = arith.constant 16 : i32
        %shift_left3A_234 = vector.broadcast %shift_left3A_233 : i32 to vector<16xi32>
        %shift_left3A_235 = arith.shli %bitcast3A_232, %shift_left3A_234 : vector<16xi32>
        %bitcast3A_236 = vector.bitcast %shift_left3A_235 : vector<16xi32> to vector<16xf32>
        %swap3A_237 = arith.constant 1 : i32
        %swap3A_238 = arith.index_cast %swap3A_237 : i32 to index
        %swap3A_239 = arith.index_cast %add3A_226 : i32 to index
        %swap3A_240 = arith.constant 0 : index
        %swap3A_241 = tpu.vector_load %arg10[%swap3A_238, %swap3A_239, %swap3A_240] {strides = array<i32>} : memref<3x128x64xf32, #tpu.memory_space<vmem>>, vector<16xf32>,
        tpu.vector_store %arg10[%swap3A_238, %swap3A_239, %swap3A_240], %bitcast3A_236 {strides = array<i32>} : memref<3x128x64xf32, #tpu.memory_space<vmem>>, vector<16xf32>,
        %and3A_242 = arith.andi %bitcast3A_232, %broadcast_in_dim3A_3 : vector<16xi32>
        %bitcast3A_243 = vector.bitcast %and3A_242 : vector<16xi32> to vector<16xf32>
        %swap3A_244 = arith.constant 1 : i32
        %swap3A_245 = arith.index_cast %swap3A_244 : i32 to index
        %swap3A_246 = arith.index_cast %add3A_226 : i32 to index
        %swap3A_247 = arith.constant 16 : index
        %swap3A_248 = tpu.vector_load %arg10[%swap3A_245, %swap3A_246, %swap3A_247] {strides = array<i32>} : memref<3x128x64xf32, #tpu.memory_space<vmem>>, vector<16xf32>,
        tpu.vector_store %arg10[%swap3A_245, %swap3A_246, %swap3A_247], %bitcast3A_243 {strides = array<i32>} : memref<3x128x64xf32, #tpu.memory_space<vmem>>, vector<16xf32>,
        %get3A_249 = arith.constant 1 : i32
        %get3A_250 = arith.index_cast %get3A_249 : i32 to index
        %get3A_251 = arith.index_cast %add3A_226 : i32 to index
        %get3A_252 = arith.constant 32 : index
        %get3A_253 = tpu.vector_load %arg9[%get3A_250, %get3A_251, %get3A_252] {strides = array<i32>} : memref<3x128x64xbf16, #tpu.memory_space<vmem>>, vector<32xbf16>,
        %bitcast3A_254 = vector.bitcast %get3A_253 : vector<32xbf16> to vector<16xi32>
        %shift_left3A_255 = arith.constant 16 : i32
        %shift_left3A_256 = vector.broadcast %shift_left3A_255 : i32 to vector<16xi32>
        %shift_left3A_257 = arith.shli %bitcast3A_254, %shift_left3A_256 : vector<16xi32>
        %bitcast3A_258 = vector.bitcast %shift_left3A_257 : vector<16xi32> to vector<16xf32>
        %swap3A_259 = arith.constant 1 : i32
        %swap3A_260 = arith.index_cast %swap3A_259 : i32 to index
        %swap3A_261 = arith.index_cast %add3A_226 : i32 to index
        %swap3A_262 = arith.constant 32 : index
        %swap3A_263 = tpu.vector_load %arg10[%swap3A_260, %swap3A_261, %swap3A_262] {strides = array<i32>} : memref<3x128x64xf32, #tpu.memory_space<vmem>>, vector<16xf32>,
        tpu.vector_store %arg10[%swap3A_260, %swap3A_261, %swap3A_262], %bitcast3A_258 {strides = array<i32>} : memref<3x128x64xf32, #tpu.memory_space<vmem>>, vector<16xf32>,
        %and3A_264 = arith.andi %bitcast3A_254, %broadcast_in_dim3A_3 : vector<16xi32>
        %bitcast3A_265 = vector.bitcast %and3A_264 : vector<16xi32> to vector<16xf32>
        %swap3A_266 = arith.constant 1 : i32
        %swap3A_267 = arith.index_cast %swap3A_266 : i32 to index
        %swap3A_268 = arith.index_cast %add3A_226 : i32 to index
        %swap3A_269 = arith.constant 48 : index
        %swap3A_270 = tpu.vector_load %arg10[%swap3A_267, %swap3A_268, %swap3A_269] {strides = array<i32>} : memref<3x128x64xf32, #tpu.memory_space<vmem>>, vector<16xf32>,
        tpu.vector_store %arg10[%swap3A_267, %swap3A_268, %swap3A_269], %bitcast3A_265 {strides = array<i32>} : memref<3x128x64xf32, #tpu.memory_space<vmem>>, vector<16xf32>,
        %mul3A_271 = arith.constant 8 : i32
        %mul3A_272 = arith.muli %scan3A_179, %mul3A_271 : i32
        %add3A_273 = arith.constant 2 : i32
        %add3A_274 = arith.addi %mul3A_272, %add3A_273 : i32
        %get3A_275 = arith.constant 1 : i32
        %get3A_276 = arith.index_cast %get3A_275 : i32 to index
        %get3A_277 = arith.index_cast %add3A_274 : i32 to index
        %get3A_278 = arith.constant 0 : index
        %get3A_279 = tpu.vector_load %arg9[%get3A_276, %get3A_277, %get3A_278] {strides = array<i32>} : memref<3x128x64xbf16, #tpu.memory_space<vmem>>, vector<32xbf16>,
        %bitcast3A_280 = vector.bitcast %get3A_279 : vector<32xbf16> to vector<16xi32>
        %shift_left3A_281 = arith.constant 16 : i32
        %shift_left3A_282 = vector.broadcast %shift_left3A_281 : i32 to vector<16xi32>
        %shift_left3A_283 = arith.shli %bitcast3A_280, %shift_left3A_282 : vector<16xi32>
        %bitcast3A_284 = vector.bitcast %shift_left3A_283 : vector<16xi32> to vector<16xf32>
        %swap3A_285 = arith.constant 1 : i32
        %swap3A_286 = arith.index_cast %swap3A_285 : i32 to index
        %swap3A_287 = arith.index_cast %add3A_274 : i32 to index
        %swap3A_288 = arith.constant 0 : index
        %swap3A_289 = tpu.vector_load %arg10[%swap3A_286, %swap3A_287, %swap3A_288] {strides = array<i32>} : memref<3x128x64xf32, #tpu.memory_space<vmem>>, vector<16xf32>,
        tpu.vector_store %arg10[%swap3A_286, %swap3A_287, %swap3A_288], %bitcast3A_284 {strides = array<i32>} : memref<3x128x64xf32, #tpu.memory_space<vmem>>, vector<16xf32>,
        %and3A_290 = arith.andi %bitcast3A_280, %broadcast_in_dim3A_3 : vector<16xi32>
        %bitcast3A_291 = vector.bitcast %and3A_290 : vector<16xi32> to vector<16xf32>
        %swap3A_292 = arith.constant 1 : i32
        %swap3A_293 = arith.index_cast %swap3A_292 : i32 to index
        %swap3A_294 = arith.index_cast %add3A_274 : i32 to index
        %swap3A_295 = arith.constant 16 : index
        %swap3A_296 = tpu.vector_load %arg10[%swap3A_293, %swap3A_294, %swap3A_295] {strides = array<i32>} : memref<3x128x64xf32, #tpu.memory_space<vmem>>, vector<16xf32>,
        tpu.vector_store %arg10[%swap3A_293, %swap3A_294, %swap3A_295], %bitcast3A_291 {strides = array<i32>} : memref<3x128x64xf32, #tpu.memory_space<vmem>>, vector<16xf32>,
        %get3A_297 = arith.constant 1 : i32
        %get3A_298 = arith.index_cast %get3A_297 : i32 to index
        %get3A_299 = arith.index_cast %add3A_274 : i32 to index
        %get3A_300 = arith.constant 32 : index
        %get3A_301 = tpu.vector_load %arg9[%get3A_298, %get3A_299, %get3A_300] {strides = array<i32>} : memref<3x128x64xbf16, #tpu.memory_space<vmem>>, vector<32xbf16>,
        %bitcast3A_302 = vector.bitcast %get3A_301 : vector<32xbf16> to vector<16xi32>
        %shift_left3A_303 = arith.constant 16 : i32
        %shift_left3A_304 = vector.broadcast %shift_left3A_303 : i32 to vector<16xi32>
        %shift_left3A_305 = arith.shli %bitcast3A_302, %shift_left3A_304 : vector<16xi32>
        %bitcast3A_306 = vector.bitcast %shift_left3A_305 : vector<16xi32> to vector<16xf32>
        %swap3A_307 = arith.constant 1 : i32
        %swap3A_308 = arith.index_cast %swap3A_307 : i32 to index
        %swap3A_309 = arith.index_cast %add3A_274 : i32 to index
        %swap3A_310 = arith.constant 32 : index
        %swap3A_311 = tpu.vector_load %arg10[%swap3A_308, %swap3A_309, %swap3A_310] {strides = array<i32>} : memref<3x128x64xf32, #tpu.memory_space<vmem>>, vector<16xf32>,
        tpu.vector_store %arg10[%swap3A_308, %swap3A_309, %swap3A_310], %bitcast3A_306 {strides = array<i32>} : memref<3x128x64xf32, #tpu.memory_space<vmem>>, vector<16xf32>,
        %and3A_312 = arith.andi %bitcast3A_302, %broadcast_in_dim3A_3 : vector<16xi32>
        %bitcast3A_313 = vector.bitcast %and3A_312 : vector<16xi32> to vector<16xf32>
        %swap3A_314 = arith.constant 1 : i32
        %swap3A_315 = arith.index_cast %swap3A_314 : i32 to index
        %swap3A_316 = arith.index_cast %add3A_274 : i32 to index
        %swap3A_317 = arith.constant 48 : index
        %swap3A_318 = tpu.vector_load %arg10[%swap3A_315, %swap3A_316, %swap3A_317] {strides = array<i32>} : memref<3x128x64xf32, #tpu.memory_space<vmem>>, vector<16xf32>,
        tpu.vector_store %arg10[%swap3A_315, %swap3A_316, %swap3A_317], %bitcast3A_313 {strides = array<i32>} : memref<3x128x64xf32, #tpu.memory_space<vmem>>, vector<16xf32>,
        %mul3A_319 = arith.constant 8 : i32
        %mul3A_320 = arith.muli %scan3A_179, %mul3A_319 : i32
        %add3A_321 = arith.constant 3 : i32
        %add3A_322 = arith.addi %mul3A_320, %add3A_321 : i32
        %get3A_323 = arith.constant 1 : i32
        %get3A_324 = arith.index_cast %get3A_323 : i32 to index
        %get3A_325 = arith.index_cast %add3A_322 : i32 to index
        %get3A_326 = arith.constant 0 : index
        %get3A_327 = tpu.vector_load %arg9[%get3A_324, %get3A_325, %get3A_326] {strides = array<i32>} : memref<3x128x64xbf16, #tpu.memory_space<vmem>>, vector<32xbf16>,
        %bitcast3A_328 = vector.bitcast %get3A_327 : vector<32xbf16> to vector<16xi32>
        %shift_left3A_329 = arith.constant 16 : i32
        %shift_left3A_330 = vector.broadcast %shift_left3A_329 : i32 to vector<16xi32>
        %shift_left3A_331 = arith.shli %bitcast3A_328, %shift_left3A_330 : vector<16xi32>
        %bitcast3A_332 = vector.bitcast %shift_left3A_331 : vector<16xi32> to vector<16xf32>
        %swap3A_333 = arith.constant 1 : i32
        %swap3A_334 = arith.index_cast %swap3A_333 : i32 to index
        %swap3A_335 = arith.index_cast %add3A_322 : i32 to index
        %swap3A_336 = arith.constant 0 : index
        %swap3A_337 = tpu.vector_load %arg10[%swap3A_334, %swap3A_335, %swap3A_336] {strides = array<i32>} : memref<3x128x64xf32, #tpu.memory_space<vmem>>, vector<16xf32>,
        tpu.vector_store %arg10[%swap3A_334, %swap3A_335, %swap3A_336], %bitcast3A_332 {strides = array<i32>} : memref<3x128x64xf32, #tpu.memory_space<vmem>>, vector<16xf32>,
        %and3A_338 = arith.andi %bitcast3A_328, %broadcast_in_dim3A_3 : vector<16xi32>
        %bitcast3A_339 = vector.bitcast %and3A_338 : vector<16xi32> to vector<16xf32>
        %swap3A_340 = arith.constant 1 : i32
        %swap3A_341 = arith.index_cast %swap3A_340 : i32 to index
        %swap3A_342 = arith.index_cast %add3A_322 : i32 to index
        %swap3A_343 = arith.constant 16 : index
        %swap3A_344 = tpu.vector_load %arg10[%swap3A_341, %swap3A_342, %swap3A_343] {strides = array<i32>} : memref<3x128x64xf32, #tpu.memory_space<vmem>>, vector<16xf32>,
        tpu.vector_store %arg10[%swap3A_341, %swap3A_342, %swap3A_343], %bitcast3A_339 {strides = array<i32>} : memref<3x128x64xf32, #tpu.memory_space<vmem>>, vector<16xf32>,
        %get3A_345 = arith.constant 1 : i32
        %get3A_346 = arith.index_cast %get3A_345 : i32 to index
        %get3A_347 = arith.index_cast %add3A_322 : i32 to index
        %get3A_348 = arith.constant 32 : index
        %get3A_349 = tpu.vector_load %arg9[%get3A_346, %get3A_347, %get3A_348] {strides = array<i32>} : memref<3x128x64xbf16, #tpu.memory_space<vmem>>, vector<32xbf16>,
        %bitcast3A_350 = vector.bitcast %get3A_349 : vector<32xbf16> to vector<16xi32>
        %shift_left3A_351 = arith.constant 16 : i32
        %shift_left3A_352 = vector.broadcast %shift_left3A_351 : i32 to vector<16xi32>
        %shift_left3A_353 = arith.shli %bitcast3A_350, %shift_left3A_352 : vector<16xi32>
        %bitcast3A_354 = vector.bitcast %shift_left3A_353 : vector<16xi32> to vector<16xf32>
        %swap3A_355 = arith.constant 1 : i32
        %swap3A_356 = arith.index_cast %swap3A_355 : i32 to index
        %swap3A_357 = arith.index_cast %add3A_322 : i32 to index
        %swap3A_358 = arith.constant 32 : index
        %swap3A_359 = tpu.vector_load %arg10[%swap3A_356, %swap3A_357, %swap3A_358] {strides = array<i32>} : memref<3x128x64xf32, #tpu.memory_space<vmem>>, vector<16xf32>,
        tpu.vector_store %arg10[%swap3A_356, %swap3A_357, %swap3A_358], %bitcast3A_354 {strides = array<i32>} : memref<3x128x64xf32, #tpu.memory_space<vmem>>, vector<16xf32>,
        %and3A_360 = arith.andi %bitcast3A_350, %broadcast_in_dim3A_3 : vector<16xi32>
        %bitcast3A_361 = vector.bitcast %and3A_360 : vector<16xi32> to vector<16xf32>
        %swap3A_362 = arith.constant 1 : i32
        %swap3A_363 = arith.index_cast %swap3A_362 : i32 to index
        %swap3A_364 = arith.index_cast %add3A_322 : i32 to index
        %swap3A_365 = arith.constant 48 : index
        %swap3A_366 = tpu.vector_load %arg10[%swap3A_363, %swap3A_364, %swap3A_365] {strides = array<i32>} : memref<3x128x64xf32, #tpu.memory_space<vmem>>, vector<16xf32>,
        tpu.vector_store %arg10[%swap3A_363, %swap3A_364, %swap3A_365], %bitcast3A_361 {strides = array<i32>} : memref<3x128x64xf32, #tpu.memory_space<vmem>>, vector<16xf32>,
        %mul3A_367 = arith.constant 8 : i32
        %mul3A_368 = arith.muli %scan3A_179, %mul3A_367 : i32
        %add3A_369 = arith.constant 4 : i32
        %add3A_370 = arith.addi %mul3A_368, %add3A_369 : i32
        %get3A_371 = arith.constant 1 : i32
        %get3A_372 = arith.index_cast %get3A_371 : i32 to index
        %get3A_373 = arith.index_cast %add3A_370 : i32 to index
        %get3A_374 = arith.constant 0 : index
        %get3A_375 = tpu.vector_load %arg9[%get3A_372, %get3A_373, %get3A_374] {strides = array<i32>} : memref<3x128x64xbf16, #tpu.memory_space<vmem>>, vector<32xbf16>,
        %bitcast3A_376 = vector.bitcast %get3A_375 : vector<32xbf16> to vector<16xi32>
        %shift_left3A_377 = arith.constant 16 : i32
        %shift_left3A_378 = vector.broadcast %shift_left3A_377 : i32 to vector<16xi32>
        %shift_left3A_379 = arith.shli %bitcast3A_376, %shift_left3A_378 : vector<16xi32>
        %bitcast3A_380 = vector.bitcast %shift_left3A_379 : vector<16xi32> to vector<16xf32>
        %swap3A_381 = arith.constant 1 : i32
        %swap3A_382 = arith.index_cast %swap3A_381 : i32 to index
        %swap3A_383 = arith.index_cast %add3A_370 : i32 to index
        %swap3A_384 = arith.constant 0 : index
        %swap3A_385 = tpu.vector_load %arg10[%swap3A_382, %swap3A_383, %swap3A_384] {strides = array<i32>} : memref<3x128x64xf32, #tpu.memory_space<vmem>>, vector<16xf32>,
        tpu.vector_store %arg10[%swap3A_382, %swap3A_383, %swap3A_384], %bitcast3A_380 {strides = array<i32>} : memref<3x128x64xf32, #tpu.memory_space<vmem>>, vector<16xf32>,
        %and3A_386 = arith.andi %bitcast3A_376, %broadcast_in_dim3A_3 : vector<16xi32>
        %bitcast3A_387 = vector.bitcast %and3A_386 : vector<16xi32> to vector<16xf32>
        %swap3A_388 = arith.constant 1 : i32
        %swap3A_389 = arith.index_cast %swap3A_388 : i32 to index
        %swap3A_390 = arith.index_cast %add3A_370 : i32 to index
        %swap3A_391 = arith.constant 16 : index
        %swap3A_392 = tpu.vector_load %arg10[%swap3A_389, %swap3A_390, %swap3A_391] {strides = array<i32>} : memref<3x128x64xf32, #tpu.memory_space<vmem>>, vector<16xf32>,
        tpu.vector_store %arg10[%swap3A_389, %swap3A_390, %swap3A_391], %bitcast3A_387 {strides = array<i32>} : memref<3x128x64xf32, #tpu.memory_space<vmem>>, vector<16xf32>,
        %get3A_393 = arith.constant 1 : i32
        %get3A_394 = arith.index_cast %get3A_393 : i32 to index
        %get3A_395 = arith.index_cast %add3A_370 : i32 to index
        %get3A_396 = arith.constant 32 : index
        %get3A_397 = tpu.vector_load %arg9[%get3A_394, %get3A_395, %get3A_396] {strides = array<i32>} : memref<3x128x64xbf16, #tpu.memory_space<vmem>>, vector<32xbf16>,
        %bitcast3A_398 = vector.bitcast %get3A_397 : vector<32xbf16> to vector<16xi32>
        %shift_left3A_399 = arith.constant 16 : i32
        %shift_left3A_400 = vector.broadcast %shift_left3A_399 : i32 to vector<16xi32>
        %shift_left3A_401 = arith.shli %bitcast3A_398, %shift_left3A_400 : vector<16xi32>
        %bitcast3A_402 = vector.bitcast %shift_left3A_401 : vector<16xi32> to vector<16xf32>
        %swap3A_403 = arith.constant 1 : i32
        %swap3A_404 = arith.index_cast %swap3A_403 : i32 to index
        %swap3A_405 = arith.index_cast %add3A_370 : i32 to index
        %swap3A_406 = arith.constant 32 : index
        %swap3A_407 = tpu.vector_load %arg10[%swap3A_404, %swap3A_405, %swap3A_406] {strides = array<i32>} : memref<3x128x64xf32, #tpu.memory_space<vmem>>, vector<16xf32>,
        tpu.vector_store %arg10[%swap3A_404, %swap3A_405, %swap3A_406], %bitcast3A_402 {strides = array<i32>} : memref<3x128x64xf32, #tpu.memory_space<vmem>>, vector<16xf32>,
        %and3A_408 = arith.andi %bitcast3A_398, %broadcast_in_dim3A_3 : vector<16xi32>
        %bitcast3A_409 = vector.bitcast %and3A_408 : vector<16xi32> to vector<16xf32>
        %swap3A_410 = arith.constant 1 : i32
        %swap3A_411 = arith.index_cast %swap3A_410 : i32 to index
        %swap3A_412 = arith.index_cast %add3A_370 : i32 to index
        %swap3A_413 = arith.constant 48 : index
        %swap3A_414 = tpu.vector_load %arg10[%swap3A_411, %swap3A_412, %swap3A_413] {strides = array<i32>} : memref<3x128x64xf32, #tpu.memory_space<vmem>>, vector<16xf32>,
        tpu.vector_store %arg10[%swap3A_411, %swap3A_412, %swap3A_413], %bitcast3A_409 {strides = array<i32>} : memref<3x128x64xf32, #tpu.memory_space<vmem>>, vector<16xf32>,
        %mul3A_415 = arith.constant 8 : i32
        %mul3A_416 = arith.muli %scan3A_179, %mul3A_415 : i32
        %add3A_417 = arith.constant 5 : i32
        %add3A_418 = arith.addi %mul3A_416, %add3A_417 : i32
        %get3A_419 = arith.constant 1 : i32
        %get3A_420 = arith.index_cast %get3A_419 : i32 to index
        %get3A_421 = arith.index_cast %add3A_418 : i32 to index
        %get3A_422 = arith.constant 0 : index
        %get3A_423 = tpu.vector_load %arg9[%get3A_420, %get3A_421, %get3A_422] {strides = array<i32>} : memref<3x128x64xbf16, #tpu.memory_space<vmem>>, vector<32xbf16>,
        %bitcast3A_424 = vector.bitcast %get3A_423 : vector<32xbf16> to vector<16xi32>
        %shift_left3A_425 = arith.constant 16 : i32
        %shift_left3A_426 = vector.broadcast %shift_left3A_425 : i32 to vector<16xi32>
        %shift_left3A_427 = arith.shli %bitcast3A_424, %shift_left3A_426 : vector<16xi32>
        %bitcast3A_428 = vector.bitcast %shift_left3A_427 : vector<16xi32> to vector<16xf32>
        %swap3A_429 = arith.constant 1 : i32
        %swap3A_430 = arith.index_cast %swap3A_429 : i32 to index
        %swap3A_431 = arith.index_cast %add3A_418 : i32 to index
        %swap3A_432 = arith.constant 0 : index
        %swap3A_433 = tpu.vector_load %arg10[%swap3A_430, %swap3A_431, %swap3A_432] {strides = array<i32>} : memref<3x128x64xf32, #tpu.memory_space<vmem>>, vector<16xf32>,
        tpu.vector_store %arg10[%swap3A_430, %swap3A_431, %swap3A_432], %bitcast3A_428 {strides = array<i32>} : memref<3x128x64xf32, #tpu.memory_space<vmem>>, vector<16xf32>,
        %and3A_434 = arith.andi %bitcast3A_424, %broadcast_in_dim3A_3 : vector<16xi32>
        %bitcast3A_435 = vector.bitcast %and3A_434 : vector<16xi32> to vector<16xf32>
        %swap3A_436 = arith.constant 1 : i32
        %swap3A_437 = arith.index_cast %swap3A_436 : i32 to index
        %swap3A_438 = arith.index_cast %add3A_418 : i32 to index
        %swap3A_439 = arith.constant 16 : index
        %swap3A_440 = tpu.vector_load %arg10[%swap3A_437, %swap3A_438, %swap3A_439] {strides = array<i32>} : memref<3x128x64xf32, #tpu.memory_space<vmem>>, vector<16xf32>,
        tpu.vector_store %arg10[%swap3A_437, %swap3A_438, %swap3A_439], %bitcast3A_435 {strides = array<i32>} : memref<3x128x64xf32, #tpu.memory_space<vmem>>, vector<16xf32>,
        %get3A_441 = arith.constant 1 : i32
        %get3A_442 = arith.index_cast %get3A_441 : i32 to index
        %get3A_443 = arith.index_cast %add3A_418 : i32 to index
        %get3A_444 = arith.constant 32 : index
        %get3A_445 = tpu.vector_load %arg9[%get3A_442, %get3A_443, %get3A_444] {strides = array<i32>} : memref<3x128x64xbf16, #tpu.memory_space<vmem>>, vector<32xbf16>,
        %bitcast3A_446 = vector.bitcast %get3A_445 : vector<32xbf16> to vector<16xi32>
        %shift_left3A_447 = arith.constant 16 : i32
        %shift_left3A_448 = vector.broadcast %shift_left3A_447 : i32 to vector<16xi32>
        %shift_left3A_449 = arith.shli %bitcast3A_446, %shift_left3A_448 : vector<16xi32>
        %bitcast3A_450 = vector.bitcast %shift_left3A_449 : vector<16xi32> to vector<16xf32>
        %swap3A_451 = arith.constant 1 : i32
        %swap3A_452 = arith.index_cast %swap3A_451 : i32 to index
        %swap3A_453 = arith.index_cast %add3A_418 : i32 to index
        %swap3A_454 = arith.constant 32 : index
        %swap3A_455 = tpu.vector_load %arg10[%swap3A_452, %swap3A_453, %swap3A_454] {strides = array<i32>} : memref<3x128x64xf32, #tpu.memory_space<vmem>>, vector<16xf32>,
        tpu.vector_store %arg10[%swap3A_452, %swap3A_453, %swap3A_454], %bitcast3A_450 {strides = array<i32>} : memref<3x128x64xf32, #tpu.memory_space<vmem>>, vector<16xf32>,
        %and3A_456 = arith.andi %bitcast3A_446, %broadcast_in_dim3A_3 : vector<16xi32>
        %bitcast3A_457 = vector.bitcast %and3A_456 : vector<16xi32> to vector<16xf32>
        %swap3A_458 = arith.constant 1 : i32
        %swap3A_459 = arith.index_cast %swap3A_458 : i32 to index
        %swap3A_460 = arith.index_cast %add3A_418 : i32 to index
        %swap3A_461 = arith.constant 48 : index
        %swap3A_462 = tpu.vector_load %arg10[%swap3A_459, %swap3A_460, %swap3A_461] {strides = array<i32>} : memref<3x128x64xf32, #tpu.memory_space<vmem>>, vector<16xf32>,
        tpu.vector_store %arg10[%swap3A_459, %swap3A_460, %swap3A_461], %bitcast3A_457 {strides = array<i32>} : memref<3x128x64xf32, #tpu.memory_space<vmem>>, vector<16xf32>,
        %mul3A_463 = arith.constant 8 : i32
        %mul3A_464 = arith.muli %scan3A_179, %mul3A_463 : i32
        %add3A_465 = arith.constant 6 : i32
        %add3A_466 = arith.addi %mul3A_464, %add3A_465 : i32
        %get3A_467 = arith.constant 1 : i32
        %get3A_468 = arith.index_cast %get3A_467 : i32 to index
        %get3A_469 = arith.index_cast %add3A_466 : i32 to index
        %get3A_470 = arith.constant 0 : index
        %get3A_471 = tpu.vector_load %arg9[%get3A_468, %get3A_469, %get3A_470] {strides = array<i32>} : memref<3x128x64xbf16, #tpu.memory_space<vmem>>, vector<32xbf16>,
        %bitcast3A_472 = vector.bitcast %get3A_471 : vector<32xbf16> to vector<16xi32>
        %shift_left3A_473 = arith.constant 16 : i32
        %shift_left3A_474 = vector.broadcast %shift_left3A_473 : i32 to vector<16xi32>
        %shift_left3A_475 = arith.shli %bitcast3A_472, %shift_left3A_474 : vector<16xi32>
        %bitcast3A_476 = vector.bitcast %shift_left3A_475 : vector<16xi32> to vector<16xf32>
        %swap3A_477 = arith.constant 1 : i32
        %swap3A_478 = arith.index_cast %swap3A_477 : i32 to index
        %swap3A_479 = arith.index_cast %add3A_466 : i32 to index
        %swap3A_480 = arith.constant 0 : index
        %swap3A_481 = tpu.vector_load %arg10[%swap3A_478, %swap3A_479, %swap3A_480] {strides = array<i32>} : memref<3x128x64xf32, #tpu.memory_space<vmem>>, vector<16xf32>,
        tpu.vector_store %arg10[%swap3A_478, %swap3A_479, %swap3A_480], %bitcast3A_476 {strides = array<i32>} : memref<3x128x64xf32, #tpu.memory_space<vmem>>, vector<16xf32>,
        %and3A_482 = arith.andi %bitcast3A_472, %broadcast_in_dim3A_3 : vector<16xi32>
        %bitcast3A_483 = vector.bitcast %and3A_482 : vector<16xi32> to vector<16xf32>
        %swap3A_484 = arith.constant 1 : i32
        %swap3A_485 = arith.index_cast %swap3A_484 : i32 to index
        %swap3A_486 = arith.index_cast %add3A_466 : i32 to index
        %swap3A_487 = arith.constant 16 : index
        %swap3A_488 = tpu.vector_load %arg10[%swap3A_485, %swap3A_486, %swap3A_487] {strides = array<i32>} : memref<3x128x64xf32, #tpu.memory_space<vmem>>, vector<16xf32>,
        tpu.vector_store %arg10[%swap3A_485, %swap3A_486, %swap3A_487], %bitcast3A_483 {strides = array<i32>} : memref<3x128x64xf32, #tpu.memory_space<vmem>>, vector<16xf32>,
        %get3A_489 = arith.constant 1 : i32
        %get3A_490 = arith.index_cast %get3A_489 : i32 to index
        %get3A_491 = arith.index_cast %add3A_466 : i32 to index
        %get3A_492 = arith.constant 32 : index
        %get3A_493 = tpu.vector_load %arg9[%get3A_490, %get3A_491, %get3A_492] {strides = array<i32>} : memref<3x128x64xbf16, #tpu.memory_space<vmem>>, vector<32xbf16>,
        %bitcast3A_494 = vector.bitcast %get3A_493 : vector<32xbf16> to vector<16xi32>
        %shift_left3A_495 = arith.constant 16 : i32
        %shift_left3A_496 = vector.broadcast %shift_left3A_495 : i32 to vector<16xi32>
        %shift_left3A_497 = arith.shli %bitcast3A_494, %shift_left3A_496 : vector<16xi32>
        %bitcast3A_498 = vector.bitcast %shift_left3A_497 : vector<16xi32> to vector<16xf32>
        %swap3A_499 = arith.constant 1 : i32
        %swap3A_500 = arith.index_cast %swap3A_499 : i32 to index
        %swap3A_501 = arith.index_cast %add3A_466 : i32 to index
        %swap3A_502 = arith.constant 32 : index
        %swap3A_503 = tpu.vector_load %arg10[%swap3A_500, %swap3A_501, %swap3A_502] {strides = array<i32>} : memref<3x128x64xf32, #tpu.memory_space<vmem>>, vector<16xf32>,
        tpu.vector_store %arg10[%swap3A_500, %swap3A_501, %swap3A_502], %bitcast3A_498 {strides = array<i32>} : memref<3x128x64xf32, #tpu.memory_space<vmem>>, vector<16xf32>,
        %and3A_504 = arith.andi %bitcast3A_494, %broadcast_in_dim3A_3 : vector<16xi32>
        %bitcast3A_505 = vector.bitcast %and3A_504 : vector<16xi32> to vector<16xf32>
        %swap3A_506 = arith.constant 1 : i32
        %swap3A_507 = arith.index_cast %swap3A_506 : i32 to index
        %swap3A_508 = arith.index_cast %add3A_466 : i32 to index
        %swap3A_509 = arith.constant 48 : index
        %swap3A_510 = tpu.vector_load %arg10[%swap3A_507, %swap3A_508, %swap3A_509] {strides = array<i32>} : memref<3x128x64xf32, #tpu.memory_space<vmem>>, vector<16xf32>,
        tpu.vector_store %arg10[%swap3A_507, %swap3A_508, %swap3A_509], %bitcast3A_505 {strides = array<i32>} : memref<3x128x64xf32, #tpu.memory_space<vmem>>, vector<16xf32>,
        %mul3A_511 = arith.constant 8 : i32
        %mul3A_512 = arith.muli %scan3A_179, %mul3A_511 : i32
        %add3A_513 = arith.constant 7 : i32
        %add3A_514 = arith.addi %mul3A_512, %add3A_513 : i32
        %get3A_515 = arith.constant 1 : i32
        %get3A_516 = arith.index_cast %get3A_515 : i32 to index
        %get3A_517 = arith.index_cast %add3A_514 : i32 to index
        %get3A_518 = arith.constant 0 : index
        %get3A_519 = tpu.vector_load %arg9[%get3A_516, %get3A_517, %get3A_518] {strides = array<i32>} : memref<3x128x64xbf16, #tpu.memory_space<vmem>>, vector<32xbf16>,
        %bitcast3A_520 = vector.bitcast %get3A_519 : vector<32xbf16> to vector<16xi32>
        %shift_left3A_521 = arith.constant 16 : i32
        %shift_left3A_522 = vector.broadcast %shift_left3A_521 : i32 to vector<16xi32>
        %shift_left3A_523 = arith.shli %bitcast3A_520, %shift_left3A_522 : vector<16xi32>
        %bitcast3A_524 = vector.bitcast %shift_left3A_523 : vector<16xi32> to vector<16xf32>
        %swap3A_525 = arith.constant 1 : i32
        %swap3A_526 = arith.index_cast %swap3A_525 : i32 to index
        %swap3A_527 = arith.index_cast %add3A_514 : i32 to index
        %swap3A_528 = arith.constant 0 : index
        %swap3A_529 = tpu.vector_load %arg10[%swap3A_526, %swap3A_527, %swap3A_528] {strides = array<i32>} : memref<3x128x64xf32, #tpu.memory_space<vmem>>, vector<16xf32>,
        tpu.vector_store %arg10[%swap3A_526, %swap3A_527, %swap3A_528], %bitcast3A_524 {strides = array<i32>} : memref<3x128x64xf32, #tpu.memory_space<vmem>>, vector<16xf32>,
        %and3A_530 = arith.andi %bitcast3A_520, %broadcast_in_dim3A_3 : vector<16xi32>
        %bitcast3A_531 = vector.bitcast %and3A_530 : vector<16xi32> to vector<16xf32>
        %swap3A_532 = arith.constant 1 : i32
        %swap3A_533 = arith.index_cast %swap3A_532 : i32 to index
        %swap3A_534 = arith.index_cast %add3A_514 : i32 to index
        %swap3A_535 = arith.constant 16 : index
        %swap3A_536 = tpu.vector_load %arg10[%swap3A_533, %swap3A_534, %swap3A_535] {strides = array<i32>} : memref<3x128x64xf32, #tpu.memory_space<vmem>>, vector<16xf32>,
        tpu.vector_store %arg10[%swap3A_533, %swap3A_534, %swap3A_535], %bitcast3A_531 {strides = array<i32>} : memref<3x128x64xf32, #tpu.memory_space<vmem>>, vector<16xf32>,
        %get3A_537 = arith.constant 1 : i32
        %get3A_538 = arith.index_cast %get3A_537 : i32 to index
        %get3A_539 = arith.index_cast %add3A_514 : i32 to index
        %get3A_540 = arith.constant 32 : index
        %get3A_541 = tpu.vector_load %arg9[%get3A_538, %get3A_539, %get3A_540] {strides = array<i32>} : memref<3x128x64xbf16, #tpu.memory_space<vmem>>, vector<32xbf16>,
        %bitcast3A_542 = vector.bitcast %get3A_541 : vector<32xbf16> to vector<16xi32>
        %shift_left3A_543 = arith.constant 16 : i32
        %shift_left3A_544 = vector.broadcast %shift_left3A_543 : i32 to vector<16xi32>
        %shift_left3A_545 = arith.shli %bitcast3A_542, %shift_left3A_544 : vector<16xi32>
        %bitcast3A_546 = vector.bitcast %shift_left3A_545 : vector<16xi32> to vector<16xf32>
        %swap3A_547 = arith.constant 1 : i32
        %swap3A_548 = arith.index_cast %swap3A_547 : i32 to index
        %swap3A_549 = arith.index_cast %add3A_514 : i32 to index
        %swap3A_550 = arith.constant 32 : index
        %swap3A_551 = tpu.vector_load %arg10[%swap3A_548, %swap3A_549, %swap3A_550] {strides = array<i32>} : memref<3x128x64xf32, #tpu.memory_space<vmem>>, vector<16xf32>,
        tpu.vector_store %arg10[%swap3A_548, %swap3A_549, %swap3A_550], %bitcast3A_546 {strides = array<i32>} : memref<3x128x64xf32, #tpu.memory_space<vmem>>, vector<16xf32>,
        %and3A_552 = arith.andi %bitcast3A_542, %broadcast_in_dim3A_3 : vector<16xi32>
        %bitcast3A_553 = vector.bitcast %and3A_552 : vector<16xi32> to vector<16xf32>
        %swap3A_554 = arith.constant 1 : i32
        %swap3A_555 = arith.index_cast %swap3A_554 : i32 to index
        %swap3A_556 = arith.index_cast %add3A_514 : i32 to index
        %swap3A_557 = arith.constant 48 : index
        %swap3A_558 = tpu.vector_load %arg10[%swap3A_555, %swap3A_556, %swap3A_557] {strides = array<i32>} : memref<3x128x64xf32, #tpu.memory_space<vmem>>, vector<16xf32>,
        tpu.vector_store %arg10[%swap3A_555, %swap3A_556, %swap3A_557], %bitcast3A_553 {strides = array<i32>} : memref<3x128x64xf32, #tpu.memory_space<vmem>>, vector<16xf32>,
      }
      %scan3A_122 = arith.constant 16 : i32
      %dma_start3A_123 = arith.constant 1 : i32
      %dma_start3A_124 = arith.constant 0 : i32
      %dma_start3A_125 = arith.constant 0 : i32
      %dma_start3A_126 = tpu.memref_slice %arg10[%dma_start3A_123, %dma_start3A_124, %dma_start3A_125] : memref<3x128x64xf32, #tpu.memory_space<vmem>> -> memref<1x128x64xf32, #tpu.memory_space<vmem>>
      %dma_start3A_127 = tpu.memref_squeeze %dma_start3A_126 : memref<1x128x64xf32, #tpu.memory_space<vmem>> -> memref<128x64xf32, #tpu.memory_space<vmem>>
      %dma_start3A_128 = arith.constant 0 : i32
      %dma_start3A_129 = tpu.memref_slice %arg8[%add3A_92, %dma_start3A_128] : memref<159x128xi32, #tpu.memory_space<vmem>> -> memref<1x128xi32, #tpu.memory_space<vmem>>
      %dma_start3A_130 = tpu.memref_squeeze %dma_start3A_129 : memref<1x128xi32, #tpu.memory_space<vmem>> -> memref<128xi32, #tpu.memory_space<vmem>>
      %dma_start3A_131 = arith.constant 0 : i32
      %dma_start3A_132 = arith.constant 0 : i32
      %dma_start3A_133 = tpu.memref_slice %arg11[%dma_start3A_131, %dma_start3A_132] : memref<10240x64xf32, #tpu.memory_space<vmem_shared>> -> memref<10240x64xf32, #tpu.memory_space<vmem_shared>>
      tpu.enqueue_indirect_dma source(%dma_start3A_127 : memref<128x64xf32, #tpu.memory_space<vmem>>) target(%dma_start3A_133 : memref<10240x64xf32, #tpu.memory_space<vmem_shared>>) offsets(%dma_start3A_130 : memref<128xi32, #tpu.memory_space<vmem>>) semaphore(%arg13 : memref<!tpu.dma_semaphore, #tpu.memory_space<semaphore_mem>>) {add = true}
      %mul3A_134 = arith.constant 3 : i32
      %mul3A_135 = arith.muli %scan3A_48, %mul3A_134 : i32
      %add3A_136 = arith.constant 2 : i32
      %add3A_137 = arith.addi %mul3A_135, %add3A_136 : i32
      %dma_wait3A_138 = arith.constant 0 : i32
      %dma_wait3A_139 = arith.constant 2 : i32
      %dma_wait3A_140 = arith.constant 0 : i32
      %dma_wait3A_141 = arith.constant 0 : i32
      %dma_wait3A_142 = tpu.memref_slice %arg9[%dma_wait3A_139, %dma_wait3A_140, %dma_wait3A_141] : memref<3x128x64xbf16, #tpu.memory_space<vmem>> -> memref<1x128x64xbf16, #tpu.memory_space<vmem>>
      %dma_wait3A_143 = tpu.memref_squeeze %dma_wait3A_142 : memref<1x128x64xbf16, #tpu.memory_space<vmem>> -> memref<128x64xbf16, #tpu.memory_space<vmem>>
      %dma_wait3A_144 = arith.constant 0 : i32
      %dma_wait3A_145 = tpu.memref_slice %arg7[%dma_wait3A_138, %dma_wait3A_144] : memref<159x128xi32, #tpu.memory_space<vmem>> -> memref<1x128xi32, #tpu.memory_space<vmem>>
      %dma_wait3A_146 = tpu.memref_squeeze %dma_wait3A_145 : memref<1x128xi32, #tpu.memory_space<vmem>> -> memref<128xi32, #tpu.memory_space<vmem>>
      %dma_wait3A_147 = arith.constant 0 : i32
      %dma_wait3A_148 = arith.constant 0 : i32
      %dma_wait3A_149 = tpu.memref_slice %arg2[%dma_wait3A_147, %dma_wait3A_148] : memref<20000x64xbf16, #tpu.memory_space<hbm>> -> memref<20000x64xbf16, #tpu.memory_space<hbm>>
      tpu.wait_indirect_dma semaphore(%arg12 : memref<!tpu.dma_semaphore, #tpu.memory_space<semaphore_mem>>) src(%dma_wait3A_149 : memref<20000x64xbf16, #tpu.memory_space<hbm>>) dst(%dma_wait3A_143 : memref<128x64xbf16, #tpu.memory_space<vmem>>)
      %ge3A_150 = arith.constant 2 : i32
      %ge3A_151 = arith.cmpi sge, %add3A_137, %ge3A_150 : i32
      %convert_element_type3A_152 = arith.extui %ge3A_151 : i1 to i32
      %cond3A_153 = arith.constant 0 : i32
      %cond3A_154 = arith.cmpi ne, %convert_element_type3A_152, %cond3A_153 : i32
      scf.if %cond3A_154 {
        %dma_wait3A_179 = arith.constant 0 : i32
        %dma_wait3A_180 = arith.constant 0 : i32
        %dma_wait3A_181 = arith.constant 0 : i32
        %dma_wait3A_182 = arith.constant 0 : i32
        %dma_wait3A_183 = tpu.memref_slice %arg10[%dma_wait3A_179, %dma_wait3A_181, %dma_wait3A_182] : memref<3x128x64xf32, #tpu.memory_space<vmem>> -> memref<1x128x64xf32, #tpu.memory_space<vmem>>
        %dma_wait3A_184 = tpu.memref_squeeze %dma_wait3A_183 : memref<1x128x64xf32, #tpu.memory_space<vmem>> -> memref<128x64xf32, #tpu.memory_space<vmem>>
        %dma_wait3A_185 = arith.constant 0 : i32
        %dma_wait3A_186 = tpu.memref_slice %arg8[%dma_wait3A_180, %dma_wait3A_185] : memref<159x128xi32, #tpu.memory_space<vmem>> -> memref<1x128xi32, #tpu.memory_space<vmem>>
        %dma_wait3A_187 = tpu.memref_squeeze %dma_wait3A_186 : memref<1x128xi32, #tpu.memory_space<vmem>> -> memref<128xi32, #tpu.memory_space<vmem>>
        %dma_wait3A_188 = arith.constant 0 : i32
        %dma_wait3A_189 = arith.constant 0 : i32
        %dma_wait3A_190 = tpu.memref_slice %arg11[%dma_wait3A_188, %dma_wait3A_189] : memref<10240x64xf32, #tpu.memory_space<vmem_shared>> -> memref<10240x64xf32, #tpu.memory_space<vmem_shared>>
        tpu.wait_indirect_dma semaphore(%arg13 : memref<!tpu.dma_semaphore, #tpu.memory_space<semaphore_mem>>) src(%dma_wait3A_184 : memref<128x64xf32, #tpu.memory_space<vmem>>) dst(%dma_wait3A_190 : memref<10240x64xf32, #tpu.memory_space<vmem_shared>>)
      } else {
      }
      %add3A_155 = arith.constant 1 : i32
      %add3A_156 = arith.addi %add3A_137, %add3A_155 : i32
      %lt3A_157 = arith.constant 159 : i32
      %lt3A_158 = arith.cmpi slt, %add3A_156, %lt3A_157 : i32
      %convert_element_type3A_159 = arith.extui %lt3A_158 : i1 to i32
      %cond3A_160 = arith.constant 0 : i32
      %cond3A_161 = arith.cmpi ne, %convert_element_type3A_159, %cond3A_160 : i32
      scf.if %cond3A_161 {
        %add3A_179 = arith.constant 1 : i32
        %add3A_180 = arith.addi %add3A_137, %add3A_179 : i32
        %dma_start3A_181 = arith.constant 0 : i32
        %dma_start3A_182 = arith.constant 0 : i32
        %dma_start3A_183 = arith.constant 0 : i32
        %dma_start3A_184 = tpu.memref_slice %arg9[%dma_start3A_181, %dma_start3A_182, %dma_start3A_183] : memref<3x128x64xbf16, #tpu.memory_space<vmem>> -> memref<1x128x64xbf16, #tpu.memory_space<vmem>>
        %dma_start3A_185 = tpu.memref_squeeze %dma_start3A_184 : memref<1x128x64xbf16, #tpu.memory_space<vmem>> -> memref<128x64xbf16, #tpu.memory_space<vmem>>
        %dma_start3A_186 = arith.constant 0 : i32
        %dma_start3A_187 = tpu.memref_slice %arg7[%add3A_180, %dma_start3A_186] : memref<159x128xi32, #tpu.memory_space<vmem>> -> memref<1x128xi32, #tpu.memory_space<vmem>>
        %dma_start3A_188 = tpu.memref_squeeze %dma_start3A_187 : memref<1x128xi32, #tpu.memory_space<vmem>> -> memref<128xi32, #tpu.memory_space<vmem>>
        %dma_start3A_189 = arith.constant 0 : i32
        %dma_start3A_190 = arith.constant 0 : i32
        %dma_start3A_191 = tpu.memref_slice %arg2[%dma_start3A_189, %dma_start3A_190] : memref<20000x64xbf16, #tpu.memory_space<hbm>> -> memref<20000x64xbf16, #tpu.memory_space<hbm>>
        tpu.enqueue_indirect_dma source(%dma_start3A_191 : memref<20000x64xbf16, #tpu.memory_space<hbm>>) target(%dma_start3A_185 : memref<128x64xbf16, #tpu.memory_space<vmem>>) offsets(%dma_start3A_188 : memref<128xi32, #tpu.memory_space<vmem>>) semaphore(%arg12 : memref<!tpu.dma_semaphore, #tpu.memory_space<semaphore_mem>>)
      } else {
      }
      %scan3A_162 = arith.constant 0 : i32
      %scan3A_163 = arith.constant 0 : i32
      %scan3A_164 = arith.constant 16 : i32
      %scan3A_165 = arith.addi %scan3A_163, %scan3A_164 : i32
      %scan3A_166 = arith.constant 1 : i32
      scf.for %scan3A_179 = %scan3A_163 to %scan3A_165 step %scan3A_166  : i32 {
        %mul3A_180 = arith.constant 8 : i32
        %mul3A_181 = arith.muli %scan3A_179, %mul3A_180 : i32
        %add3A_182 = arith.constant 0 : i32
        %add3A_183 = arith.addi %mul3A_181, %add3A_182 : i32
        %get3A = arith.constant 2 : i32
        %get3A_184 = arith.index_cast %get3A : i32 to index
        %get3A_185 = arith.index_cast %add3A_183 : i32 to index
        %get3A_186 = arith.constant 0 : index
        %get3A_187 = tpu.vector_load %arg9[%get3A_184, %get3A_185, %get3A_186] {strides = array<i32>} : memref<3x128x64xbf16, #tpu.memory_space<vmem>>, vector<32xbf16>,
        %bitcast3A = vector.bitcast %get3A_187 : vector<32xbf16> to vector<16xi32>
        %shift_left3A = arith.constant 16 : i32
        %shift_left3A_188 = vector.broadcast %shift_left3A : i32 to vector<16xi32>
        %shift_left3A_189 = arith.shli %bitcast3A, %shift_left3A_188 : vector<16xi32>
        %bitcast3A_190 = vector.bitcast %shift_left3A_189 : vector<16xi32> to vector<16xf32>
        %swap3A = arith.constant 2 : i32
        %swap3A_191 = arith.index_cast %swap3A : i32 to index
        %swap3A_192 = arith.index_cast %add3A_183 : i32 to index
        %swap3A_193 = arith.constant 0 : index
        %swap3A_194 = tpu.vector_load %arg10[%swap3A_191, %swap3A_192, %swap3A_193] {strides = array<i32>} : memref<3x128x64xf32, #tpu.memory_space<vmem>>, vector<16xf32>,
        tpu.vector_store %arg10[%swap3A_191, %swap3A_192, %swap3A_193], %bitcast3A_190 {strides = array<i32>} : memref<3x128x64xf32, #tpu.memory_space<vmem>>, vector<16xf32>,
        %and3A = arith.andi %bitcast3A, %broadcast_in_dim3A_3 : vector<16xi32>
        %bitcast3A_195 = vector.bitcast %and3A : vector<16xi32> to vector<16xf32>
        %swap3A_196 = arith.constant 2 : i32
        %swap3A_197 = arith.index_cast %swap3A_196 : i32 to index
        %swap3A_198 = arith.index_cast %add3A_183 : i32 to index
        %swap3A_199 = arith.constant 16 : index
        %swap3A_200 = tpu.vector_load %arg10[%swap3A_197, %swap3A_198, %swap3A_199] {strides = array<i32>} : memref<3x128x64xf32, #tpu.memory_space<vmem>>, vector<16xf32>,
        tpu.vector_store %arg10[%swap3A_197, %swap3A_198, %swap3A_199], %bitcast3A_195 {strides = array<i32>} : memref<3x128x64xf32, #tpu.memory_space<vmem>>, vector<16xf32>,
        %get3A_201 = arith.constant 2 : i32
        %get3A_202 = arith.index_cast %get3A_201 : i32 to index
        %get3A_203 = arith.index_cast %add3A_183 : i32 to index
        %get3A_204 = arith.constant 32 : index
        %get3A_205 = tpu.vector_load %arg9[%get3A_202, %get3A_203, %get3A_204] {strides = array<i32>} : memref<3x128x64xbf16, #tpu.memory_space<vmem>>, vector<32xbf16>,
        %bitcast3A_206 = vector.bitcast %get3A_205 : vector<32xbf16> to vector<16xi32>
        %shift_left3A_207 = arith.constant 16 : i32
        %shift_left3A_208 = vector.broadcast %shift_left3A_207 : i32 to vector<16xi32>
        %shift_left3A_209 = arith.shli %bitcast3A_206, %shift_left3A_208 : vector<16xi32>
        %bitcast3A_210 = vector.bitcast %shift_left3A_209 : vector<16xi32> to vector<16xf32>
        %swap3A_211 = arith.constant 2 : i32
        %swap3A_212 = arith.index_cast %swap3A_211 : i32 to index
        %swap3A_213 = arith.index_cast %add3A_183 : i32 to index
        %swap3A_214 = arith.constant 32 : index
        %swap3A_215 = tpu.vector_load %arg10[%swap3A_212, %swap3A_213, %swap3A_214] {strides = array<i32>} : memref<3x128x64xf32, #tpu.memory_space<vmem>>, vector<16xf32>,
        tpu.vector_store %arg10[%swap3A_212, %swap3A_213, %swap3A_214], %bitcast3A_210 {strides = array<i32>} : memref<3x128x64xf32, #tpu.memory_space<vmem>>, vector<16xf32>,
        %and3A_216 = arith.andi %bitcast3A_206, %broadcast_in_dim3A_3 : vector<16xi32>
        %bitcast3A_217 = vector.bitcast %and3A_216 : vector<16xi32> to vector<16xf32>
        %swap3A_218 = arith.constant 2 : i32
        %swap3A_219 = arith.index_cast %swap3A_218 : i32 to index
        %swap3A_220 = arith.index_cast %add3A_183 : i32 to index
        %swap3A_221 = arith.constant 48 : index
        %swap3A_222 = tpu.vector_load %arg10[%swap3A_219, %swap3A_220, %swap3A_221] {strides = array<i32>} : memref<3x128x64xf32, #tpu.memory_space<vmem>>, vector<16xf32>,
        tpu.vector_store %arg10[%swap3A_219, %swap3A_220, %swap3A_221], %bitcast3A_217 {strides = array<i32>} : memref<3x128x64xf32, #tpu.memory_space<vmem>>, vector<16xf32>,
        %mul3A_223 = arith.constant 8 : i32
        %mul3A_224 = arith.muli %scan3A_179, %mul3A_223 : i32
        %add3A_225 = arith.constant 1 : i32
        %add3A_226 = arith.addi %mul3A_224, %add3A_225 : i32
        %get3A_227 = arith.constant 2 : i32
        %get3A_228 = arith.index_cast %get3A_227 : i32 to index
        %get3A_229 = arith.index_cast %add3A_226 : i32 to index
        %get3A_230 = arith.constant 0 : index
        %get3A_231 = tpu.vector_load %arg9[%get3A_228, %get3A_229, %get3A_230] {strides = array<i32>} : memref<3x128x64xbf16, #tpu.memory_space<vmem>>, vector<32xbf16>,
        %bitcast3A_232 = vector.bitcast %get3A_231 : vector<32xbf16> to vector<16xi32>
        %shift_left3A_233 = arith.constant 16 : i32
        %shift_left3A_234 = vector.broadcast %shift_left3A_233 : i32 to vector<16xi32>
        %shift_left3A_235 = arith.shli %bitcast3A_232, %shift_left3A_234 : vector<16xi32>
        %bitcast3A_236 = vector.bitcast %shift_left3A_235 : vector<16xi32> to vector<16xf32>
        %swap3A_237 = arith.constant 2 : i32
        %swap3A_238 = arith.index_cast %swap3A_237 : i32 to index
        %swap3A_239 = arith.index_cast %add3A_226 : i32 to index
        %swap3A_240 = arith.constant 0 : index
        %swap3A_241 = tpu.vector_load %arg10[%swap3A_238, %swap3A_239, %swap3A_240] {strides = array<i32>} : memref<3x128x64xf32, #tpu.memory_space<vmem>>, vector<16xf32>,
        tpu.vector_store %arg10[%swap3A_238, %swap3A_239, %swap3A_240], %bitcast3A_236 {strides = array<i32>} : memref<3x128x64xf32, #tpu.memory_space<vmem>>, vector<16xf32>,
        %and3A_242 = arith.andi %bitcast3A_232, %broadcast_in_dim3A_3 : vector<16xi32>
        %bitcast3A_243 = vector.bitcast %and3A_242 : vector<16xi32> to vector<16xf32>
        %swap3A_244 = arith.constant 2 : i32
        %swap3A_245 = arith.index_cast %swap3A_244 : i32 to index
        %swap3A_246 = arith.index_cast %add3A_226 : i32 to index
        %swap3A_247 = arith.constant 16 : index
        %swap3A_248 = tpu.vector_load %arg10[%swap3A_245, %swap3A_246, %swap3A_247] {strides = array<i32>} : memref<3x128x64xf32, #tpu.memory_space<vmem>>, vector<16xf32>,
        tpu.vector_store %arg10[%swap3A_245, %swap3A_246, %swap3A_247], %bitcast3A_243 {strides = array<i32>} : memref<3x128x64xf32, #tpu.memory_space<vmem>>, vector<16xf32>,
        %get3A_249 = arith.constant 2 : i32
        %get3A_250 = arith.index_cast %get3A_249 : i32 to index
        %get3A_251 = arith.index_cast %add3A_226 : i32 to index
        %get3A_252 = arith.constant 32 : index
        %get3A_253 = tpu.vector_load %arg9[%get3A_250, %get3A_251, %get3A_252] {strides = array<i32>} : memref<3x128x64xbf16, #tpu.memory_space<vmem>>, vector<32xbf16>,
        %bitcast3A_254 = vector.bitcast %get3A_253 : vector<32xbf16> to vector<16xi32>
        %shift_left3A_255 = arith.constant 16 : i32
        %shift_left3A_256 = vector.broadcast %shift_left3A_255 : i32 to vector<16xi32>
        %shift_left3A_257 = arith.shli %bitcast3A_254, %shift_left3A_256 : vector<16xi32>
        %bitcast3A_258 = vector.bitcast %shift_left3A_257 : vector<16xi32> to vector<16xf32>
        %swap3A_259 = arith.constant 2 : i32
        %swap3A_260 = arith.index_cast %swap3A_259 : i32 to index
        %swap3A_261 = arith.index_cast %add3A_226 : i32 to index
        %swap3A_262 = arith.constant 32 : index
        %swap3A_263 = tpu.vector_load %arg10[%swap3A_260, %swap3A_261, %swap3A_262] {strides = array<i32>} : memref<3x128x64xf32, #tpu.memory_space<vmem>>, vector<16xf32>,
        tpu.vector_store %arg10[%swap3A_260, %swap3A_261, %swap3A_262], %bitcast3A_258 {strides = array<i32>} : memref<3x128x64xf32, #tpu.memory_space<vmem>>, vector<16xf32>,
        %and3A_264 = arith.andi %bitcast3A_254, %broadcast_in_dim3A_3 : vector<16xi32>
        %bitcast3A_265 = vector.bitcast %and3A_264 : vector<16xi32> to vector<16xf32>
        %swap3A_266 = arith.constant 2 : i32
        %swap3A_267 = arith.index_cast %swap3A_266 : i32 to index
        %swap3A_268 = arith.index_cast %add3A_226 : i32 to index
        %swap3A_269 = arith.constant 48 : index
        %swap3A_270 = tpu.vector_load %arg10[%swap3A_267, %swap3A_268, %swap3A_269] {strides = array<i32>} : memref<3x128x64xf32, #tpu.memory_space<vmem>>, vector<16xf32>,
        tpu.vector_store %arg10[%swap3A_267, %swap3A_268, %swap3A_269], %bitcast3A_265 {strides = array<i32>} : memref<3x128x64xf32, #tpu.memory_space<vmem>>, vector<16xf32>,
        %mul3A_271 = arith.constant 8 : i32
        %mul3A_272 = arith.muli %scan3A_179, %mul3A_271 : i32
        %add3A_273 = arith.constant 2 : i32
        %add3A_274 = arith.addi %mul3A_272, %add3A_273 : i32
        %get3A_275 = arith.constant 2 : i32
        %get3A_276 = arith.index_cast %get3A_275 : i32 to index
        %get3A_277 = arith.index_cast %add3A_274 : i32 to index
        %get3A_278 = arith.constant 0 : index
        %get3A_279 = tpu.vector_load %arg9[%get3A_276, %get3A_277, %get3A_278] {strides = array<i32>} : memref<3x128x64xbf16, #tpu.memory_space<vmem>>, vector<32xbf16>,
        %bitcast3A_280 = vector.bitcast %get3A_279 : vector<32xbf16> to vector<16xi32>
        %shift_left3A_281 = arith.constant 16 : i32
        %shift_left3A_282 = vector.broadcast %shift_left3A_281 : i32 to vector<16xi32>
        %shift_left3A_283 = arith.shli %bitcast3A_280, %shift_left3A_282 : vector<16xi32>
        %bitcast3A_284 = vector.bitcast %shift_left3A_283 : vector<16xi32> to vector<16xf32>
        %swap3A_285 = arith.constant 2 : i32
        %swap3A_286 = arith.index_cast %swap3A_285 : i32 to index
        %swap3A_287 = arith.index_cast %add3A_274 : i32 to index
        %swap3A_288 = arith.constant 0 : index
        %swap3A_289 = tpu.vector_load %arg10[%swap3A_286, %swap3A_287, %swap3A_288] {strides = array<i32>} : memref<3x128x64xf32, #tpu.memory_space<vmem>>, vector<16xf32>,
        tpu.vector_store %arg10[%swap3A_286, %swap3A_287, %swap3A_288], %bitcast3A_284 {strides = array<i32>} : memref<3x128x64xf32, #tpu.memory_space<vmem>>, vector<16xf32>,
        %and3A_290 = arith.andi %bitcast3A_280, %broadcast_in_dim3A_3 : vector<16xi32>
        %bitcast3A_291 = vector.bitcast %and3A_290 : vector<16xi32> to vector<16xf32>
        %swap3A_292 = arith.constant 2 : i32
        %swap3A_293 = arith.index_cast %swap3A_292 : i32 to index
        %swap3A_294 = arith.index_cast %add3A_274 : i32 to index
        %swap3A_295 = arith.constant 16 : index
        %swap3A_296 = tpu.vector_load %arg10[%swap3A_293, %swap3A_294, %swap3A_295] {strides = array<i32>} : memref<3x128x64xf32, #tpu.memory_space<vmem>>, vector<16xf32>,
        tpu.vector_store %arg10[%swap3A_293, %swap3A_294, %swap3A_295], %bitcast3A_291 {strides = array<i32>} : memref<3x128x64xf32, #tpu.memory_space<vmem>>, vector<16xf32>,
        %get3A_297 = arith.constant 2 : i32
        %get3A_298 = arith.index_cast %get3A_297 : i32 to index
        %get3A_299 = arith.index_cast %add3A_274 : i32 to index
        %get3A_300 = arith.constant 32 : index
        %get3A_301 = tpu.vector_load %arg9[%get3A_298, %get3A_299, %get3A_300] {strides = array<i32>} : memref<3x128x64xbf16, #tpu.memory_space<vmem>>, vector<32xbf16>,
        %bitcast3A_302 = vector.bitcast %get3A_301 : vector<32xbf16> to vector<16xi32>
        %shift_left3A_303 = arith.constant 16 : i32
        %shift_left3A_304 = vector.broadcast %shift_left3A_303 : i32 to vector<16xi32>
        %shift_left3A_305 = arith.shli %bitcast3A_302, %shift_left3A_304 : vector<16xi32>
        %bitcast3A_306 = vector.bitcast %shift_left3A_305 : vector<16xi32> to vector<16xf32>
        %swap3A_307 = arith.constant 2 : i32
        %swap3A_308 = arith.index_cast %swap3A_307 : i32 to index
        %swap3A_309 = arith.index_cast %add3A_274 : i32 to index
        %swap3A_310 = arith.constant 32 : index
        %swap3A_311 = tpu.vector_load %arg10[%swap3A_308, %swap3A_309, %swap3A_310] {strides = array<i32>} : memref<3x128x64xf32, #tpu.memory_space<vmem>>, vector<16xf32>,
        tpu.vector_store %arg10[%swap3A_308, %swap3A_309, %swap3A_310], %bitcast3A_306 {strides = array<i32>} : memref<3x128x64xf32, #tpu.memory_space<vmem>>, vector<16xf32>,
        %and3A_312 = arith.andi %bitcast3A_302, %broadcast_in_dim3A_3 : vector<16xi32>
        %bitcast3A_313 = vector.bitcast %and3A_312 : vector<16xi32> to vector<16xf32>
        %swap3A_314 = arith.constant 2 : i32
        %swap3A_315 = arith.index_cast %swap3A_314 : i32 to index
        %swap3A_316 = arith.index_cast %add3A_274 : i32 to index
        %swap3A_317 = arith.constant 48 : index
        %swap3A_318 = tpu.vector_load %arg10[%swap3A_315, %swap3A_316, %swap3A_317] {strides = array<i32>} : memref<3x128x64xf32, #tpu.memory_space<vmem>>, vector<16xf32>,
        tpu.vector_store %arg10[%swap3A_315, %swap3A_316, %swap3A_317], %bitcast3A_313 {strides = array<i32>} : memref<3x128x64xf32, #tpu.memory_space<vmem>>, vector<16xf32>,
        %mul3A_319 = arith.constant 8 : i32
        %mul3A_320 = arith.muli %scan3A_179, %mul3A_319 : i32
        %add3A_321 = arith.constant 3 : i32
        %add3A_322 = arith.addi %mul3A_320, %add3A_321 : i32
        %get3A_323 = arith.constant 2 : i32
        %get3A_324 = arith.index_cast %get3A_323 : i32 to index
        %get3A_325 = arith.index_cast %add3A_322 : i32 to index
        %get3A_326 = arith.constant 0 : index
        %get3A_327 = tpu.vector_load %arg9[%get3A_324, %get3A_325, %get3A_326] {strides = array<i32>} : memref<3x128x64xbf16, #tpu.memory_space<vmem>>, vector<32xbf16>,
        %bitcast3A_328 = vector.bitcast %get3A_327 : vector<32xbf16> to vector<16xi32>
        %shift_left3A_329 = arith.constant 16 : i32
        %shift_left3A_330 = vector.broadcast %shift_left3A_329 : i32 to vector<16xi32>
        %shift_left3A_331 = arith.shli %bitcast3A_328, %shift_left3A_330 : vector<16xi32>
        %bitcast3A_332 = vector.bitcast %shift_left3A_331 : vector<16xi32> to vector<16xf32>
        %swap3A_333 = arith.constant 2 : i32
        %swap3A_334 = arith.index_cast %swap3A_333 : i32 to index
        %swap3A_335 = arith.index_cast %add3A_322 : i32 to index
        %swap3A_336 = arith.constant 0 : index
        %swap3A_337 = tpu.vector_load %arg10[%swap3A_334, %swap3A_335, %swap3A_336] {strides = array<i32>} : memref<3x128x64xf32, #tpu.memory_space<vmem>>, vector<16xf32>,
        tpu.vector_store %arg10[%swap3A_334, %swap3A_335, %swap3A_336], %bitcast3A_332 {strides = array<i32>} : memref<3x128x64xf32, #tpu.memory_space<vmem>>, vector<16xf32>,
        %and3A_338 = arith.andi %bitcast3A_328, %broadcast_in_dim3A_3 : vector<16xi32>
        %bitcast3A_339 = vector.bitcast %and3A_338 : vector<16xi32> to vector<16xf32>
        %swap3A_340 = arith.constant 2 : i32
        %swap3A_341 = arith.index_cast %swap3A_340 : i32 to index
        %swap3A_342 = arith.index_cast %add3A_322 : i32 to index
        %swap3A_343 = arith.constant 16 : index
        %swap3A_344 = tpu.vector_load %arg10[%swap3A_341, %swap3A_342, %swap3A_343] {strides = array<i32>} : memref<3x128x64xf32, #tpu.memory_space<vmem>>, vector<16xf32>,
        tpu.vector_store %arg10[%swap3A_341, %swap3A_342, %swap3A_343], %bitcast3A_339 {strides = array<i32>} : memref<3x128x64xf32, #tpu.memory_space<vmem>>, vector<16xf32>,
        %get3A_345 = arith.constant 2 : i32
        %get3A_346 = arith.index_cast %get3A_345 : i32 to index
        %get3A_347 = arith.index_cast %add3A_322 : i32 to index
        %get3A_348 = arith.constant 32 : index
        %get3A_349 = tpu.vector_load %arg9[%get3A_346, %get3A_347, %get3A_348] {strides = array<i32>} : memref<3x128x64xbf16, #tpu.memory_space<vmem>>, vector<32xbf16>,
        %bitcast3A_350 = vector.bitcast %get3A_349 : vector<32xbf16> to vector<16xi32>
        %shift_left3A_351 = arith.constant 16 : i32
        %shift_left3A_352 = vector.broadcast %shift_left3A_351 : i32 to vector<16xi32>
        %shift_left3A_353 = arith.shli %bitcast3A_350, %shift_left3A_352 : vector<16xi32>
        %bitcast3A_354 = vector.bitcast %shift_left3A_353 : vector<16xi32> to vector<16xf32>
        %swap3A_355 = arith.constant 2 : i32
        %swap3A_356 = arith.index_cast %swap3A_355 : i32 to index
        %swap3A_357 = arith.index_cast %add3A_322 : i32 to index
        %swap3A_358 = arith.constant 32 : index
        %swap3A_359 = tpu.vector_load %arg10[%swap3A_356, %swap3A_357, %swap3A_358] {strides = array<i32>} : memref<3x128x64xf32, #tpu.memory_space<vmem>>, vector<16xf32>,
        tpu.vector_store %arg10[%swap3A_356, %swap3A_357, %swap3A_358], %bitcast3A_354 {strides = array<i32>} : memref<3x128x64xf32, #tpu.memory_space<vmem>>, vector<16xf32>,
        %and3A_360 = arith.andi %bitcast3A_350, %broadcast_in_dim3A_3 : vector<16xi32>
        %bitcast3A_361 = vector.bitcast %and3A_360 : vector<16xi32> to vector<16xf32>
        %swap3A_362 = arith.constant 2 : i32
        %swap3A_363 = arith.index_cast %swap3A_362 : i32 to index
        %swap3A_364 = arith.index_cast %add3A_322 : i32 to index
        %swap3A_365 = arith.constant 48 : index
        %swap3A_366 = tpu.vector_load %arg10[%swap3A_363, %swap3A_364, %swap3A_365] {strides = array<i32>} : memref<3x128x64xf32, #tpu.memory_space<vmem>>, vector<16xf32>,
        tpu.vector_store %arg10[%swap3A_363, %swap3A_364, %swap3A_365], %bitcast3A_361 {strides = array<i32>} : memref<3x128x64xf32, #tpu.memory_space<vmem>>, vector<16xf32>,
        %mul3A_367 = arith.constant 8 : i32
        %mul3A_368 = arith.muli %scan3A_179, %mul3A_367 : i32
        %add3A_369 = arith.constant 4 : i32
        %add3A_370 = arith.addi %mul3A_368, %add3A_369 : i32
        %get3A_371 = arith.constant 2 : i32
        %get3A_372 = arith.index_cast %get3A_371 : i32 to index
        %get3A_373 = arith.index_cast %add3A_370 : i32 to index
        %get3A_374 = arith.constant 0 : index
        %get3A_375 = tpu.vector_load %arg9[%get3A_372, %get3A_373, %get3A_374] {strides = array<i32>} : memref<3x128x64xbf16, #tpu.memory_space<vmem>>, vector<32xbf16>,
        %bitcast3A_376 = vector.bitcast %get3A_375 : vector<32xbf16> to vector<16xi32>
        %shift_left3A_377 = arith.constant 16 : i32
        %shift_left3A_378 = vector.broadcast %shift_left3A_377 : i32 to vector<16xi32>
        %shift_left3A_379 = arith.shli %bitcast3A_376, %shift_left3A_378 : vector<16xi32>
        %bitcast3A_380 = vector.bitcast %shift_left3A_379 : vector<16xi32> to vector<16xf32>
        %swap3A_381 = arith.constant 2 : i32
        %swap3A_382 = arith.index_cast %swap3A_381 : i32 to index
        %swap3A_383 = arith.index_cast %add3A_370 : i32 to index
        %swap3A_384 = arith.constant 0 : index
        %swap3A_385 = tpu.vector_load %arg10[%swap3A_382, %swap3A_383, %swap3A_384] {strides = array<i32>} : memref<3x128x64xf32, #tpu.memory_space<vmem>>, vector<16xf32>,
        tpu.vector_store %arg10[%swap3A_382, %swap3A_383, %swap3A_384], %bitcast3A_380 {strides = array<i32>} : memref<3x128x64xf32, #tpu.memory_space<vmem>>, vector<16xf32>,
        %and3A_386 = arith.andi %bitcast3A_376, %broadcast_in_dim3A_3 : vector<16xi32>
        %bitcast3A_387 = vector.bitcast %and3A_386 : vector<16xi32> to vector<16xf32>
        %swap3A_388 = arith.constant 2 : i32
        %swap3A_389 = arith.index_cast %swap3A_388 : i32 to index
        %swap3A_390 = arith.index_cast %add3A_370 : i32 to index
        %swap3A_391 = arith.constant 16 : index
        %swap3A_392 = tpu.vector_load %arg10[%swap3A_389, %swap3A_390, %swap3A_391] {strides = array<i32>} : memref<3x128x64xf32, #tpu.memory_space<vmem>>, vector<16xf32>,
        tpu.vector_store %arg10[%swap3A_389, %swap3A_390, %swap3A_391], %bitcast3A_387 {strides = array<i32>} : memref<3x128x64xf32, #tpu.memory_space<vmem>>, vector<16xf32>,
        %get3A_393 = arith.constant 2 : i32
        %get3A_394 = arith.index_cast %get3A_393 : i32 to index
        %get3A_395 = arith.index_cast %add3A_370 : i32 to index
        %get3A_396 = arith.constant 32 : index
        %get3A_397 = tpu.vector_load %arg9[%get3A_394, %get3A_395, %get3A_396] {strides = array<i32>} : memref<3x128x64xbf16, #tpu.memory_space<vmem>>, vector<32xbf16>,
        %bitcast3A_398 = vector.bitcast %get3A_397 : vector<32xbf16> to vector<16xi32>
        %shift_left3A_399 = arith.constant 16 : i32
        %shift_left3A_400 = vector.broadcast %shift_left3A_399 : i32 to vector<16xi32>
        %shift_left3A_401 = arith.shli %bitcast3A_398, %shift_left3A_400 : vector<16xi32>
        %bitcast3A_402 = vector.bitcast %shift_left3A_401 : vector<16xi32> to vector<16xf32>
        %swap3A_403 = arith.constant 2 : i32
        %swap3A_404 = arith.index_cast %swap3A_403 : i32 to index
        %swap3A_405 = arith.index_cast %add3A_370 : i32 to index
        %swap3A_406 = arith.constant 32 : index
        %swap3A_407 = tpu.vector_load %arg10[%swap3A_404, %swap3A_405, %swap3A_406] {strides = array<i32>} : memref<3x128x64xf32, #tpu.memory_space<vmem>>, vector<16xf32>,
        tpu.vector_store %arg10[%swap3A_404, %swap3A_405, %swap3A_406], %bitcast3A_402 {strides = array<i32>} : memref<3x128x64xf32, #tpu.memory_space<vmem>>, vector<16xf32>,
        %and3A_408 = arith.andi %bitcast3A_398, %broadcast_in_dim3A_3 : vector<16xi32>
        %bitcast3A_409 = vector.bitcast %and3A_408 : vector<16xi32> to vector<16xf32>
        %swap3A_410 = arith.constant 2 : i32
        %swap3A_411 = arith.index_cast %swap3A_410 : i32 to index
        %swap3A_412 = arith.index_cast %add3A_370 : i32 to index
        %swap3A_413 = arith.constant 48 : index
        %swap3A_414 = tpu.vector_load %arg10[%swap3A_411, %swap3A_412, %swap3A_413] {strides = array<i32>} : memref<3x128x64xf32, #tpu.memory_space<vmem>>, vector<16xf32>,
        tpu.vector_store %arg10[%swap3A_411, %swap3A_412, %swap3A_413], %bitcast3A_409 {strides = array<i32>} : memref<3x128x64xf32, #tpu.memory_space<vmem>>, vector<16xf32>,
        %mul3A_415 = arith.constant 8 : i32
        %mul3A_416 = arith.muli %scan3A_179, %mul3A_415 : i32
        %add3A_417 = arith.constant 5 : i32
        %add3A_418 = arith.addi %mul3A_416, %add3A_417 : i32
        %get3A_419 = arith.constant 2 : i32
        %get3A_420 = arith.index_cast %get3A_419 : i32 to index
        %get3A_421 = arith.index_cast %add3A_418 : i32 to index
        %get3A_422 = arith.constant 0 : index
        %get3A_423 = tpu.vector_load %arg9[%get3A_420, %get3A_421, %get3A_422] {strides = array<i32>} : memref<3x128x64xbf16, #tpu.memory_space<vmem>>, vector<32xbf16>,
        %bitcast3A_424 = vector.bitcast %get3A_423 : vector<32xbf16> to vector<16xi32>
        %shift_left3A_425 = arith.constant 16 : i32
        %shift_left3A_426 = vector.broadcast %shift_left3A_425 : i32 to vector<16xi32>
        %shift_left3A_427 = arith.shli %bitcast3A_424, %shift_left3A_426 : vector<16xi32>
        %bitcast3A_428 = vector.bitcast %shift_left3A_427 : vector<16xi32> to vector<16xf32>
        %swap3A_429 = arith.constant 2 : i32
        %swap3A_430 = arith.index_cast %swap3A_429 : i32 to index
        %swap3A_431 = arith.index_cast %add3A_418 : i32 to index
        %swap3A_432 = arith.constant 0 : index
        %swap3A_433 = tpu.vector_load %arg10[%swap3A_430, %swap3A_431, %swap3A_432] {strides = array<i32>} : memref<3x128x64xf32, #tpu.memory_space<vmem>>, vector<16xf32>,
        tpu.vector_store %arg10[%swap3A_430, %swap3A_431, %swap3A_432], %bitcast3A_428 {strides = array<i32>} : memref<3x128x64xf32, #tpu.memory_space<vmem>>, vector<16xf32>,
        %and3A_434 = arith.andi %bitcast3A_424, %broadcast_in_dim3A_3 : vector<16xi32>
        %bitcast3A_435 = vector.bitcast %and3A_434 : vector<16xi32> to vector<16xf32>
        %swap3A_436 = arith.constant 2 : i32
        %swap3A_437 = arith.index_cast %swap3A_436 : i32 to index
        %swap3A_438 = arith.index_cast %add3A_418 : i32 to index
        %swap3A_439 = arith.constant 16 : index
        %swap3A_440 = tpu.vector_load %arg10[%swap3A_437, %swap3A_438, %swap3A_439] {strides = array<i32>} : memref<3x128x64xf32, #tpu.memory_space<vmem>>, vector<16xf32>,
        tpu.vector_store %arg10[%swap3A_437, %swap3A_438, %swap3A_439], %bitcast3A_435 {strides = array<i32>} : memref<3x128x64xf32, #tpu.memory_space<vmem>>, vector<16xf32>,
        %get3A_441 = arith.constant 2 : i32
        %get3A_442 = arith.index_cast %get3A_441 : i32 to index
        %get3A_443 = arith.index_cast %add3A_418 : i32 to index
        %get3A_444 = arith.constant 32 : index
        %get3A_445 = tpu.vector_load %arg9[%get3A_442, %get3A_443, %get3A_444] {strides = array<i32>} : memref<3x128x64xbf16, #tpu.memory_space<vmem>>, vector<32xbf16>,
        %bitcast3A_446 = vector.bitcast %get3A_445 : vector<32xbf16> to vector<16xi32>
        %shift_left3A_447 = arith.constant 16 : i32
        %shift_left3A_448 = vector.broadcast %shift_left3A_447 : i32 to vector<16xi32>
        %shift_left3A_449 = arith.shli %bitcast3A_446, %shift_left3A_448 : vector<16xi32>
        %bitcast3A_450 = vector.bitcast %shift_left3A_449 : vector<16xi32> to vector<16xf32>
        %swap3A_451 = arith.constant 2 : i32
        %swap3A_452 = arith.index_cast %swap3A_451 : i32 to index
        %swap3A_453 = arith.index_cast %add3A_418 : i32 to index
        %swap3A_454 = arith.constant 32 : index
        %swap3A_455 = tpu.vector_load %arg10[%swap3A_452, %swap3A_453, %swap3A_454] {strides = array<i32>} : memref<3x128x64xf32, #tpu.memory_space<vmem>>, vector<16xf32>,
        tpu.vector_store %arg10[%swap3A_452, %swap3A_453, %swap3A_454], %bitcast3A_450 {strides = array<i32>} : memref<3x128x64xf32, #tpu.memory_space<vmem>>, vector<16xf32>,
        %and3A_456 = arith.andi %bitcast3A_446, %broadcast_in_dim3A_3 : vector<16xi32>
        %bitcast3A_457 = vector.bitcast %and3A_456 : vector<16xi32> to vector<16xf32>
        %swap3A_458 = arith.constant 2 : i32
        %swap3A_459 = arith.index_cast %swap3A_458 : i32 to index
        %swap3A_460 = arith.index_cast %add3A_418 : i32 to index
        %swap3A_461 = arith.constant 48 : index
        %swap3A_462 = tpu.vector_load %arg10[%swap3A_459, %swap3A_460, %swap3A_461] {strides = array<i32>} : memref<3x128x64xf32, #tpu.memory_space<vmem>>, vector<16xf32>,
        tpu.vector_store %arg10[%swap3A_459, %swap3A_460, %swap3A_461], %bitcast3A_457 {strides = array<i32>} : memref<3x128x64xf32, #tpu.memory_space<vmem>>, vector<16xf32>,
        %mul3A_463 = arith.constant 8 : i32
        %mul3A_464 = arith.muli %scan3A_179, %mul3A_463 : i32
        %add3A_465 = arith.constant 6 : i32
        %add3A_466 = arith.addi %mul3A_464, %add3A_465 : i32
        %get3A_467 = arith.constant 2 : i32
        %get3A_468 = arith.index_cast %get3A_467 : i32 to index
        %get3A_469 = arith.index_cast %add3A_466 : i32 to index
        %get3A_470 = arith.constant 0 : index
        %get3A_471 = tpu.vector_load %arg9[%get3A_468, %get3A_469, %get3A_470] {strides = array<i32>} : memref<3x128x64xbf16, #tpu.memory_space<vmem>>, vector<32xbf16>,
        %bitcast3A_472 = vector.bitcast %get3A_471 : vector<32xbf16> to vector<16xi32>
        %shift_left3A_473 = arith.constant 16 : i32
        %shift_left3A_474 = vector.broadcast %shift_left3A_473 : i32 to vector<16xi32>
        %shift_left3A_475 = arith.shli %bitcast3A_472, %shift_left3A_474 : vector<16xi32>
        %bitcast3A_476 = vector.bitcast %shift_left3A_475 : vector<16xi32> to vector<16xf32>
        %swap3A_477 = arith.constant 2 : i32
        %swap3A_478 = arith.index_cast %swap3A_477 : i32 to index
        %swap3A_479 = arith.index_cast %add3A_466 : i32 to index
        %swap3A_480 = arith.constant 0 : index
        %swap3A_481 = tpu.vector_load %arg10[%swap3A_478, %swap3A_479, %swap3A_480] {strides = array<i32>} : memref<3x128x64xf32, #tpu.memory_space<vmem>>, vector<16xf32>,
        tpu.vector_store %arg10[%swap3A_478, %swap3A_479, %swap3A_480], %bitcast3A_476 {strides = array<i32>} : memref<3x128x64xf32, #tpu.memory_space<vmem>>, vector<16xf32>,
        %and3A_482 = arith.andi %bitcast3A_472, %broadcast_in_dim3A_3 : vector<16xi32>
        %bitcast3A_483 = vector.bitcast %and3A_482 : vector<16xi32> to vector<16xf32>
        %swap3A_484 = arith.constant 2 : i32
        %swap3A_485 = arith.index_cast %swap3A_484 : i32 to index
        %swap3A_486 = arith.index_cast %add3A_466 : i32 to index
        %swap3A_487 = arith.constant 16 : index
        %swap3A_488 = tpu.vector_load %arg10[%swap3A_485, %swap3A_486, %swap3A_487] {strides = array<i32>} : memref<3x128x64xf32, #tpu.memory_space<vmem>>, vector<16xf32>,
        tpu.vector_store %arg10[%swap3A_485, %swap3A_486, %swap3A_487], %bitcast3A_483 {strides = array<i32>} : memref<3x128x64xf32, #tpu.memory_space<vmem>>, vector<16xf32>,
        %get3A_489 = arith.constant 2 : i32
        %get3A_490 = arith.index_cast %get3A_489 : i32 to index
        %get3A_491 = arith.index_cast %add3A_466 : i32 to index
        %get3A_492 = arith.constant 32 : index
        %get3A_493 = tpu.vector_load %arg9[%get3A_490, %get3A_491, %get3A_492] {strides = array<i32>} : memref<3x128x64xbf16, #tpu.memory_space<vmem>>, vector<32xbf16>,
        %bitcast3A_494 = vector.bitcast %get3A_493 : vector<32xbf16> to vector<16xi32>
        %shift_left3A_495 = arith.constant 16 : i32
        %shift_left3A_496 = vector.broadcast %shift_left3A_495 : i32 to vector<16xi32>
        %shift_left3A_497 = arith.shli %bitcast3A_494, %shift_left3A_496 : vector<16xi32>
        %bitcast3A_498 = vector.bitcast %shift_left3A_497 : vector<16xi32> to vector<16xf32>
        %swap3A_499 = arith.constant 2 : i32
        %swap3A_500 = arith.index_cast %swap3A_499 : i32 to index
        %swap3A_501 = arith.index_cast %add3A_466 : i32 to index
        %swap3A_502 = arith.constant 32 : index
        %swap3A_503 = tpu.vector_load %arg10[%swap3A_500, %swap3A_501, %swap3A_502] {strides = array<i32>} : memref<3x128x64xf32, #tpu.memory_space<vmem>>, vector<16xf32>,
        tpu.vector_store %arg10[%swap3A_500, %swap3A_501, %swap3A_502], %bitcast3A_498 {strides = array<i32>} : memref<3x128x64xf32, #tpu.memory_space<vmem>>, vector<16xf32>,
        %and3A_504 = arith.andi %bitcast3A_494, %broadcast_in_dim3A_3 : vector<16xi32>
        %bitcast3A_505 = vector.bitcast %and3A_504 : vector<16xi32> to vector<16xf32>
        %swap3A_506 = arith.constant 2 : i32
        %swap3A_507 = arith.index_cast %swap3A_506 : i32 to index
        %swap3A_508 = arith.index_cast %add3A_466 : i32 to index
        %swap3A_509 = arith.constant 48 : index
        %swap3A_510 = tpu.vector_load %arg10[%swap3A_507, %swap3A_508, %swap3A_509] {strides = array<i32>} : memref<3x128x64xf32, #tpu.memory_space<vmem>>, vector<16xf32>,
        tpu.vector_store %arg10[%swap3A_507, %swap3A_508, %swap3A_509], %bitcast3A_505 {strides = array<i32>} : memref<3x128x64xf32, #tpu.memory_space<vmem>>, vector<16xf32>,
        %mul3A_511 = arith.constant 8 : i32
        %mul3A_512 = arith.muli %scan3A_179, %mul3A_511 : i32
        %add3A_513 = arith.constant 7 : i32
        %add3A_514 = arith.addi %mul3A_512, %add3A_513 : i32
        %get3A_515 = arith.constant 2 : i32
        %get3A_516 = arith.index_cast %get3A_515 : i32 to index
        %get3A_517 = arith.index_cast %add3A_514 : i32 to index
        %get3A_518 = arith.constant 0 : index
        %get3A_519 = tpu.vector_load %arg9[%get3A_516, %get3A_517, %get3A_518] {strides = array<i32>} : memref<3x128x64xbf16, #tpu.memory_space<vmem>>, vector<32xbf16>,
        %bitcast3A_520 = vector.bitcast %get3A_519 : vector<32xbf16> to vector<16xi32>
        %shift_left3A_521 = arith.constant 16 : i32
        %shift_left3A_522 = vector.broadcast %shift_left3A_521 : i32 to vector<16xi32>
        %shift_left3A_523 = arith.shli %bitcast3A_520, %shift_left3A_522 : vector<16xi32>
        %bitcast3A_524 = vector.bitcast %shift_left3A_523 : vector<16xi32> to vector<16xf32>
        %swap3A_525 = arith.constant 2 : i32
        %swap3A_526 = arith.index_cast %swap3A_525 : i32 to index
        %swap3A_527 = arith.index_cast %add3A_514 : i32 to index
        %swap3A_528 = arith.constant 0 : index
        %swap3A_529 = tpu.vector_load %arg10[%swap3A_526, %swap3A_527, %swap3A_528] {strides = array<i32>} : memref<3x128x64xf32, #tpu.memory_space<vmem>>, vector<16xf32>,
        tpu.vector_store %arg10[%swap3A_526, %swap3A_527, %swap3A_528], %bitcast3A_524 {strides = array<i32>} : memref<3x128x64xf32, #tpu.memory_space<vmem>>, vector<16xf32>,
        %and3A_530 = arith.andi %bitcast3A_520, %broadcast_in_dim3A_3 : vector<16xi32>
        %bitcast3A_531 = vector.bitcast %and3A_530 : vector<16xi32> to vector<16xf32>
        %swap3A_532 = arith.constant 2 : i32
        %swap3A_533 = arith.index_cast %swap3A_532 : i32 to index
        %swap3A_534 = arith.index_cast %add3A_514 : i32 to index
        %swap3A_535 = arith.constant 16 : index
        %swap3A_536 = tpu.vector_load %arg10[%swap3A_533, %swap3A_534, %swap3A_535] {strides = array<i32>} : memref<3x128x64xf32, #tpu.memory_space<vmem>>, vector<16xf32>,
        tpu.vector_store %arg10[%swap3A_533, %swap3A_534, %swap3A_535], %bitcast3A_531 {strides = array<i32>} : memref<3x128x64xf32, #tpu.memory_space<vmem>>, vector<16xf32>,
        %get3A_537 = arith.constant 2 : i32
        %get3A_538 = arith.index_cast %get3A_537 : i32 to index
        %get3A_539 = arith.index_cast %add3A_514 : i32 to index
        %get3A_540 = arith.constant 32 : index
        %get3A_541 = tpu.vector_load %arg9[%get3A_538, %get3A_539, %get3A_540] {strides = array<i32>} : memref<3x128x64xbf16, #tpu.memory_space<vmem>>, vector<32xbf16>,
        %bitcast3A_542 = vector.bitcast %get3A_541 : vector<32xbf16> to vector<16xi32>
        %shift_left3A_543 = arith.constant 16 : i32
        %shift_left3A_544 = vector.broadcast %shift_left3A_543 : i32 to vector<16xi32>
        %shift_left3A_545 = arith.shli %bitcast3A_542, %shift_left3A_544 : vector<16xi32>
        %bitcast3A_546 = vector.bitcast %shift_left3A_545 : vector<16xi32> to vector<16xf32>
        %swap3A_547 = arith.constant 2 : i32
        %swap3A_548 = arith.index_cast %swap3A_547 : i32 to index
        %swap3A_549 = arith.index_cast %add3A_514 : i32 to index
        %swap3A_550 = arith.constant 32 : index
        %swap3A_551 = tpu.vector_load %arg10[%swap3A_548, %swap3A_549, %swap3A_550] {strides = array<i32>} : memref<3x128x64xf32, #tpu.memory_space<vmem>>, vector<16xf32>,
        tpu.vector_store %arg10[%swap3A_548, %swap3A_549, %swap3A_550], %bitcast3A_546 {strides = array<i32>} : memref<3x128x64xf32, #tpu.memory_space<vmem>>, vector<16xf32>,
        %and3A_552 = arith.andi %bitcast3A_542, %broadcast_in_dim3A_3 : vector<16xi32>
        %bitcast3A_553 = vector.bitcast %and3A_552 : vector<16xi32> to vector<16xf32>
        %swap3A_554 = arith.constant 2 : i32
        %swap3A_555 = arith.index_cast %swap3A_554 : i32 to index
        %swap3A_556 = arith.index_cast %add3A_514 : i32 to index
        %swap3A_557 = arith.constant 48 : index
        %swap3A_558 = tpu.vector_load %arg10[%swap3A_555, %swap3A_556, %swap3A_557] {strides = array<i32>} : memref<3x128x64xf32, #tpu.memory_space<vmem>>, vector<16xf32>,
        tpu.vector_store %arg10[%swap3A_555, %swap3A_556, %swap3A_557], %bitcast3A_553 {strides = array<i32>} : memref<3x128x64xf32, #tpu.memory_space<vmem>>, vector<16xf32>,
      }
      %scan3A_167 = arith.constant 16 : i32
      %dma_start3A_168 = arith.constant 2 : i32
      %dma_start3A_169 = arith.constant 0 : i32
      %dma_start3A_170 = arith.constant 0 : i32
      %dma_start3A_171 = tpu.memref_slice %arg10[%dma_start3A_168, %dma_start3A_169, %dma_start3A_170] : memref<3x128x64xf32, #tpu.memory_space<vmem>> -> memref<1x128x64xf32, #tpu.memory_space<vmem>>
      %dma_start3A_172 = tpu.memref_squeeze %dma_start3A_171 : memref<1x128x64xf32, #tpu.memory_space<vmem>> -> memref<128x64xf32, #tpu.memory_space<vmem>>
      %dma_start3A_173 = arith.constant 0 : i32
      %dma_start3A_174 = tpu.memref_slice %arg8[%add3A_137, %dma_start3A_173] : memref<159x128xi32, #tpu.memory_space<vmem>> -> memref<1x128xi32, #tpu.memory_space<vmem>>
      %dma_start3A_175 = tpu.memref_squeeze %dma_start3A_174 : memref<1x128xi32, #tpu.memory_space<vmem>> -> memref<128xi32, #tpu.memory_space<vmem>>
      %dma_start3A_176 = arith.constant 0 : i32
      %dma_start3A_177 = arith.constant 0 : i32
      %dma_start3A_178 = tpu.memref_slice %arg11[%dma_start3A_176, %dma_start3A_177] : memref<10240x64xf32, #tpu.memory_space<vmem_shared>> -> memref<10240x64xf32, #tpu.memory_space<vmem_shared>>
      tpu.enqueue_indirect_dma source(%dma_start3A_172 : memref<128x64xf32, #tpu.memory_space<vmem>>) target(%dma_start3A_178 : memref<10240x64xf32, #tpu.memory_space<vmem_shared>>) offsets(%dma_start3A_175 : memref<128xi32, #tpu.memory_space<vmem>>) semaphore(%arg13 : memref<!tpu.dma_semaphore, #tpu.memory_space<semaphore_mem>>) {add = true}
    }
    %scan3A_19 = arith.constant 53 : i32
    %dma_wait3A = arith.constant 1 : i32
    %dma_wait3A_20 = arith.constant 0 : i32
    %dma_wait3A_21 = arith.constant 0 : i32
    %dma_wait3A_22 = arith.constant 0 : i32
    %dma_wait3A_23 = tpu.memref_slice %arg10[%dma_wait3A, %dma_wait3A_21, %dma_wait3A_22] : memref<3x128x64xf32, #tpu.memory_space<vmem>> -> memref<1x128x64xf32, #tpu.memory_space<vmem>>
    %dma_wait3A_24 = tpu.memref_squeeze %dma_wait3A_23 : memref<1x128x64xf32, #tpu.memory_space<vmem>> -> memref<128x64xf32, #tpu.memory_space<vmem>>
    %dma_wait3A_25 = arith.constant 0 : i32
    %dma_wait3A_26 = tpu.memref_slice %arg8[%dma_wait3A_20, %dma_wait3A_25] : memref<159x128xi32, #tpu.memory_space<vmem>> -> memref<1x128xi32, #tpu.memory_space<vmem>>
    %dma_wait3A_27 = tpu.memref_squeeze %dma_wait3A_26 : memref<1x128xi32, #tpu.memory_space<vmem>> -> memref<128xi32, #tpu.memory_space<vmem>>
    %dma_wait3A_28 = arith.constant 0 : i32
    %dma_wait3A_29 = arith.constant 0 : i32
    %dma_wait3A_30 = tpu.memref_slice %arg11[%dma_wait3A_28, %dma_wait3A_29] : memref<10240x64xf32, #tpu.memory_space<vmem_shared>> -> memref<10240x64xf32, #tpu.memory_space<vmem_shared>>
    tpu.wait_indirect_dma semaphore(%arg13 : memref<!tpu.dma_semaphore, #tpu.memory_space<semaphore_mem>>) src(%dma_wait3A_24 : memref<128x64xf32, #tpu.memory_space<vmem>>) dst(%dma_wait3A_30 : memref<10240x64xf32, #tpu.memory_space<vmem_shared>>)
    %dma_wait3A_31 = arith.constant 2 : i32
    %dma_wait3A_32 = arith.constant 0 : i32
    %dma_wait3A_33 = arith.constant 0 : i32
    %dma_wait3A_34 = arith.constant 0 : i32
    %dma_wait3A_35 = tpu.memref_slice %arg10[%dma_wait3A_31, %dma_wait3A_33, %dma_wait3A_34] : memref<3x128x64xf32, #tpu.memory_space<vmem>> -> memref<1x128x64xf32, #tpu.memory_space<vmem>>
    %dma_wait3A_36 = tpu.memref_squeeze %dma_wait3A_35 : memref<1x128x64xf32, #tpu.memory_space<vmem>> -> memref<128x64xf32, #tpu.memory_space<vmem>>
    %dma_wait3A_37 = arith.constant 0 : i32
    %dma_wait3A_38 = tpu.memref_slice %arg8[%dma_wait3A_32, %dma_wait3A_37] : memref<159x128xi32, #tpu.memory_space<vmem>> -> memref<1x128xi32, #tpu.memory_space<vmem>>
    %dma_wait3A_39 = tpu.memref_squeeze %dma_wait3A_38 : memref<1x128xi32, #tpu.memory_space<vmem>> -> memref<128xi32, #tpu.memory_space<vmem>>
    %dma_wait3A_40 = arith.constant 0 : i32
    %dma_wait3A_41 = arith.constant 0 : i32
    %dma_wait3A_42 = tpu.memref_slice %arg11[%dma_wait3A_40, %dma_wait3A_41] : memref<10240x64xf32, #tpu.memory_space<vmem_shared>> -> memref<10240x64xf32, #tpu.memory_space<vmem_shared>>
    tpu.wait_indirect_dma semaphore(%arg13 : memref<!tpu.dma_semaphore, #tpu.memory_space<semaphore_mem>>) src(%dma_wait3A_36 : memref<128x64xf32, #tpu.memory_space<vmem>>) dst(%dma_wait3A_42 : memref<10240x64xf32, #tpu.memory_space<vmem_shared>>)
    %barrier3A_43 = arith.constant 0 : index
    tpu.barrier barrier_id(%barrier3A_43)
    %mul3A_44 = arith.constant 640 : i32
    %mul3A_45 = arith.muli %arg1, %mul3A_44 : i32
    %mul3A_46 = arith.constant 640 : i32
    %mul3A_47 = arith.muli %arg1, %mul3A_46 : i32
    "tpu.region"() ({
      %run_scoped3A = tpu.sem_alloc : memref<!tpu.dma_semaphore, #tpu.memory_space<semaphore_mem>>
      %dma_start3A_48 = arith.constant 0 : i32
      %dma_start3A_49 = tpu.memref_slice %arg6[%arg0, %mul3A_47, %dma_start3A_48] : memref<2x10240x64xf32, #tpu.memory_space<hbm>> -> memref<1x640x64xf32, #tpu.memory_space<hbm>>
      %dma_start3A_50 = tpu.memref_squeeze %dma_start3A_49 : memref<1x640x64xf32, #tpu.memory_space<hbm>> -> memref<640x64xf32, #tpu.memory_space<hbm>>
      %dma_start3A_51 = arith.constant 0 : i32
      %dma_start3A_52 = tpu.memref_slice %arg11[%mul3A_45, %dma_start3A_51] : memref<10240x64xf32, #tpu.memory_space<vmem_shared>> -> memref<640x64xf32, #tpu.memory_space<vmem_shared>>
      tpu.enqueue_dma source(%dma_start3A_52 : memref<640x64xf32, #tpu.memory_space<vmem_shared>>) target(%dma_start3A_50 : memref<640x64xf32, #tpu.memory_space<hbm>>) target_semaphore(%run_scoped3A : memref<!tpu.dma_semaphore, #tpu.memory_space<semaphore_mem>>)
      %dma_wait3A_53 = arith.constant 0 : i32
      %dma_wait3A_54 = tpu.memref_slice %arg6[%arg0, %mul3A_47, %dma_wait3A_53] : memref<2x10240x64xf32, #tpu.memory_space<hbm>> -> memref<1x640x64xf32, #tpu.memory_space<hbm>>
      %dma_wait3A_55 = tpu.memref_squeeze %dma_wait3A_54 : memref<1x640x64xf32, #tpu.memory_space<hbm>> -> memref<640x64xf32, #tpu.memory_space<hbm>>
      %dma_wait3A_56 = arith.constant 0 : i32
      %dma_wait3A_57 = tpu.memref_slice %arg11[%mul3A_45, %dma_wait3A_56] : memref<10240x64xf32, #tpu.memory_space<vmem_shared>> -> memref<640x64xf32, #tpu.memory_space<vmem_shared>>
      tpu.wait_dma2 semaphore(%run_scoped3A : memref<!tpu.dma_semaphore, #tpu.memory_space<semaphore_mem>>) src(%dma_wait3A_57 : memref<640x64xf32, #tpu.memory_space<vmem_shared>>) dst(%dma_wait3A_55 : memref<640x64xf32, #tpu.memory_space<hbm>>)
      tpu.yield
    }) : () -> ()
    return
  }
}

module attributes {stable_mosaic.version = 14 : i64} {
  func.func @_stageB_body(%arg0: i32, %arg1: memref<400x128xf32, #tpu.memory_space<vmem>>, %arg2: memref<128x128xf32, #tpu.memory_space<vmem>>, %arg3: memref<128x128xf32, #tpu.memory_space<vmem>>, %arg4: memref<400x1xf32, #tpu.memory_space<vmem>>, %arg5: memref<400x1xf32, #tpu.memory_space<vmem>>, %arg6: memref<400x128xf32, #tpu.memory_space<vmem>>, %arg7: memref<400x128xbf16, #tpu.memory_space<vmem>>) attributes {dimension_semantics = [#tpu.dimension_semantics<arbitrary>], iteration_bounds = array<i64: 25>, scalar_prefetch = 0 : i64, scratch_operands = 0 : i64, tpu.core_type = #tpu.core_type<tc>, window_params = [{transform_indices = @transform_0, window_bounds = array<i64: 400, 128>}, {pipeline_mode = #tpu.pipeline_mode<synchronous>, transform_indices = @transform_1, window_bounds = array<i64: 128, 128>}, {pipeline_mode = #tpu.pipeline_mode<synchronous>, transform_indices = @transform_2, window_bounds = array<i64: 128, 128>}, {transform_indices = @transform_3, window_bounds = array<i64: 400, 1>}, {transform_indices = @transform_4, window_bounds = array<i64: 400, 1>}, {transform_indices = @transform_5, window_bounds = array<i64: 400, 128>}, {transform_indices = @transform_6, window_bounds = array<i64: 400, 128>}]} {
    %get3A = arith.constant 0 : index
    %get3A_0 = arith.constant 0 : index
    %get3A_1 = vector.load %arg4[%get3A, %get3A_0] : memref<400x1xf32, #tpu.memory_space<vmem>>, vector<400x1xf32>
    %get3A_2 = arith.constant 0 : index
    %get3A_3 = arith.constant 0 : index
    %get3A_4 = vector.load %arg5[%get3A_2, %get3A_3] : memref<400x1xf32, #tpu.memory_space<vmem>>, vector<400x1xf32>
    %add3A = arith.addf %get3A_1, %get3A_4 : vector<400x1xf32>
    %add3A_5 = arith.constant 1.000000e+00 : f32
    %add3A_6 = vector.broadcast %add3A_5 : f32 to vector<400x1xf32>
    %add3A_7 = arith.addf %add3A, %add3A_6 : vector<400x1xf32>
    %rsqrt3A = math.rsqrt %add3A_7 : vector<400x1xf32>
    %get3A_8 = arith.constant 0 : index
    %get3A_9 = arith.constant 0 : index
    %get3A_10 = vector.load %arg1[%get3A_8, %get3A_9] : memref<400x128xf32, #tpu.memory_space<vmem>>, vector<400x128xf32>
    %get3A_11 = arith.constant 0 : index
    %get3A_12 = arith.constant 0 : index
    %get3A_13 = vector.load %arg2[%get3A_11, %get3A_12] : memref<128x128xf32, #tpu.memory_space<vmem>>, vector<128x128xf32>
    %dot_general3A = arith.constant dense<0.000000e+00> : vector<400x128xf32>
    %dot_general3A_14 = tpu.matmul %get3A_10, %get3A_13, %dot_general3A {dimension_numbers = #tpu.dot_dimension_numbers<[1], [0], [0], [1], [0, 0, 1, 1], [], []>, transpose_lhs_hint = false} : vector<400x128xf32>, vector<128x128xf32>, vector<400x128xf32> -> vector<400x128xf32>
    %mul3A = vector.broadcast %rsqrt3A : vector<400x1xf32> to vector<400x128xf32>
    %mul3A_15 = arith.mulf %dot_general3A_14, %mul3A : vector<400x128xf32>
    %swap3A = arith.constant 0 : index
    %swap3A_16 = arith.constant 0 : index
    %swap3A_17 = vector.load %arg6[%swap3A, %swap3A_16] : memref<400x128xf32, #tpu.memory_space<vmem>>, vector<400x128xf32>
    tpu.vector_store %arg6[%swap3A, %swap3A_16], %mul3A_15 {strides = array<i32>} : memref<400x128xf32, #tpu.memory_space<vmem>>, vector<400x128xf32>,
    %get3A_18 = arith.constant 0 : index
    %get3A_19 = arith.constant 0 : index
    %get3A_20 = vector.load %arg3[%get3A_18, %get3A_19] : memref<128x128xf32, #tpu.memory_space<vmem>>, vector<128x128xf32>
    %dot_general3A_21 = arith.constant dense<0.000000e+00> : vector<400x128xf32>
    %dot_general3A_22 = tpu.matmul %get3A_10, %get3A_20, %dot_general3A_21 {dimension_numbers = #tpu.dot_dimension_numbers<[1], [0], [0], [1], [0, 0, 1, 1], [], []>, transpose_lhs_hint = false} : vector<400x128xf32>, vector<128x128xf32>, vector<400x128xf32> -> vector<400x128xf32>
    %mul3A_23 = vector.broadcast %rsqrt3A : vector<400x1xf32> to vector<400x128xf32>
    %mul3A_24 = arith.mulf %dot_general3A_22, %mul3A_23 : vector<400x128xf32>
    %convert_element_type3A = arith.truncf %mul3A_24 : vector<400x128xf32> to vector<400x128xbf16>
    %swap3A_25 = arith.constant 0 : index
    %swap3A_26 = arith.constant 0 : index
    %swap3A_27 = vector.load %arg7[%swap3A_25, %swap3A_26] : memref<400x128xbf16, #tpu.memory_space<vmem>>, vector<400x128xbf16>
    tpu.vector_store %arg7[%swap3A_25, %swap3A_26], %convert_element_type3A {strides = array<i32>} : memref<400x128xbf16, #tpu.memory_space<vmem>>, vector<400x128xbf16>,
    return
  }
  func.func @transform_0(%arg0: i32) -> (i32, i32) {
    %c0_i32 = arith.constant 0 : i32
    %c0_i32_0 = arith.constant 0 : i32
    return %arg0, %c0_i32 : i32, i32
  }
  func.func @transform_1(%arg0: i32) -> (i32, i32) {
    %c0_i32 = arith.constant 0 : i32
    %c0_i32_0 = arith.constant 0 : i32
    %c0_i32_1 = arith.constant 0 : i32
    return %c0_i32, %c0_i32_0 : i32, i32
  }
  func.func @transform_2(%arg0: i32) -> (i32, i32) {
    %c0_i32 = arith.constant 0 : i32
    %c0_i32_0 = arith.constant 0 : i32
    %c0_i32_1 = arith.constant 0 : i32
    return %c0_i32, %c0_i32_0 : i32, i32
  }
  func.func @transform_3(%arg0: i32) -> (i32, i32) {
    %c0_i32 = arith.constant 0 : i32
    %c0_i32_0 = arith.constant 0 : i32
    return %arg0, %c0_i32 : i32, i32
  }
  func.func @transform_4(%arg0: i32) -> (i32, i32) {
    %c0_i32 = arith.constant 0 : i32
    %c0_i32_0 = arith.constant 0 : i32
    return %arg0, %c0_i32 : i32, i32
  }
  func.func @transform_5(%arg0: i32) -> (i32, i32) {
    %c0_i32 = arith.constant 0 : i32
    %c0_i32_0 = arith.constant 0 : i32
    return %arg0, %c0_i32 : i32, i32
  }
  func.func @transform_6(%arg0: i32) -> (i32, i32) {
    %c0_i32 = arith.constant 0 : i32
    %c0_i32_0 = arith.constant 0 : i32
    return %arg0, %c0_i32 : i32, i32
  }
}

module attributes {stable_mosaic.version = 14 : i64} {
  func.func @_stageD_body(%arg0: i32, %arg1: memref<2x400x64xf32, #tpu.memory_space<vmem>>, %arg2: memref<400x128xf32, #tpu.memory_space<vmem>>, %arg3: memref<400x1xf32, #tpu.memory_space<vmem>>, %arg4: memref<400x1xf32, #tpu.memory_space<vmem>>, %arg5: memref<128x128xf32, #tpu.memory_space<vmem>>, %arg6: memref<128x128xf32, #tpu.memory_space<vmem>>, %arg7: memref<128xf32, #tpu.memory_space<vmem>>, %arg8: memref<400x128xf32, #tpu.memory_space<vmem>>, %arg9: memref<400x128xbf16, #tpu.memory_space<vmem>>) attributes {dimension_semantics = [#tpu.dimension_semantics<arbitrary>], iteration_bounds = array<i64: 25>, scalar_prefetch = 0 : i64, scratch_operands = 0 : i64, tpu.core_type = #tpu.core_type<tc>, window_params = [{transform_indices = @transform_0, window_bounds = array<i64: 2, 400, 64>}, {transform_indices = @transform_1, window_bounds = array<i64: 400, 128>}, {transform_indices = @transform_2, window_bounds = array<i64: 400, 1>}, {transform_indices = @transform_3, window_bounds = array<i64: 400, 1>}, {pipeline_mode = #tpu.pipeline_mode<synchronous>, transform_indices = @transform_4, window_bounds = array<i64: 128, 128>}, {pipeline_mode = #tpu.pipeline_mode<synchronous>, transform_indices = @transform_5, window_bounds = array<i64: 128, 128>}, {pipeline_mode = #tpu.pipeline_mode<synchronous>, transform_indices = @transform_6, window_bounds = array<i64: 128>}, {transform_indices = @transform_7, window_bounds = array<i64: 400, 128>}, {transform_indices = @transform_8, window_bounds = array<i64: 400, 128>}]} {
    %get3A = arith.constant 0 : index
    %get3A_0 = arith.constant 0 : index
    %get3A_1 = vector.load %arg3[%get3A, %get3A_0] : memref<400x1xf32, #tpu.memory_space<vmem>>, vector<400x1xf32>
    %get3A_2 = arith.constant 0 : index
    %get3A_3 = arith.constant 0 : index
    %get3A_4 = vector.load %arg4[%get3A_2, %get3A_3] : memref<400x1xf32, #tpu.memory_space<vmem>>, vector<400x1xf32>
    %add3A = arith.addf %get3A_1, %get3A_4 : vector<400x1xf32>
    %add3A_5 = arith.constant 1.000000e+00 : f32
    %add3A_6 = vector.broadcast %add3A_5 : f32 to vector<400x1xf32>
    %add3A_7 = arith.addf %add3A, %add3A_6 : vector<400x1xf32>
    %rsqrt3A = math.rsqrt %add3A_7 : vector<400x1xf32>
    %get3A_8 = arith.constant 0 : index
    %get3A_9 = arith.constant 0 : index
    %get3A_10 = arith.constant 0 : index
    %get3A_11 = vector.load %arg1[%get3A_8, %get3A_9, %get3A_10] : memref<2x400x64xf32, #tpu.memory_space<vmem>>, vector<1x400x64xf32>
    %get3A_12 = vector.shape_cast %get3A_11 : vector<1x400x64xf32> to vector<400x64xf32>
    %get3A_13 = arith.constant 1 : index
    %get3A_14 = arith.constant 0 : index
    %get3A_15 = arith.constant 0 : index
    %get3A_16 = vector.load %arg1[%get3A_13, %get3A_14, %get3A_15] : memref<2x400x64xf32, #tpu.memory_space<vmem>>, vector<1x400x64xf32>
    %get3A_17 = vector.shape_cast %get3A_16 : vector<1x400x64xf32> to vector<400x64xf32>
    %concatenate3A = tpu.concatenate %get3A_12, %get3A_17 in 1 : vector<400x64xf32>, vector<400x64xf32> -> vector<400x128xf32>
    %get3A_18 = arith.constant 0 : index
    %get3A_19 = arith.constant 0 : index
    %get3A_20 = vector.load %arg2[%get3A_18, %get3A_19] : memref<400x128xf32, #tpu.memory_space<vmem>>, vector<400x128xf32>
    %add3A_21 = arith.addf %concatenate3A, %get3A_20 : vector<400x128xf32>
    %mul3A = vector.broadcast %rsqrt3A : vector<400x1xf32> to vector<400x128xf32>
    %mul3A_22 = arith.mulf %mul3A, %add3A_21 : vector<400x128xf32>
    %get3A_23 = arith.constant 0 : index
    %get3A_24 = vector.load %arg7[%get3A_23] : memref<128xf32, #tpu.memory_space<vmem>>, vector<128xf32>
    %broadcast_in_dim3A = vector.shape_cast %get3A_24 : vector<128xf32> to vector<1x128xf32>
    %add3A_25 = vector.broadcast %broadcast_in_dim3A : vector<1x128xf32> to vector<400x128xf32>
    %add3A_26 = arith.addf %mul3A_22, %add3A_25 : vector<400x128xf32>
    %max3A = arith.constant 0.000000e+00 : f32
    %max3A_27 = vector.broadcast %max3A : f32 to vector<400x128xf32>
    %max3A_28 = arith.maximumf %add3A_26, %max3A_27 : vector<400x128xf32>
    %get3A_29 = arith.constant 0 : index
    %get3A_30 = arith.constant 0 : index
    %get3A_31 = vector.load %arg5[%get3A_29, %get3A_30] : memref<128x128xf32, #tpu.memory_space<vmem>>, vector<128x128xf32>
    %dot_general3A = arith.constant dense<0.000000e+00> : vector<400x128xf32>
    %dot_general3A_32 = tpu.matmul %max3A_28, %get3A_31, %dot_general3A {dimension_numbers = #tpu.dot_dimension_numbers<[1], [0], [0], [1], [0, 0, 1, 1], [], []>, transpose_lhs_hint = false} : vector<400x128xf32>, vector<128x128xf32>, vector<400x128xf32> -> vector<400x128xf32>
    %mul3A_33 = vector.broadcast %rsqrt3A : vector<400x1xf32> to vector<400x128xf32>
    %mul3A_34 = arith.mulf %dot_general3A_32, %mul3A_33 : vector<400x128xf32>
    %swap3A = arith.constant 0 : index
    %swap3A_35 = arith.constant 0 : index
    %swap3A_36 = vector.load %arg8[%swap3A, %swap3A_35] : memref<400x128xf32, #tpu.memory_space<vmem>>, vector<400x128xf32>
    tpu.vector_store %arg8[%swap3A, %swap3A_35], %mul3A_34 {strides = array<i32>} : memref<400x128xf32, #tpu.memory_space<vmem>>, vector<400x128xf32>,
    %get3A_37 = arith.constant 0 : index
    %get3A_38 = arith.constant 0 : index
    %get3A_39 = vector.load %arg6[%get3A_37, %get3A_38] : memref<128x128xf32, #tpu.memory_space<vmem>>, vector<128x128xf32>
    %dot_general3A_40 = arith.constant dense<0.000000e+00> : vector<400x128xf32>
    %dot_general3A_41 = tpu.matmul %max3A_28, %get3A_39, %dot_general3A_40 {dimension_numbers = #tpu.dot_dimension_numbers<[1], [0], [0], [1], [0, 0, 1, 1], [], []>, transpose_lhs_hint = false} : vector<400x128xf32>, vector<128x128xf32>, vector<400x128xf32> -> vector<400x128xf32>
    %mul3A_42 = vector.broadcast %rsqrt3A : vector<400x1xf32> to vector<400x128xf32>
    %mul3A_43 = arith.mulf %dot_general3A_41, %mul3A_42 : vector<400x128xf32>
    %convert_element_type3A = arith.truncf %mul3A_43 : vector<400x128xf32> to vector<400x128xbf16>
    %swap3A_44 = arith.constant 0 : index
    %swap3A_45 = arith.constant 0 : index
    %swap3A_46 = vector.load %arg9[%swap3A_44, %swap3A_45] : memref<400x128xbf16, #tpu.memory_space<vmem>>, vector<400x128xbf16>
    tpu.vector_store %arg9[%swap3A_44, %swap3A_45], %convert_element_type3A {strides = array<i32>} : memref<400x128xbf16, #tpu.memory_space<vmem>>, vector<400x128xbf16>,
    return
  }
  func.func @transform_0(%arg0: i32) -> (i32, i32, i32) {
    %c0_i32 = arith.constant 0 : i32
    %c0_i32_0 = arith.constant 0 : i32
    %c0_i32_1 = arith.constant 0 : i32
    return %c0_i32, %arg0, %c0_i32_0 : i32, i32, i32
  }
  func.func @transform_1(%arg0: i32) -> (i32, i32) {
    %c0_i32 = arith.constant 0 : i32
    %c0_i32_0 = arith.constant 0 : i32
    return %arg0, %c0_i32 : i32, i32
  }
  func.func @transform_2(%arg0: i32) -> (i32, i32) {
    %c0_i32 = arith.constant 0 : i32
    %c0_i32_0 = arith.constant 0 : i32
    return %arg0, %c0_i32 : i32, i32
  }
  func.func @transform_3(%arg0: i32) -> (i32, i32) {
    %c0_i32 = arith.constant 0 : i32
    %c0_i32_0 = arith.constant 0 : i32
    return %arg0, %c0_i32 : i32, i32
  }
  func.func @transform_4(%arg0: i32) -> (i32, i32) {
    %c0_i32 = arith.constant 0 : i32
    %c0_i32_0 = arith.constant 0 : i32
    %c0_i32_1 = arith.constant 0 : i32
    return %c0_i32, %c0_i32_0 : i32, i32
  }
  func.func @transform_5(%arg0: i32) -> (i32, i32) {
    %c0_i32 = arith.constant 0 : i32
    %c0_i32_0 = arith.constant 0 : i32
    %c0_i32_1 = arith.constant 0 : i32
    return %c0_i32, %c0_i32_0 : i32, i32
  }
  func.func @transform_6(%arg0: i32) -> i32 {
    %c0_i32 = arith.constant 0 : i32
    %c0_i32_0 = arith.constant 0 : i32
    return %c0_i32 : i32
  }
  func.func @transform_7(%arg0: i32) -> (i32, i32) {
    %c0_i32 = arith.constant 0 : i32
    %c0_i32_0 = arith.constant 0 : i32
    return %arg0, %c0_i32 : i32, i32
  }
  func.func @transform_8(%arg0: i32) -> (i32, i32) {
    %c0_i32 = arith.constant 0 : i32
    %c0_i32_0 = arith.constant 0 : i32
    return %arg0, %c0_i32 : i32, i32
  }
}

module attributes {stable_mosaic.version = 14 : i64} {
  func.func @_stageF_body(%arg0: i32, %arg1: memref<2x400x64xf32, #tpu.memory_space<vmem>>, %arg2: memref<400x128xf32, #tpu.memory_space<vmem>>, %arg3: memref<400x1xf32, #tpu.memory_space<vmem>>, %arg4: memref<400x1xf32, #tpu.memory_space<vmem>>, %arg5: memref<128xf32, #tpu.memory_space<vmem>>, %arg6: memref<1x1x400xi32, #tpu.memory_space<vmem>>, %arg7: memref<128x128xf32, #tpu.memory_space<vmem>>, %arg8: memref<128xf32, #tpu.memory_space<vmem>>, %arg9: memref<128x1xf32, #tpu.memory_space<vmem>>, %arg10: memref<16x1xf32, #tpu.memory_space<vmem>>, %arg11: memref<16x128xf32, #tpu.memory_space<vmem>>, %arg12: memref<16x128xf32, #tpu.memory_space<vmem>>) attributes {dimension_semantics = [#tpu.dimension_semantics<arbitrary>], iteration_bounds = array<i64: 25>, scalar_prefetch = 0 : i64, scratch_operands = 2 : i64, tpu.core_type = #tpu.core_type<tc>, window_params = [{transform_indices = @transform_0, window_bounds = array<i64: 2, 400, 64>}, {transform_indices = @transform_1, window_bounds = array<i64: 400, 128>}, {transform_indices = @transform_2, window_bounds = array<i64: 400, 1>}, {transform_indices = @transform_3, window_bounds = array<i64: 400, 1>}, {pipeline_mode = #tpu.pipeline_mode<synchronous>, transform_indices = @transform_4, window_bounds = array<i64: 128>}, {transform_indices = @transform_5, window_bounds = array<i64: 1, 1, 400>}, {pipeline_mode = #tpu.pipeline_mode<synchronous>, transform_indices = @transform_6, window_bounds = array<i64: 128, 128>}, {pipeline_mode = #tpu.pipeline_mode<synchronous>, transform_indices = @transform_7, window_bounds = array<i64: 128>}, {pipeline_mode = #tpu.pipeline_mode<synchronous>, transform_indices = @transform_8, window_bounds = array<i64: 128, 1>}, {pipeline_mode = #tpu.pipeline_mode<synchronous>, transform_indices = @transform_9, window_bounds = array<i64: 16, 1>}]} {
    %get3A = arith.constant 0 : index
    %get3A_0 = arith.constant 0 : index
    %get3A_1 = vector.load %arg3[%get3A, %get3A_0] : memref<400x1xf32, #tpu.memory_space<vmem>>, vector<400x1xf32>
    %get3A_2 = arith.constant 0 : index
    %get3A_3 = arith.constant 0 : index
    %get3A_4 = vector.load %arg4[%get3A_2, %get3A_3] : memref<400x1xf32, #tpu.memory_space<vmem>>, vector<400x1xf32>
    %add3A = arith.addf %get3A_1, %get3A_4 : vector<400x1xf32>
    %add3A_5 = arith.constant 1.000000e+00 : f32
    %add3A_6 = vector.broadcast %add3A_5 : f32 to vector<400x1xf32>
    %add3A_7 = arith.addf %add3A, %add3A_6 : vector<400x1xf32>
    %rsqrt3A = math.rsqrt %add3A_7 : vector<400x1xf32>
    %get3A_8 = arith.constant 0 : index
    %get3A_9 = arith.constant 0 : index
    %get3A_10 = arith.constant 0 : index
    %get3A_11 = vector.load %arg1[%get3A_8, %get3A_9, %get3A_10] : memref<2x400x64xf32, #tpu.memory_space<vmem>>, vector<1x400x64xf32>
    %get3A_12 = vector.shape_cast %get3A_11 : vector<1x400x64xf32> to vector<400x64xf32>
    %get3A_13 = arith.constant 1 : index
    %get3A_14 = arith.constant 0 : index
    %get3A_15 = arith.constant 0 : index
    %get3A_16 = vector.load %arg1[%get3A_13, %get3A_14, %get3A_15] : memref<2x400x64xf32, #tpu.memory_space<vmem>>, vector<1x400x64xf32>
    %get3A_17 = vector.shape_cast %get3A_16 : vector<1x400x64xf32> to vector<400x64xf32>
    %concatenate3A = tpu.concatenate %get3A_12, %get3A_17 in 1 : vector<400x64xf32>, vector<400x64xf32> -> vector<400x128xf32>
    %get3A_18 = arith.constant 0 : index
    %get3A_19 = arith.constant 0 : index
    %get3A_20 = vector.load %arg2[%get3A_18, %get3A_19] : memref<400x128xf32, #tpu.memory_space<vmem>>, vector<400x128xf32>
    %add3A_21 = arith.addf %concatenate3A, %get3A_20 : vector<400x128xf32>
    %mul3A = vector.broadcast %rsqrt3A : vector<400x1xf32> to vector<400x128xf32>
    %mul3A_22 = arith.mulf %mul3A, %add3A_21 : vector<400x128xf32>
    %get3A_23 = arith.constant 0 : index
    %get3A_24 = vector.load %arg5[%get3A_23] : memref<128xf32, #tpu.memory_space<vmem>>, vector<128xf32>
    %broadcast_in_dim3A = vector.shape_cast %get3A_24 : vector<128xf32> to vector<1x128xf32>
    %add3A_25 = vector.broadcast %broadcast_in_dim3A : vector<1x128xf32> to vector<400x128xf32>
    %add3A_26 = arith.addf %mul3A_22, %add3A_25 : vector<400x128xf32>
    %max3A = arith.constant 0.000000e+00 : f32
    %max3A_27 = vector.broadcast %max3A : f32 to vector<400x128xf32>
    %max3A_28 = arith.maximumf %add3A_26, %max3A_27 : vector<400x128xf32>
    %get3A_29 = arith.constant 0 : index
    %get3A_30 = arith.constant 0 : index
    %get3A_31 = arith.constant 0 : index
    %get3A_32 = vector.load %arg6[%get3A_29, %get3A_30, %get3A_31] : memref<1x1x400xi32, #tpu.memory_space<vmem>>, vector<1x1x400xi32>
    %get3A_33 = vector.shape_cast %get3A_32 : vector<1x1x400xi32> to vector<1x400xi32>
    %broadcast_in_dim3A_34 = vector.shape_cast %get3A_33 : vector<1x400xi32> to vector<1x400xi32>
    %broadcast_in_dim3A_35 = vector.broadcast %broadcast_in_dim3A_34 : vector<1x400xi32> to vector<16x400xi32>
    %iota3A = tpu.iota {dimensions = array<i32: 0>} : vector<16x400xi32>
    %eq3A = arith.cmpi eq, %broadcast_in_dim3A_35, %iota3A : vector<16x400xi32>
    %convert_element_type3A = arith.extui %eq3A : vector<16x400xi1> to vector<16x400xi32>
    %convert_element_type3A_36 = arith.sitofp %convert_element_type3A : vector<16x400xi32> to vector<16x400xf32>
    %eq3A_37 = arith.constant 0 : i32
    %eq3A_38 = arith.cmpi eq, %arg0, %eq3A_37 : i32
    %convert_element_type3A_39 = arith.extui %eq3A_38 : i1 to i32
    %cond3A = arith.constant 0 : i32
    %cond3A_40 = arith.cmpi ne, %convert_element_type3A_39, %cond3A : i32
    scf.if %cond3A_40 {
      %broadcast_in_dim3A_64 = arith.constant 0.000000e+00 : f32
      %broadcast_in_dim3A_65 = vector.broadcast %broadcast_in_dim3A_64 : f32 to vector<16x128xf32>
      %swap3A_66 = arith.constant 0 : index
      %swap3A_67 = arith.constant 0 : index
      %swap3A_68 = vector.load %arg11[%swap3A_66, %swap3A_67] : memref<16x128xf32, #tpu.memory_space<vmem>>, vector<16x128xf32>
      tpu.vector_store %arg11[%swap3A_66, %swap3A_67], %broadcast_in_dim3A_65 {strides = array<i32>} : memref<16x128xf32, #tpu.memory_space<vmem>>, vector<16x128xf32>,
      %broadcast_in_dim3A_69 = arith.constant 0.000000e+00 : f32
      %broadcast_in_dim3A_70 = vector.broadcast %broadcast_in_dim3A_69 : f32 to vector<16x128xf32>
      %swap3A_71 = arith.constant 0 : index
      %swap3A_72 = arith.constant 0 : index
      %swap3A_73 = vector.load %arg12[%swap3A_71, %swap3A_72] : memref<16x128xf32, #tpu.memory_space<vmem>>, vector<16x128xf32>
      tpu.vector_store %arg12[%swap3A_71, %swap3A_72], %broadcast_in_dim3A_70 {strides = array<i32>} : memref<16x128xf32, #tpu.memory_space<vmem>>, vector<16x128xf32>,
    } else {
    }
    %get3A_41 = arith.constant 0 : index
    %get3A_42 = arith.constant 0 : index
    %get3A_43 = vector.load %arg11[%get3A_41, %get3A_42] : memref<16x128xf32, #tpu.memory_space<vmem>>, vector<16x128xf32>
    %dot_general3A = arith.constant dense<0.000000e+00> : vector<16x128xf32>
    %dot_general3A_44 = tpu.matmul %convert_element_type3A_36, %max3A_28, %dot_general3A {dimension_numbers = #tpu.dot_dimension_numbers<[1], [0], [0], [1], [0, 0, 1, 1], [], []>, transpose_lhs_hint = false} : vector<16x400xf32>, vector<400x128xf32>, vector<16x128xf32> -> vector<16x128xf32>
    %add3A_45 = arith.addf %get3A_43, %dot_general3A_44 : vector<16x128xf32>
    %swap3A = arith.constant 0 : index
    %swap3A_46 = arith.constant 0 : index
    %swap3A_47 = vector.load %arg11[%swap3A, %swap3A_46] : memref<16x128xf32, #tpu.memory_space<vmem>>, vector<16x128xf32>
    tpu.vector_store %arg11[%swap3A, %swap3A_46], %add3A_45 {strides = array<i32>} : memref<16x128xf32, #tpu.memory_space<vmem>>, vector<16x128xf32>,
    %get3A_48 = arith.constant 0 : index
    %get3A_49 = arith.constant 0 : index
    %get3A_50 = vector.load %arg12[%get3A_48, %get3A_49] : memref<16x128xf32, #tpu.memory_space<vmem>>, vector<16x128xf32>
    %reduce_sum3A = arith.constant dense<0.000000e+00> : vector<16xf32>
    %reduce_sum3A_51 = vector.multi_reduction <add>, %convert_element_type3A_36, %reduce_sum3A [1] : vector<16x400xf32> to vector<16xf32>
    %broadcast_in_dim3A_52 = vector.shape_cast %reduce_sum3A_51 : vector<16xf32> to vector<16x1xf32>
    %broadcast_in_dim3A_53 = vector.shape_cast %broadcast_in_dim3A_52 : vector<16x1xf32> to vector<16x1xf32>
    %broadcast_in_dim3A_54 = vector.broadcast %broadcast_in_dim3A_53 : vector<16x1xf32> to vector<16x128xf32>
    %add3A_55 = arith.addf %get3A_50, %broadcast_in_dim3A_54 : vector<16x128xf32>
    %swap3A_56 = arith.constant 0 : index
    %swap3A_57 = arith.constant 0 : index
    %swap3A_58 = vector.load %arg12[%swap3A_56, %swap3A_57] : memref<16x128xf32, #tpu.memory_space<vmem>>, vector<16x128xf32>
    tpu.vector_store %arg12[%swap3A_56, %swap3A_57], %add3A_55 {strides = array<i32>} : memref<16x128xf32, #tpu.memory_space<vmem>>, vector<16x128xf32>,
    %eq3A_59 = arith.constant 24 : i32
    %eq3A_60 = arith.cmpi eq, %arg0, %eq3A_59 : i32
    %convert_element_type3A_61 = arith.extui %eq3A_60 : i1 to i32
    %cond3A_62 = arith.constant 0 : i32
    %cond3A_63 = arith.cmpi ne, %convert_element_type3A_61, %cond3A_62 : i32
    scf.if %cond3A_63 {
      %get3A_64 = arith.constant 0 : index
      %get3A_65 = arith.constant 0 : index
      %get3A_66 = vector.load %arg11[%get3A_64, %get3A_65] : memref<16x128xf32, #tpu.memory_space<vmem>>, vector<16x128xf32>
      %get3A_67 = arith.constant 0 : index
      %get3A_68 = arith.constant 0 : index
      %get3A_69 = vector.load %arg12[%get3A_67, %get3A_68] : memref<16x128xf32, #tpu.memory_space<vmem>>, vector<16x128xf32>
      %max3A_70 = arith.constant 1.000000e+00 : f32
      %max3A_71 = vector.broadcast %max3A_70 : f32 to vector<16x128xf32>
      %max3A_72 = arith.maximumf %get3A_69, %max3A_71 : vector<16x128xf32>
      %div3A = arith.divf %get3A_66, %max3A_72 : vector<16x128xf32>
      %get3A_73 = arith.constant 0 : index
      %get3A_74 = arith.constant 0 : index
      %get3A_75 = vector.load %arg7[%get3A_73, %get3A_74] : memref<128x128xf32, #tpu.memory_space<vmem>>, vector<128x128xf32>
      %dot_general3A_76 = arith.constant dense<0.000000e+00> : vector<16x128xf32>
      %dot_general3A_77 = tpu.matmul %div3A, %get3A_75, %dot_general3A_76 {dimension_numbers = #tpu.dot_dimension_numbers<[1], [0], [0], [1], [0, 0, 1, 1], [], []>, transpose_lhs_hint = false} : vector<16x128xf32>, vector<128x128xf32>, vector<16x128xf32> -> vector<16x128xf32>
      %get3A_78 = arith.constant 0 : index
      %get3A_79 = vector.load %arg8[%get3A_78] : memref<128xf32, #tpu.memory_space<vmem>>, vector<128xf32>
      %broadcast_in_dim3A_80 = vector.shape_cast %get3A_79 : vector<128xf32> to vector<1x128xf32>
      %add3A_81 = vector.broadcast %broadcast_in_dim3A_80 : vector<1x128xf32> to vector<16x128xf32>
      %add3A_82 = arith.addf %dot_general3A_77, %add3A_81 : vector<16x128xf32>
      %max3A_83 = arith.constant 0.000000e+00 : f32
      %max3A_84 = vector.broadcast %max3A_83 : f32 to vector<16x128xf32>
      %max3A_85 = arith.maximumf %add3A_82, %max3A_84 : vector<16x128xf32>
      %get3A_86 = arith.constant 0 : index
      %get3A_87 = arith.constant 0 : index
      %get3A_88 = vector.load %arg9[%get3A_86, %get3A_87] : memref<128x1xf32, #tpu.memory_space<vmem>>, vector<128x1xf32>
      %dot_general3A_89 = arith.constant dense<0.000000e+00> : vector<16x1xf32>
      %dot_general3A_90 = tpu.matmul %max3A_85, %get3A_88, %dot_general3A_89 {dimension_numbers = #tpu.dot_dimension_numbers<[1], [0], [0], [1], [0, 0, 1, 1], [], []>, transpose_lhs_hint = false} : vector<16x128xf32>, vector<128x1xf32>, vector<16x1xf32> -> vector<16x1xf32>
      %swap3A_91 = arith.constant 0 : index
      %swap3A_92 = arith.constant 0 : index
      %swap3A_93 = vector.load %arg10[%swap3A_91, %swap3A_92] : memref<16x1xf32, #tpu.memory_space<vmem>>, vector<16x1xf32>
      tpu.vector_store %arg10[%swap3A_91, %swap3A_92], %dot_general3A_90 {strides = array<i32>} : memref<16x1xf32, #tpu.memory_space<vmem>>, vector<16x1xf32>,
    } else {
    }
    return
  }
  func.func @transform_0(%arg0: i32) -> (i32, i32, i32) {
    %c0_i32 = arith.constant 0 : i32
    %c0_i32_0 = arith.constant 0 : i32
    %c0_i32_1 = arith.constant 0 : i32
    return %c0_i32, %arg0, %c0_i32_0 : i32, i32, i32
  }
  func.func @transform_1(%arg0: i32) -> (i32, i32) {
    %c0_i32 = arith.constant 0 : i32
    %c0_i32_0 = arith.constant 0 : i32
    return %arg0, %c0_i32 : i32, i32
  }
  func.func @transform_2(%arg0: i32) -> (i32, i32) {
    %c0_i32 = arith.constant 0 : i32
    %c0_i32_0 = arith.constant 0 : i32
    return %arg0, %c0_i32 : i32, i32
  }
  func.func @transform_3(%arg0: i32) -> (i32, i32) {
    %c0_i32 = arith.constant 0 : i32
    %c0_i32_0 = arith.constant 0 : i32
    return %arg0, %c0_i32 : i32, i32
  }
  func.func @transform_4(%arg0: i32) -> i32 {
    %c0_i32 = arith.constant 0 : i32
    %c0_i32_0 = arith.constant 0 : i32
    return %c0_i32 : i32
  }
  func.func @transform_5(%arg0: i32) -> (i32, i32, i32) {
    %c0_i32 = arith.constant 0 : i32
    %c0_i32_0 = arith.constant 0 : i32
    %c0_i32_1 = arith.constant 0 : i32
    return %arg0, %c0_i32, %c0_i32_0 : i32, i32, i32
  }
  func.func @transform_6(%arg0: i32) -> (i32, i32) {
    %c0_i32 = arith.constant 0 : i32
    %c0_i32_0 = arith.constant 0 : i32
    %c0_i32_1 = arith.constant 0 : i32
    return %c0_i32, %c0_i32_0 : i32, i32
  }
  func.func @transform_7(%arg0: i32) -> i32 {
    %c0_i32 = arith.constant 0 : i32
    %c0_i32_0 = arith.constant 0 : i32
    return %c0_i32 : i32
  }
  func.func @transform_8(%arg0: i32) -> (i32, i32) {
    %c0_i32 = arith.constant 0 : i32
    %c0_i32_0 = arith.constant 0 : i32
    %c0_i32_1 = arith.constant 0 : i32
    return %c0_i32, %c0_i32_0 : i32, i32
  }
  func.func @transform_9(%arg0: i32) -> (i32, i32) {
    %c0_i32 = arith.constant 0 : i32
    %c0_i32_0 = arith.constant 0 : i32
    %c0_i32_1 = arith.constant 0 : i32
    return %c0_i32, %c0_i32_0 : i32, i32
  }
}

</mosaic_0001>

<sc_bundles>
// kernel: kernel.11.cloned.1.call-start
scs
__scs_entry_jumppad:
0x0: {  	(pc) =	sbr.rel $0x88, $3  }
0x1: {  	(tag) =	ssettag $0x0;
	lr =	simm.s32 $0x1  }
0x2: {  	[smem:$0x3F96] =	sst lr;
	_ =	strace $0xD0000000  }
0x3: {  	_ = 	snop  }
0x4: {  	_ = 	snop  }
0x5: {  	_ = 	snop  }
0x6: {  	_ = 	snop  }
0x7: {  	_ = 	snop  }
__scs_overlays_trampoline_lowered:
0x8: {  	[smem:$0x3FA5] =	sst s0  }
0x9: {  	[smem:$0x3FA6] =	sst s1  }
0xa: {  	[smem:$0x3FA7] =	sst s2  }
0xb: {  	[smem:$0x3FA8] =	sst s3  }
0xc: {  	[smem:$0x3FA9] =	sst s4  }
0xd: {  	[smem:$0x3FAA] =	sst s5  }
0xe: {  	[smem:$0x3FAB] =	sst s6  }
0xf: {  	[smem:$0x3FAC] =	sst s7  }
0x10: {  	[smem:$0x3FAD] =	sst s8  }
0x11: {  	[smem:$0x3FAE] =	sst s9;
	s0 =	simm.s32 @!p0 $0x0  }
0x12: {  	s1 =	sld [smem:$0x3F94];
	s0 =	simm.s32 @p0 $0x1  }
0x13: {  	[smem:$0x3FAF] =	sst s0;
	s0 =	simm.s32 @!p1 $0x0  }
0x14: {  	s2 =	sld [smem:$0x3F93];
	s0 =	simm.s32 @p1 $0x1  }
0x15: {  	[smem:$0x3FB0] =	sst s0;
	s0 =	simm.s32 @!p2 $0x0  }
0x16: {  	s3 =	sld [smem:$0x3FDB];
	s0 =	simm.s32 @p2 $0x1  }
0x17: {  	s4 =	simm.s32 $0x1BF5;
	[smem:$0x3FB2] =	sst s0  }
0x18: {  	s0 =	sld [smem:$0x3F95];
	_ =	swait.ge [sflag:s4], $0x0  }
0x19: {  	s7 =	sld [smem:$0x3F96]  }
0x1a: {  	s8 =	sadd.s32 $0xFFFFE003, lr  }
0x1b: {  	s9 =	sadd.s32 $0xFFFFFEF7, lr;
	s5 =	simm.s32 $0xFFFFFFFF;
	p2 =	slt.u32 s8, $0xFFFFF086  }
0x1c: {  	p1 =	slt.u32 s9, $0xF7A;
	s5 =	simm.s32 @!p2 $0x0  }
0x1d: {  	s5 =	simm.s32 @p1 $0x1;
	p0 =	seq.s32 s7, s2  }
0x1e: {  	s7 =	smul.u32 @!p0 $0xF7A, s2;
	p2 =	seq.s32 @!p0 s5, $0x0  }
0x1f: {  	s9 =	smul.u32 $0xF7A, s1;
	s8 =	simm.s32 @!p0 $0x1BF5;
	p2 =	por !p2, p0  }
0x20: {  	[sflag:s8] =	ssyncset.s32 @!p0 $0xFFFFF086;
	s6 =	sadd.s32 @!p0 s3, s7;
	s7 =	simm.s32 @!p0 $0x108  }
0x21: {  	s3 =	sadd.s32 s3, s9;
	s6 =	sadd.s32 @!p0 $0x88, s6;
	s7 =	simm.s32 @p2 $0x1082  }
0x22: {  	[simem:s7], [sflag:s8] =	dma.local @!p0 [hbm:s6], $0xF7A  }
0x23: {  	s9 =	sor.u32 $0xD0000000, s2;
	s6 =	simm.s32 $0x108;
	_ =	swait.ge @!p0 [sflag:s8], $0x0  }
0x24: {  	s3 =	sadd.s32 $0x88, s3;
	s6 =	simm.s32 @!p1 $0x1082;
	[sflag:s4] =	ssyncset.s32 $0xFFFFF086  }
0x25: {  	[simem:s6], [sflag:s4] =	dma.local [hbm:s3], $0xF7A  }
0x26: {  	[smem:$0x3F96] =	sst s1;
	(tag) =	ssettag s2;
	_ =	strace s9  }
0x27: {  	s1 =	sld [smem:$0x3FA6]  }
0x28: {  	s2 =	sld [smem:$0x3FA7]  }
0x29: {  	s4 =	sld [smem:$0x3FA9]  }
0x2a: {  	p0 =	seq.s32 s5, $0x0;
	s5 =	sld [smem:$0x3FAA]  }
0x2b: {  	s6 =	sld [smem:$0x3FAB]  }
0x2c: {  	s7 =	sld [smem:$0x3FAC]  }
0x2d: {  	s3 =	simm.s32 $0x108;
	s8 =	sld [smem:$0x3FAD]  }
0x2e: {  	s3 =	simm.s32 @!p0 $0x1082;
	s9 =	sld [smem:$0x3FAE]  }
0x2f: {  	lr =	sadd.s32 s0, s3;
	s0 =	sld [smem:$0x3FA5]  }
0x30: {  	s3 =	sld [smem:$0x3FA8]  }
0x31: {  	[smem:$0x3FB1] =	sst s10  }
0x32: {  	s10 =	sld [smem:$0x3FAF];
	_ =	sdelay $0x3  }
0x33: {  	p0 =	seq.s32 s10, $0x1;
	s10 =	sld [smem:$0x3FB1];
	_ =	sdelay $0x3  }
0x34: {  	[smem:$0x3FB1] =	sst s10  }
0x35: {  	s10 =	sld [smem:$0x3FB0];
	_ =	sdelay $0x3  }
0x36: {  	p1 =	seq.s32 s10, $0x1;
	s10 =	sld [smem:$0x3FB1];
	_ =	sdelay $0x3  }
0x37: {  	[smem:$0x3FB1] =	sst s10  }
0x38: {  	s10 =	sld [smem:$0x3FB2]  }
0x39: {  	_ = 	snop;
	(pc) =	sbr.ind lr, $3  }
0x3a: {  	_ = 	snop  }
0x3b: {  	_ = 	snop  }
0x3c: {  	p2 =	seq.s32 s10, $0x1;
	s10 =	sld [smem:$0x3FB1]  }
0x3d: {  	_ =	shalt  }
0x3e: {  	_ =	shalt  }
0x3f: {  	_ =	shalt  }
0x40: {  	_ =	shalt  }
0x41: {  	_ =	shalt  }
0x42: {  	_ =	shalt  }
0x43: {  	_ =	shalt  }
0x44: {  	_ =	shalt  }
0x45: {  	_ =	shalt  }
0x46: {  	_ =	shalt  }
0x47: {  	_ =	shalt  }
0x48: {  	_ =	shalt  }
0x49: {  	_ =	shalt  }
0x4a: {  	_ =	shalt  }
0x4b: {  	_ =	shalt  }
0x4c: {  	_ =	shalt  }
0x4d: {  	_ =	shalt  }
0x4e: {  	_ =	shalt  }
0x4f: {  	_ =	shalt  }
0x50: {  	_ =	shalt  }
0x51: {  	_ =	shalt  }
0x52: {  	_ =	shalt  }
0x53: {  	_ =	shalt  }
0x54: {  	_ =	shalt  }
0x55: {  	_ =	shalt  }
0x56: {  	_ =	shalt  }
0x57: {  	_ =	shalt  }
0x58: {  	_ =	shalt  }
0x59: {  	_ =	shalt  }
0x5a: {  	_ =	shalt  }
0x5b: {  	_ =	shalt  }
0x5c: {  	_ =	shalt  }
0x5d: {  	_ =	shalt  }
0x5e: {  	_ =	shalt  }
0x5f: {  	_ =	shalt  }
0x60: {  	_ =	shalt  }
0x61: {  	_ =	shalt  }
0x62: {  	_ =	shalt  }
0x63: {  	_ =	shalt  }
0x64: {  	_ =	shalt  }
0x65: {  	_ =	shalt  }
0x66: {  	_ =	shalt  }
0x67: {  	_ =	shalt  }
0x68: {  	_ =	shalt  }
0x69: {  	_ =	shalt  }
0x6a: {  	_ =	shalt  }
0x6b: {  	_ =	shalt  }
0x6c: {  	_ =	shalt  }
0x6d: {  	_ =	shalt  }
0x6e: {  	_ =	shalt  }
0x6f: {  	_ =	shalt  }
0x70: {  	_ =	shalt  }
0x71: {  	_ =	shalt  }
0x72: {  	_ =	shalt  }
0x73: {  	_ =	shalt  }
0x74: {  	_ =	shalt  }
0x75: {  	_ =	shalt  }
0x76: {  	_ =	shalt  }
0x77: {  	_ =	shalt  }
0x78: {  	_ =	shalt  }
0x79: {  	_ =	shalt  }
0x7a: {  	_ =	shalt  }
0x7b: {  	_ =	shalt  }
0x7c: {  	_ =	shalt  }
0x7d: {  	_ =	shalt  }
0x7e: {  	_ =	shalt  }
0x7f: {  	_ =	shalt  }
0x80: {  	_ =	shalt  }
0x81: {  	_ =	shalt  }
0x82: {  	_ =	shalt  }
0x83: {  	_ =	shalt  }
0x84: {  	_ =	shalt  }
0x85: {  	_ =	shalt  }
0x86: {  	_ =	shalt  }
0x87: {  	_ =	shalt  }
.Lfunc_end0:
.L_simem_size_0:
called_computation.1_lowered:
.L_overlay_start_0:
0x88: {  	s2 =	sld [smem:$0x3FD9]  }
0x89: {  	s3 =	sld [smem:$0x3FFE];
	_ =	sdelay $0x1  }
0x8a: {  	s1 =	srdreg.scid  }
0x8b: {  	s0 =	sand.u32 $0x1, s1  }
0x8c: {  	s16 =	sshll.u32 s0, $0xA;
	s2 =	sadd.s32 s3, s2  }
0x8d: {  	s2 =	sadd.s32 s2, s16  }
0x8e: {  	[smem:$0x3FBD] =	sst s2  }
0x8f: {  	_ = 	snop  }
0x90: {  	(tm) =	ssettm $0x1  }
0x91: {  	s17 =	sld [smem:$0x3FFB];
	_ =	sdelay $0x3  }
0x92: {  	_ =	strace s17  }
0x93: {  	s2 =	sld [smem:$0x3FFC];
	_ =	sdelay $0x3  }
0x94: {  	_ =	strace s2  }
0x95: {  	s2 =	sld [smem:$0x3FFD];
	_ =	sdelay $0x3  }
0x96: {  	_ =	strace s2  }
0x97: {  	_ =	strace $0x8FFFFFFF  }
0x98: {  	s18 =	sld [smem:$0x3FDB];
	_ =	sdelay $0x1  }
0x99: {  	s19 =	simm.s32 $_scs_section_size  }
0x9a: {  	s4 =	simm.s32 $_size__tile_overlayer_lowered;
	s5 =	simm.s32 $_tile_overlayer_lowered  }
0x9b: {  	s22 =	simm.s32 $0x1BFF;
	s21 =	sshll.u32 s5, $0x1;
	s2 =	sadd.s32 s19, s18  }
0x9c: {  	s6 =	simm.s32 $0x0;
	s20 =	sshll.u32 s4, $0x1;
	s4 =	sadd.s32 s21, s2  }
0x9d: {  	[timem:s6], [sflag:s22] =	dma.local [hbm:s4], s20  }
0x9e: {  	_ =	swait.ge [sflag:s22], s20  }
0x9f: {  	s3 =	ssub.s32 $0x0, s20;
	[sflag:s22] =	ssyncset.done $0x0  }
0xa0: {  	[sflag:s22] =	ssyncadd.s32 s3;
	_ =	sdelay $0x1  }
0xa1: {  	s23 =	simm.s32 $0x1B8B  }
0xa2: {  	_ =	swait.ge [sflag:s23], $0x1  }
0xa3: {  	[sflag:s23] =	ssyncset.done $0x0  }
0xa4: {  	s25 =	simm.s32 $0x1B8E;
	s24 =	sld [smem:$0x3FFE];
	[sflag:s23] =	ssyncadd.s32 $0xFFFFFFFF  }
0xa5: {  	s26 =	simm.s32 $execute0_lowered;
	[smem:$0x3FD2] =	sst s25  }
0xa6: {  	s4 =	sshll.u32 s26, $0x1;
	_ =	strace $0x80000049;
	[dreg:$0x1] =	wrdreg $0xFFFFFFFF  }
0xa7: {  	s28 =	simm.s32 $_size_execute0_lowered;
	s2 =	sadd.s32 s2, s4;
	[dreg:$0x0] =	wrdreg $0x0  }
0xa8: {  	s4 =	sshll.u32 s28, $0x1;
	[dreg:$0x2] =	wrdreg s2  }
0xa9: {  	[dreg:$0x3] =	wrdreg s4  }
0xaa: {  	[dreg:$0x4] =	wrdreg $0xC0  }
0xab: {  	_ =	task [dreg:s6], $0x5FFFF  }
0xac: {  	[dreg:$0x1] =	wrdreg $0xFFFFFFFF  }
0xad: {  	[dreg:$0x0] =	wrdreg $0x60  }
0xae: {  	[dreg:$0x2] =	wrdreg s24  }
0xaf: {  	[dreg:$0x3] =	wrdreg $0x12F000  }
0xb0: {  	[dreg:$0x4] =	wrdreg $0x9  }
0xb1: {  	_ =	task.clear_ibuf [dreg:s6], $0x5FFFF;
	_ =	strace $0x90000049  }
0xb2: {  	s29 =	simm.s32 $0x9;
	_ =	strace $0x8000004B  }
0xb3: {  	_ =	swait.ge [sflag:s29], $0x1  }
0xb4: {  	[sflag:s29] =	ssyncadd.s32 $0xFFFFFFFF  }
0xb5: {  	_ =	strace $0x9000004B  }
0xb6: {  	_ =	sfence  }
0xb7: {  	s30 =	sld [smem:$0x0];
	_ =	sdelay $0x2  }
0xb8: {  	s31 =	sshll.u32 s1, $0xD;
	s1 =	sshrl.u32 s1, $0x2  }
0xb9: {  	s3 =	sand.u32 $0x4000, s31;
	s1 =	sadd.s32 s1, s30  }
0xba: {  	s0 =	sor.u32 s3, s0;
	s1 =	sshll.u32 s1, $0x11  }
0xbb: {  	s0 =	sor.u32 s1, s0  }
0xbc: {  	s0 =	sadd.s32 $0x8F2B, s0  }
0xbd: {  	[sflag:s0] =	ssyncadd.remote.s32 $0x1  }
0xbe: {  	_ =	sfence.sel $0xFFFF  }
0xbf: {  	[dreg:$0x0] =	wrdreg $0xFFFFFFFF;
	(pc) =	sbr.abs _section_cstart, $3  }
0xc0: {  	[dreg:$0x1] =	wrdreg $0xFFFFFFFF  }
0xc1: {  	_ =	task.clear_ibuf [dreg:s6], $0x2FFFF;
	_ =	strace $0x9FFFFFFF  }
0xc2: {  	(tm) =	ssettm $0x7FFFFFFF  }
0xc3: {  	_ =	shalt  }
tec
execute0_lowered:
.L_overlay_start_1:
0x0: {  	(tag) =	ssettag $0x1  }
0x1: {  	s1 =	srdreg.scid;
	s5 =	rddreg [dreg:$0x0]  }
0x2: {  	s0 =	stileid.u32;
	s2 =	rddreg [dreg:$0x1];
	s3 =	simm.s32 $0x0  }
0x3: {  	s14 =	simm.s32 $0x80;
	s15 =	simm.s32 $0x9F00;
	s16 =	simm.s32 $0x1  }
0x4: {  	s17 =	simm.s32 $0xAF00;
	s18 =	simm.s32 $0xCF00;
	s19 =	simm.s32 $0xBF00  }
0x5: {  	s20 =	simm.s32 $0xEF00;
	s21 =	simm.s32 $0x2;
	s6 =	smul.u32 $0x4F80, s0  }
0x6: {  	s22 =	simm.s32 $0x10F00;
	s1 =	sand.u32 $0x1, s1;
	s7 =	smul.u32 $0xA000, s0  }
0x7: {  	s23 =	simm.s32 $0x0;
	[smem:$0x7FF] =	sst s3;
	s4 =	smul.u32 $0x4F800, s1  }
0x8: {  	s31 =	sshll.u32 s0, $0x6;
	_ =	strace $0x8000004A;
	s9 =	smul.u32 $0xA0000, s1  }
0x9: {  	s1 =	ssub.s32 $0x2, s1;
	s12 =	sor.u32 $0x1C03, s31;
	s10 =	sshrl.u32 s7, $0x3  }
0xa: {  	s11 =	sshrl.u32 s1, $0x1;
	s13 =	sadd.s32 s7, s2;
	s4 =	sadd.s32 s6, s4  }
0xb: {  	s6 =	sshrl.u32 s6, $0x3;
	s9 =	sadd.s32 s7, s9;
	s10 =	sadd.s32 s10, s5  }
0xc: {  	s1 =	ssub.s32 s1, s11;
	s11 =	simm.s32 $0x4F80;
	s13 =	sshrl.u32 s13, $0x3  }
0xd: {  	s8 =	sshrl.u32 s4, $0x3;
	s4 =	sadd.s32 $0x49400, s5;
	s6 =	sadd.s32 s6, s5  }
0xe: {  	s9 =	sshrl.u32 s9, $0x3;
	s7 =	sadd.s32 $0x5CE00, s10;
	s10 =	simm.s32 $0x3  }
0xf: {  	s8 =	sadd.s32 s8, s5;
	s9 =	sadd.s32 s9, s5;
	s6 =	sadd.s32 $0x2600, s6  }
0x10: {  	s5 =	sadd.s32 $0xD600, s8;
	s8 =	sadd.s32 $0x70E00, s9;
	s9 =	smax.u32 s1, $0x1  }
.LBB2_1:
0x11: {  	[tilespmem:s3], [sflag:$0x3] =	stream.linear.gather [hbm4b:s5+s3], $0x4F80, $0x38;
	[tilespmem:$0x1CF00] =	vst v63  }
0x12: {  	_ =	swait.ge [sflag:s10], $0x4F80  }
0x13: {  	[sflag:s10] =	ssyncset.done $0x0  }
0x14: {  	[sflag:s10] =	ssyncadd.s32 $0xFFFFB080  }
0x15: {  	[tilespmem:s11], [sflag:$0x3] =	stream.linear.gather [hbm4b:s6+s3], $0x4F80, $0x38;
	[tilespmem:$0x1CF00] =	vst v63  }
0x16: {  	_ =	swait.ge [sflag:s10], $0x4F80  }
0x17: {  	[sflag:s10] =	ssyncset.done $0x0  }
0x18: {  	[sflag:s10] =	ssyncadd.s32 $0xFFFFB080  }
0x19: {  	[spmem:s13], [sflag:s12] =	dma.local [hbm:s7], $0x1400  }
0x1a: {  	_ =	swait.ge [sflag:s10], $0x1400  }
0x1b: {  	[sflag:s10] =	ssyncset.done $0x0  }
0x1c: {  	[sflag:s10] =	ssyncadd.s32 $0xFFFFEC00  }
0x1d: {  	s24 =	simm.s32 $0x0;
	[bflag:$0x0] =	sbarrier.arrive $0xFFFF  }
0x1e: {  	[tilespmem:s15], [sflag:$0x1] =	stream.indirect.gather [hbm4b:s4+s14], $0x20, s3, s14, $0xb8;
	[tilespmem:$0x1CF00] =	vst v63  }
.LBB2_2:
0x1f: {  	_ =	swait.ge [sflag:s16], $0x1000  }
0x20: {  	p0 =	seq.s32 s24, $0x0;
	[sflag:s16] =	ssyncset.done $0x0  }
0x21: {  	s25 =	smul.u32 $0x600, s24;
	s1 =	simm.s32 @!p0 $0x2;
	[sflag:s16] =	ssyncadd.s32 $0xFFFFF000  }
0x22: {  	_ =	swait.ge @!p0 [sflag:s1], $0x2000  }
0x23: {  	s26 =	sadd.s32 $0x200, s25;
	[sflag:s1] =	ssyncset.done @!p0 $0x0  }
0x24: {  	s29 =	simm.s32 $0x0;
	s28 =	sshra.s32 s26, $0x2;
	[sflag:s1] =	ssyncadd.s32 @!p0 $0xFFFFE000  }
0x25: {  	[tilespmem:s17], [sflag:$0x1] =	stream.indirect.gather [hbm4b:s4+s14], $0x20, s28, s14, $0xb8;
	[tilespmem:$0x1CF00] =	vst v63  }
0x26: {  	v0 =	vld [tilespmem:s29+$0x9F00];
	_ =	sdelay $0x4  }
0x27: {  	s26 =	simm.s32 $0xD000;
	v1 =	vshll.u32 v0, $0x10  }
0x28: {  	v0 =	vand.u32 $0xFFFF0000, v0;
	[tilespmem:s26+$0xFFFFFF00] =	vst v1  }
0x29: {  	[tilespmem:s26+$0xFFFFFF10] =	vst v0  }
0x2a: {  	v0 =	vld [tilespmem:s29+$0x9F10];
	_ =	sdelay $0x4  }
0x2b: {  	v1 =	vshll.u32 v0, $0x10  }
0x2c: {  	v0 =	vand.u32 $0xFFFF0000, v0;
	[tilespmem:s26+$0xFFFFFF20] =	vst v1  }
0x2d: {  	[tilespmem:s26+$0xFFFFFF30] =	vst v0  }
0x2e: {  	v0 =	vld [tilespmem:s29+$0x9F20];
	_ =	sdelay $0x4  }
0x2f: {  	v1 =	vshll.u32 v0, $0x10  }
0x30: {  	v0 =	vand.u32 $0xFFFF0000, v0;
	[tilespmem:s26+$0xFFFFFF40] =	vst v1  }
0x31: {  	[tilespmem:s26+$0xFFFFFF50] =	vst v0  }
0x32: {  	v0 =	vld [tilespmem:s29+$0x9F30];
	_ =	sdelay $0x4  }
0x33: {  	v1 =	vshll.u32 v0, $0x10  }
0x34: {  	v0 =	vand.u32 $0xFFFF0000, v0;
	[tilespmem:s26+$0xFFFFFF60] =	vst v1  }
0x35: {  	[tilespmem:s26+$0xFFFFFF70] =	vst v0  }
0x36: {  	v0 =	vld [tilespmem:s29+$0x9F40];
	_ =	sdelay $0x4  }
0x37: {  	v1 =	vshll.u32 v0, $0x10  }
0x38: {  	v0 =	vand.u32 $0xFFFF0000, v0;
	[tilespmem:s26+$0xFFFFFF80] =	vst v1  }
0x39: {  	[tilespmem:s26+$0xFFFFFF90] =	vst v0  }
0x3a: {  	v0 =	vld [tilespmem:s29+$0x9F50];
	_ =	sdelay $0x4  }
0x3b: {  	v1 =	vshll.u32 v0, $0x10  }
0x3c: {  	v0 =	vand.u32 $0xFFFF0000, v0;
	[tilespmem:s26+$0xFFFFFFA0] =	vst v1  }
0x3d: {  	[tilespmem:s26+$0xFFFFFFB0] =	vst v0  }
0x3e: {  	v0 =	vld [tilespmem:s29+$0x9F60];
	_ =	sdelay $0x4  }
0x3f: {  	v1 =	vshll.u32 v0, $0x10  }
0x40: {  	v0 =	vand.u32 $0xFFFF0000, v0;
	[tilespmem:s26+$0xFFFFFFC0] =	vst v1  }
0x41: {  	[tilespmem:s26+$0xFFFFFFD0] =	vst v0  }
0x42: {  	v0 =	vld [tilespmem:s29+$0x9F70];
	_ =	sdelay $0x4  }
0x43: {  	v1 =	vshll.u32 v0, $0x10  }
0x44: {  	v0 =	vand.u32 $0xFFFF0000, v0;
	[tilespmem:s26+$0xFFFFFFE0] =	vst v1  }
0x45: {  	[tilespmem:s26+$0xFFFFFFF0] =	vst v0  }
0x46: {  	v0 =	vld [tilespmem:s29+$0x9F80];
	_ =	sdelay $0x4  }
0x47: {  	v1 =	vshll.u32 v0, $0x10  }
0x48: {  	v0 =	vand.u32 $0xFFFF0000, v0;
	[tilespmem:s26+$0x0] =	vst v1  }
0x49: {  	[tilespmem:s26+$0x10] =	vst v0  }
0x4a: {  	v0 =	vld [tilespmem:s29+$0x9F90];
	_ =	sdelay $0x4  }
0x4b: {  	v1 =	vshll.u32 v0, $0x10  }
0x4c: {  	v0 =	vand.u32 $0xFFFF0000, v0;
	[tilespmem:s26+$0x20] =	vst v1  }
0x4d: {  	[tilespmem:s26+$0x30] =	vst v0  }
0x4e: {  	v0 =	vld [tilespmem:s29+$0x9FA0];
	_ =	sdelay $0x4  }
0x4f: {  	v1 =	vshll.u32 v0, $0x10  }
0x50: {  	v0 =	vand.u32 $0xFFFF0000, v0;
	[tilespmem:s26+$0x40] =	vst v1  }
0x51: {  	[tilespmem:s26+$0x50] =	vst v0  }
0x52: {  	v0 =	vld [tilespmem:s29+$0x9FB0];
	_ =	sdelay $0x4  }
0x53: {  	v1 =	vshll.u32 v0, $0x10  }
0x54: {  	v0 =	vand.u32 $0xFFFF0000, v0;
	[tilespmem:s26+$0x60] =	vst v1  }
0x55: {  	[tilespmem:s26+$0x70] =	vst v0  }
0x56: {  	v0 =	vld [tilespmem:s29+$0x9FC0];
	_ =	sdelay $0x4  }
0x57: {  	v1 =	vshll.u32 v0, $0x10  }
0x58: {  	v0 =	vand.u32 $0xFFFF0000, v0;
	[tilespmem:s26+$0x80] =	vst v1  }
0x59: {  	[tilespmem:s26+$0x90] =	vst v0  }
0x5a: {  	v0 =	vld [tilespmem:s29+$0x9FD0];
	_ =	sdelay $0x4  }
0x5b: {  	v1 =	vshll.u32 v0, $0x10  }
0x5c: {  	s30 =	simm.s32 $0x400;
	s31 =	simm.s32 $0xD000;
	v0 =	vand.u32 $0xFFFF0000, v0;
	[tilespmem:s26+$0xA0] =	vst v1  }
.LBB2_3:
0x5d: {  	p1 =	sne.s32 s30, $0x3C00  }
0x5e: {  	[tilespmem:s26+$0xB0] =	vst v0;
	s31 =	sadd.s32 $0x200, s31;
	s1 =	smov.u32 s30;
	s30 =	sadd.s32 $0x400, s30  }
0x5f: {  	v0 =	vld [tilespmem:s29+$0x9FE0];
	_ =	sdelay $0x4  }
0x60: {  	v1 =	vshll.u32 v0, $0x10;
	v0 =	vand.u32 $0xFFFF0000, v0  }
0x61: {  	[tilespmem:s26+$0xC0] =	vst v1  }
0x62: {  	[tilespmem:s26+$0xD0] =	vst v0  }
0x63: {  	v0 =	vld [tilespmem:s29+$0x9FF0];
	_ =	sdelay $0x4  }
0x64: {  	v1 =	vshll.u32 v0, $0x10;
	v0 =	vand.u32 $0xFFFF0000, v0  }
0x65: {  	[tilespmem:s26+$0xE0] =	vst v1  }
0x66: {  	s29 =	sshra.s32 s1, $0x2;
	[tilespmem:s26+$0xF0] =	vst v0;
	s26 =	smov.u32 s31  }
0x67: {  	v0 =	vld [tilespmem:s29+$0x9F00];
	_ =	sdelay $0x4  }
0x68: {  	v1 =	vshll.u32 v0, $0x10;
	v0 =	vand.u32 $0xFFFF0000, v0  }
0x69: {  	[tilespmem:s31+$0xFFFFFF00] =	vst v1  }
0x6a: {  	[tilespmem:s31+$0xFFFFFF10] =	vst v0  }
0x6b: {  	v0 =	vld [tilespmem:s29+$0x9F10];
	_ =	sdelay $0x4  }
0x6c: {  	v1 =	vshll.u32 v0, $0x10;
	v0 =	vand.u32 $0xFFFF0000, v0  }
0x6d: {  	[tilespmem:s31+$0xFFFFFF20] =	vst v1  }
0x6e: {  	[tilespmem:s31+$0xFFFFFF30] =	vst v0  }
0x6f: {  	v0 =	vld [tilespmem:s29+$0x9F20];
	_ =	sdelay $0x4  }
0x70: {  	v1 =	vshll.u32 v0, $0x10;
	v0 =	vand.u32 $0xFFFF0000, v0  }
0x71: {  	[tilespmem:s31+$0xFFFFFF40] =	vst v1  }
0x72: {  	[tilespmem:s31+$0xFFFFFF50] =	vst v0  }
0x73: {  	v0 =	vld [tilespmem:s29+$0x9F30];
	_ =	sdelay $0x4  }
0x74: {  	v1 =	vshll.u32 v0, $0x10;
	v0 =	vand.u32 $0xFFFF0000, v0  }
0x75: {  	[tilespmem:s31+$0xFFFFFF60] =	vst v1  }
0x76: {  	[tilespmem:s31+$0xFFFFFF70] =	vst v0  }
0x77: {  	v0 =	vld [tilespmem:s29+$0x9F40];
	_ =	sdelay $0x4  }
0x78: {  	v1 =	vshll.u32 v0, $0x10;
	v0 =	vand.u32 $0xFFFF0000, v0  }
0x79: {  	[tilespmem:s31+$0xFFFFFF80] =	vst v1  }
0x7a: {  	[tilespmem:s31+$0xFFFFFF90] =	vst v0  }
0x7b: {  	v0 =	vld [tilespmem:s29+$0x9F50];
	_ =	sdelay $0x4  }
0x7c: {  	v1 =	vshll.u32 v0, $0x10;
	v0 =	vand.u32 $0xFFFF0000, v0  }
0x7d: {  	[tilespmem:s31+$0xFFFFFFA0] =	vst v1  }
0x7e: {  	[tilespmem:s31+$0xFFFFFFB0] =	vst v0  }
0x7f: {  	v0 =	vld [tilespmem:s29+$0x9F60];
	_ =	sdelay $0x4  }
0x80: {  	v1 =	vshll.u32 v0, $0x10;
	v0 =	vand.u32 $0xFFFF0000, v0  }
0x81: {  	[tilespmem:s31+$0xFFFFFFC0] =	vst v1  }
0x82: {  	[tilespmem:s31+$0xFFFFFFD0] =	vst v0  }
0x83: {  	v0 =	vld [tilespmem:s29+$0x9F70];
	_ =	sdelay $0x4  }
0x84: {  	v1 =	vshll.u32 v0, $0x10;
	v0 =	vand.u32 $0xFFFF0000, v0  }
0x85: {  	[tilespmem:s31+$0xFFFFFFE0] =	vst v1  }
0x86: {  	[tilespmem:s31+$0xFFFFFFF0] =	vst v0  }
0x87: {  	v0 =	vld [tilespmem:s29+$0x9F80];
	_ =	sdelay $0x4  }
0x88: {  	v1 =	vshll.u32 v0, $0x10;
	v0 =	vand.u32 $0xFFFF0000, v0  }
0x89: {  	[tilespmem:s31+$0x0] =	vst v1  }
0x8a: {  	[tilespmem:s31+$0x10] =	vst v0  }
0x8b: {  	v0 =	vld [tilespmem:s29+$0x9F90];
	_ =	sdelay $0x4  }
0x8c: {  	v1 =	vshll.u32 v0, $0x10;
	v0 =	vand.u32 $0xFFFF0000, v0  }
0x8d: {  	[tilespmem:s31+$0x20] =	vst v1  }
0x8e: {  	[tilespmem:s31+$0x30] =	vst v0  }
0x8f: {  	v0 =	vld [tilespmem:s29+$0x9FA0];
	_ =	sdelay $0x4  }
0x90: {  	v1 =	vshll.u32 v0, $0x10;
	v0 =	vand.u32 $0xFFFF0000, v0  }
0x91: {  	[tilespmem:s31+$0x40] =	vst v1  }
0x92: {  	[tilespmem:s31+$0x50] =	vst v0  }
0x93: {  	v0 =	vld [tilespmem:s29+$0x9FB0];
	_ =	sdelay $0x4  }
0x94: {  	v1 =	vshll.u32 v0, $0x10;
	v0 =	vand.u32 $0xFFFF0000, v0  }
0x95: {  	[tilespmem:s31+$0x60] =	vst v1  }
0x96: {  	[tilespmem:s31+$0x70] =	vst v0  }
0x97: {  	v0 =	vld [tilespmem:s29+$0x9FC0];
	_ =	sdelay $0x4  }
0x98: {  	v1 =	vshll.u32 v0, $0x10;
	v0 =	vand.u32 $0xFFFF0000, v0  }
0x99: {  	[tilespmem:s31+$0x80] =	vst v1  }
0x9a: {  	[tilespmem:s31+$0x90] =	vst v0  }
0x9b: {  	v0 =	vld [tilespmem:s29+$0x9FD0];
	_ =	sdelay $0x1  }
.Ltmp0:
0x9c: {  	(pc) =	sbr.rel @p1 .LBB2_3-.Ltmp0, $3  }
0x9d: {  	_ =	sdelay $0x1  }
0x9e: {  	v1 =	vshll.u32 v0, $0x10;
	v0 =	vand.u32 $0xFFFF0000, v0  }
0x9f: {  	[tilespmem:s31+$0xA0] =	vst v1  }
0xa0: {  	[tilespmem:s26+$0xB0] =	vst v0  }
0xa1: {  	v0 =	vld [tilespmem:s29+$0x9FE0];
	_ =	sdelay $0x4  }
0xa2: {  	v1 =	vshll.u32 v0, $0x10  }
0xa3: {  	v0 =	vand.u32 $0xFFFF0000, v0;
	[tilespmem:s26+$0xC0] =	vst v1  }
0xa4: {  	[tilespmem:s26+$0xD0] =	vst v0  }
0xa5: {  	v0 =	vld [tilespmem:s29+$0x9FF0];
	_ =	sdelay $0x4  }
0xa6: {  	v1 =	vshll.u32 v0, $0x10  }
0xa7: {  	s1 =	sshra.s32 s25, $0x2;
	v0 =	vand.u32 $0xFFFF0000, v0;
	[tilespmem:s26+$0xE0] =	vst v1  }
0xa8: {  	s1 =	sadd.s32 $0x4F80, s1;
	[tilespmem:s26+$0xF0] =	vst v0  }
0xa9: {  	[spmem:s2] =	stream.indirect.scatter.add.f32 [tilespmem:s18], [sflag:$0x2], $0x40, s1, s14, $0xb8;
	[tilespmem:$0x1CF00] =	vst v63  }
0xaa: {  	_ =	swait.ge [sflag:s16], $0x1000  }
0xab: {  	[sflag:s16] =	ssyncset.done $0x0  }
0xac: {  	s1 =	simm.s32 @!p0 $0x2;
	[sflag:s16] =	ssyncadd.s32 $0xFFFFF000  }
0xad: {  	_ =	swait.ge @!p0 [sflag:s1], $0x2000  }
0xae: {  	s0 =	sadd.s32 $0x400, s25;
	[sflag:s1] =	ssyncset.done @!p0 $0x0  }
0xaf: {  	s30 =	simm.s32 $0x0;
	s26 =	sshra.s32 s0, $0x2;
	[sflag:s1] =	ssyncadd.s32 @!p0 $0xFFFFE000  }
0xb0: {  	[tilespmem:s19], [sflag:$0x1] =	stream.indirect.gather [hbm4b:s4+s14], $0x20, s26, s14, $0xb8;
	[tilespmem:$0x1CF00] =	vst v63  }
0xb1: {  	v0 =	vld [tilespmem:s30+$0xAF00];
	_ =	sdelay $0x4  }
0xb2: {  	s29 =	simm.s32 $0xF0F0;
	v1 =	vshll.u32 v0, $0x10  }
0xb3: {  	v0 =	vand.u32 $0xFFFF0000, v0;
	[tilespmem:s29+$0xFFFFFE10] =	vst v1  }
0xb4: {  	[tilespmem:s29+$0xFFFFFE20] =	vst v0  }
0xb5: {  	v0 =	vld [tilespmem:s30+$0xAF10];
	_ =	sdelay $0x4  }
0xb6: {  	v1 =	vshll.u32 v0, $0x10  }
0xb7: {  	v0 =	vand.u32 $0xFFFF0000, v0;
	[tilespmem:s29+$0xFFFFFE30] =	vst v1  }
0xb8: {  	[tilespmem:s29+$0xFFFFFE40] =	vst v0  }
0xb9: {  	v0 =	vld [tilespmem:s30+$0xAF20];
	_ =	sdelay $0x4  }
0xba: {  	v1 =	vshll.u32 v0, $0x10  }
0xbb: {  	v0 =	vand.u32 $0xFFFF0000, v0;
	[tilespmem:s29+$0xFFFFFE50] =	vst v1  }
0xbc: {  	[tilespmem:s29+$0xFFFFFE60] =	vst v0  }
0xbd: {  	v0 =	vld [tilespmem:s30+$0xAF30];
	_ =	sdelay $0x4  }
0xbe: {  	v1 =	vshll.u32 v0, $0x10  }
0xbf: {  	v0 =	vand.u32 $0xFFFF0000, v0;
	[tilespmem:s29+$0xFFFFFE70] =	vst v1  }
0xc0: {  	[tilespmem:s29+$0xFFFFFE80] =	vst v0  }
0xc1: {  	v0 =	vld [tilespmem:s30+$0xAF40];
	_ =	sdelay $0x4  }
0xc2: {  	v1 =	vshll.u32 v0, $0x10  }
0xc3: {  	v0 =	vand.u32 $0xFFFF0000, v0;
	[tilespmem:s29+$0xFFFFFE90] =	vst v1  }
0xc4: {  	[tilespmem:s29+$0xFFFFFEA0] =	vst v0  }
0xc5: {  	v0 =	vld [tilespmem:s30+$0xAF50];
	_ =	sdelay $0x4  }
0xc6: {  	v1 =	vshll.u32 v0, $0x10  }
0xc7: {  	v0 =	vand.u32 $0xFFFF0000, v0;
	[tilespmem:s29+$0xFFFFFEB0] =	vst v1  }
0xc8: {  	[tilespmem:s29+$0xFFFFFEC0] =	vst v0  }
0xc9: {  	v0 =	vld [tilespmem:s30+$0xAF60];
	_ =	sdelay $0x4  }
0xca: {  	v1 =	vshll.u32 v0, $0x10  }
0xcb: {  	v0 =	vand.u32 $0xFFFF0000, v0;
	[tilespmem:s29+$0xFFFFFED0] =	vst v1  }
0xcc: {  	[tilespmem:s29+$0xFFFFFEE0] =	vst v0  }
0xcd: {  	v0 =	vld [tilespmem:s30+$0xAF70];
	_ =	sdelay $0x4  }
0xce: {  	v1 =	vshll.u32 v0, $0x10  }
0xcf: {  	v0 =	vand.u32 $0xFFFF0000, v0;
	[tilespmem:s29+$0xFFFFFEF0] =	vst v1  }
0xd0: {  	[tilespmem:s29+$0xFFFFFF00] =	vst v0  }
0xd1: {  	v0 =	vld [tilespmem:s30+$0xAF80];
	_ =	sdelay $0x4  }
0xd2: {  	v1 =	vshll.u32 v0, $0x10  }
0xd3: {  	v0 =	vand.u32 $0xFFFF0000, v0;
	[tilespmem:s29+$0xFFFFFF10] =	vst v1  }
0xd4: {  	[tilespmem:s29+$0xFFFFFF20] =	vst v0  }
0xd5: {  	v0 =	vld [tilespmem:s30+$0xAF90];
	_ =	sdelay $0x4  }
0xd6: {  	v1 =	vshll.u32 v0, $0x10  }
0xd7: {  	v0 =	vand.u32 $0xFFFF0000, v0;
	[tilespmem:s29+$0xFFFFFF30] =	vst v1  }
0xd8: {  	[tilespmem:s29+$0xFFFFFF40] =	vst v0  }
0xd9: {  	v0 =	vld [tilespmem:s30+$0xAFA0];
	_ =	sdelay $0x4  }
0xda: {  	v1 =	vshll.u32 v0, $0x10  }
0xdb: {  	v0 =	vand.u32 $0xFFFF0000, v0;
	[tilespmem:s29+$0xFFFFFF50] =	vst v1  }
0xdc: {  	[tilespmem:s29+$0xFFFFFF60] =	vst v0  }
0xdd: {  	v0 =	vld [tilespmem:s30+$0xAFB0];
	_ =	sdelay $0x4  }
0xde: {  	v1 =	vshll.u32 v0, $0x10  }
0xdf: {  	v0 =	vand.u32 $0xFFFF0000, v0;
	[tilespmem:s29+$0xFFFFFF70] =	vst v1  }
0xe0: {  	[tilespmem:s29+$0xFFFFFF80] =	vst v0  }
0xe1: {  	v0 =	vld [tilespmem:s30+$0xAFC0];
	_ =	sdelay $0x4  }
0xe2: {  	v1 =	vshll.u32 v0, $0x10  }
0xe3: {  	v0 =	vand.u32 $0xFFFF0000, v0;
	[tilespmem:s29+$0xFFFFFF90] =	vst v1  }
0xe4: {  	[tilespmem:s29+$0xFFFFFFA0] =	vst v0  }
0xe5: {  	v0 =	vld [tilespmem:s30+$0xAFD0];
	_ =	sdelay $0x4  }
0xe6: {  	v1 =	vshll.u32 v0, $0x10  }
0xe7: {  	s31 =	simm.s32 $0x400;
	s1 =	simm.s32 $0xF0F0;
	v0 =	vand.u32 $0xFFFF0000, v0;
	[tilespmem:s29+$0xFFFFFFB0] =	vst v1  }
.LBB2_5:
0xe8: {  	p0 =	sne.s32 s31, $0x3C00  }
0xe9: {  	[tilespmem:s29+$0xFFFFFFC0] =	vst v0;
	s1 =	sadd.s32 $0x200, s1;
	s0 =	smov.u32 s31;
	s31 =	sadd.s32 $0x400, s31  }
0xea: {  	v0 =	vld [tilespmem:s30+$0xAFE0];
	_ =	sdelay $0x4  }
0xeb: {  	v1 =	vshll.u32 v0, $0x10;
	v0 =	vand.u32 $0xFFFF0000, v0  }
0xec: {  	[tilespmem:s29+$0xFFFFFFD0] =	vst v1  }
0xed: {  	[tilespmem:s29+$0xFFFFFFE0] =	vst v0  }
0xee: {  	v0 =	vld [tilespmem:s30+$0xAFF0];
	_ =	sdelay $0x4  }
0xef: {  	v1 =	vshll.u32 v0, $0x10;
	v0 =	vand.u32 $0xFFFF0000, v0  }
0xf0: {  	[tilespmem:s29+$0xFFFFFFF0] =	vst v1  }
0xf1: {  	s30 =	sshra.s32 s0, $0x2;
	[tilespmem:s29+$0x0] =	vst v0;
	s29 =	smov.u32 s1  }
0xf2: {  	v0 =	vld [tilespmem:s30+$0xAF00];
	_ =	sdelay $0x4  }
0xf3: {  	v1 =	vshll.u32 v0, $0x10;
	v0 =	vand.u32 $0xFFFF0000, v0  }
0xf4: {  	[tilespmem:s1+$0xFFFFFE10] =	vst v1  }
0xf5: {  	[tilespmem:s1+$0xFFFFFE20] =	vst v0  }
0xf6: {  	v0 =	vld [tilespmem:s30+$0xAF10];
	_ =	sdelay $0x4  }
0xf7: {  	v1 =	vshll.u32 v0, $0x10;
	v0 =	vand.u32 $0xFFFF0000, v0  }
0xf8: {  	[tilespmem:s1+$0xFFFFFE30] =	vst v1  }
0xf9: {  	[tilespmem:s1+$0xFFFFFE40] =	vst v0  }
0xfa: {  	v0 =	vld [tilespmem:s30+$0xAF20];
	_ =	sdelay $0x4  }
0xfb: {  	v1 =	vshll.u32 v0, $0x10;
	v0 =	vand.u32 $0xFFFF0000, v0  }
0xfc: {  	[tilespmem:s1+$0xFFFFFE50] =	vst v1  }
0xfd: {  	[tilespmem:s1+$0xFFFFFE60] =	vst v0  }
0xfe: {  	v0 =	vld [tilespmem:s30+$0xAF30];
	_ =	sdelay $0x4  }
0xff: {  	v1 =	vshll.u32 v0, $0x10;
	v0 =	vand.u32 $0xFFFF0000, v0  }
0x100: {  	[tilespmem:s1+$0xFFFFFE70] =	vst v1  }
0x101: {  	[tilespmem:s1+$0xFFFFFE80] =	vst v0  }
0x102: {  	v0 =	vld [tilespmem:s30+$0xAF40];
	_ =	sdelay $0x4  }
0x103: {  	v1 =	vshll.u32 v0, $0x10;
	v0 =	vand.u32 $0xFFFF0000, v0  }
0x104: {  	[tilespmem:s1+$0xFFFFFE90] =	vst v1  }
0x105: {  	[tilespmem:s1+$0xFFFFFEA0] =	vst v0  }
0x106: {  	v0 =	vld [tilespmem:s30+$0xAF50];
	_ =	sdelay $0x4  }
0x107: {  	v1 =	vshll.u32 v0, $0x10;
	v0 =	vand.u32 $0xFFFF0000, v0  }
0x108: {  	[tilespmem:s1+$0xFFFFFEB0] =	vst v1  }
0x109: {  	[tilespmem:s1+$0xFFFFFEC0] =	vst v0  }
0x10a: {  	v0 =	vld [tilespmem:s30+$0xAF60];
	_ =	sdelay $0x4  }
0x10b: {  	v1 =	vshll.u32 v0, $0x10;
	v0 =	vand.u32 $0xFFFF0000, v0  }
0x10c: {  	[tilespmem:s1+$0xFFFFFED0] =	vst v1  }
0x10d: {  	[tilespmem:s1+$0xFFFFFEE0] =	vst v0  }
0x10e: {  	v0 =	vld [tilespmem:s30+$0xAF70];
	_ =	sdelay $0x4  }
0x10f: {  	v1 =	vshll.u32 v0, $0x10;
	v0 =	vand.u32 $0xFFFF0000, v0  }
0x110: {  	[tilespmem:s1+$0xFFFFFEF0] =	vst v1  }
0x111: {  	[tilespmem:s1+$0xFFFFFF00] =	vst v0  }
0x112: {  	v0 =	vld [tilespmem:s30+$0xAF80];
	_ =	sdelay $0x4  }
0x113: {  	v1 =	vshll.u32 v0, $0x10;
	v0 =	vand.u32 $0xFFFF0000, v0  }
0x114: {  	[tilespmem:s1+$0xFFFFFF10] =	vst v1  }
0x115: {  	[tilespmem:s1+$0xFFFFFF20] =	vst v0  }
0x116: {  	v0 =	vld [tilespmem:s30+$0xAF90];
	_ =	sdelay $0x4  }
0x117: {  	v1 =	vshll.u32 v0, $0x10;
	v0 =	vand.u32 $0xFFFF0000, v0  }
0x118: {  	[tilespmem:s1+$0xFFFFFF30] =	vst v1  }
0x119: {  	[tilespmem:s1+$0xFFFFFF40] =	vst v0  }
0x11a: {  	v0 =	vld [tilespmem:s30+$0xAFA0];
	_ =	sdelay $0x4  }
0x11b: {  	v1 =	vshll.u32 v0, $0x10;
	v0 =	vand.u32 $0xFFFF0000, v0  }
0x11c: {  	[tilespmem:s1+$0xFFFFFF50] =	vst v1  }
0x11d: {  	[tilespmem:s1+$0xFFFFFF60] =	vst v0  }
0x11e: {  	v0 =	vld [tilespmem:s30+$0xAFB0];
	_ =	sdelay $0x4  }
0x11f: {  	v1 =	vshll.u32 v0, $0x10;
	v0 =	vand.u32 $0xFFFF0000, v0  }
0x120: {  	[tilespmem:s1+$0xFFFFFF70] =	vst v1  }
0x121: {  	[tilespmem:s1+$0xFFFFFF80] =	vst v0  }
0x122: {  	v0 =	vld [tilespmem:s30+$0xAFC0];
	_ =	sdelay $0x4  }
0x123: {  	v1 =	vshll.u32 v0, $0x10;
	v0 =	vand.u32 $0xFFFF0000, v0  }
0x124: {  	[tilespmem:s1+$0xFFFFFF90] =	vst v1  }
0x125: {  	[tilespmem:s1+$0xFFFFFFA0] =	vst v0  }
0x126: {  	v0 =	vld [tilespmem:s30+$0xAFD0];
	_ =	sdelay $0x1  }
.Ltmp1:
0x127: {  	(pc) =	sbr.rel @p0 .LBB2_5-.Ltmp1, $3  }
0x128: {  	_ =	sdelay $0x1  }
0x129: {  	v1 =	vshll.u32 v0, $0x10;
	v0 =	vand.u32 $0xFFFF0000, v0  }
0x12a: {  	[tilespmem:s1+$0xFFFFFFB0] =	vst v1  }
0x12b: {  	[tilespmem:s29+$0xFFFFFFC0] =	vst v0  }
0x12c: {  	v0 =	vld [tilespmem:s30+$0xAFE0];
	_ =	sdelay $0x4  }
0x12d: {  	v1 =	vshll.u32 v0, $0x10  }
0x12e: {  	v0 =	vand.u32 $0xFFFF0000, v0;
	[tilespmem:s29+$0xFFFFFFD0] =	vst v1  }
0x12f: {  	[tilespmem:s29+$0xFFFFFFE0] =	vst v0  }
0x130: {  	v0 =	vld [tilespmem:s30+$0xAFF0];
	_ =	sdelay $0x4  }
0x131: {  	v1 =	vshll.u32 v0, $0x10  }
0x132: {  	v0 =	vand.u32 $0xFFFF0000, v0;
	[tilespmem:s29+$0xFFFFFFF0] =	vst v1  }
0x133: {  	s0 =	sadd.s32 $0x4F80, s28;
	[tilespmem:s29+$0x0] =	vst v0  }
0x134: {  	[spmem:s2] =	stream.indirect.scatter.add.f32 [tilespmem:s20], [sflag:$0x2], $0x40, s0, s14, $0xb8;
	[tilespmem:$0x1CF00] =	vst v63  }
0x135: {  	_ =	swait.ge [sflag:s16], $0x1000  }
0x136: {  	[sflag:s16] =	ssyncset.done $0x0  }
0x137: {  	[sflag:s16] =	ssyncadd.s32 $0xFFFFF000  }
0x138: {  	p0 =	seq.s32 s24, $0x34;
	_ =	swait.ge [sflag:s21], $0x2000  }
0x139: {  	s1 =	simm.s32 @!p0 $0x80;
	s0 =	sshra.s32 @!p0 s25, $0x2;
	[sflag:s21] =	ssyncset.done $0x0  }
0x13a: {  	s25 =	simm.s32 @!p0 $0x9F00;
	s0 =	sadd.s32 @!p0 $0x180, s0;
	[sflag:s21] =	ssyncadd.s32 $0xFFFFE000  }
0x13b: {  	[tilespmem:s25], [sflag:$0x1] =	stream.indirect.gather @!p0 [hbm4b:s4+s1], $0x20, s0, s1, $0xb8;
	[tilespmem:$0x1CF00] =	vst v63  }
0x13c: {  	s25 =	simm.s32 $0xBFF0  }
0x13d: {  	v0 =	vld [tilespmem:s25+$0xFFFFFF10];
	_ =	sdelay $0x4  }
0x13e: {  	s28 =	simm.s32 $0x0;
	v1 =	vshll.u32 v0, $0x10  }
0x13f: {  	v0 =	vand.u32 $0xFFFF0000, v0;
	[tilespmem:s28+$0x10F00] =	vst v1  }
0x140: {  	[tilespmem:s28+$0x10F10] =	vst v0  }
0x141: {  	v0 =	vld [tilespmem:s25+$0xFFFFFF20];
	_ =	sdelay $0x4  }
0x142: {  	v1 =	vshll.u32 v0, $0x10  }
0x143: {  	v0 =	vand.u32 $0xFFFF0000, v0;
	[tilespmem:s28+$0x10F20] =	vst v1  }
0x144: {  	[tilespmem:s28+$0x10F30] =	vst v0  }
0x145: {  	v0 =	vld [tilespmem:s25+$0xFFFFFF30];
	_ =	sdelay $0x4  }
0x146: {  	v1 =	vshll.u32 v0, $0x10  }
0x147: {  	v0 =	vand.u32 $0xFFFF0000, v0;
	[tilespmem:s28+$0x10F40] =	vst v1  }
0x148: {  	[tilespmem:s28+$0x10F50] =	vst v0  }
0x149: {  	v0 =	vld [tilespmem:s25+$0xFFFFFF40];
	_ =	sdelay $0x4  }
0x14a: {  	v1 =	vshll.u32 v0, $0x10  }
0x14b: {  	v0 =	vand.u32 $0xFFFF0000, v0;
	[tilespmem:s28+$0x10F60] =	vst v1  }
0x14c: {  	[tilespmem:s28+$0x10F70] =	vst v0  }
0x14d: {  	v0 =	vld [tilespmem:s25+$0xFFFFFF50];
	_ =	sdelay $0x4  }
0x14e: {  	v1 =	vshll.u32 v0, $0x10  }
0x14f: {  	v0 =	vand.u32 $0xFFFF0000, v0;
	[tilespmem:s28+$0x10F80] =	vst v1  }
0x150: {  	[tilespmem:s28+$0x10F90] =	vst v0  }
0x151: {  	v0 =	vld [tilespmem:s25+$0xFFFFFF60];
	_ =	sdelay $0x4  }
0x152: {  	v1 =	vshll.u32 v0, $0x10  }
0x153: {  	v0 =	vand.u32 $0xFFFF0000, v0;
	[tilespmem:s28+$0x10FA0] =	vst v1  }
0x154: {  	[tilespmem:s28+$0x10FB0] =	vst v0  }
0x155: {  	v0 =	vld [tilespmem:s25+$0xFFFFFF70];
	_ =	sdelay $0x4  }
0x156: {  	v1 =	vshll.u32 v0, $0x10  }
0x157: {  	v0 =	vand.u32 $0xFFFF0000, v0;
	[tilespmem:s28+$0x10FC0] =	vst v1  }
0x158: {  	[tilespmem:s28+$0x10FD0] =	vst v0  }
0x159: {  	v0 =	vld [tilespmem:s25+$0xFFFFFF80];
	_ =	sdelay $0x4  }
0x15a: {  	v1 =	vshll.u32 v0, $0x10  }
0x15b: {  	v0 =	vand.u32 $0xFFFF0000, v0;
	[tilespmem:s28+$0x10FE0] =	vst v1  }
0x15c: {  	[tilespmem:s28+$0x10FF0] =	vst v0  }
0x15d: {  	v0 =	vld [tilespmem:s25+$0xFFFFFF90];
	_ =	sdelay $0x4  }
0x15e: {  	v1 =	vshll.u32 v0, $0x10  }
0x15f: {  	v0 =	vand.u32 $0xFFFF0000, v0;
	[tilespmem:s28+$0x11000] =	vst v1  }
0x160: {  	[tilespmem:s28+$0x11010] =	vst v0  }
0x161: {  	v0 =	vld [tilespmem:s25+$0xFFFFFFA0];
	_ =	sdelay $0x4  }
0x162: {  	v1 =	vshll.u32 v0, $0x10  }
0x163: {  	v0 =	vand.u32 $0xFFFF0000, v0;
	[tilespmem:s28+$0x11020] =	vst v1  }
0x164: {  	[tilespmem:s28+$0x11030] =	vst v0  }
0x165: {  	v0 =	vld [tilespmem:s25+$0xFFFFFFB0];
	_ =	sdelay $0x4  }
0x166: {  	v1 =	vshll.u32 v0, $0x10  }
0x167: {  	v0 =	vand.u32 $0xFFFF0000, v0;
	[tilespmem:s28+$0x11040] =	vst v1  }
0x168: {  	[tilespmem:s28+$0x11050] =	vst v0  }
0x169: {  	v0 =	vld [tilespmem:s25+$0xFFFFFFC0];
	_ =	sdelay $0x4  }
0x16a: {  	v1 =	vshll.u32 v0, $0x10  }
0x16b: {  	v0 =	vand.u32 $0xFFFF0000, v0;
	[tilespmem:s28+$0x11060] =	vst v1  }
0x16c: {  	[tilespmem:s28+$0x11070] =	vst v0  }
0x16d: {  	v0 =	vld [tilespmem:s25+$0xFFFFFFD0];
	_ =	sdelay $0x4  }
0x16e: {  	v1 =	vshll.u32 v0, $0x10  }
0x16f: {  	v0 =	vand.u32 $0xFFFF0000, v0;
	[tilespmem:s28+$0x11080] =	vst v1  }
0x170: {  	[tilespmem:s28+$0x11090] =	vst v0  }
0x171: {  	v0 =	vld [tilespmem:s25+$0xFFFFFFE0];
	_ =	sdelay $0x4  }
0x172: {  	v1 =	vshll.u32 v0, $0x10  }
0x173: {  	s30 =	simm.s32 $0x800;
	s29 =	simm.s32 $0xBFF0;
	v0 =	vand.u32 $0xFFFF0000, v0;
	[tilespmem:s28+$0x110A0] =	vst v1  }
.LBB2_7:
0x174: {  	p0 =	sne.s32 s30, $0x7800  }
0x175: {  	[tilespmem:s28+$0x110B0] =	vst v0;
	s25 =	sadd.s32 $0x100, s25;
	s0 =	smov.u32 s30;
	s30 =	sadd.s32 $0x800, s30  }
0x176: {  	v0 =	vld [tilespmem:s29+$0xFFFFFFF0];
	_ =	sdelay $0x4  }
0x177: {  	v1 =	vshll.u32 v0, $0x10;
	v0 =	vand.u32 $0xFFFF0000, v0  }
0x178: {  	[tilespmem:s28+$0x110C0] =	vst v1  }
0x179: {  	[tilespmem:s28+$0x110D0] =	vst v0  }
0x17a: {  	v0 =	vld [tilespmem:s29+$0x0];
	s29 =	smov.u32 s25;
	_ =	sdelay $0x4  }
0x17b: {  	v1 =	vshll.u32 v0, $0x10;
	v0 =	vand.u32 $0xFFFF0000, v0  }
0x17c: {  	[tilespmem:s28+$0x110E0] =	vst v1  }
0x17d: {  	[tilespmem:s28+$0x110F0] =	vst v0  }
0x17e: {  	v0 =	vld [tilespmem:s25+$0xFFFFFF10];
	_ =	sdelay $0x4  }
0x17f: {  	s28 =	sshra.s32 s0, $0x2;
	v1 =	vshll.u32 v0, $0x10;
	v0 =	vand.u32 $0xFFFF0000, v0  }
0x180: {  	[tilespmem:s28+$0x10F00] =	vst v1  }
0x181: {  	[tilespmem:s28+$0x10F10] =	vst v0  }
0x182: {  	v0 =	vld [tilespmem:s25+$0xFFFFFF20];
	_ =	sdelay $0x4  }
0x183: {  	v1 =	vshll.u32 v0, $0x10;
	v0 =	vand.u32 $0xFFFF0000, v0  }
0x184: {  	[tilespmem:s28+$0x10F20] =	vst v1  }
0x185: {  	[tilespmem:s28+$0x10F30] =	vst v0  }
0x186: {  	v0 =	vld [tilespmem:s25+$0xFFFFFF30];
	_ =	sdelay $0x4  }
0x187: {  	v1 =	vshll.u32 v0, $0x10;
	v0 =	vand.u32 $0xFFFF0000, v0  }
0x188: {  	[tilespmem:s28+$0x10F40] =	vst v1  }
0x189: {  	[tilespmem:s28+$0x10F50] =	vst v0  }
0x18a: {  	v0 =	vld [tilespmem:s25+$0xFFFFFF40];
	_ =	sdelay $0x4  }
0x18b: {  	v1 =	vshll.u32 v0, $0x10;
	v0 =	vand.u32 $0xFFFF0000, v0  }
0x18c: {  	[tilespmem:s28+$0x10F60] =	vst v1  }
0x18d: {  	[tilespmem:s28+$0x10F70] =	vst v0  }
0x18e: {  	v0 =	vld [tilespmem:s25+$0xFFFFFF50];
	_ =	sdelay $0x4  }
0x18f: {  	v1 =	vshll.u32 v0, $0x10;
	v0 =	vand.u32 $0xFFFF0000, v0  }
0x190: {  	[tilespmem:s28+$0x10F80] =	vst v1  }
0x191: {  	[tilespmem:s28+$0x10F90] =	vst v0  }
0x192: {  	v0 =	vld [tilespmem:s25+$0xFFFFFF60];
	_ =	sdelay $0x4  }
0x193: {  	v1 =	vshll.u32 v0, $0x10;
	v0 =	vand.u32 $0xFFFF0000, v0  }
0x194: {  	[tilespmem:s28+$0x10FA0] =	vst v1  }
0x195: {  	[tilespmem:s28+$0x10FB0] =	vst v0  }
0x196: {  	v0 =	vld [tilespmem:s25+$0xFFFFFF70];
	_ =	sdelay $0x4  }
0x197: {  	v1 =	vshll.u32 v0, $0x10;
	v0 =	vand.u32 $0xFFFF0000, v0  }
0x198: {  	[tilespmem:s28+$0x10FC0] =	vst v1  }
0x199: {  	[tilespmem:s28+$0x10FD0] =	vst v0  }
0x19a: {  	v0 =	vld [tilespmem:s25+$0xFFFFFF80];
	_ =	sdelay $0x4  }
0x19b: {  	v1 =	vshll.u32 v0, $0x10;
	v0 =	vand.u32 $0xFFFF0000, v0  }
0x19c: {  	[tilespmem:s28+$0x10FE0] =	vst v1  }
0x19d: {  	[tilespmem:s28+$0x10FF0] =	vst v0  }
0x19e: {  	v0 =	vld [tilespmem:s25+$0xFFFFFF90];
	_ =	sdelay $0x4  }
0x19f: {  	v1 =	vshll.u32 v0, $0x10;
	v0 =	vand.u32 $0xFFFF0000, v0  }
0x1a0: {  	[tilespmem:s28+$0x11000] =	vst v1  }
0x1a1: {  	[tilespmem:s28+$0x11010] =	vst v0  }
0x1a2: {  	v0 =	vld [tilespmem:s25+$0xFFFFFFA0];
	_ =	sdelay $0x4  }
0x1a3: {  	v1 =	vshll.u32 v0, $0x10;
	v0 =	vand.u32 $0xFFFF0000, v0  }
0x1a4: {  	[tilespmem:s28+$0x11020] =	vst v1  }
0x1a5: {  	[tilespmem:s28+$0x11030] =	vst v0  }
0x1a6: {  	v0 =	vld [tilespmem:s25+$0xFFFFFFB0];
	_ =	sdelay $0x4  }
0x1a7: {  	v1 =	vshll.u32 v0, $0x10;
	v0 =	vand.u32 $0xFFFF0000, v0  }
0x1a8: {  	[tilespmem:s28+$0x11040] =	vst v1  }
0x1a9: {  	[tilespmem:s28+$0x11050] =	vst v0  }
0x1aa: {  	v0 =	vld [tilespmem:s25+$0xFFFFFFC0];
	_ =	sdelay $0x4  }
0x1ab: {  	v1 =	vshll.u32 v0, $0x10;
	v0 =	vand.u32 $0xFFFF0000, v0  }
0x1ac: {  	[tilespmem:s28+$0x11060] =	vst v1  }
0x1ad: {  	[tilespmem:s28+$0x11070] =	vst v0  }
0x1ae: {  	v0 =	vld [tilespmem:s25+$0xFFFFFFD0];
	_ =	sdelay $0x4  }
0x1af: {  	v1 =	vshll.u32 v0, $0x10;
	v0 =	vand.u32 $0xFFFF0000, v0  }
0x1b0: {  	[tilespmem:s28+$0x11080] =	vst v1  }
0x1b1: {  	[tilespmem:s28+$0x11090] =	vst v0  }
0x1b2: {  	v0 =	vld [tilespmem:s25+$0xFFFFFFE0];
	_ =	sdelay $0x1  }
.Ltmp2:
0x1b3: {  	(pc) =	sbr.rel @p0 .LBB2_7-.Ltmp2, $3  }
0x1b4: {  	_ =	sdelay $0x1  }
0x1b5: {  	v1 =	vshll.u32 v0, $0x10;
	v0 =	vand.u32 $0xFFFF0000, v0  }
0x1b6: {  	[tilespmem:s28+$0x110A0] =	vst v1  }
0x1b7: {  	[tilespmem:s28+$0x110B0] =	vst v0  }
0x1b8: {  	v0 =	vld [tilespmem:s29+$0xFFFFFFF0];
	_ =	sdelay $0x4  }
0x1b9: {  	v1 =	vshll.u32 v0, $0x10  }
0x1ba: {  	v0 =	vand.u32 $0xFFFF0000, v0;
	[tilespmem:s28+$0x110C0] =	vst v1  }
0x1bb: {  	[tilespmem:s28+$0x110D0] =	vst v0  }
0x1bc: {  	v0 =	vld [tilespmem:s29+$0x0];
	_ =	sdelay $0x1  }
0x1bd: {  	s24 =	sadd.s32 $0x1, s24  }
0x1be: {  	p0 =	sne.s32 s24, $0x35  }
.Ltmp3:
0x1bf: {  	_ = 	snop;
	(pc) =	sbr.rel @p0 .LBB2_2-.Ltmp3, $4  }
0x1c0: {  	v63 =	vshll.u32 v0, $0x10  }
0x1c1: {  	v0 =	vand.u32 $0xFFFF0000, v0;
	[tilespmem:s28+$0x110E0] =	vst v63  }
0x1c2: {  	s0 =	sadd.s32 $0x4F80, s26;
	[tilespmem:s28+$0x110F0] =	vst v0  }
0x1c3: {  	[spmem:s2] =	stream.indirect.scatter.add.f32 [tilespmem:s22], [sflag:$0x2], $0x40, s0, s14, $0xb8;
	[tilespmem:$0x1CF00] =	vst v63  }
0x1c4: {  	_ =	swait.ge [sflag:s21], $0x2000  }
0x1c5: {  	[sflag:s21] =	ssyncset.done $0x0  }
0x1c6: {  	[sflag:s21] =	ssyncadd.s32 $0xFFFFE000  }
0x1c7: {  	_ =	swait.ge [sflag:s21], $0x2000  }
0x1c8: {  	s23 =	sadd.s32 $0x1, s23;
	[sflag:s21] =	ssyncset.done $0x0  }
0x1c9: {  	p0 =	sne.s32 s23, s9;
	[sflag:s21] =	ssyncadd.s32 $0xFFFFE000  }
.Ltmp4:
0x1ca: {  	[bflag:$0x0] =	sbarrier.arrive $0xFFFF;
	(pc) =	sbr.rel @p0 .LBB2_1-.Ltmp4, $4  }
0x1cb: {  	[hbm:s8], [sflag:s12] =	dma.local [spmem:s13], $0x1400  }
0x1cc: {  	_ =	swait.ge [sflag:s10], $0x1400  }
0x1cd: {  	[sflag:s10] =	ssyncset.done $0x0  }
0x1ce: {  	[sflag:s10] =	ssyncadd.s32 $0xFFFFEC00  }
0x1cf: {  	_ =	sfence.sel $0x180000  }
0x1d0: {  	[bflag:$0x0] =	sbarrier.arrive $0xFFFF  }
0x1d1: {  	_ =	strace $0x9000004A  }
0x1d2: {  	s0 =	stileid.u32;
	[bflag:$0x2] =	sbarrier.arrive $0xFFFF  }
0x1d3: {  	p0 =	sne.s32 s0, $0x0;
	s0 =	rddreg [dreg:$0x2]  }
0x1d4: {  	s0 =	sadd.s32 @!p0 $0x100000, s0  }
0x1d5: {  	[sflag:s0] =	ssyncadd.tile.s32 @!p0 $0x1;
	_ =	shalt  }
.Lfunc_end2:
_tile_overlayer_lowered:
.L_overlay_start_2:
0x1d6: {  	(tag) =	ssettag $0x2  }
0x1d7: {  	s0 =	rddreg [dreg:$0x0];
	s2 =	stileid.u32  }
0x1d8: {  	s1 =	rddreg [dreg:$0x1];
	p0 =	sne.s32 s2, $0x0  }
0x1d9: {  	s3 =	rddreg [dreg:$0x2];
	[bflag:$0x3] =	sbarrier.arrive $0xFFFF;
	s2 =	simm.s32 @!p0 $0x1C03  }
0x1da: {  	[timem:s3], [sflag:s2] =	dma.local @!p0 [hbm:s0], s1  }
0x1db: {  	s0 =	simm.s32 @!p0 $0x3  }
0x1dc: {  	_ =	swait.ge @!p0 [sflag:s0], s1  }
0x1dd: {  	s1 =	ssub.s32 @!p0 $0x0, s1;
	[sflag:s0] =	ssyncset.done @!p0 $0x0  }
0x1de: {  	[sflag:s0] =	ssyncadd.s32 @!p0 s1  }
0x1df: {  	[bflag:$0x3] =	sbarrier.arrive $0xFFFF  }
0x1e0: {  	_ =	shalt  }

// kernel: kernel.14.cloned.1.call-start
scs
__scs_entry_jumppad:
0x0: {  	(pc) =	sbr.rel $0x88, $3  }
0x1: {  	(tag) =	ssettag $0x0;
	lr =	simm.s32 $0x1  }
0x2: {  	[smem:$0x3F96] =	sst lr;
	_ =	strace $0xD0000000  }
0x3: {  	_ = 	snop  }
0x4: {  	_ = 	snop  }
0x5: {  	_ = 	snop  }
0x6: {  	_ = 	snop  }
0x7: {  	_ = 	snop  }
__scs_overlays_trampoline_lowered:
0x8: {  	[smem:$0x3FA5] =	sst s0  }
0x9: {  	[smem:$0x3FA6] =	sst s1  }
0xa: {  	[smem:$0x3FA7] =	sst s2  }
0xb: {  	[smem:$0x3FA8] =	sst s3  }
0xc: {  	[smem:$0x3FA9] =	sst s4  }
0xd: {  	[smem:$0x3FAA] =	sst s5  }
0xe: {  	[smem:$0x3FAB] =	sst s6  }
0xf: {  	[smem:$0x3FAC] =	sst s7  }
0x10: {  	[smem:$0x3FAD] =	sst s8  }
0x11: {  	[smem:$0x3FAE] =	sst s9;
	s0 =	simm.s32 @!p0 $0x0  }
0x12: {  	s1 =	sld [smem:$0x3F94];
	s0 =	simm.s32 @p0 $0x1  }
0x13: {  	[smem:$0x3FAF] =	sst s0;
	s0 =	simm.s32 @!p1 $0x0  }
0x14: {  	s2 =	sld [smem:$0x3F93];
	s0 =	simm.s32 @p1 $0x1  }
0x15: {  	[smem:$0x3FB0] =	sst s0;
	s0 =	simm.s32 @!p2 $0x0  }
0x16: {  	s3 =	sld [smem:$0x3FDB];
	s0 =	simm.s32 @p2 $0x1  }
0x17: {  	s4 =	simm.s32 $0x1BF5;
	[smem:$0x3FB2] =	sst s0  }
0x18: {  	s0 =	sld [smem:$0x3F95];
	_ =	swait.ge [sflag:s4], $0x0  }
0x19: {  	s7 =	sld [smem:$0x3F96]  }
0x1a: {  	s8 =	sadd.s32 $0xFFFFE003, lr  }
0x1b: {  	s9 =	sadd.s32 $0xFFFFFEF7, lr;
	s5 =	simm.s32 $0xFFFFFFFF;
	p2 =	slt.u32 s8, $0xFFFFF086  }
0x1c: {  	p1 =	slt.u32 s9, $0xF7A;
	s5 =	simm.s32 @!p2 $0x0  }
0x1d: {  	s5 =	simm.s32 @p1 $0x1;
	p0 =	seq.s32 s7, s2  }
0x1e: {  	s7 =	smul.u32 @!p0 $0xF7A, s2;
	p2 =	seq.s32 @!p0 s5, $0x0  }
0x1f: {  	s9 =	smul.u32 $0xF7A, s1;
	s8 =	simm.s32 @!p0 $0x1BF5;
	p2 =	por !p2, p0  }
0x20: {  	[sflag:s8] =	ssyncset.s32 @!p0 $0xFFFFF086;
	s6 =	sadd.s32 @!p0 s3, s7;
	s7 =	simm.s32 @!p0 $0x108  }
0x21: {  	s3 =	sadd.s32 s3, s9;
	s6 =	sadd.s32 @!p0 $0x88, s6;
	s7 =	simm.s32 @p2 $0x1082  }
0x22: {  	[simem:s7], [sflag:s8] =	dma.local @!p0 [hbm:s6], $0xF7A  }
0x23: {  	s9 =	sor.u32 $0xD0000000, s2;
	s6 =	simm.s32 $0x108;
	_ =	swait.ge @!p0 [sflag:s8], $0x0  }
0x24: {  	s3 =	sadd.s32 $0x88, s3;
	s6 =	simm.s32 @!p1 $0x1082;
	[sflag:s4] =	ssyncset.s32 $0xFFFFF086  }
0x25: {  	[simem:s6], [sflag:s4] =	dma.local [hbm:s3], $0xF7A  }
0x26: {  	[smem:$0x3F96] =	sst s1;
	(tag) =	ssettag s2;
	_ =	strace s9  }
0x27: {  	s1 =	sld [smem:$0x3FA6]  }
0x28: {  	s2 =	sld [smem:$0x3FA7]  }
0x29: {  	s4 =	sld [smem:$0x3FA9]  }
0x2a: {  	p0 =	seq.s32 s5, $0x0;
	s5 =	sld [smem:$0x3FAA]  }
0x2b: {  	s6 =	sld [smem:$0x3FAB]  }
0x2c: {  	s7 =	sld [smem:$0x3FAC]  }
0x2d: {  	s3 =	simm.s32 $0x108;
	s8 =	sld [smem:$0x3FAD]  }
0x2e: {  	s3 =	simm.s32 @!p0 $0x1082;
	s9 =	sld [smem:$0x3FAE]  }
0x2f: {  	lr =	sadd.s32 s0, s3;
	s0 =	sld [smem:$0x3FA5]  }
0x30: {  	s3 =	sld [smem:$0x3FA8]  }
0x31: {  	[smem:$0x3FB1] =	sst s10  }
0x32: {  	s10 =	sld [smem:$0x3FAF];
	_ =	sdelay $0x3  }
0x33: {  	p0 =	seq.s32 s10, $0x1;
	s10 =	sld [smem:$0x3FB1];
	_ =	sdelay $0x3  }
0x34: {  	[smem:$0x3FB1] =	sst s10  }
0x35: {  	s10 =	sld [smem:$0x3FB0];
	_ =	sdelay $0x3  }
0x36: {  	p1 =	seq.s32 s10, $0x1;
	s10 =	sld [smem:$0x3FB1];
	_ =	sdelay $0x3  }
0x37: {  	[smem:$0x3FB1] =	sst s10  }
0x38: {  	s10 =	sld [smem:$0x3FB2]  }
0x39: {  	_ = 	snop;
	(pc) =	sbr.ind lr, $3  }
0x3a: {  	_ = 	snop  }
0x3b: {  	_ = 	snop  }
0x3c: {  	p2 =	seq.s32 s10, $0x1;
	s10 =	sld [smem:$0x3FB1]  }
0x3d: {  	_ =	shalt  }
0x3e: {  	_ =	shalt  }
0x3f: {  	_ =	shalt  }
0x40: {  	_ =	shalt  }
0x41: {  	_ =	shalt  }
0x42: {  	_ =	shalt  }
0x43: {  	_ =	shalt  }
0x44: {  	_ =	shalt  }
0x45: {  	_ =	shalt  }
0x46: {  	_ =	shalt  }
0x47: {  	_ =	shalt  }
0x48: {  	_ =	shalt  }
0x49: {  	_ =	shalt  }
0x4a: {  	_ =	shalt  }
0x4b: {  	_ =	shalt  }
0x4c: {  	_ =	shalt  }
0x4d: {  	_ =	shalt  }
0x4e: {  	_ =	shalt  }
0x4f: {  	_ =	shalt  }
0x50: {  	_ =	shalt  }
0x51: {  	_ =	shalt  }
0x52: {  	_ =	shalt  }
0x53: {  	_ =	shalt  }
0x54: {  	_ =	shalt  }
0x55: {  	_ =	shalt  }
0x56: {  	_ =	shalt  }
0x57: {  	_ =	shalt  }
0x58: {  	_ =	shalt  }
0x59: {  	_ =	shalt  }
0x5a: {  	_ =	shalt  }
0x5b: {  	_ =	shalt  }
0x5c: {  	_ =	shalt  }
0x5d: {  	_ =	shalt  }
0x5e: {  	_ =	shalt  }
0x5f: {  	_ =	shalt  }
0x60: {  	_ =	shalt  }
0x61: {  	_ =	shalt  }
0x62: {  	_ =	shalt  }
0x63: {  	_ =	shalt  }
0x64: {  	_ =	shalt  }
0x65: {  	_ =	shalt  }
0x66: {  	_ =	shalt  }
0x67: {  	_ =	shalt  }
0x68: {  	_ =	shalt  }
0x69: {  	_ =	shalt  }
0x6a: {  	_ =	shalt  }
0x6b: {  	_ =	shalt  }
0x6c: {  	_ =	shalt  }
0x6d: {  	_ =	shalt  }
0x6e: {  	_ =	shalt  }
0x6f: {  	_ =	shalt  }
0x70: {  	_ =	shalt  }
0x71: {  	_ =	shalt  }
0x72: {  	_ =	shalt  }
0x73: {  	_ =	shalt  }
0x74: {  	_ =	shalt  }
0x75: {  	_ =	shalt  }
0x76: {  	_ =	shalt  }
0x77: {  	_ =	shalt  }
0x78: {  	_ =	shalt  }
0x79: {  	_ =	shalt  }
0x7a: {  	_ =	shalt  }
0x7b: {  	_ =	shalt  }
0x7c: {  	_ =	shalt  }
0x7d: {  	_ =	shalt  }
0x7e: {  	_ =	shalt  }
0x7f: {  	_ =	shalt  }
0x80: {  	_ =	shalt  }
0x81: {  	_ =	shalt  }
0x82: {  	_ =	shalt  }
0x83: {  	_ =	shalt  }
0x84: {  	_ =	shalt  }
0x85: {  	_ =	shalt  }
0x86: {  	_ =	shalt  }
0x87: {  	_ =	shalt  }
.Lfunc_end0:
.L_simem_size_0:
called_computation.2_lowered:
.L_overlay_start_0:
0x88: {  	s2 =	sld [smem:$0x3FD9]  }
0x89: {  	s3 =	sld [smem:$0x3FFE];
	_ =	sdelay $0x1  }
0x8a: {  	s1 =	srdreg.scid  }
0x8b: {  	s0 =	sand.u32 $0x1, s1  }
0x8c: {  	s16 =	sshll.u32 s0, $0xA;
	s2 =	sadd.s32 s3, s2  }
0x8d: {  	s2 =	sadd.s32 s2, s16  }
0x8e: {  	[smem:$0x3FBD] =	sst s2  }
0x8f: {  	_ = 	snop  }
0x90: {  	(tm) =	ssettm $0x1  }
0x91: {  	s17 =	sld [smem:$0x3FFB];
	_ =	sdelay $0x3  }
0x92: {  	_ =	strace s17  }
0x93: {  	s2 =	sld [smem:$0x3FFC];
	_ =	sdelay $0x3  }
0x94: {  	_ =	strace s2  }
0x95: {  	s2 =	sld [smem:$0x3FFD];
	_ =	sdelay $0x3  }
0x96: {  	_ =	strace s2  }
0x97: {  	_ =	strace $0x8FFFFFFF  }
0x98: {  	s18 =	sld [smem:$0x3FDB];
	_ =	sdelay $0x1  }
0x99: {  	s19 =	simm.s32 $_scs_section_size  }
0x9a: {  	s4 =	simm.s32 $_size__tile_overlayer_lowered;
	s5 =	simm.s32 $_tile_overlayer_lowered  }
0x9b: {  	s22 =	simm.s32 $0x1BFF;
	s21 =	sshll.u32 s5, $0x1;
	s2 =	sadd.s32 s19, s18  }
0x9c: {  	s6 =	simm.s32 $0x0;
	s20 =	sshll.u32 s4, $0x1;
	s4 =	sadd.s32 s21, s2  }
0x9d: {  	[timem:s6], [sflag:s22] =	dma.local [hbm:s4], s20  }
0x9e: {  	_ =	swait.ge [sflag:s22], s20  }
0x9f: {  	s3 =	ssub.s32 $0x0, s20;
	[sflag:s22] =	ssyncset.done $0x0  }
0xa0: {  	[sflag:s22] =	ssyncadd.s32 s3;
	_ =	sdelay $0x1  }
0xa1: {  	s23 =	simm.s32 $0x1B8B  }
0xa2: {  	_ =	swait.ge [sflag:s23], $0x1  }
0xa3: {  	[sflag:s23] =	ssyncset.done $0x0  }
0xa4: {  	s25 =	simm.s32 $0x1B8E;
	s24 =	sld [smem:$0x3FFE];
	[sflag:s23] =	ssyncadd.s32 $0xFFFFFFFF  }
0xa5: {  	s26 =	simm.s32 $execute0_lowered;
	[smem:$0x3FD2] =	sst s25  }
0xa6: {  	s4 =	sshll.u32 s26, $0x1;
	_ =	strace $0x8000004C;
	[dreg:$0x1] =	wrdreg $0xFFFFFFFF  }
0xa7: {  	s28 =	simm.s32 $_size_execute0_lowered;
	s2 =	sadd.s32 s2, s4;
	[dreg:$0x0] =	wrdreg $0x0  }
0xa8: {  	s4 =	sshll.u32 s28, $0x1;
	[dreg:$0x2] =	wrdreg s2  }
0xa9: {  	[dreg:$0x3] =	wrdreg s4  }
0xaa: {  	[dreg:$0x4] =	wrdreg $0xC0  }
0xab: {  	_ =	task [dreg:s6], $0x5FFFF  }
0xac: {  	[dreg:$0x1] =	wrdreg $0xFFFFFFFF  }
0xad: {  	[dreg:$0x0] =	wrdreg $0x60  }
0xae: {  	[dreg:$0x2] =	wrdreg s24  }
0xaf: {  	[dreg:$0x3] =	wrdreg $0x12F000  }
0xb0: {  	[dreg:$0x4] =	wrdreg $0x9  }
0xb1: {  	_ =	task.clear_ibuf [dreg:s6], $0x5FFFF;
	_ =	strace $0x9000004C  }
0xb2: {  	s29 =	simm.s32 $0x9;
	_ =	strace $0x8000004E  }
0xb3: {  	_ =	swait.ge [sflag:s29], $0x1  }
0xb4: {  	[sflag:s29] =	ssyncadd.s32 $0xFFFFFFFF  }
0xb5: {  	_ =	strace $0x9000004E  }
0xb6: {  	_ =	sfence  }
0xb7: {  	s30 =	sld [smem:$0x0];
	_ =	sdelay $0x2  }
0xb8: {  	s31 =	sshll.u32 s1, $0xD;
	s1 =	sshrl.u32 s1, $0x2  }
0xb9: {  	s3 =	sand.u32 $0x4000, s31;
	s1 =	sadd.s32 s1, s30  }
0xba: {  	s0 =	sor.u32 s3, s0;
	s1 =	sshll.u32 s1, $0x11  }
0xbb: {  	s0 =	sor.u32 s1, s0  }
0xbc: {  	s0 =	sadd.s32 $0x8F2B, s0  }
0xbd: {  	[sflag:s0] =	ssyncadd.remote.s32 $0x1  }
0xbe: {  	_ =	sfence.sel $0xFFFF  }
0xbf: {  	[dreg:$0x0] =	wrdreg $0xFFFFFFFF;
	(pc) =	sbr.abs _section_cstart, $3  }
0xc0: {  	[dreg:$0x1] =	wrdreg $0xFFFFFFFF  }
0xc1: {  	_ =	task.clear_ibuf [dreg:s6], $0x2FFFF;
	_ =	strace $0x9FFFFFFF  }
0xc2: {  	(tm) =	ssettm $0x7FFFFFFF  }
0xc3: {  	_ =	shalt  }
tec
execute0_lowered:
.L_overlay_start_1:
0x0: {  	(tag) =	ssettag $0x1  }
0x1: {  	s1 =	srdreg.scid;
	s5 =	rddreg [dreg:$0x0]  }
0x2: {  	s0 =	stileid.u32;
	s2 =	rddreg [dreg:$0x1];
	s3 =	simm.s32 $0x0  }
0x3: {  	s14 =	simm.s32 $0x80;
	s15 =	simm.s32 $0x9F00;
	s16 =	simm.s32 $0x1  }
0x4: {  	s17 =	simm.s32 $0xAF00;
	s18 =	simm.s32 $0xCF00;
	s19 =	simm.s32 $0xBF00  }
0x5: {  	s20 =	simm.s32 $0xEF00;
	s21 =	simm.s32 $0x2;
	s6 =	smul.u32 $0x4F80, s0  }
0x6: {  	s22 =	simm.s32 $0x10F00;
	s1 =	sand.u32 $0x1, s1;
	s7 =	smul.u32 $0xA000, s0  }
0x7: {  	s23 =	simm.s32 $0x0;
	[smem:$0x7FF] =	sst s3;
	s4 =	smul.u32 $0x4F800, s1  }
0x8: {  	s31 =	sshll.u32 s0, $0x6;
	_ =	strace $0x8000004D;
	s9 =	smul.u32 $0xA0000, s1  }
0x9: {  	s1 =	ssub.s32 $0x2, s1;
	s12 =	sor.u32 $0x1C03, s31;
	s10 =	sshrl.u32 s7, $0x3  }
0xa: {  	s11 =	sshrl.u32 s1, $0x1;
	s13 =	sadd.s32 s7, s2;
	s4 =	sadd.s32 s6, s4  }
0xb: {  	s6 =	sshrl.u32 s6, $0x3;
	s9 =	sadd.s32 s7, s9;
	s10 =	sadd.s32 s10, s5  }
0xc: {  	s1 =	ssub.s32 s1, s11;
	s11 =	simm.s32 $0x4F80;
	s13 =	sshrl.u32 s13, $0x3  }
0xd: {  	s8 =	sshrl.u32 s4, $0x3;
	s4 =	sadd.s32 $0x49400, s5;
	s6 =	sadd.s32 s6, s5  }
0xe: {  	s9 =	sshrl.u32 s9, $0x3;
	s7 =	sadd.s32 $0x5CE00, s10;
	s10 =	simm.s32 $0x3  }
0xf: {  	s8 =	sadd.s32 s8, s5;
	s9 =	sadd.s32 s9, s5;
	s6 =	sadd.s32 $0x2600, s6  }
0x10: {  	s5 =	sadd.s32 $0xD600, s8;
	s8 =	sadd.s32 $0x70E00, s9;
	s9 =	smax.u32 s1, $0x1  }
.LBB2_1:
0x11: {  	[tilespmem:s3], [sflag:$0x3] =	stream.linear.gather [hbm4b:s5+s3], $0x4F80, $0x38;
	[tilespmem:$0x1CF00] =	vst v63  }
0x12: {  	_ =	swait.ge [sflag:s10], $0x4F80  }
0x13: {  	[sflag:s10] =	ssyncset.done $0x0  }
0x14: {  	[sflag:s10] =	ssyncadd.s32 $0xFFFFB080  }
0x15: {  	[tilespmem:s11], [sflag:$0x3] =	stream.linear.gather [hbm4b:s6+s3], $0x4F80, $0x38;
	[tilespmem:$0x1CF00] =	vst v63  }
0x16: {  	_ =	swait.ge [sflag:s10], $0x4F80  }
0x17: {  	[sflag:s10] =	ssyncset.done $0x0  }
0x18: {  	[sflag:s10] =	ssyncadd.s32 $0xFFFFB080  }
0x19: {  	[spmem:s13], [sflag:s12] =	dma.local [hbm:s7], $0x1400  }
0x1a: {  	_ =	swait.ge [sflag:s10], $0x1400  }
0x1b: {  	[sflag:s10] =	ssyncset.done $0x0  }
0x1c: {  	[sflag:s10] =	ssyncadd.s32 $0xFFFFEC00  }
0x1d: {  	s24 =	simm.s32 $0x0;
	[bflag:$0x0] =	sbarrier.arrive $0xFFFF  }
0x1e: {  	[tilespmem:s15], [sflag:$0x1] =	stream.indirect.gather [hbm4b:s4+s14], $0x20, s3, s14, $0xb8;
	[tilespmem:$0x1CF00] =	vst v63  }
.LBB2_2:
0x1f: {  	_ =	swait.ge [sflag:s16], $0x1000  }
0x20: {  	p0 =	seq.s32 s24, $0x0;
	[sflag:s16] =	ssyncset.done $0x0  }
0x21: {  	s25 =	smul.u32 $0x600, s24;
	s1 =	simm.s32 @!p0 $0x2;
	[sflag:s16] =	ssyncadd.s32 $0xFFFFF000  }
0x22: {  	_ =	swait.ge @!p0 [sflag:s1], $0x2000  }
0x23: {  	s26 =	sadd.s32 $0x200, s25;
	[sflag:s1] =	ssyncset.done @!p0 $0x0  }
0x24: {  	s29 =	simm.s32 $0x0;
	s28 =	sshra.s32 s26, $0x2;
	[sflag:s1] =	ssyncadd.s32 @!p0 $0xFFFFE000  }
0x25: {  	[tilespmem:s17], [sflag:$0x1] =	stream.indirect.gather [hbm4b:s4+s14], $0x20, s28, s14, $0xb8;
	[tilespmem:$0x1CF00] =	vst v63  }
0x26: {  	v0 =	vld [tilespmem:s29+$0x9F00];
	_ =	sdelay $0x4  }
0x27: {  	s26 =	simm.s32 $0xD000;
	v1 =	vshll.u32 v0, $0x10  }
0x28: {  	v0 =	vand.u32 $0xFFFF0000, v0;
	[tilespmem:s26+$0xFFFFFF00] =	vst v1  }
0x29: {  	[tilespmem:s26+$0xFFFFFF10] =	vst v0  }
0x2a: {  	v0 =	vld [tilespmem:s29+$0x9F10];
	_ =	sdelay $0x4  }
0x2b: {  	v1 =	vshll.u32 v0, $0x10  }
0x2c: {  	v0 =	vand.u32 $0xFFFF0000, v0;
	[tilespmem:s26+$0xFFFFFF20] =	vst v1  }
0x2d: {  	[tilespmem:s26+$0xFFFFFF30] =	vst v0  }
0x2e: {  	v0 =	vld [tilespmem:s29+$0x9F20];
	_ =	sdelay $0x4  }
0x2f: {  	v1 =	vshll.u32 v0, $0x10  }
0x30: {  	v0 =	vand.u32 $0xFFFF0000, v0;
	[tilespmem:s26+$0xFFFFFF40] =	vst v1  }
0x31: {  	[tilespmem:s26+$0xFFFFFF50] =	vst v0  }
0x32: {  	v0 =	vld [tilespmem:s29+$0x9F30];
	_ =	sdelay $0x4  }
0x33: {  	v1 =	vshll.u32 v0, $0x10  }
0x34: {  	v0 =	vand.u32 $0xFFFF0000, v0;
	[tilespmem:s26+$0xFFFFFF60] =	vst v1  }
0x35: {  	[tilespmem:s26+$0xFFFFFF70] =	vst v0  }
0x36: {  	v0 =	vld [tilespmem:s29+$0x9F40];
	_ =	sdelay $0x4  }
0x37: {  	v1 =	vshll.u32 v0, $0x10  }
0x38: {  	v0 =	vand.u32 $0xFFFF0000, v0;
	[tilespmem:s26+$0xFFFFFF80] =	vst v1  }
0x39: {  	[tilespmem:s26+$0xFFFFFF90] =	vst v0  }
0x3a: {  	v0 =	vld [tilespmem:s29+$0x9F50];
	_ =	sdelay $0x4  }
0x3b: {  	v1 =	vshll.u32 v0, $0x10  }
0x3c: {  	v0 =	vand.u32 $0xFFFF0000, v0;
	[tilespmem:s26+$0xFFFFFFA0] =	vst v1  }
0x3d: {  	[tilespmem:s26+$0xFFFFFFB0] =	vst v0  }
0x3e: {  	v0 =	vld [tilespmem:s29+$0x9F60];
	_ =	sdelay $0x4  }
0x3f: {  	v1 =	vshll.u32 v0, $0x10  }
0x40: {  	v0 =	vand.u32 $0xFFFF0000, v0;
	[tilespmem:s26+$0xFFFFFFC0] =	vst v1  }
0x41: {  	[tilespmem:s26+$0xFFFFFFD0] =	vst v0  }
0x42: {  	v0 =	vld [tilespmem:s29+$0x9F70];
	_ =	sdelay $0x4  }
0x43: {  	v1 =	vshll.u32 v0, $0x10  }
0x44: {  	v0 =	vand.u32 $0xFFFF0000, v0;
	[tilespmem:s26+$0xFFFFFFE0] =	vst v1  }
0x45: {  	[tilespmem:s26+$0xFFFFFFF0] =	vst v0  }
0x46: {  	v0 =	vld [tilespmem:s29+$0x9F80];
	_ =	sdelay $0x4  }
0x47: {  	v1 =	vshll.u32 v0, $0x10  }
0x48: {  	v0 =	vand.u32 $0xFFFF0000, v0;
	[tilespmem:s26+$0x0] =	vst v1  }
0x49: {  	[tilespmem:s26+$0x10] =	vst v0  }
0x4a: {  	v0 =	vld [tilespmem:s29+$0x9F90];
	_ =	sdelay $0x4  }
0x4b: {  	v1 =	vshll.u32 v0, $0x10  }
0x4c: {  	v0 =	vand.u32 $0xFFFF0000, v0;
	[tilespmem:s26+$0x20] =	vst v1  }
0x4d: {  	[tilespmem:s26+$0x30] =	vst v0  }
0x4e: {  	v0 =	vld [tilespmem:s29+$0x9FA0];
	_ =	sdelay $0x4  }
0x4f: {  	v1 =	vshll.u32 v0, $0x10  }
0x50: {  	v0 =	vand.u32 $0xFFFF0000, v0;
	[tilespmem:s26+$0x40] =	vst v1  }
0x51: {  	[tilespmem:s26+$0x50] =	vst v0  }
0x52: {  	v0 =	vld [tilespmem:s29+$0x9FB0];
	_ =	sdelay $0x4  }
0x53: {  	v1 =	vshll.u32 v0, $0x10  }
0x54: {  	v0 =	vand.u32 $0xFFFF0000, v0;
	[tilespmem:s26+$0x60] =	vst v1  }
0x55: {  	[tilespmem:s26+$0x70] =	vst v0  }
0x56: {  	v0 =	vld [tilespmem:s29+$0x9FC0];
	_ =	sdelay $0x4  }
0x57: {  	v1 =	vshll.u32 v0, $0x10  }
0x58: {  	v0 =	vand.u32 $0xFFFF0000, v0;
	[tilespmem:s26+$0x80] =	vst v1  }
0x59: {  	[tilespmem:s26+$0x90] =	vst v0  }
0x5a: {  	v0 =	vld [tilespmem:s29+$0x9FD0];
	_ =	sdelay $0x4  }
0x5b: {  	v1 =	vshll.u32 v0, $0x10  }
0x5c: {  	s30 =	simm.s32 $0x400;
	s31 =	simm.s32 $0xD000;
	v0 =	vand.u32 $0xFFFF0000, v0;
	[tilespmem:s26+$0xA0] =	vst v1  }
.LBB2_3:
0x5d: {  	p1 =	sne.s32 s30, $0x3C00  }
0x5e: {  	[tilespmem:s26+$0xB0] =	vst v0;
	s31 =	sadd.s32 $0x200, s31;
	s1 =	smov.u32 s30;
	s30 =	sadd.s32 $0x400, s30  }
0x5f: {  	v0 =	vld [tilespmem:s29+$0x9FE0];
	_ =	sdelay $0x4  }
0x60: {  	v1 =	vshll.u32 v0, $0x10;
	v0 =	vand.u32 $0xFFFF0000, v0  }
0x61: {  	[tilespmem:s26+$0xC0] =	vst v1  }
0x62: {  	[tilespmem:s26+$0xD0] =	vst v0  }
0x63: {  	v0 =	vld [tilespmem:s29+$0x9FF0];
	_ =	sdelay $0x4  }
0x64: {  	v1 =	vshll.u32 v0, $0x10;
	v0 =	vand.u32 $0xFFFF0000, v0  }
0x65: {  	[tilespmem:s26+$0xE0] =	vst v1  }
0x66: {  	s29 =	sshra.s32 s1, $0x2;
	[tilespmem:s26+$0xF0] =	vst v0;
	s26 =	smov.u32 s31  }
0x67: {  	v0 =	vld [tilespmem:s29+$0x9F00];
	_ =	sdelay $0x4  }
0x68: {  	v1 =	vshll.u32 v0, $0x10;
	v0 =	vand.u32 $0xFFFF0000, v0  }
0x69: {  	[tilespmem:s31+$0xFFFFFF00] =	vst v1  }
0x6a: {  	[tilespmem:s31+$0xFFFFFF10] =	vst v0  }
0x6b: {  	v0 =	vld [tilespmem:s29+$0x9F10];
	_ =	sdelay $0x4  }
0x6c: {  	v1 =	vshll.u32 v0, $0x10;
	v0 =	vand.u32 $0xFFFF0000, v0  }
0x6d: {  	[tilespmem:s31+$0xFFFFFF20] =	vst v1  }
0x6e: {  	[tilespmem:s31+$0xFFFFFF30] =	vst v0  }
0x6f: {  	v0 =	vld [tilespmem:s29+$0x9F20];
	_ =	sdelay $0x4  }
0x70: {  	v1 =	vshll.u32 v0, $0x10;
	v0 =	vand.u32 $0xFFFF0000, v0  }
0x71: {  	[tilespmem:s31+$0xFFFFFF40] =	vst v1  }
0x72: {  	[tilespmem:s31+$0xFFFFFF50] =	vst v0  }
0x73: {  	v0 =	vld [tilespmem:s29+$0x9F30];
	_ =	sdelay $0x4  }
0x74: {  	v1 =	vshll.u32 v0, $0x10;
	v0 =	vand.u32 $0xFFFF0000, v0  }
0x75: {  	[tilespmem:s31+$0xFFFFFF60] =	vst v1  }
0x76: {  	[tilespmem:s31+$0xFFFFFF70] =	vst v0  }
0x77: {  	v0 =	vld [tilespmem:s29+$0x9F40];
	_ =	sdelay $0x4  }
0x78: {  	v1 =	vshll.u32 v0, $0x10;
	v0 =	vand.u32 $0xFFFF0000, v0  }
0x79: {  	[tilespmem:s31+$0xFFFFFF80] =	vst v1  }
0x7a: {  	[tilespmem:s31+$0xFFFFFF90] =	vst v0  }
0x7b: {  	v0 =	vld [tilespmem:s29+$0x9F50];
	_ =	sdelay $0x4  }
0x7c: {  	v1 =	vshll.u32 v0, $0x10;
	v0 =	vand.u32 $0xFFFF0000, v0  }
0x7d: {  	[tilespmem:s31+$0xFFFFFFA0] =	vst v1  }
0x7e: {  	[tilespmem:s31+$0xFFFFFFB0] =	vst v0  }
0x7f: {  	v0 =	vld [tilespmem:s29+$0x9F60];
	_ =	sdelay $0x4  }
0x80: {  	v1 =	vshll.u32 v0, $0x10;
	v0 =	vand.u32 $0xFFFF0000, v0  }
0x81: {  	[tilespmem:s31+$0xFFFFFFC0] =	vst v1  }
0x82: {  	[tilespmem:s31+$0xFFFFFFD0] =	vst v0  }
0x83: {  	v0 =	vld [tilespmem:s29+$0x9F70];
	_ =	sdelay $0x4  }
0x84: {  	v1 =	vshll.u32 v0, $0x10;
	v0 =	vand.u32 $0xFFFF0000, v0  }
0x85: {  	[tilespmem:s31+$0xFFFFFFE0] =	vst v1  }
0x86: {  	[tilespmem:s31+$0xFFFFFFF0] =	vst v0  }
0x87: {  	v0 =	vld [tilespmem:s29+$0x9F80];
	_ =	sdelay $0x4  }
0x88: {  	v1 =	vshll.u32 v0, $0x10;
	v0 =	vand.u32 $0xFFFF0000, v0  }
0x89: {  	[tilespmem:s31+$0x0] =	vst v1  }
0x8a: {  	[tilespmem:s31+$0x10] =	vst v0  }
0x8b: {  	v0 =	vld [tilespmem:s29+$0x9F90];
	_ =	sdelay $0x4  }
0x8c: {  	v1 =	vshll.u32 v0, $0x10;
	v0 =	vand.u32 $0xFFFF0000, v0  }
0x8d: {  	[tilespmem:s31+$0x20] =	vst v1  }
0x8e: {  	[tilespmem:s31+$0x30] =	vst v0  }
0x8f: {  	v0 =	vld [tilespmem:s29+$0x9FA0];
	_ =	sdelay $0x4  }
0x90: {  	v1 =	vshll.u32 v0, $0x10;
	v0 =	vand.u32 $0xFFFF0000, v0  }
0x91: {  	[tilespmem:s31+$0x40] =	vst v1  }
0x92: {  	[tilespmem:s31+$0x50] =	vst v0  }
0x93: {  	v0 =	vld [tilespmem:s29+$0x9FB0];
	_ =	sdelay $0x4  }
0x94: {  	v1 =	vshll.u32 v0, $0x10;
	v0 =	vand.u32 $0xFFFF0000, v0  }
0x95: {  	[tilespmem:s31+$0x60] =	vst v1  }
0x96: {  	[tilespmem:s31+$0x70] =	vst v0  }
0x97: {  	v0 =	vld [tilespmem:s29+$0x9FC0];
	_ =	sdelay $0x4  }
0x98: {  	v1 =	vshll.u32 v0, $0x10;
	v0 =	vand.u32 $0xFFFF0000, v0  }
0x99: {  	[tilespmem:s31+$0x80] =	vst v1  }
0x9a: {  	[tilespmem:s31+$0x90] =	vst v0  }
0x9b: {  	v0 =	vld [tilespmem:s29+$0x9FD0];
	_ =	sdelay $0x1  }
.Ltmp0:
0x9c: {  	(pc) =	sbr.rel @p1 .LBB2_3-.Ltmp0, $3  }
0x9d: {  	_ =	sdelay $0x1  }
0x9e: {  	v1 =	vshll.u32 v0, $0x10;
	v0 =	vand.u32 $0xFFFF0000, v0  }
0x9f: {  	[tilespmem:s31+$0xA0] =	vst v1  }
0xa0: {  	[tilespmem:s26+$0xB0] =	vst v0  }
0xa1: {  	v0 =	vld [tilespmem:s29+$0x9FE0];
	_ =	sdelay $0x4  }
0xa2: {  	v1 =	vshll.u32 v0, $0x10  }
0xa3: {  	v0 =	vand.u32 $0xFFFF0000, v0;
	[tilespmem:s26+$0xC0] =	vst v1  }
0xa4: {  	[tilespmem:s26+$0xD0] =	vst v0  }
0xa5: {  	v0 =	vld [tilespmem:s29+$0x9FF0];
	_ =	sdelay $0x4  }
0xa6: {  	v1 =	vshll.u32 v0, $0x10  }
0xa7: {  	s1 =	sshra.s32 s25, $0x2;
	v0 =	vand.u32 $0xFFFF0000, v0;
	[tilespmem:s26+$0xE0] =	vst v1  }
0xa8: {  	s1 =	sadd.s32 $0x4F80, s1;
	[tilespmem:s26+$0xF0] =	vst v0  }
0xa9: {  	[spmem:s2] =	stream.indirect.scatter.add.f32 [tilespmem:s18], [sflag:$0x2], $0x40, s1, s14, $0xb8;
	[tilespmem:$0x1CF00] =	vst v63  }
0xaa: {  	_ =	swait.ge [sflag:s16], $0x1000  }
0xab: {  	[sflag:s16] =	ssyncset.done $0x0  }
0xac: {  	s1 =	simm.s32 @!p0 $0x2;
	[sflag:s16] =	ssyncadd.s32 $0xFFFFF000  }
0xad: {  	_ =	swait.ge @!p0 [sflag:s1], $0x2000  }
0xae: {  	s0 =	sadd.s32 $0x400, s25;
	[sflag:s1] =	ssyncset.done @!p0 $0x0  }
0xaf: {  	s30 =	simm.s32 $0x0;
	s26 =	sshra.s32 s0, $0x2;
	[sflag:s1] =	ssyncadd.s32 @!p0 $0xFFFFE000  }
0xb0: {  	[tilespmem:s19], [sflag:$0x1] =	stream.indirect.gather [hbm4b:s4+s14], $0x20, s26, s14, $0xb8;
	[tilespmem:$0x1CF00] =	vst v63  }
0xb1: {  	v0 =	vld [tilespmem:s30+$0xAF00];
	_ =	sdelay $0x4  }
0xb2: {  	s29 =	simm.s32 $0xF0F0;
	v1 =	vshll.u32 v0, $0x10  }
0xb3: {  	v0 =	vand.u32 $0xFFFF0000, v0;
	[tilespmem:s29+$0xFFFFFE10] =	vst v1  }
0xb4: {  	[tilespmem:s29+$0xFFFFFE20] =	vst v0  }
0xb5: {  	v0 =	vld [tilespmem:s30+$0xAF10];
	_ =	sdelay $0x4  }
0xb6: {  	v1 =	vshll.u32 v0, $0x10  }
0xb7: {  	v0 =	vand.u32 $0xFFFF0000, v0;
	[tilespmem:s29+$0xFFFFFE30] =	vst v1  }
0xb8: {  	[tilespmem:s29+$0xFFFFFE40] =	vst v0  }
0xb9: {  	v0 =	vld [tilespmem:s30+$0xAF20];
	_ =	sdelay $0x4  }
0xba: {  	v1 =	vshll.u32 v0, $0x10  }
0xbb: {  	v0 =	vand.u32 $0xFFFF0000, v0;
	[tilespmem:s29+$0xFFFFFE50] =	vst v1  }
0xbc: {  	[tilespmem:s29+$0xFFFFFE60] =	vst v0  }
0xbd: {  	v0 =	vld [tilespmem:s30+$0xAF30];
	_ =	sdelay $0x4  }
0xbe: {  	v1 =	vshll.u32 v0, $0x10  }
0xbf: {  	v0 =	vand.u32 $0xFFFF0000, v0;
	[tilespmem:s29+$0xFFFFFE70] =	vst v1  }
0xc0: {  	[tilespmem:s29+$0xFFFFFE80] =	vst v0  }
0xc1: {  	v0 =	vld [tilespmem:s30+$0xAF40];
	_ =	sdelay $0x4  }
0xc2: {  	v1 =	vshll.u32 v0, $0x10  }
0xc3: {  	v0 =	vand.u32 $0xFFFF0000, v0;
	[tilespmem:s29+$0xFFFFFE90] =	vst v1  }
0xc4: {  	[tilespmem:s29+$0xFFFFFEA0] =	vst v0  }
0xc5: {  	v0 =	vld [tilespmem:s30+$0xAF50];
	_ =	sdelay $0x4  }
0xc6: {  	v1 =	vshll.u32 v0, $0x10  }
0xc7: {  	v0 =	vand.u32 $0xFFFF0000, v0;
	[tilespmem:s29+$0xFFFFFEB0] =	vst v1  }
0xc8: {  	[tilespmem:s29+$0xFFFFFEC0] =	vst v0  }
0xc9: {  	v0 =	vld [tilespmem:s30+$0xAF60];
	_ =	sdelay $0x4  }
0xca: {  	v1 =	vshll.u32 v0, $0x10  }
0xcb: {  	v0 =	vand.u32 $0xFFFF0000, v0;
	[tilespmem:s29+$0xFFFFFED0] =	vst v1  }
0xcc: {  	[tilespmem:s29+$0xFFFFFEE0] =	vst v0  }
0xcd: {  	v0 =	vld [tilespmem:s30+$0xAF70];
	_ =	sdelay $0x4  }
0xce: {  	v1 =	vshll.u32 v0, $0x10  }
0xcf: {  	v0 =	vand.u32 $0xFFFF0000, v0;
	[tilespmem:s29+$0xFFFFFEF0] =	vst v1  }
0xd0: {  	[tilespmem:s29+$0xFFFFFF00] =	vst v0  }
0xd1: {  	v0 =	vld [tilespmem:s30+$0xAF80];
	_ =	sdelay $0x4  }
0xd2: {  	v1 =	vshll.u32 v0, $0x10  }
0xd3: {  	v0 =	vand.u32 $0xFFFF0000, v0;
	[tilespmem:s29+$0xFFFFFF10] =	vst v1  }
0xd4: {  	[tilespmem:s29+$0xFFFFFF20] =	vst v0  }
0xd5: {  	v0 =	vld [tilespmem:s30+$0xAF90];
	_ =	sdelay $0x4  }
0xd6: {  	v1 =	vshll.u32 v0, $0x10  }
0xd7: {  	v0 =	vand.u32 $0xFFFF0000, v0;
	[tilespmem:s29+$0xFFFFFF30] =	vst v1  }
0xd8: {  	[tilespmem:s29+$0xFFFFFF40] =	vst v0  }
0xd9: {  	v0 =	vld [tilespmem:s30+$0xAFA0];
	_ =	sdelay $0x4  }
0xda: {  	v1 =	vshll.u32 v0, $0x10  }
0xdb: {  	v0 =	vand.u32 $0xFFFF0000, v0;
	[tilespmem:s29+$0xFFFFFF50] =	vst v1  }
0xdc: {  	[tilespmem:s29+$0xFFFFFF60] =	vst v0  }
0xdd: {  	v0 =	vld [tilespmem:s30+$0xAFB0];
	_ =	sdelay $0x4  }
0xde: {  	v1 =	vshll.u32 v0, $0x10  }
0xdf: {  	v0 =	vand.u32 $0xFFFF0000, v0;
	[tilespmem:s29+$0xFFFFFF70] =	vst v1  }
0xe0: {  	[tilespmem:s29+$0xFFFFFF80] =	vst v0  }
0xe1: {  	v0 =	vld [tilespmem:s30+$0xAFC0];
	_ =	sdelay $0x4  }
0xe2: {  	v1 =	vshll.u32 v0, $0x10  }
0xe3: {  	v0 =	vand.u32 $0xFFFF0000, v0;
	[tilespmem:s29+$0xFFFFFF90] =	vst v1  }
0xe4: {  	[tilespmem:s29+$0xFFFFFFA0] =	vst v0  }
0xe5: {  	v0 =	vld [tilespmem:s30+$0xAFD0];
	_ =	sdelay $0x4  }
0xe6: {  	v1 =	vshll.u32 v0, $0x10  }
0xe7: {  	s31 =	simm.s32 $0x400;
	s1 =	simm.s32 $0xF0F0;
	v0 =	vand.u32 $0xFFFF0000, v0;
	[tilespmem:s29+$0xFFFFFFB0] =	vst v1  }
.LBB2_5:
0xe8: {  	p0 =	sne.s32 s31, $0x3C00  }
0xe9: {  	[tilespmem:s29+$0xFFFFFFC0] =	vst v0;
	s1 =	sadd.s32 $0x200, s1;
	s0 =	smov.u32 s31;
	s31 =	sadd.s32 $0x400, s31  }
0xea: {  	v0 =	vld [tilespmem:s30+$0xAFE0];
	_ =	sdelay $0x4  }
0xeb: {  	v1 =	vshll.u32 v0, $0x10;
	v0 =	vand.u32 $0xFFFF0000, v0  }
0xec: {  	[tilespmem:s29+$0xFFFFFFD0] =	vst v1  }
0xed: {  	[tilespmem:s29+$0xFFFFFFE0] =	vst v0  }
0xee: {  	v0 =	vld [tilespmem:s30+$0xAFF0];
	_ =	sdelay $0x4  }
0xef: {  	v1 =	vshll.u32 v0, $0x10;
	v0 =	vand.u32 $0xFFFF0000, v0  }
0xf0: {  	[tilespmem:s29+$0xFFFFFFF0] =	vst v1  }
0xf1: {  	s30 =	sshra.s32 s0, $0x2;
	[tilespmem:s29+$0x0] =	vst v0;
	s29 =	smov.u32 s1  }
0xf2: {  	v0 =	vld [tilespmem:s30+$0xAF00];
	_ =	sdelay $0x4  }
0xf3: {  	v1 =	vshll.u32 v0, $0x10;
	v0 =	vand.u32 $0xFFFF0000, v0  }
0xf4: {  	[tilespmem:s1+$0xFFFFFE10] =	vst v1  }
0xf5: {  	[tilespmem:s1+$0xFFFFFE20] =	vst v0  }
0xf6: {  	v0 =	vld [tilespmem:s30+$0xAF10];
	_ =	sdelay $0x4  }
0xf7: {  	v1 =	vshll.u32 v0, $0x10;
	v0 =	vand.u32 $0xFFFF0000, v0  }
0xf8: {  	[tilespmem:s1+$0xFFFFFE30] =	vst v1  }
0xf9: {  	[tilespmem:s1+$0xFFFFFE40] =	vst v0  }
0xfa: {  	v0 =	vld [tilespmem:s30+$0xAF20];
	_ =	sdelay $0x4  }
0xfb: {  	v1 =	vshll.u32 v0, $0x10;
	v0 =	vand.u32 $0xFFFF0000, v0  }
0xfc: {  	[tilespmem:s1+$0xFFFFFE50] =	vst v1  }
0xfd: {  	[tilespmem:s1+$0xFFFFFE60] =	vst v0  }
0xfe: {  	v0 =	vld [tilespmem:s30+$0xAF30];
	_ =	sdelay $0x4  }
0xff: {  	v1 =	vshll.u32 v0, $0x10;
	v0 =	vand.u32 $0xFFFF0000, v0  }
0x100: {  	[tilespmem:s1+$0xFFFFFE70] =	vst v1  }
0x101: {  	[tilespmem:s1+$0xFFFFFE80] =	vst v0  }
0x102: {  	v0 =	vld [tilespmem:s30+$0xAF40];
	_ =	sdelay $0x4  }
0x103: {  	v1 =	vshll.u32 v0, $0x10;
	v0 =	vand.u32 $0xFFFF0000, v0  }
0x104: {  	[tilespmem:s1+$0xFFFFFE90] =	vst v1  }
0x105: {  	[tilespmem:s1+$0xFFFFFEA0] =	vst v0  }
0x106: {  	v0 =	vld [tilespmem:s30+$0xAF50];
	_ =	sdelay $0x4  }
0x107: {  	v1 =	vshll.u32 v0, $0x10;
	v0 =	vand.u32 $0xFFFF0000, v0  }
0x108: {  	[tilespmem:s1+$0xFFFFFEB0] =	vst v1  }
0x109: {  	[tilespmem:s1+$0xFFFFFEC0] =	vst v0  }
0x10a: {  	v0 =	vld [tilespmem:s30+$0xAF60];
	_ =	sdelay $0x4  }
0x10b: {  	v1 =	vshll.u32 v0, $0x10;
	v0 =	vand.u32 $0xFFFF0000, v0  }
0x10c: {  	[tilespmem:s1+$0xFFFFFED0] =	vst v1  }
0x10d: {  	[tilespmem:s1+$0xFFFFFEE0] =	vst v0  }
0x10e: {  	v0 =	vld [tilespmem:s30+$0xAF70];
	_ =	sdelay $0x4  }
0x10f: {  	v1 =	vshll.u32 v0, $0x10;
	v0 =	vand.u32 $0xFFFF0000, v0  }
0x110: {  	[tilespmem:s1+$0xFFFFFEF0] =	vst v1  }
0x111: {  	[tilespmem:s1+$0xFFFFFF00] =	vst v0  }
0x112: {  	v0 =	vld [tilespmem:s30+$0xAF80];
	_ =	sdelay $0x4  }
0x113: {  	v1 =	vshll.u32 v0, $0x10;
	v0 =	vand.u32 $0xFFFF0000, v0  }
0x114: {  	[tilespmem:s1+$0xFFFFFF10] =	vst v1  }
0x115: {  	[tilespmem:s1+$0xFFFFFF20] =	vst v0  }
0x116: {  	v0 =	vld [tilespmem:s30+$0xAF90];
	_ =	sdelay $0x4  }
0x117: {  	v1 =	vshll.u32 v0, $0x10;
	v0 =	vand.u32 $0xFFFF0000, v0  }
0x118: {  	[tilespmem:s1+$0xFFFFFF30] =	vst v1  }
0x119: {  	[tilespmem:s1+$0xFFFFFF40] =	vst v0  }
0x11a: {  	v0 =	vld [tilespmem:s30+$0xAFA0];
	_ =	sdelay $0x4  }
0x11b: {  	v1 =	vshll.u32 v0, $0x10;
	v0 =	vand.u32 $0xFFFF0000, v0  }
0x11c: {  	[tilespmem:s1+$0xFFFFFF50] =	vst v1  }
0x11d: {  	[tilespmem:s1+$0xFFFFFF60] =	vst v0  }
0x11e: {  	v0 =	vld [tilespmem:s30+$0xAFB0];
	_ =	sdelay $0x4  }
0x11f: {  	v1 =	vshll.u32 v0, $0x10;
	v0 =	vand.u32 $0xFFFF0000, v0  }
0x120: {  	[tilespmem:s1+$0xFFFFFF70] =	vst v1  }
0x121: {  	[tilespmem:s1+$0xFFFFFF80] =	vst v0  }
0x122: {  	v0 =	vld [tilespmem:s30+$0xAFC0];
	_ =	sdelay $0x4  }
0x123: {  	v1 =	vshll.u32 v0, $0x10;
	v0 =	vand.u32 $0xFFFF0000, v0  }
0x124: {  	[tilespmem:s1+$0xFFFFFF90] =	vst v1  }
0x125: {  	[tilespmem:s1+$0xFFFFFFA0] =	vst v0  }
0x126: {  	v0 =	vld [tilespmem:s30+$0xAFD0];
	_ =	sdelay $0x1  }
.Ltmp1:
0x127: {  	(pc) =	sbr.rel @p0 .LBB2_5-.Ltmp1, $3  }
0x128: {  	_ =	sdelay $0x1  }
0x129: {  	v1 =	vshll.u32 v0, $0x10;
	v0 =	vand.u32 $0xFFFF0000, v0  }
0x12a: {  	[tilespmem:s1+$0xFFFFFFB0] =	vst v1  }
0x12b: {  	[tilespmem:s29+$0xFFFFFFC0] =	vst v0  }
0x12c: {  	v0 =	vld [tilespmem:s30+$0xAFE0];
	_ =	sdelay $0x4  }
0x12d: {  	v1 =	vshll.u32 v0, $0x10  }
0x12e: {  	v0 =	vand.u32 $0xFFFF0000, v0;
	[tilespmem:s29+$0xFFFFFFD0] =	vst v1  }
0x12f: {  	[tilespmem:s29+$0xFFFFFFE0] =	vst v0  }
0x130: {  	v0 =	vld [tilespmem:s30+$0xAFF0];
	_ =	sdelay $0x4  }
0x131: {  	v1 =	vshll.u32 v0, $0x10  }
0x132: {  	v0 =	vand.u32 $0xFFFF0000, v0;
	[tilespmem:s29+$0xFFFFFFF0] =	vst v1  }
0x133: {  	s0 =	sadd.s32 $0x4F80, s28;
	[tilespmem:s29+$0x0] =	vst v0  }
0x134: {  	[spmem:s2] =	stream.indirect.scatter.add.f32 [tilespmem:s20], [sflag:$0x2], $0x40, s0, s14, $0xb8;
	[tilespmem:$0x1CF00] =	vst v63  }
0x135: {  	_ =	swait.ge [sflag:s16], $0x1000  }
0x136: {  	[sflag:s16] =	ssyncset.done $0x0  }
0x137: {  	[sflag:s16] =	ssyncadd.s32 $0xFFFFF000  }
0x138: {  	p0 =	seq.s32 s24, $0x34;
	_ =	swait.ge [sflag:s21], $0x2000  }
0x139: {  	s1 =	simm.s32 @!p0 $0x80;
	s0 =	sshra.s32 @!p0 s25, $0x2;
	[sflag:s21] =	ssyncset.done $0x0  }
0x13a: {  	s25 =	simm.s32 @!p0 $0x9F00;
	s0 =	sadd.s32 @!p0 $0x180, s0;
	[sflag:s21] =	ssyncadd.s32 $0xFFFFE000  }
0x13b: {  	[tilespmem:s25], [sflag:$0x1] =	stream.indirect.gather @!p0 [hbm4b:s4+s1], $0x20, s0, s1, $0xb8;
	[tilespmem:$0x1CF00] =	vst v63  }
0x13c: {  	s25 =	simm.s32 $0xBFF0  }
0x13d: {  	v0 =	vld [tilespmem:s25+$0xFFFFFF10];
	_ =	sdelay $0x4  }
0x13e: {  	s28 =	simm.s32 $0x0;
	v1 =	vshll.u32 v0, $0x10  }
0x13f: {  	v0 =	vand.u32 $0xFFFF0000, v0;
	[tilespmem:s28+$0x10F00] =	vst v1  }
0x140: {  	[tilespmem:s28+$0x10F10] =	vst v0  }
0x141: {  	v0 =	vld [tilespmem:s25+$0xFFFFFF20];
	_ =	sdelay $0x4  }
0x142: {  	v1 =	vshll.u32 v0, $0x10  }
0x143: {  	v0 =	vand.u32 $0xFFFF0000, v0;
	[tilespmem:s28+$0x10F20] =	vst v1  }
0x144: {  	[tilespmem:s28+$0x10F30] =	vst v0  }
0x145: {  	v0 =	vld [tilespmem:s25+$0xFFFFFF30];
	_ =	sdelay $0x4  }
0x146: {  	v1 =	vshll.u32 v0, $0x10  }
0x147: {  	v0 =	vand.u32 $0xFFFF0000, v0;
	[tilespmem:s28+$0x10F40] =	vst v1  }
0x148: {  	[tilespmem:s28+$0x10F50] =	vst v0  }
0x149: {  	v0 =	vld [tilespmem:s25+$0xFFFFFF40];
	_ =	sdelay $0x4  }
0x14a: {  	v1 =	vshll.u32 v0, $0x10  }
0x14b: {  	v0 =	vand.u32 $0xFFFF0000, v0;
	[tilespmem:s28+$0x10F60] =	vst v1  }
0x14c: {  	[tilespmem:s28+$0x10F70] =	vst v0  }
0x14d: {  	v0 =	vld [tilespmem:s25+$0xFFFFFF50];
	_ =	sdelay $0x4  }
0x14e: {  	v1 =	vshll.u32 v0, $0x10  }
0x14f: {  	v0 =	vand.u32 $0xFFFF0000, v0;
	[tilespmem:s28+$0x10F80] =	vst v1  }
0x150: {  	[tilespmem:s28+$0x10F90] =	vst v0  }
0x151: {  	v0 =	vld [tilespmem:s25+$0xFFFFFF60];
	_ =	sdelay $0x4  }
0x152: {  	v1 =	vshll.u32 v0, $0x10  }
0x153: {  	v0 =	vand.u32 $0xFFFF0000, v0;
	[tilespmem:s28+$0x10FA0] =	vst v1  }
0x154: {  	[tilespmem:s28+$0x10FB0] =	vst v0  }
0x155: {  	v0 =	vld [tilespmem:s25+$0xFFFFFF70];
	_ =	sdelay $0x4  }
0x156: {  	v1 =	vshll.u32 v0, $0x10  }
0x157: {  	v0 =	vand.u32 $0xFFFF0000, v0;
	[tilespmem:s28+$0x10FC0] =	vst v1  }
0x158: {  	[tilespmem:s28+$0x10FD0] =	vst v0  }
0x159: {  	v0 =	vld [tilespmem:s25+$0xFFFFFF80];
	_ =	sdelay $0x4  }
0x15a: {  	v1 =	vshll.u32 v0, $0x10  }
0x15b: {  	v0 =	vand.u32 $0xFFFF0000, v0;
	[tilespmem:s28+$0x10FE0] =	vst v1  }
0x15c: {  	[tilespmem:s28+$0x10FF0] =	vst v0  }
0x15d: {  	v0 =	vld [tilespmem:s25+$0xFFFFFF90];
	_ =	sdelay $0x4  }
0x15e: {  	v1 =	vshll.u32 v0, $0x10  }
0x15f: {  	v0 =	vand.u32 $0xFFFF0000, v0;
	[tilespmem:s28+$0x11000] =	vst v1  }
0x160: {  	[tilespmem:s28+$0x11010] =	vst v0  }
0x161: {  	v0 =	vld [tilespmem:s25+$0xFFFFFFA0];
	_ =	sdelay $0x4  }
0x162: {  	v1 =	vshll.u32 v0, $0x10  }
0x163: {  	v0 =	vand.u32 $0xFFFF0000, v0;
	[tilespmem:s28+$0x11020] =	vst v1  }
0x164: {  	[tilespmem:s28+$0x11030] =	vst v0  }
0x165: {  	v0 =	vld [tilespmem:s25+$0xFFFFFFB0];
	_ =	sdelay $0x4  }
0x166: {  	v1 =	vshll.u32 v0, $0x10  }
0x167: {  	v0 =	vand.u32 $0xFFFF0000, v0;
	[tilespmem:s28+$0x11040] =	vst v1  }
0x168: {  	[tilespmem:s28+$0x11050] =	vst v0  }
0x169: {  	v0 =	vld [tilespmem:s25+$0xFFFFFFC0];
	_ =	sdelay $0x4  }
0x16a: {  	v1 =	vshll.u32 v0, $0x10  }
0x16b: {  	v0 =	vand.u32 $0xFFFF0000, v0;
	[tilespmem:s28+$0x11060] =	vst v1  }
0x16c: {  	[tilespmem:s28+$0x11070] =	vst v0  }
0x16d: {  	v0 =	vld [tilespmem:s25+$0xFFFFFFD0];
	_ =	sdelay $0x4  }
0x16e: {  	v1 =	vshll.u32 v0, $0x10  }
0x16f: {  	v0 =	vand.u32 $0xFFFF0000, v0;
	[tilespmem:s28+$0x11080] =	vst v1  }
0x170: {  	[tilespmem:s28+$0x11090] =	vst v0  }
0x171: {  	v0 =	vld [tilespmem:s25+$0xFFFFFFE0];
	_ =	sdelay $0x4  }
0x172: {  	v1 =	vshll.u32 v0, $0x10  }
0x173: {  	s30 =	simm.s32 $0x800;
	s29 =	simm.s32 $0xBFF0;
	v0 =	vand.u32 $0xFFFF0000, v0;
	[tilespmem:s28+$0x110A0] =	vst v1  }
.LBB2_7:
0x174: {  	p0 =	sne.s32 s30, $0x7800  }
0x175: {  	[tilespmem:s28+$0x110B0] =	vst v0;
	s25 =	sadd.s32 $0x100, s25;
	s0 =	smov.u32 s30;
	s30 =	sadd.s32 $0x800, s30  }
0x176: {  	v0 =	vld [tilespmem:s29+$0xFFFFFFF0];
	_ =	sdelay $0x4  }
0x177: {  	v1 =	vshll.u32 v0, $0x10;
	v0 =	vand.u32 $0xFFFF0000, v0  }
0x178: {  	[tilespmem:s28+$0x110C0] =	vst v1  }
0x179: {  	[tilespmem:s28+$0x110D0] =	vst v0  }
0x17a: {  	v0 =	vld [tilespmem:s29+$0x0];
	s29 =	smov.u32 s25;
	_ =	sdelay $0x4  }
0x17b: {  	v1 =	vshll.u32 v0, $0x10;
	v0 =	vand.u32 $0xFFFF0000, v0  }
0x17c: {  	[tilespmem:s28+$0x110E0] =	vst v1  }
0x17d: {  	[tilespmem:s28+$0x110F0] =	vst v0  }
0x17e: {  	v0 =	vld [tilespmem:s25+$0xFFFFFF10];
	_ =	sdelay $0x4  }
0x17f: {  	s28 =	sshra.s32 s0, $0x2;
	v1 =	vshll.u32 v0, $0x10;
	v0 =	vand.u32 $0xFFFF0000, v0  }
0x180: {  	[tilespmem:s28+$0x10F00] =	vst v1  }
0x181: {  	[tilespmem:s28+$0x10F10] =	vst v0  }
0x182: {  	v0 =	vld [tilespmem:s25+$0xFFFFFF20];
	_ =	sdelay $0x4  }
0x183: {  	v1 =	vshll.u32 v0, $0x10;
	v0 =	vand.u32 $0xFFFF0000, v0  }
0x184: {  	[tilespmem:s28+$0x10F20] =	vst v1  }
0x185: {  	[tilespmem:s28+$0x10F30] =	vst v0  }
0x186: {  	v0 =	vld [tilespmem:s25+$0xFFFFFF30];
	_ =	sdelay $0x4  }
0x187: {  	v1 =	vshll.u32 v0, $0x10;
	v0 =	vand.u32 $0xFFFF0000, v0  }
0x188: {  	[tilespmem:s28+$0x10F40] =	vst v1  }
0x189: {  	[tilespmem:s28+$0x10F50] =	vst v0  }
0x18a: {  	v0 =	vld [tilespmem:s25+$0xFFFFFF40];
	_ =	sdelay $0x4  }
0x18b: {  	v1 =	vshll.u32 v0, $0x10;
	v0 =	vand.u32 $0xFFFF0000, v0  }
0x18c: {  	[tilespmem:s28+$0x10F60] =	vst v1  }
0x18d: {  	[tilespmem:s28+$0x10F70] =	vst v0  }
0x18e: {  	v0 =	vld [tilespmem:s25+$0xFFFFFF50];
	_ =	sdelay $0x4  }
0x18f: {  	v1 =	vshll.u32 v0, $0x10;
	v0 =	vand.u32 $0xFFFF0000, v0  }
0x190: {  	[tilespmem:s28+$0x10F80] =	vst v1  }
0x191: {  	[tilespmem:s28+$0x10F90] =	vst v0  }
0x192: {  	v0 =	vld [tilespmem:s25+$0xFFFFFF60];
	_ =	sdelay $0x4  }
0x193: {  	v1 =	vshll.u32 v0, $0x10;
	v0 =	vand.u32 $0xFFFF0000, v0  }
0x194: {  	[tilespmem:s28+$0x10FA0] =	vst v1  }
0x195: {  	[tilespmem:s28+$0x10FB0] =	vst v0  }
0x196: {  	v0 =	vld [tilespmem:s25+$0xFFFFFF70];
	_ =	sdelay $0x4  }
0x197: {  	v1 =	vshll.u32 v0, $0x10;
	v0 =	vand.u32 $0xFFFF0000, v0  }
0x198: {  	[tilespmem:s28+$0x10FC0] =	vst v1  }
0x199: {  	[tilespmem:s28+$0x10FD0] =	vst v0  }
0x19a: {  	v0 =	vld [tilespmem:s25+$0xFFFFFF80];
	_ =	sdelay $0x4  }
0x19b: {  	v1 =	vshll.u32 v0, $0x10;
	v0 =	vand.u32 $0xFFFF0000, v0  }
0x19c: {  	[tilespmem:s28+$0x10FE0] =	vst v1  }
0x19d: {  	[tilespmem:s28+$0x10FF0] =	vst v0  }
0x19e: {  	v0 =	vld [tilespmem:s25+$0xFFFFFF90];
	_ =	sdelay $0x4  }
0x19f: {  	v1 =	vshll.u32 v0, $0x10;
	v0 =	vand.u32 $0xFFFF0000, v0  }
0x1a0: {  	[tilespmem:s28+$0x11000] =	vst v1  }
0x1a1: {  	[tilespmem:s28+$0x11010] =	vst v0  }
0x1a2: {  	v0 =	vld [tilespmem:s25+$0xFFFFFFA0];
	_ =	sdelay $0x4  }
0x1a3: {  	v1 =	vshll.u32 v0, $0x10;
	v0 =	vand.u32 $0xFFFF0000, v0  }
0x1a4: {  	[tilespmem:s28+$0x11020] =	vst v1  }
0x1a5: {  	[tilespmem:s28+$0x11030] =	vst v0  }
0x1a6: {  	v0 =	vld [tilespmem:s25+$0xFFFFFFB0];
	_ =	sdelay $0x4  }
0x1a7: {  	v1 =	vshll.u32 v0, $0x10;
	v0 =	vand.u32 $0xFFFF0000, v0  }
0x1a8: {  	[tilespmem:s28+$0x11040] =	vst v1  }
0x1a9: {  	[tilespmem:s28+$0x11050] =	vst v0  }
0x1aa: {  	v0 =	vld [tilespmem:s25+$0xFFFFFFC0];
	_ =	sdelay $0x4  }
0x1ab: {  	v1 =	vshll.u32 v0, $0x10;
	v0 =	vand.u32 $0xFFFF0000, v0  }
0x1ac: {  	[tilespmem:s28+$0x11060] =	vst v1  }
0x1ad: {  	[tilespmem:s28+$0x11070] =	vst v0  }
0x1ae: {  	v0 =	vld [tilespmem:s25+$0xFFFFFFD0];
	_ =	sdelay $0x4  }
0x1af: {  	v1 =	vshll.u32 v0, $0x10;
	v0 =	vand.u32 $0xFFFF0000, v0  }
0x1b0: {  	[tilespmem:s28+$0x11080] =	vst v1  }
0x1b1: {  	[tilespmem:s28+$0x11090] =	vst v0  }
0x1b2: {  	v0 =	vld [tilespmem:s25+$0xFFFFFFE0];
	_ =	sdelay $0x1  }
.Ltmp2:
0x1b3: {  	(pc) =	sbr.rel @p0 .LBB2_7-.Ltmp2, $3  }
0x1b4: {  	_ =	sdelay $0x1  }
0x1b5: {  	v1 =	vshll.u32 v0, $0x10;
	v0 =	vand.u32 $0xFFFF0000, v0  }
0x1b6: {  	[tilespmem:s28+$0x110A0] =	vst v1  }
0x1b7: {  	[tilespmem:s28+$0x110B0] =	vst v0  }
0x1b8: {  	v0 =	vld [tilespmem:s29+$0xFFFFFFF0];
	_ =	sdelay $0x4  }
0x1b9: {  	v1 =	vshll.u32 v0, $0x10  }
0x1ba: {  	v0 =	vand.u32 $0xFFFF0000, v0;
	[tilespmem:s28+$0x110C0] =	vst v1  }
0x1bb: {  	[tilespmem:s28+$0x110D0] =	vst v0  }
0x1bc: {  	v0 =	vld [tilespmem:s29+$0x0];
	_ =	sdelay $0x1  }
0x1bd: {  	s24 =	sadd.s32 $0x1, s24  }
0x1be: {  	p0 =	sne.s32 s24, $0x35  }
.Ltmp3:
0x1bf: {  	_ = 	snop;
	(pc) =	sbr.rel @p0 .LBB2_2-.Ltmp3, $4  }
0x1c0: {  	v63 =	vshll.u32 v0, $0x10  }
0x1c1: {  	v0 =	vand.u32 $0xFFFF0000, v0;
	[tilespmem:s28+$0x110E0] =	vst v63  }
0x1c2: {  	s0 =	sadd.s32 $0x4F80, s26;
	[tilespmem:s28+$0x110F0] =	vst v0  }
0x1c3: {  	[spmem:s2] =	stream.indirect.scatter.add.f32 [tilespmem:s22], [sflag:$0x2], $0x40, s0, s14, $0xb8;
	[tilespmem:$0x1CF00] =	vst v63  }
0x1c4: {  	_ =	swait.ge [sflag:s21], $0x2000  }
0x1c5: {  	[sflag:s21] =	ssyncset.done $0x0  }
0x1c6: {  	[sflag:s21] =	ssyncadd.s32 $0xFFFFE000  }
0x1c7: {  	_ =	swait.ge [sflag:s21], $0x2000  }
0x1c8: {  	s23 =	sadd.s32 $0x1, s23;
	[sflag:s21] =	ssyncset.done $0x0  }
0x1c9: {  	p0 =	sne.s32 s23, s9;
	[sflag:s21] =	ssyncadd.s32 $0xFFFFE000  }
.Ltmp4:
0x1ca: {  	[bflag:$0x0] =	sbarrier.arrive $0xFFFF;
	(pc) =	sbr.rel @p0 .LBB2_1-.Ltmp4, $4  }
0x1cb: {  	[hbm:s8], [sflag:s12] =	dma.local [spmem:s13], $0x1400  }
0x1cc: {  	_ =	swait.ge [sflag:s10], $0x1400  }
0x1cd: {  	[sflag:s10] =	ssyncset.done $0x0  }
0x1ce: {  	[sflag:s10] =	ssyncadd.s32 $0xFFFFEC00  }
0x1cf: {  	_ =	sfence.sel $0x180000  }
0x1d0: {  	[bflag:$0x0] =	sbarrier.arrive $0xFFFF  }
0x1d1: {  	_ =	strace $0x9000004D  }
0x1d2: {  	s0 =	stileid.u32;
	[bflag:$0x2] =	sbarrier.arrive $0xFFFF  }
0x1d3: {  	p0 =	sne.s32 s0, $0x0;
	s0 =	rddreg [dreg:$0x2]  }
0x1d4: {  	s0 =	sadd.s32 @!p0 $0x100000, s0  }
0x1d5: {  	[sflag:s0] =	ssyncadd.tile.s32 @!p0 $0x1;
	_ =	shalt  }
.Lfunc_end2:
_tile_overlayer_lowered:
.L_overlay_start_2:
0x1d6: {  	(tag) =	ssettag $0x2  }
0x1d7: {  	s0 =	rddreg [dreg:$0x0];
	s2 =	stileid.u32  }
0x1d8: {  	s1 =	rddreg [dreg:$0x1];
	p0 =	sne.s32 s2, $0x0  }
0x1d9: {  	s3 =	rddreg [dreg:$0x2];
	[bflag:$0x3] =	sbarrier.arrive $0xFFFF;
	s2 =	simm.s32 @!p0 $0x1C03  }
0x1da: {  	[timem:s3], [sflag:s2] =	dma.local @!p0 [hbm:s0], s1  }
0x1db: {  	s0 =	simm.s32 @!p0 $0x3  }
0x1dc: {  	_ =	swait.ge @!p0 [sflag:s0], s1  }
0x1dd: {  	s1 =	ssub.s32 @!p0 $0x0, s1;
	[sflag:s0] =	ssyncset.done @!p0 $0x0  }
0x1de: {  	[sflag:s0] =	ssyncadd.s32 @!p0 s1  }
0x1df: {  	[bflag:$0x3] =	sbarrier.arrive $0xFFFF  }
0x1e0: {  	_ =	shalt  }

// kernel: kernel.8.cloned.1.call-start
scs
__scs_entry_jumppad:
0x0: {  	(pc) =	sbr.rel $0x88, $3  }
0x1: {  	(tag) =	ssettag $0x0;
	lr =	simm.s32 $0x1  }
0x2: {  	[smem:$0x3F96] =	sst lr;
	_ =	strace $0xD0000000  }
0x3: {  	_ = 	snop  }
0x4: {  	_ = 	snop  }
0x5: {  	_ = 	snop  }
0x6: {  	_ = 	snop  }
0x7: {  	_ = 	snop  }
__scs_overlays_trampoline_lowered:
0x8: {  	[smem:$0x3FA5] =	sst s0  }
0x9: {  	[smem:$0x3FA6] =	sst s1  }
0xa: {  	[smem:$0x3FA7] =	sst s2  }
0xb: {  	[smem:$0x3FA8] =	sst s3  }
0xc: {  	[smem:$0x3FA9] =	sst s4  }
0xd: {  	[smem:$0x3FAA] =	sst s5  }
0xe: {  	[smem:$0x3FAB] =	sst s6  }
0xf: {  	[smem:$0x3FAC] =	sst s7  }
0x10: {  	[smem:$0x3FAD] =	sst s8  }
0x11: {  	[smem:$0x3FAE] =	sst s9;
	s0 =	simm.s32 @!p0 $0x0  }
0x12: {  	s1 =	sld [smem:$0x3F94];
	s0 =	simm.s32 @p0 $0x1  }
0x13: {  	[smem:$0x3FAF] =	sst s0;
	s0 =	simm.s32 @!p1 $0x0  }
0x14: {  	s2 =	sld [smem:$0x3F93];
	s0 =	simm.s32 @p1 $0x1  }
0x15: {  	[smem:$0x3FB0] =	sst s0;
	s0 =	simm.s32 @!p2 $0x0  }
0x16: {  	s3 =	sld [smem:$0x3FDB];
	s0 =	simm.s32 @p2 $0x1  }
0x17: {  	s4 =	simm.s32 $0x1BF5;
	[smem:$0x3FB2] =	sst s0  }
0x18: {  	s0 =	sld [smem:$0x3F95];
	_ =	swait.ge [sflag:s4], $0x0  }
0x19: {  	s7 =	sld [smem:$0x3F96]  }
0x1a: {  	s8 =	sadd.s32 $0xFFFFE003, lr  }
0x1b: {  	s9 =	sadd.s32 $0xFFFFFEF7, lr;
	s5 =	simm.s32 $0xFFFFFFFF;
	p2 =	slt.u32 s8, $0xFFFFF086  }
0x1c: {  	p1 =	slt.u32 s9, $0xF7A;
	s5 =	simm.s32 @!p2 $0x0  }
0x1d: {  	s5 =	simm.s32 @p1 $0x1;
	p0 =	seq.s32 s7, s2  }
0x1e: {  	s7 =	smul.u32 @!p0 $0xF7A, s2;
	p2 =	seq.s32 @!p0 s5, $0x0  }
0x1f: {  	s9 =	smul.u32 $0xF7A, s1;
	s8 =	simm.s32 @!p0 $0x1BF5;
	p2 =	por !p2, p0  }
0x20: {  	[sflag:s8] =	ssyncset.s32 @!p0 $0xFFFFF086;
	s6 =	sadd.s32 @!p0 s3, s7;
	s7 =	simm.s32 @!p0 $0x108  }
0x21: {  	s3 =	sadd.s32 s3, s9;
	s6 =	sadd.s32 @!p0 $0x88, s6;
	s7 =	simm.s32 @p2 $0x1082  }
0x22: {  	[simem:s7], [sflag:s8] =	dma.local @!p0 [hbm:s6], $0xF7A  }
0x23: {  	s9 =	sor.u32 $0xD0000000, s2;
	s6 =	simm.s32 $0x108;
	_ =	swait.ge @!p0 [sflag:s8], $0x0  }
0x24: {  	s3 =	sadd.s32 $0x88, s3;
	s6 =	simm.s32 @!p1 $0x1082;
	[sflag:s4] =	ssyncset.s32 $0xFFFFF086  }
0x25: {  	[simem:s6], [sflag:s4] =	dma.local [hbm:s3], $0xF7A  }
0x26: {  	[smem:$0x3F96] =	sst s1;
	(tag) =	ssettag s2;
	_ =	strace s9  }
0x27: {  	s1 =	sld [smem:$0x3FA6]  }
0x28: {  	s2 =	sld [smem:$0x3FA7]  }
0x29: {  	s4 =	sld [smem:$0x3FA9]  }
0x2a: {  	p0 =	seq.s32 s5, $0x0;
	s5 =	sld [smem:$0x3FAA]  }
0x2b: {  	s6 =	sld [smem:$0x3FAB]  }
0x2c: {  	s7 =	sld [smem:$0x3FAC]  }
0x2d: {  	s3 =	simm.s32 $0x108;
	s8 =	sld [smem:$0x3FAD]  }
0x2e: {  	s3 =	simm.s32 @!p0 $0x1082;
	s9 =	sld [smem:$0x3FAE]  }
0x2f: {  	lr =	sadd.s32 s0, s3;
	s0 =	sld [smem:$0x3FA5]  }
0x30: {  	s3 =	sld [smem:$0x3FA8]  }
0x31: {  	[smem:$0x3FB1] =	sst s10  }
0x32: {  	s10 =	sld [smem:$0x3FAF];
	_ =	sdelay $0x3  }
0x33: {  	p0 =	seq.s32 s10, $0x1;
	s10 =	sld [smem:$0x3FB1];
	_ =	sdelay $0x3  }
0x34: {  	[smem:$0x3FB1] =	sst s10  }
0x35: {  	s10 =	sld [smem:$0x3FB0];
	_ =	sdelay $0x3  }
0x36: {  	p1 =	seq.s32 s10, $0x1;
	s10 =	sld [smem:$0x3FB1];
	_ =	sdelay $0x3  }
0x37: {  	[smem:$0x3FB1] =	sst s10  }
0x38: {  	s10 =	sld [smem:$0x3FB2]  }
0x39: {  	_ = 	snop;
	(pc) =	sbr.ind lr, $3  }
0x3a: {  	_ = 	snop  }
0x3b: {  	_ = 	snop  }
0x3c: {  	p2 =	seq.s32 s10, $0x1;
	s10 =	sld [smem:$0x3FB1]  }
0x3d: {  	_ =	shalt  }
0x3e: {  	_ =	shalt  }
0x3f: {  	_ =	shalt  }
0x40: {  	_ =	shalt  }
0x41: {  	_ =	shalt  }
0x42: {  	_ =	shalt  }
0x43: {  	_ =	shalt  }
0x44: {  	_ =	shalt  }
0x45: {  	_ =	shalt  }
0x46: {  	_ =	shalt  }
0x47: {  	_ =	shalt  }
0x48: {  	_ =	shalt  }
0x49: {  	_ =	shalt  }
0x4a: {  	_ =	shalt  }
0x4b: {  	_ =	shalt  }
0x4c: {  	_ =	shalt  }
0x4d: {  	_ =	shalt  }
0x4e: {  	_ =	shalt  }
0x4f: {  	_ =	shalt  }
0x50: {  	_ =	shalt  }
0x51: {  	_ =	shalt  }
0x52: {  	_ =	shalt  }
0x53: {  	_ =	shalt  }
0x54: {  	_ =	shalt  }
0x55: {  	_ =	shalt  }
0x56: {  	_ =	shalt  }
0x57: {  	_ =	shalt  }
0x58: {  	_ =	shalt  }
0x59: {  	_ =	shalt  }
0x5a: {  	_ =	shalt  }
0x5b: {  	_ =	shalt  }
0x5c: {  	_ =	shalt  }
0x5d: {  	_ =	shalt  }
0x5e: {  	_ =	shalt  }
0x5f: {  	_ =	shalt  }
0x60: {  	_ =	shalt  }
0x61: {  	_ =	shalt  }
0x62: {  	_ =	shalt  }
0x63: {  	_ =	shalt  }
0x64: {  	_ =	shalt  }
0x65: {  	_ =	shalt  }
0x66: {  	_ =	shalt  }
0x67: {  	_ =	shalt  }
0x68: {  	_ =	shalt  }
0x69: {  	_ =	shalt  }
0x6a: {  	_ =	shalt  }
0x6b: {  	_ =	shalt  }
0x6c: {  	_ =	shalt  }
0x6d: {  	_ =	shalt  }
0x6e: {  	_ =	shalt  }
0x6f: {  	_ =	shalt  }
0x70: {  	_ =	shalt  }
0x71: {  	_ =	shalt  }
0x72: {  	_ =	shalt  }
0x73: {  	_ =	shalt  }
0x74: {  	_ =	shalt  }
0x75: {  	_ =	shalt  }
0x76: {  	_ =	shalt  }
0x77: {  	_ =	shalt  }
0x78: {  	_ =	shalt  }
0x79: {  	_ =	shalt  }
0x7a: {  	_ =	shalt  }
0x7b: {  	_ =	shalt  }
0x7c: {  	_ =	shalt  }
0x7d: {  	_ =	shalt  }
0x7e: {  	_ =	shalt  }
0x7f: {  	_ =	shalt  }
0x80: {  	_ =	shalt  }
0x81: {  	_ =	shalt  }
0x82: {  	_ =	shalt  }
0x83: {  	_ =	shalt  }
0x84: {  	_ =	shalt  }
0x85: {  	_ =	shalt  }
0x86: {  	_ =	shalt  }
0x87: {  	_ =	shalt  }
.Lfunc_end0:
.L_simem_size_0:
called_computation_lowered:
.L_overlay_start_0:
0x88: {  	s2 =	sld [smem:$0x3FD9]  }
0x89: {  	s3 =	sld [smem:$0x3FFE];
	_ =	sdelay $0x1  }
0x8a: {  	s1 =	srdreg.scid  }
0x8b: {  	s0 =	sand.u32 $0x1, s1  }
0x8c: {  	s16 =	sshll.u32 s0, $0xA;
	s2 =	sadd.s32 s3, s2  }
0x8d: {  	s2 =	sadd.s32 s2, s16  }
0x8e: {  	[smem:$0x3FBD] =	sst s2  }
0x8f: {  	_ = 	snop  }
0x90: {  	(tm) =	ssettm $0x1  }
0x91: {  	s17 =	sld [smem:$0x3FFB];
	_ =	sdelay $0x3  }
0x92: {  	_ =	strace s17  }
0x93: {  	s2 =	sld [smem:$0x3FFC];
	_ =	sdelay $0x3  }
0x94: {  	_ =	strace s2  }
0x95: {  	s2 =	sld [smem:$0x3FFD];
	_ =	sdelay $0x3  }
0x96: {  	_ =	strace s2  }
0x97: {  	_ =	strace $0x8FFFFFFF  }
0x98: {  	s18 =	sld [smem:$0x3FDB];
	_ =	sdelay $0x1  }
0x99: {  	s19 =	simm.s32 $_scs_section_size  }
0x9a: {  	s4 =	simm.s32 $_size__tile_overlayer_lowered;
	s5 =	simm.s32 $_tile_overlayer_lowered  }
0x9b: {  	s22 =	simm.s32 $0x1BFF;
	s21 =	sshll.u32 s5, $0x1;
	s2 =	sadd.s32 s19, s18  }
0x9c: {  	s6 =	simm.s32 $0x0;
	s20 =	sshll.u32 s4, $0x1;
	s4 =	sadd.s32 s21, s2  }
0x9d: {  	[timem:s6], [sflag:s22] =	dma.local [hbm:s4], s20  }
0x9e: {  	_ =	swait.ge [sflag:s22], s20  }
0x9f: {  	s3 =	ssub.s32 $0x0, s20;
	[sflag:s22] =	ssyncset.done $0x0  }
0xa0: {  	[sflag:s22] =	ssyncadd.s32 s3;
	_ =	sdelay $0x1  }
0xa1: {  	s23 =	simm.s32 $0x1B8B  }
0xa2: {  	_ =	swait.ge [sflag:s23], $0x1  }
0xa3: {  	[sflag:s23] =	ssyncset.done $0x0  }
0xa4: {  	s25 =	simm.s32 $0x1B8E;
	s24 =	sld [smem:$0x3FFE];
	[sflag:s23] =	ssyncadd.s32 $0xFFFFFFFF  }
0xa5: {  	s26 =	simm.s32 $execute0_lowered;
	[smem:$0x3FD2] =	sst s25  }
0xa6: {  	s4 =	sshll.u32 s26, $0x1;
	_ =	strace $0x80000046;
	[dreg:$0x1] =	wrdreg $0xFFFFFFFF  }
0xa7: {  	s28 =	simm.s32 $_size_execute0_lowered;
	s2 =	sadd.s32 s2, s4;
	[dreg:$0x0] =	wrdreg $0x0  }
0xa8: {  	s4 =	sshll.u32 s28, $0x1;
	[dreg:$0x2] =	wrdreg s2  }
0xa9: {  	[dreg:$0x3] =	wrdreg s4  }
0xaa: {  	[dreg:$0x4] =	wrdreg $0xC0  }
0xab: {  	_ =	task [dreg:s6], $0x5FFFF  }
0xac: {  	[dreg:$0x1] =	wrdreg $0xFFFFFFFF  }
0xad: {  	[dreg:$0x0] =	wrdreg $0x60  }
0xae: {  	[dreg:$0x2] =	wrdreg s24  }
0xaf: {  	[dreg:$0x3] =	wrdreg $0x50000  }
0xb0: {  	[dreg:$0x4] =	wrdreg $0x9  }
0xb1: {  	_ =	task.clear_ibuf [dreg:s6], $0x5FFFF;
	_ =	strace $0x90000046  }
0xb2: {  	s29 =	simm.s32 $0x9;
	_ =	strace $0x80000048  }
0xb3: {  	_ =	swait.ge [sflag:s29], $0x1  }
0xb4: {  	[sflag:s29] =	ssyncadd.s32 $0xFFFFFFFF  }
0xb5: {  	_ =	strace $0x90000048  }
0xb6: {  	_ =	sfence  }
0xb7: {  	s30 =	sld [smem:$0x0];
	_ =	sdelay $0x2  }
0xb8: {  	s31 =	sshll.u32 s1, $0xD;
	s1 =	sshrl.u32 s1, $0x2  }
0xb9: {  	s3 =	sand.u32 $0x4000, s31;
	s1 =	sadd.s32 s1, s30  }
0xba: {  	s0 =	sor.u32 s3, s0;
	s1 =	sshll.u32 s1, $0x11  }
0xbb: {  	s0 =	sor.u32 s1, s0  }
0xbc: {  	s0 =	sadd.s32 $0x8F2B, s0  }
0xbd: {  	[sflag:s0] =	ssyncadd.remote.s32 $0x1  }
0xbe: {  	_ =	sfence.sel $0xFFFF  }
0xbf: {  	[dreg:$0x0] =	wrdreg $0xFFFFFFFF;
	(pc) =	sbr.abs _section_cstart, $3  }
0xc0: {  	[dreg:$0x1] =	wrdreg $0xFFFFFFFF  }
0xc1: {  	_ =	task.clear_ibuf [dreg:s6], $0x2FFFF;
	_ =	strace $0x9FFFFFFF  }
0xc2: {  	(tm) =	ssettm $0x7FFFFFFF  }
0xc3: {  	_ =	shalt  }
tec
execute0_lowered:
.L_overlay_start_1:
0x0: {  	(tag) =	ssettag $0x1  }
0x1: {  	s4 =	rddreg [dreg:$0x0]  }
0x2: {  	s2 =	rddreg [dreg:$0x1]  }
0x3: {  	s0 =	rddreg [dreg:$0x2];
	s1 =	stileid.u32  }
0x4: {  	s6 =	srdreg.scid;
	s3 =	simm.s32 $0x0;
	s13 =	simm.s32 $0x80  }
0x5: {  	s14 =	simm.s32 $0x4F80;
	s15 =	simm.s32 $0x1;
	s5 =	smul.u32 $0x9F0, s1  }
0x6: {  	s16 =	simm.s32 $0x0;
	s7 =	smul.u32 $0x280, s1;
	s6 =	sand.u32 $0x1, s6  }
0x7: {  	[smem:$0x7FF] =	sst s3;
	s31 =	sshll.u32 s1, $0x6;
	s8 =	smul.u32 $0x2800, s6  }
0x8: {  	_ =	strace $0x80000047;
	s10 =	ssub.s32 $0x2, s6;
	s30 =	smul.u32 $0xA000, s6  }
0x9: {  	s6 =	ssub.s32 $0x50, s6;
	s5 =	sadd.s32 s5, s4;
	s9 =	sshrl.u32 s7, $0x3  }
0xa: {  	s11 =	sshrl.u32 s10, $0x1;
	s12 =	sadd.s32 s7, s2;
	s8 =	sadd.s32 s7, s8  }
0xb: {  	s9 =	sadd.s32 s9, s4;
	s10 =	ssub.s32 s10, s11;
	s8 =	sshrl.u32 s8, $0x3  }
0xc: {  	s11 =	sor.u32 $0x1C02, s31;
	s12 =	sshrl.u32 s12, $0x3;
	s8 =	sadd.s32 s8, s4  }
0xd: {  	s4 =	sadd.s32 $0x2600, s5;
	s5 =	sadd.s32 $0xC600, s9;
	s9 =	sshrl.u32 s30, $0x2  }
0xe: {  	v0 =	vimm.f32 $1.000000000e+00;
	s7 =	sadd.s32 $0xCC00, s8;
	s8 =	smax.u32 s10, $0x1;
	s10 =	simm.s32 $0x2  }
.LBB2_1:
0xf: {  	[tilespmem:s3], [sflag:$0x2] =	stream.linear.gather [hbm4b:s4+s3], $0x4F80, $0x38;
	[tilespmem:$0x5280] =	vst v63  }
0x10: {  	_ =	swait.ge [sflag:s10], $0x4F80  }
0x11: {  	[sflag:s10] =	ssyncset.done $0x0  }
0x12: {  	[sflag:s10] =	ssyncadd.s32 $0xFFFFB080  }
0x13: {  	[tilespmem:$0x4F80] =	vst v0  }
0x14: {  	[tilespmem:$0x4F90] =	vst v0  }
0x15: {  	[tilespmem:$0x4FA0] =	vst v0  }
0x16: {  	[tilespmem:$0x4FB0] =	vst v0  }
0x17: {  	[tilespmem:$0x4FC0] =	vst v0  }
0x18: {  	[tilespmem:$0x4FD0] =	vst v0  }
0x19: {  	[tilespmem:$0x4FE0] =	vst v0  }
0x1a: {  	p0 =	sne.s32 s6, $0x1;
	[tilespmem:$0x4FF0] =	vst v0  }
0x1b: {  	[spmem:s12], [sflag:s11] =	dma.local [hbm:s5], $0x50  }
.Ltmp0:
0x1c: {  	_ =	swait.ge [sflag:s10], $0x50;
	(pc) =	sbr.rel @!p0 .LBB2_3-.Ltmp0, $4  }
0x1d: {  	[sflag:s10] =	ssyncset.done $0x0  }
0x1e: {  	[sflag:s10] =	ssyncadd.s32 $0xFFFFFFB0  }
0x1f: {  	s17 =	sadd.s32 $0xFFFFFFFF, s6;
	s18 =	smov.u32 s9;
	[bflag:$0x0] =	sbarrier.arrive $0xFFFF  }
0x20: {  	[spmem:s2] =	stream.indirect.scatter.add.f32 [tilespmem:s14], [sflag:$0x1], $0x1, s9, s13, $0xb8;
	[tilespmem:$0x5280] =	vst v63  }
.LBB2_2:
0x21: {  	p1 =	sne.s32 s17, $0x1  }
.Ltmp1:
0x22: {  	_ = 	snop;
	(pc) =	sbr.rel @p1 .LBB2_2-.Ltmp1, $3  }
0x23: {  	_ = 	snop  }
0x24: {  	s17 =	sadd.s32 $0xFFFFFFFF, s17;
	s18 =	sadd.s32 $0x80, s18;
	_ =	sdelay $0x1  }
0x25: {  	[spmem:s2] =	stream.indirect.scatter.add.f32 [tilespmem:s14], [sflag:$0x1], $0x1, s18, s13, $0xb8;
	[tilespmem:$0x5280] =	vst v63  }
.LBB2_3:
.Ltmp2:
0x26: {  	(pc) =	sbr.rel @!p0 .LBB2_5-.Ltmp2, $3  }
0x27: {  	_ =	sdelay $0x1  }
0x28: {  	_ =	swait.ge [sflag:s15], $0x80  }
0x29: {  	s17 =	sadd.s32 $0xFFFFFFFF, s6;
	[sflag:s15] =	ssyncset.done $0x0  }
.LBB2_4:
0x2a: {  	p0 =	sne.s32 s17, $0x1;
	s17 =	sadd.s32 $0xFFFFFFFF, s17;
	[sflag:s15] =	ssyncadd.s32 $0xFFFFFF80  }
.Ltmp3:
0x2b: {  	(pc) =	sbr.rel @p0 .LBB2_4-.Ltmp3, $3  }
0x2c: {  	_ =	sdelay $0x1  }
0x2d: {  	_ =	swait.ge [sflag:s15], $0x80  }
0x2e: {  	[sflag:s15] =	ssyncset.done $0x0  }
.LBB2_5:
0x2f: {  	s16 =	sadd.s32 $0x1, s16  }
0x30: {  	[sflag:s15] =	ssyncadd.s32 $0xFFFFFF80;
	p0 =	sne.s32 s16, s8  }
.Ltmp4:
0x31: {  	[bflag:$0x0] =	sbarrier.arrive $0xFFFF;
	(pc) =	sbr.rel @p0 .LBB2_1-.Ltmp4, $4  }
0x32: {  	[hbm:s7], [sflag:s11] =	dma.local [spmem:s12], $0x50  }
0x33: {  	_ =	swait.ge [sflag:s10], $0x50  }
0x34: {  	[sflag:s10] =	ssyncset.done $0x0  }
0x35: {  	[sflag:s10] =	ssyncadd.s32 $0xFFFFFFB0  }
0x36: {  	_ =	sfence.sel $0x180000  }
0x37: {  	[bflag:$0x0] =	sbarrier.arrive $0xFFFF  }
0x38: {  	p0 =	sne.s32 s1, $0x0;
	_ =	strace $0x90000047  }
0x39: {  	s0 =	sadd.s32 @!p0 $0x100000, s0;
	[bflag:$0x2] =	sbarrier.arrive $0xFFFF  }
0x3a: {  	[sflag:s0] =	ssyncadd.tile.s32 @!p0 $0x1;
	_ =	shalt  }
.Lfunc_end2:
_tile_overlayer_lowered:
.L_overlay_start_2:
0x3b: {  	(tag) =	ssettag $0x2  }
0x3c: {  	s0 =	rddreg [dreg:$0x0];
	s2 =	stileid.u32  }
0x3d: {  	s1 =	rddreg [dreg:$0x1];
	p0 =	sne.s32 s2, $0x0  }
0x3e: {  	s3 =	rddreg [dreg:$0x2];
	[bflag:$0x3] =	sbarrier.arrive $0xFFFF;
	s2 =	simm.s32 @!p0 $0x1C02  }
0x3f: {  	[timem:s3], [sflag:s2] =	dma.local @!p0 [hbm:s0], s1  }
0x40: {  	s0 =	simm.s32 @!p0 $0x2  }
0x41: {  	_ =	swait.ge @!p0 [sflag:s0], s1  }
0x42: {  	s1 =	ssub.s32 @!p0 $0x0, s1;
	[sflag:s0] =	ssyncset.done @!p0 $0x0  }
0x43: {  	[sflag:s0] =	ssyncadd.s32 @!p0 s1  }
0x44: {  	[bflag:$0x3] =	sbarrier.arrive $0xFFFF  }
0x45: {  	_ =	shalt  }

</sc_bundles>
